<compile_context>
chip_gen: v7x
topology: tpu7x:2x2x1
jax: 0.10.2.dev20260603
libtpu: 0.0.44.dev20260713+nightly
codegen_flags: <defaults>
</compile_context>

<pallas_src>
import functools

import jax
import jax.numpy as jnp
import numpy as np
from jax import lax
from jax.experimental import pallas as pl
from jax.experimental.pallas import tpu as pltpu
from jax.experimental.pallas import tpu_sc as plsc

N = 10000
DEG = 32
D = 128
NRBF = 16
K = 8
NCONV = 3
RC = 1.6
NSPEC = 100

BLK = 256
NB = 40
NP = NB * BLK
E = NP * DEG
E8 = NP * K

NC = 2
NS = 16
NW = NC * NS
CH = 128

_SC_MESH = dict(core_axis_name="c", subcore_axis_name="s")
_SC_PARAMS = pltpu.CompilerParams(use_tc_tiling_on_sc=False,
                                  needs_layout_passes=False)


def _wid():
    return lax.axis_index("s") * NC + lax.axis_index("c")


def _sc_geom(px, py, pz, emb, nbrf, spec):
    epw = E // NW
    spw = NP // NW
    sch = 80

    @functools.partial(
        pl.kernel,
        out_type=(
            jax.ShapeDtypeStruct((E,), jnp.float32),
            jax.ShapeDtypeStruct((E,), jnp.float32),
            jax.ShapeDtypeStruct((E,), jnp.float32),
            jax.ShapeDtypeStruct((NP, D), jnp.float32),
        ),
        mesh=plsc.VectorSubcoreMesh(**_SC_MESH),
        compiler_params=_SC_PARAMS,
        scratch_types=[
            pltpu.VMEM((NP,), jnp.float32),
            pltpu.VMEM((NP,), jnp.float32),
            pltpu.VMEM((NP,), jnp.float32),
            pltpu.VMEM((CH,), jnp.int32),
            pltpu.VMEM((CH,), jnp.float32),
            pltpu.VMEM((CH,), jnp.float32),
            pltpu.VMEM((CH,), jnp.float32),
            pltpu.VMEM((sch,), jnp.int32),
            pltpu.VMEM((sch, D), jnp.float32),
            pltpu.SemaphoreType.DMA,
        ],
    )
    def k(px_h, py_h, pz_h, emb_h, nbr_h, spec_h, ox, oy, oz, of,
          px_v, py_v, pz_v, idx_v, bx, by, bz, sidx, fbuf, s1):
        wid = _wid()
        pltpu.sync_copy(px_h, px_v)
        pltpu.sync_copy(py_h, py_v)
        pltpu.sync_copy(pz_h, pz_v)

        def ch(i, _):
            off = wid * epw + i * CH
            pltpu.sync_copy(nbr_h.at[pl.ds(off, CH)], idx_v)
            for j in range(CH // 16):
                iv = idx_v[pl.ds(j * 16, 16)]
                bx[pl.ds(j * 16, 16)] = plsc.load_gather(px_v, [iv])
                by[pl.ds(j * 16, 16)] = plsc.load_gather(py_v, [iv])
                bz[pl.ds(j * 16, 16)] = plsc.load_gather(pz_v, [iv])
            pltpu.sync_copy(bx, ox.at[pl.ds(off, CH)])
            pltpu.sync_copy(by, oy.at[pl.ds(off, CH)])
            pltpu.sync_copy(bz, oz.at[pl.ds(off, CH)])
            return 0

        lax.fori_loop(0, epw // CH, ch, 0)

        def ch2(i, _):
            off = wid * spw + i * sch
            pltpu.sync_copy(spec_h.at[pl.ds(off, sch)], sidx)
            pltpu.async_copy(emb_h.at[sidx], fbuf, s1).wait()
            pltpu.sync_copy(fbuf, of.at[pl.ds(off, sch)])
            return 0

        lax.fori_loop(0, spw // sch, ch2, 0)

    return k(px, py, pz, emb, nbrf, spec)


NBUF = 5


def _sc_gather_f(f, nbrf):
    epw = E // NW
    nch = epw // CH
    ngrp = nch // NBUF

    @functools.partial(
        pl.kernel,
        out_type=jax.ShapeDtypeStruct((E, D), jnp.float32),
        mesh=plsc.VectorSubcoreMesh(**_SC_MESH),
        compiler_params=_SC_PARAMS,
        scratch_types=[
            pltpu.VMEM((epw,), jnp.int32),
        ] + [pltpu.VMEM((CH, D), jnp.float32) for _ in range(NBUF)]
          + [pltpu.SemaphoreType.DMA for _ in range(2 * NBUF)],
    )
    def k(f_h, nbr_h, o, idx_all, *bufsem):
        bufs = bufsem[:NBUF]
        sg = bufsem[NBUF:2 * NBUF]
        sw = bufsem[2 * NBUF:]
        wid = _wid()
        base = wid * epw
        pltpu.sync_copy(nbr_h.at[pl.ds(base, epw)], idx_all)
        for b in range(NBUF):
            pltpu.async_copy(f_h.at[idx_all.at[pl.ds(b * CH, CH)]],
                             bufs[b], sg[b])

        def grp(g, _):
            lo = g * NBUF
            for b in range(NBUF):
                off = base + (lo + b) * CH
                pltpu.make_async_copy(o.at[pl.ds(0, CH)], bufs[b],
                                      sg[b]).wait()
                pltpu.async_copy(bufs[b], o.at[pl.ds(off, CH)], sw[b])
            for b in range(NBUF):
                loc = (lo + NBUF + b) * CH
                pltpu.make_async_copy(bufs[b], o.at[pl.ds(0, CH)],
                                      sw[b]).wait()
                pltpu.async_copy(f_h.at[idx_all.at[pl.ds(loc, CH)]],
                                 bufs[b], sg[b])
            return 0

        lax.fori_loop(0, ngrp - 1, grp, 0)
        for b in range(NBUF):
            off = base + ((ngrp - 1) * NBUF + b) * CH
            pltpu.make_async_copy(o.at[pl.ds(0, CH)], bufs[b], sg[b]).wait()
            pltpu.async_copy(bufs[b], o.at[pl.ds(off, CH)], sw[b])
        for b in range(NBUF):
            pltpu.make_async_copy(bufs[b], o.at[pl.ds(0, CH)], sw[b]).wait()

    return k(f, nbrf)


def _sc_gather_edge(b1, sp1, kif):
    epw = E8 // NW

    @functools.partial(
        pl.kernel,
        out_type=(
            jax.ShapeDtypeStruct((E8,), jnp.float32),
            jax.ShapeDtypeStruct((E8,), jnp.float32),
        ),
        mesh=plsc.VectorSubcoreMesh(**_SC_MESH),
        compiler_params=_SC_PARAMS,
        scratch_types=[
            pltpu.VMEM((NP,), jnp.float32),
            pltpu.VMEM((NP,), jnp.float32),
            pltpu.VMEM((CH,), jnp.int32),
            pltpu.VMEM((CH,), jnp.float32),
            pltpu.VMEM((CH,), jnp.float32),
        ],
    )
    def k(b_h, sp_h, ki_h, ob, os, b_v, sp_v, idx_v, bb, bs):
        wid = _wid()
        pltpu.sync_copy(b_h, b_v)
        pltpu.sync_copy(sp_h, sp_v)

        def ch(i, _):
            off = wid * epw + i * CH
            pltpu.sync_copy(ki_h.at[pl.ds(off, CH)], idx_v)
            for j in range(CH // 16):
                iv = idx_v[pl.ds(j * 16, 16)]
                bb[pl.ds(j * 16, 16)] = plsc.load_gather(b_v, [iv])
                bs[pl.ds(j * 16, 16)] = plsc.load_gather(sp_v, [iv])
            pltpu.sync_copy(bb, ob.at[pl.ds(off, CH)])
            pltpu.sync_copy(bs, os.at[pl.ds(off, CH)])
            return 0

        lax.fori_loop(0, epw // CH, ch, 0)

    return k(b1, sp1, kif)


def _geom_body(pjx, pjy, pjz, px, py, pz, nbr, d_o, sp_o, kd_o, ki_o):
    x, y, z = px[:], py[:], pz[:]
    dx = pjx[:] - x[:, None]
    dy = pjy[:] - y[:, None]
    dz = pjz[:] - z[:, None]
    d = jnp.sqrt(dx * dx + dy * dy + dz * dz + 1e-12)
    d_o[:] = d
    sp_o[:] = x + y + z
    nbrf = nbr[:].astype(jnp.float32)
    iota = lax.broadcasted_iota(jnp.int32, (BLK, DEG), 1).astype(jnp.float32)
    avail = jnp.ones((BLK, DEG), jnp.bool_)
    kds, kis = [], []
    for _ in range(K):
        cur = jnp.where(avail, d, jnp.inf)
        m = jnp.min(cur, axis=1, keepdims=True)
        first = jnp.min(jnp.where(cur == m, iota, 1e9), axis=1, keepdims=True)
        sel = iota == first
        kds.append(jnp.sum(jnp.where(sel, d, 0.0), axis=1))
        kis.append(jnp.sum(jnp.where(sel, nbrf, 0.0), axis=1))
        avail = jnp.logical_and(avail, jnp.logical_not(sel))
    kd_o[:] = jnp.stack(kds, axis=1)
    ki_o[:] = jnp.stack(kis, axis=1).astype(jnp.int32)


def _tc_geom(pjx, pjy, pjz, px, py, pz, nbr):
    return pl.pallas_call(
        _geom_body,
        grid=(NB,),
        in_specs=[
            pl.BlockSpec((BLK, DEG), lambda i: (i, 0)),
            pl.BlockSpec((BLK, DEG), lambda i: (i, 0)),
            pl.BlockSpec((BLK, DEG), lambda i: (i, 0)),
            pl.BlockSpec((BLK,), lambda i: (i,)),
            pl.BlockSpec((BLK,), lambda i: (i,)),
            pl.BlockSpec((BLK,), lambda i: (i,)),
            pl.BlockSpec((BLK, DEG), lambda i: (i, 0)),
        ],
        out_specs=[
            pl.BlockSpec((BLK, DEG), lambda i: (i, 0)),
            pl.BlockSpec((BLK,), lambda i: (i,)),
            pl.BlockSpec((BLK, K), lambda i: (i, 0)),
            pl.BlockSpec((BLK, K), lambda i: (i, 0)),
        ],
        out_shape=[
            jax.ShapeDtypeStruct((NP, DEG), jnp.float32),
            jax.ShapeDtypeStruct((NP,), jnp.float32),
            jax.ShapeDtypeStruct((NP, K), jnp.float32),
            jax.ShapeDtypeStruct((NP, K), jnp.int32),
        ],
    )(pjx, pjy, pjz, px, py, pz, nbr)


def _conv_math(fj, dref, fref, cw, cb, uw, ub):
    d = dref[:]
    centers = (lax.broadcasted_iota(jnp.int32, (1, 1, NRBF), 2)
               .astype(jnp.float32) * jnp.float32(RC / (NRBF - 1)))
    rbf = jnp.exp(-50.0 * (d[:, :, None] - centers) ** 2)
    w = jnp.dot(rbf.reshape(BLK * DEG, NRBF).astype(jnp.bfloat16),
                cw[:].astype(jnp.bfloat16),
                preferred_element_type=jnp.float32) + cb[:][None]
    msg = (w * fj[:]).reshape(BLK, DEG, D).sum(axis=1)
    h = jnp.concatenate([fref[:], msg], axis=1)
    return jnp.tanh(jnp.dot(h.astype(jnp.bfloat16),
                            uw[:].astype(jnp.bfloat16),
                            preferred_element_type=jnp.float32)
                    + ub[:][None])


def _conv_body(fj, dref, fref, cw, cb, uw, ub, f_o):
    f_o[:] = _conv_math(fj, dref, fref, cw, cb, uw, ub)


def _conv_final_body(fj, dref, fref, cw, cb, uw, ub, pw0, pb, ewt, ewb,
                     f_o, cs_o, a_o, b_o):
    fn = _conv_math(fj, dref, fref, cw, cb, uw, ub)
    f_o[:] = fn
    pid = pl.program_id(0)
    rid = lax.broadcasted_iota(jnp.int32, (BLK,), 0) + pid * BLK
    fnb = fn.astype(jnp.bfloat16).astype(jnp.float32)
    def _bf(v):
        return v[:].astype(jnp.bfloat16).astype(jnp.float32)
    pn = jnp.where(rid < N, jnp.sum(fnb * _bf(pw0), axis=1), 0.0)
    a_o[:] = jnp.sum(fnb * _bf(ewt), axis=1)
    b_o[:] = jnp.sum(fnb * _bf(ewb), axis=1)

    @pl.when(pid == 0)
    def _():
        cs_o[...] = jnp.float32(N) * pb[...]

    cs_o[...] += jnp.sum(pn)


_W_SPECS = [
    pl.BlockSpec((NRBF, D), lambda i: (0, 0)),
    pl.BlockSpec((D,), lambda i: (0,)),
    pl.BlockSpec((2 * D, D), lambda i: (0, 0)),
    pl.BlockSpec((D,), lambda i: (0,)),
]
_IN_SPECS = [
    pl.BlockSpec((BLK * DEG, D), lambda i: (i, 0)),
    pl.BlockSpec((BLK, DEG), lambda i: (i, 0)),
    pl.BlockSpec((BLK, D), lambda i: (i, 0)),
] + _W_SPECS


def _tc_conv(fj, dmat, f, cw, cb, uw, ub):
    return pl.pallas_call(
        _conv_body,
        grid=(NB,),
        in_specs=_IN_SPECS,
        out_specs=pl.BlockSpec((BLK, D), lambda i: (i, 0)),
        out_shape=jax.ShapeDtypeStruct((NP, D), jnp.float32),
    )(fj, dmat, f, cw, cb, uw, ub)


def _tc_conv_final(fj, dmat, f, cw, cb, uw, ub, pw0, pb, ewt, ewb):
    return pl.pallas_call(
        _conv_final_body,
        grid=(NB,),
        in_specs=_IN_SPECS + [
            pl.BlockSpec((D,), lambda i: (0,)),
            pl.BlockSpec((1, 1), lambda i: (0, 0)),
            pl.BlockSpec((D,), lambda i: (0,)),
            pl.BlockSpec((D,), lambda i: (0,)),
        ],
        out_specs=[
            pl.BlockSpec((BLK, D), lambda i: (i, 0)),
            pl.BlockSpec((1, 1), lambda i: (0, 0)),
            pl.BlockSpec((BLK,), lambda i: (i,)),
            pl.BlockSpec((BLK,), lambda i: (i,)),
        ],
        out_shape=[
            jax.ShapeDtypeStruct((NP, D), jnp.float32),
            jax.ShapeDtypeStruct((1, 1), jnp.float32),
            jax.ShapeDtypeStruct((NP,), jnp.float32),
            jax.ShapeDtypeStruct((NP,), jnp.float32),
        ],
    )(fj, dmat, f, cw, cb, uw, ub, pw0, pb, ewt, ewb)


def _edge_body(a, sp, kd, bk, spk, eb, out_o):
    e = a[:][:, None] + bk[:] + eb[0, 0]
    s = spk[:] - sp[:][:, None]
    kd_ = kd[:]
    mask = (kd_ < RC).astype(jnp.float32)
    out_o[:] = e * mask * s / (kd_ + 1e-9)


def _tc_edge(a, sp, kd, bk, spk, eb):
    return pl.pallas_call(
        _edge_body,
        grid=(NB,),
        in_specs=[
            pl.BlockSpec((BLK,), lambda i: (i,)),
            pl.BlockSpec((BLK,), lambda i: (i,)),
            pl.BlockSpec((BLK, K), lambda i: (i, 0)),
            pl.BlockSpec((BLK, K), lambda i: (i, 0)),
            pl.BlockSpec((BLK, K), lambda i: (i, 0)),
            pl.BlockSpec((1, 1), lambda i: (0, 0)),
        ],
        out_specs=pl.BlockSpec((BLK, K), lambda i: (i, 0)),
        out_shape=jax.ShapeDtypeStruct((NP, K), jnp.float32),
    )(a, sp, kd, bk, spk, eb)


def kernel(species, pos, nbr_idx, emb_table, cw, cb, uw, ub, pw, pb, ew, eb):
    pad = NP - N
    spec_p = jnp.pad(species.astype(jnp.int32), (0, pad))
    pos_p = jnp.pad(pos, ((0, pad), (0, 0)))
    nbr_p = jnp.pad(nbr_idx.astype(jnp.int32), ((0, pad), (0, 0)))
    nbrf = nbr_p.reshape(-1)
    px = pos_p[:, 0]
    py = pos_p[:, 1]
    pz = pos_p[:, 2]

    pjx, pjy, pjz, f = _sc_geom(px, py, pz, emb_table, nbrf, spec_p)
    dmat, sp, kd, kidx = _tc_geom(pjx.reshape(NP, DEG), pjy.reshape(NP, DEG),
                                  pjz.reshape(NP, DEG), px, py, pz, nbr_p)

    pw0 = pw[:, 0]
    ewt = ew[:D, 0]
    ewb = ew[D:, 0]
    pb2 = pb.reshape(1, 1)
    eb2 = eb.reshape(1, 1)

    for _ in range(NCONV - 1):
        fj = _sc_gather_f(f, nbrf)
        f = _tc_conv(fj, dmat, f, cw, cb, uw, ub)
    fj = _sc_gather_f(f, nbrf)
    f, cs, a, b = _tc_conv_final(fj, dmat, f, cw, cb, uw, ub, pw0, pb2,
                                 ewt, ewb)

    bk, spk = _sc_gather_edge(b, sp, kidx.reshape(-1))
    out = _tc_edge(a, sp, kd, bk.reshape(NP, K), spk.reshape(NP, K), eb2)
    return cs.reshape(1), out[:N]

# --- scband reference (transcript-rebuilt; emitter-appended) ---
"""Pipeline reference for scband-tmpdnn-25786983645312 (READ-ONLY COPY).

The authoritative reference and input builder live on the scoring server;
editing this copy changes nothing except your own understanding.
"""

import jax, jax.numpy as jnp
import numpy as np

N = 10000
DEG = 32
D = 128
NRBF = 16
K = 8
NCONV = 3
RC = 1.6
NSPEC = 100
CENTERS = jnp.linspace(0.0, 1.6, NRBF)
WIDTHS = jnp.full((NRBF,), 0.1)


def setup_inputs(seed: int = 0) -> dict:
    key = jax.random.key(seed)
    ks = jax.random.split(key, 12)
    species = jax.random.randint(ks[0], (N,), 0, NSPEC)
    pos = jax.random.uniform(ks[1], (N, 3), dtype=jnp.float32)
    nbr_idx = jax.random.randint(ks[2], (N, DEG), 0, N)
    emb_table = (jax.random.normal(ks[3], (NSPEC, D)) * 0.1).astype(jnp.float32)
    cw = (jax.random.normal(ks[4], (NRBF, D)) / np.sqrt(NRBF)).astype(jnp.float32)
    cb = jnp.zeros((D,), dtype=jnp.float32)
    uw = (jax.random.normal(ks[5], (2 * D, D)) / np.sqrt(2 * D)).astype(jnp.float32)
    ub = jnp.zeros((D,), dtype=jnp.float32)
    pw = (jax.random.normal(ks[6], (D, 1)) / np.sqrt(D)).astype(jnp.float32)
    pb = jnp.zeros((1,), dtype=jnp.float32)
    ew = (jax.random.normal(ks[7], (2 * D, 1)) / np.sqrt(2 * D)).astype(jnp.float32)
    eb = jnp.zeros((1,), dtype=jnp.float32)
    return {"species": species, "pos": pos, "nbr_idx": nbr_idx,
            "emb_table": emb_table, "cw": cw, "cb": cb, "uw": uw, "ub": ub,
            "pw": pw, "pb": pb, "ew": ew, "eb": eb}


def reference(species, pos, nbr_idx, emb_table, cw, cb, uw, ub, pw, pb, ew, eb):
    # MolecularEmbedding: species -> node features (gather from embedding table)
    f = jnp.take(emb_table, species, axis=0)  # [N, D]
    # pairwise geometry over the fixed-degree neighbor list
    dvec = jnp.take(pos, nbr_idx, axis=0) - pos[:, None, :]  # [N, DEG, 3]
    d = jnp.sqrt(jnp.sum(dvec * dvec, axis=-1) + 1e-12)      # [N, DEG]
    rbf = jnp.exp(-((d[..., None] - CENTERS) ** 2) / (2.0 * WIDTHS ** 2))  # [N, DEG, NRBF]
    # MessagePassing applied n_convolutions times with SHARED weights (same self.conv module)
    for _ in range(NCONV):
        fj = jnp.take(f, nbr_idx, axis=0)          # gather neighbor features [N, DEG, D]
        w = rbf @ cw + cb                          # convolve_net: filter from RBF [N, DEG, D]
        msg = jnp.sum(w * fj, axis=1)              # continuous-filter conv, sum over neighbors [N, D]
        f = jnp.tanh(jnp.concatenate([f, msg], axis=-1) @ uw + ub)  # update_net [N, D]
    # NodePool: per-node scalar, [1] is the pooled (summed) isotropic coefficient
    per_node = f @ pw + pb                         # [N, 1]
    c_iso = jnp.sum(per_node, axis=0)              # [1]
    # TopKEdges: k nearest neighbors within cutoff rc, anisotropic vector coefficients
    negd, sel = jax.lax.top_k(-d, K)               # [N, K]
    kd = -negd
    kidx = jnp.take_along_axis(nbr_idx, sel, axis=1)  # [N, K]
    fj = jnp.take(f, kidx, axis=0)                 # [N, K, D]
    fi = jnp.broadcast_to(f[:, None, :], (N, K, D))
    e = jnp.concatenate([fi, fj], axis=-1) @ ew + eb  # edge_net scalar [N, K, 1]
    rij = jnp.take(pos, kidx, axis=0) - pos[:, None, :]  # [N, K, 3]
    unit = rij / (kd[..., None] + 1e-9)
    mask = (kd < RC).astype(jnp.float32)[..., None]
    c_aniso = e * unit * mask                      # [N, K, 3]
    return (c_iso, jnp.sum(c_aniso, axis=2))       # c_aniso.sum(2) -> [N, K]

if __name__ == "__main__":
    import jax
    _d = setup_inputs()
    print(jax.jit(kernel)(*tuple(_d.values())))

</pallas_src>

<mosaic_0001>
#map = affine_map<(d0, d1) -> (0)>
#map1 = affine_map<(d0, d1) -> (0, 0)>
module attributes {stable_mosaic.version = 14 : i64} {
  func.func @k(%arg0: i32, %arg1: i32, %arg2: memref<10240xf32, #tpu.memory_space<hbm>>, %arg3: memref<10240xf32, #tpu.memory_space<hbm>>, %arg4: memref<10240xf32, #tpu.memory_space<hbm>>, %arg5: memref<100x128xf32, #tpu.memory_space<hbm>>, %arg6: memref<327680xi32, #tpu.memory_space<hbm>>, %arg7: memref<10240xi32, #tpu.memory_space<hbm>>, %arg8: memref<327680xf32, #tpu.memory_space<hbm>>, %arg9: memref<327680xf32, #tpu.memory_space<hbm>>, %arg10: memref<327680xf32, #tpu.memory_space<hbm>>, %arg11: memref<10240x128xf32, #tpu.memory_space<hbm>>, %arg12: memref<10240xf32, #tpu.memory_space<vmem>>, %arg13: memref<10240xf32, #tpu.memory_space<vmem>>, %arg14: memref<10240xf32, #tpu.memory_space<vmem>>, %arg15: memref<128xi32, #tpu.memory_space<vmem>>, %arg16: memref<128xf32, #tpu.memory_space<vmem>>, %arg17: memref<128xf32, #tpu.memory_space<vmem>>, %arg18: memref<128xf32, #tpu.memory_space<vmem>>, %arg19: memref<80xi32, #tpu.memory_space<vmem>>, %arg20: memref<80x128xf32, #tpu.memory_space<vmem>>, %arg21: memref<!tpu.dma_semaphore, #tpu.memory_space<semaphore_mem>>) attributes {dimension_semantics = [#tpu.dimension_semantics<core_parallel>, #tpu.dimension_semantics<subcore_parallel>], iteration_bounds = array<i64: 2, 16>, scalar_prefetch = 0 : i64, scratch_operands = 10 : i64, tpu.core_type = #tpu.core_type<sc_vector_subcore>, window_params = [{transform_indices = #map}, {transform_indices = #map}, {transform_indices = #map}, {transform_indices = #map1}, {transform_indices = #map}, {transform_indices = #map}, {transform_indices = #map}, {transform_indices = #map}, {transform_indices = #map}, {transform_indices = #map1}]} {
    %mul3A = arith.constant 2 : i32
    %mul3A_0 = arith.muli %arg1, %mul3A : i32
    %add3A = arith.addi %mul3A_0, %arg0 : i32
    "tpu.region"() ({
      %run_scoped3A = tpu.sem_alloc : memref<!tpu.dma_semaphore, #tpu.memory_space<semaphore_mem>>
      tpu.enqueue_dma source(%arg2 : memref<10240xf32, #tpu.memory_space<hbm>>) target(%arg12 : memref<10240xf32, #tpu.memory_space<vmem>>) target_semaphore(%run_scoped3A : memref<!tpu.dma_semaphore, #tpu.memory_space<semaphore_mem>>)
      tpu.wait_dma2 semaphore(%run_scoped3A : memref<!tpu.dma_semaphore, #tpu.memory_space<semaphore_mem>>) src(%arg2 : memref<10240xf32, #tpu.memory_space<hbm>>) dst(%arg12 : memref<10240xf32, #tpu.memory_space<vmem>>)
      tpu.yield
    }) : () -> ()
    "tpu.region"() ({
      %run_scoped3A = tpu.sem_alloc : memref<!tpu.dma_semaphore, #tpu.memory_space<semaphore_mem>>
      tpu.enqueue_dma source(%arg3 : memref<10240xf32, #tpu.memory_space<hbm>>) target(%arg13 : memref<10240xf32, #tpu.memory_space<vmem>>) target_semaphore(%run_scoped3A : memref<!tpu.dma_semaphore, #tpu.memory_space<semaphore_mem>>)
      tpu.wait_dma2 semaphore(%run_scoped3A : memref<!tpu.dma_semaphore, #tpu.memory_space<semaphore_mem>>) src(%arg3 : memref<10240xf32, #tpu.memory_space<hbm>>) dst(%arg13 : memref<10240xf32, #tpu.memory_space<vmem>>)
      tpu.yield
    }) : () -> ()
    "tpu.region"() ({
      %run_scoped3A = tpu.sem_alloc : memref<!tpu.dma_semaphore, #tpu.memory_space<semaphore_mem>>
      tpu.enqueue_dma source(%arg4 : memref<10240xf32, #tpu.memory_space<hbm>>) target(%arg14 : memref<10240xf32, #tpu.memory_space<vmem>>) target_semaphore(%run_scoped3A : memref<!tpu.dma_semaphore, #tpu.memory_space<semaphore_mem>>)
      tpu.wait_dma2 semaphore(%run_scoped3A : memref<!tpu.dma_semaphore, #tpu.memory_space<semaphore_mem>>) src(%arg4 : memref<10240xf32, #tpu.memory_space<hbm>>) dst(%arg14 : memref<10240xf32, #tpu.memory_space<vmem>>)
      tpu.yield
    }) : () -> ()
    %scan3A = arith.constant 0 : i32
    %scan3A_1 = arith.constant 0 : i32
    %scan3A_2 = arith.constant 80 : i32
    %scan3A_3 = arith.addi %scan3A_1, %scan3A_2 : i32
    %scan3A_4 = arith.constant 1 : i32
    %scan3A_5 = scf.for %scan3A_14 = %scan3A_1 to %scan3A_3 step %scan3A_4 iter_args(%scan3A_15 = %scan3A) -> (i32)  : i32 {
      %mul3A_16 = arith.constant 10240 : i32
      %mul3A_17 = arith.muli %add3A, %mul3A_16 : i32
      %mul3A_18 = arith.constant 128 : i32
      %mul3A_19 = arith.muli %scan3A_14, %mul3A_18 : i32
      %add3A_20 = arith.addi %mul3A_17, %mul3A_19 : i32
      "tpu.region"() ({
        %run_scoped3A = tpu.sem_alloc : memref<!tpu.dma_semaphore, #tpu.memory_space<semaphore_mem>>
        %dma_start3A = tpu.memref_slice %arg6[%add3A_20] : memref<327680xi32, #tpu.memory_space<hbm>> -> memref<128xi32, #tpu.memory_space<hbm>>
        %dma_start3A_107 = tpu.memref_slice %arg6[%add3A_20] : memref<327680xi32, #tpu.memory_space<hbm>> -> memref<128xi32, #tpu.memory_space<hbm>>
        tpu.enqueue_dma source(%dma_start3A_107 : memref<128xi32, #tpu.memory_space<hbm>>) target(%arg15 : memref<128xi32, #tpu.memory_space<vmem>>) target_semaphore(%run_scoped3A : memref<!tpu.dma_semaphore, #tpu.memory_space<semaphore_mem>>)
        %dma_wait3A = tpu.memref_slice %arg6[%add3A_20] : memref<327680xi32, #tpu.memory_space<hbm>> -> memref<128xi32, #tpu.memory_space<hbm>>
        %dma_wait3A_108 = tpu.memref_slice %arg6[%add3A_20] : memref<327680xi32, #tpu.memory_space<hbm>> -> memref<128xi32, #tpu.memory_space<hbm>>
        tpu.wait_dma2 semaphore(%run_scoped3A : memref<!tpu.dma_semaphore, #tpu.memory_space<semaphore_mem>>) src(%dma_wait3A_108 : memref<128xi32, #tpu.memory_space<hbm>>) dst(%arg15 : memref<128xi32, #tpu.memory_space<vmem>>)
        tpu.yield
      }) : () -> ()
      %get3A = arith.constant 0 : index
      %get3A_21 = tpu.vector_load %arg15[%get3A] {strides = array<i32>} : memref<128xi32, #tpu.memory_space<vmem>>, vector<16xi32>,
      %gather3A = tpu.vector_load_idx %arg12[%get3A_21] : memref<10240xf32, #tpu.memory_space<vmem>>[vector<16xi32>], vector<16xf32>,
      %swap3A = arith.constant 0 : index
      %swap3A_22 = tpu.vector_load %arg16[%swap3A] {strides = array<i32>} : memref<128xf32, #tpu.memory_space<vmem>>, vector<16xf32>,
      tpu.vector_store %arg16[%swap3A], %gather3A {strides = array<i32>} : memref<128xf32, #tpu.memory_space<vmem>>, vector<16xf32>,
      %gather3A_23 = tpu.vector_load_idx %arg13[%get3A_21] : memref<10240xf32, #tpu.memory_space<vmem>>[vector<16xi32>], vector<16xf32>,
      %swap3A_24 = arith.constant 0 : index
      %swap3A_25 = tpu.vector_load %arg17[%swap3A_24] {strides = array<i32>} : memref<128xf32, #tpu.memory_space<vmem>>, vector<16xf32>,
      tpu.vector_store %arg17[%swap3A_24], %gather3A_23 {strides = array<i32>} : memref<128xf32, #tpu.memory_space<vmem>>, vector<16xf32>,
      %gather3A_26 = tpu.vector_load_idx %arg14[%get3A_21] : memref<10240xf32, #tpu.memory_space<vmem>>[vector<16xi32>], vector<16xf32>,
      %swap3A_27 = arith.constant 0 : index
      %swap3A_28 = tpu.vector_load %arg18[%swap3A_27] {strides = array<i32>} : memref<128xf32, #tpu.memory_space<vmem>>, vector<16xf32>,
      tpu.vector_store %arg18[%swap3A_27], %gather3A_26 {strides = array<i32>} : memref<128xf32, #tpu.memory_space<vmem>>, vector<16xf32>,
      %get3A_29 = arith.constant 16 : index
      %get3A_30 = tpu.vector_load %arg15[%get3A_29] {strides = array<i32>} : memref<128xi32, #tpu.memory_space<vmem>>, vector<16xi32>,
      %gather3A_31 = tpu.vector_load_idx %arg12[%get3A_30] : memref<10240xf32, #tpu.memory_space<vmem>>[vector<16xi32>], vector<16xf32>,
      %swap3A_32 = arith.constant 16 : index
      %swap3A_33 = tpu.vector_load %arg16[%swap3A_32] {strides = array<i32>} : memref<128xf32, #tpu.memory_space<vmem>>, vector<16xf32>,
      tpu.vector_store %arg16[%swap3A_32], %gather3A_31 {strides = array<i32>} : memref<128xf32, #tpu.memory_space<vmem>>, vector<16xf32>,
      %gather3A_34 = tpu.vector_load_idx %arg13[%get3A_30] : memref<10240xf32, #tpu.memory_space<vmem>>[vector<16xi32>], vector<16xf32>,
      %swap3A_35 = arith.constant 16 : index
      %swap3A_36 = tpu.vector_load %arg17[%swap3A_35] {strides = array<i32>} : memref<128xf32, #tpu.memory_space<vmem>>, vector<16xf32>,
      tpu.vector_store %arg17[%swap3A_35], %gather3A_34 {strides = array<i32>} : memref<128xf32, #tpu.memory_space<vmem>>, vector<16xf32>,
      %gather3A_37 = tpu.vector_load_idx %arg14[%get3A_30] : memref<10240xf32, #tpu.memory_space<vmem>>[vector<16xi32>], vector<16xf32>,
      %swap3A_38 = arith.constant 16 : index
      %swap3A_39 = tpu.vector_load %arg18[%swap3A_38] {strides = array<i32>} : memref<128xf32, #tpu.memory_space<vmem>>, vector<16xf32>,
      tpu.vector_store %arg18[%swap3A_38], %gather3A_37 {strides = array<i32>} : memref<128xf32, #tpu.memory_space<vmem>>, vector<16xf32>,
      %get3A_40 = arith.constant 32 : index
      %get3A_41 = tpu.vector_load %arg15[%get3A_40] {strides = array<i32>} : memref<128xi32, #tpu.memory_space<vmem>>, vector<16xi32>,
      %gather3A_42 = tpu.vector_load_idx %arg12[%get3A_41] : memref<10240xf32, #tpu.memory_space<vmem>>[vector<16xi32>], vector<16xf32>,
      %swap3A_43 = arith.constant 32 : index
      %swap3A_44 = tpu.vector_load %arg16[%swap3A_43] {strides = array<i32>} : memref<128xf32, #tpu.memory_space<vmem>>, vector<16xf32>,
      tpu.vector_store %arg16[%swap3A_43], %gather3A_42 {strides = array<i32>} : memref<128xf32, #tpu.memory_space<vmem>>, vector<16xf32>,
      %gather3A_45 = tpu.vector_load_idx %arg13[%get3A_41] : memref<10240xf32, #tpu.memory_space<vmem>>[vector<16xi32>], vector<16xf32>,
      %swap3A_46 = arith.constant 32 : index
      %swap3A_47 = tpu.vector_load %arg17[%swap3A_46] {strides = array<i32>} : memref<128xf32, #tpu.memory_space<vmem>>, vector<16xf32>,
      tpu.vector_store %arg17[%swap3A_46], %gather3A_45 {strides = array<i32>} : memref<128xf32, #tpu.memory_space<vmem>>, vector<16xf32>,
      %gather3A_48 = tpu.vector_load_idx %arg14[%get3A_41] : memref<10240xf32, #tpu.memory_space<vmem>>[vector<16xi32>], vector<16xf32>,
      %swap3A_49 = arith.constant 32 : index
      %swap3A_50 = tpu.vector_load %arg18[%swap3A_49] {strides = array<i32>} : memref<128xf32, #tpu.memory_space<vmem>>, vector<16xf32>,
      tpu.vector_store %arg18[%swap3A_49], %gather3A_48 {strides = array<i32>} : memref<128xf32, #tpu.memory_space<vmem>>, vector<16xf32>,
      %get3A_51 = arith.constant 48 : index
      %get3A_52 = tpu.vector_load %arg15[%get3A_51] {strides = array<i32>} : memref<128xi32, #tpu.memory_space<vmem>>, vector<16xi32>,
      %gather3A_53 = tpu.vector_load_idx %arg12[%get3A_52] : memref<10240xf32, #tpu.memory_space<vmem>>[vector<16xi32>], vector<16xf32>,
      %swap3A_54 = arith.constant 48 : index
      %swap3A_55 = tpu.vector_load %arg16[%swap3A_54] {strides = array<i32>} : memref<128xf32, #tpu.memory_space<vmem>>, vector<16xf32>,
      tpu.vector_store %arg16[%swap3A_54], %gather3A_53 {strides = array<i32>} : memref<128xf32, #tpu.memory_space<vmem>>, vector<16xf32>,
      %gather3A_56 = tpu.vector_load_idx %arg13[%get3A_52] : memref<10240xf32, #tpu.memory_space<vmem>>[vector<16xi32>], vector<16xf32>,
      %swap3A_57 = arith.constant 48 : index
      %swap3A_58 = tpu.vector_load %arg17[%swap3A_57] {strides = array<i32>} : memref<128xf32, #tpu.memory_space<vmem>>, vector<16xf32>,
      tpu.vector_store %arg17[%swap3A_57], %gather3A_56 {strides = array<i32>} : memref<128xf32, #tpu.memory_space<vmem>>, vector<16xf32>,
      %gather3A_59 = tpu.vector_load_idx %arg14[%get3A_52] : memref<10240xf32, #tpu.memory_space<vmem>>[vector<16xi32>], vector<16xf32>,
      %swap3A_60 = arith.constant 48 : index
      %swap3A_61 = tpu.vector_load %arg18[%swap3A_60] {strides = array<i32>} : memref<128xf32, #tpu.memory_space<vmem>>, vector<16xf32>,
      tpu.vector_store %arg18[%swap3A_60], %gather3A_59 {strides = array<i32>} : memref<128xf32, #tpu.memory_space<vmem>>, vector<16xf32>,
      %get3A_62 = arith.constant 64 : index
      %get3A_63 = tpu.vector_load %arg15[%get3A_62] {strides = array<i32>} : memref<128xi32, #tpu.memory_space<vmem>>, vector<16xi32>,
      %gather3A_64 = tpu.vector_load_idx %arg12[%get3A_63] : memref<10240xf32, #tpu.memory_space<vmem>>[vector<16xi32>], vector<16xf32>,
      %swap3A_65 = arith.constant 64 : index
      %swap3A_66 = tpu.vector_load %arg16[%swap3A_65] {strides = array<i32>} : memref<128xf32, #tpu.memory_space<vmem>>, vector<16xf32>,
      tpu.vector_store %arg16[%swap3A_65], %gather3A_64 {strides = array<i32>} : memref<128xf32, #tpu.memory_space<vmem>>, vector<16xf32>,
      %gather3A_67 = tpu.vector_load_idx %arg13[%get3A_63] : memref<10240xf32, #tpu.memory_space<vmem>>[vector<16xi32>], vector<16xf32>,
      %swap3A_68 = arith.constant 64 : index
      %swap3A_69 = tpu.vector_load %arg17[%swap3A_68] {strides = array<i32>} : memref<128xf32, #tpu.memory_space<vmem>>, vector<16xf32>,
      tpu.vector_store %arg17[%swap3A_68], %gather3A_67 {strides = array<i32>} : memref<128xf32, #tpu.memory_space<vmem>>, vector<16xf32>,
      %gather3A_70 = tpu.vector_load_idx %arg14[%get3A_63] : memref<10240xf32, #tpu.memory_space<vmem>>[vector<16xi32>], vector<16xf32>,
      %swap3A_71 = arith.constant 64 : index
      %swap3A_72 = tpu.vector_load %arg18[%swap3A_71] {strides = array<i32>} : memref<128xf32, #tpu.memory_space<vmem>>, vector<16xf32>,
      tpu.vector_store %arg18[%swap3A_71], %gather3A_70 {strides = array<i32>} : memref<128xf32, #tpu.memory_space<vmem>>, vector<16xf32>,
      %get3A_73 = arith.constant 80 : index
      %get3A_74 = tpu.vector_load %arg15[%get3A_73] {strides = array<i32>} : memref<128xi32, #tpu.memory_space<vmem>>, vector<16xi32>,
      %gather3A_75 = tpu.vector_load_idx %arg12[%get3A_74] : memref<10240xf32, #tpu.memory_space<vmem>>[vector<16xi32>], vector<16xf32>,
      %swap3A_76 = arith.constant 80 : index
      %swap3A_77 = tpu.vector_load %arg16[%swap3A_76] {strides = array<i32>} : memref<128xf32, #tpu.memory_space<vmem>>, vector<16xf32>,
      tpu.vector_store %arg16[%swap3A_76], %gather3A_75 {strides = array<i32>} : memref<128xf32, #tpu.memory_space<vmem>>, vector<16xf32>,
      %gather3A_78 = tpu.vector_load_idx %arg13[%get3A_74] : memref<10240xf32, #tpu.memory_space<vmem>>[vector<16xi32>], vector<16xf32>,
      %swap3A_79 = arith.constant 80 : index
      %swap3A_80 = tpu.vector_load %arg17[%swap3A_79] {strides = array<i32>} : memref<128xf32, #tpu.memory_space<vmem>>, vector<16xf32>,
      tpu.vector_store %arg17[%swap3A_79], %gather3A_78 {strides = array<i32>} : memref<128xf32, #tpu.memory_space<vmem>>, vector<16xf32>,
      %gather3A_81 = tpu.vector_load_idx %arg14[%get3A_74] : memref<10240xf32, #tpu.memory_space<vmem>>[vector<16xi32>], vector<16xf32>,
      %swap3A_82 = arith.constant 80 : index
      %swap3A_83 = tpu.vector_load %arg18[%swap3A_82] {strides = array<i32>} : memref<128xf32, #tpu.memory_space<vmem>>, vector<16xf32>,
      tpu.vector_store %arg18[%swap3A_82], %gather3A_81 {strides = array<i32>} : memref<128xf32, #tpu.memory_space<vmem>>, vector<16xf32>,
      %get3A_84 = arith.constant 96 : index
      %get3A_85 = tpu.vector_load %arg15[%get3A_84] {strides = array<i32>} : memref<128xi32, #tpu.memory_space<vmem>>, vector<16xi32>,
      %gather3A_86 = tpu.vector_load_idx %arg12[%get3A_85] : memref<10240xf32, #tpu.memory_space<vmem>>[vector<16xi32>], vector<16xf32>,
      %swap3A_87 = arith.constant 96 : index
      %swap3A_88 = tpu.vector_load %arg16[%swap3A_87] {strides = array<i32>} : memref<128xf32, #tpu.memory_space<vmem>>, vector<16xf32>,
      tpu.vector_store %arg16[%swap3A_87], %gather3A_86 {strides = array<i32>} : memref<128xf32, #tpu.memory_space<vmem>>, vector<16xf32>,
      %gather3A_89 = tpu.vector_load_idx %arg13[%get3A_85] : memref<10240xf32, #tpu.memory_space<vmem>>[vector<16xi32>], vector<16xf32>,
      %swap3A_90 = arith.constant 96 : index
      %swap3A_91 = tpu.vector_load %arg17[%swap3A_90] {strides = array<i32>} : memref<128xf32, #tpu.memory_space<vmem>>, vector<16xf32>,
      tpu.vector_store %arg17[%swap3A_90], %gather3A_89 {strides = array<i32>} : memref<128xf32, #tpu.memory_space<vmem>>, vector<16xf32>,
      %gather3A_92 = tpu.vector_load_idx %arg14[%get3A_85] : memref<10240xf32, #tpu.memory_space<vmem>>[vector<16xi32>], vector<16xf32>,
      %swap3A_93 = arith.constant 96 : index
      %swap3A_94 = tpu.vector_load %arg18[%swap3A_93] {strides = array<i32>} : memref<128xf32, #tpu.memory_space<vmem>>, vector<16xf32>,
      tpu.vector_store %arg18[%swap3A_93], %gather3A_92 {strides = array<i32>} : memref<128xf32, #tpu.memory_space<vmem>>, vector<16xf32>,
      %get3A_95 = arith.constant 112 : index
      %get3A_96 = tpu.vector_load %arg15[%get3A_95] {strides = array<i32>} : memref<128xi32, #tpu.memory_space<vmem>>, vector<16xi32>,
      %gather3A_97 = tpu.vector_load_idx %arg12[%get3A_96] : memref<10240xf32, #tpu.memory_space<vmem>>[vector<16xi32>], vector<16xf32>,
      %swap3A_98 = arith.constant 112 : index
      %swap3A_99 = tpu.vector_load %arg16[%swap3A_98] {strides = array<i32>} : memref<128xf32, #tpu.memory_space<vmem>>, vector<16xf32>,
      tpu.vector_store %arg16[%swap3A_98], %gather3A_97 {strides = array<i32>} : memref<128xf32, #tpu.memory_space<vmem>>, vector<16xf32>,
      %gather3A_100 = tpu.vector_load_idx %arg13[%get3A_96] : memref<10240xf32, #tpu.memory_space<vmem>>[vector<16xi32>], vector<16xf32>,
      %swap3A_101 = arith.constant 112 : index
      %swap3A_102 = tpu.vector_load %arg17[%swap3A_101] {strides = array<i32>} : memref<128xf32, #tpu.memory_space<vmem>>, vector<16xf32>,
      tpu.vector_store %arg17[%swap3A_101], %gather3A_100 {strides = array<i32>} : memref<128xf32, #tpu.memory_space<vmem>>, vector<16xf32>,
      %gather3A_103 = tpu.vector_load_idx %arg14[%get3A_96] : memref<10240xf32, #tpu.memory_space<vmem>>[vector<16xi32>], vector<16xf32>,
      %swap3A_104 = arith.constant 112 : index
      %swap3A_105 = tpu.vector_load %arg18[%swap3A_104] {strides = array<i32>} : memref<128xf32, #tpu.memory_space<vmem>>, vector<16xf32>,
      tpu.vector_store %arg18[%swap3A_104], %gather3A_103 {strides = array<i32>} : memref<128xf32, #tpu.memory_space<vmem>>, vector<16xf32>,
      "tpu.region"() ({
        %run_scoped3A = tpu.sem_alloc : memref<!tpu.dma_semaphore, #tpu.memory_space<semaphore_mem>>
        %dma_start3A = tpu.memref_slice %arg8[%add3A_20] : memref<327680xf32, #tpu.memory_space<hbm>> -> memref<128xf32, #tpu.memory_space<hbm>>
        %dma_start3A_107 = tpu.memref_slice %arg8[%add3A_20] : memref<327680xf32, #tpu.memory_space<hbm>> -> memref<128xf32, #tpu.memory_space<hbm>>
        tpu.enqueue_dma source(%arg16 : memref<128xf32, #tpu.memory_space<vmem>>) target(%dma_start3A_107 : memref<128xf32, #tpu.memory_space<hbm>>) target_semaphore(%run_scoped3A : memref<!tpu.dma_semaphore, #tpu.memory_space<semaphore_mem>>)
        %dma_wait3A = tpu.memref_slice %arg8[%add3A_20] : memref<327680xf32, #tpu.memory_space<hbm>> -> memref<128xf32, #tpu.memory_space<hbm>>
        %dma_wait3A_108 = tpu.memref_slice %arg8[%add3A_20] : memref<327680xf32, #tpu.memory_space<hbm>> -> memref<128xf32, #tpu.memory_space<hbm>>
        tpu.wait_dma2 semaphore(%run_scoped3A : memref<!tpu.dma_semaphore, #tpu.memory_space<semaphore_mem>>) src(%arg16 : memref<128xf32, #tpu.memory_space<vmem>>) dst(%dma_wait3A_108 : memref<128xf32, #tpu.memory_space<hbm>>)
        tpu.yield
      }) : () -> ()
      "tpu.region"() ({
        %run_scoped3A = tpu.sem_alloc : memref<!tpu.dma_semaphore, #tpu.memory_space<semaphore_mem>>
        %dma_start3A = tpu.memref_slice %arg9[%add3A_20] : memref<327680xf32, #tpu.memory_space<hbm>> -> memref<128xf32, #tpu.memory_space<hbm>>
        %dma_start3A_107 = tpu.memref_slice %arg9[%add3A_20] : memref<327680xf32, #tpu.memory_space<hbm>> -> memref<128xf32, #tpu.memory_space<hbm>>
        tpu.enqueue_dma source(%arg17 : memref<128xf32, #tpu.memory_space<vmem>>) target(%dma_start3A_107 : memref<128xf32, #tpu.memory_space<hbm>>) target_semaphore(%run_scoped3A : memref<!tpu.dma_semaphore, #tpu.memory_space<semaphore_mem>>)
        %dma_wait3A = tpu.memref_slice %arg9[%add3A_20] : memref<327680xf32, #tpu.memory_space<hbm>> -> memref<128xf32, #tpu.memory_space<hbm>>
        %dma_wait3A_108 = tpu.memref_slice %arg9[%add3A_20] : memref<327680xf32, #tpu.memory_space<hbm>> -> memref<128xf32, #tpu.memory_space<hbm>>
        tpu.wait_dma2 semaphore(%run_scoped3A : memref<!tpu.dma_semaphore, #tpu.memory_space<semaphore_mem>>) src(%arg17 : memref<128xf32, #tpu.memory_space<vmem>>) dst(%dma_wait3A_108 : memref<128xf32, #tpu.memory_space<hbm>>)
        tpu.yield
      }) : () -> ()
      "tpu.region"() ({
        %run_scoped3A = tpu.sem_alloc : memref<!tpu.dma_semaphore, #tpu.memory_space<semaphore_mem>>
        %dma_start3A = tpu.memref_slice %arg10[%add3A_20] : memref<327680xf32, #tpu.memory_space<hbm>> -> memref<128xf32, #tpu.memory_space<hbm>>
        %dma_start3A_107 = tpu.memref_slice %arg10[%add3A_20] : memref<327680xf32, #tpu.memory_space<hbm>> -> memref<128xf32, #tpu.memory_space<hbm>>
        tpu.enqueue_dma source(%arg18 : memref<128xf32, #tpu.memory_space<vmem>>) target(%dma_start3A_107 : memref<128xf32, #tpu.memory_space<hbm>>) target_semaphore(%run_scoped3A : memref<!tpu.dma_semaphore, #tpu.memory_space<semaphore_mem>>)
        %dma_wait3A = tpu.memref_slice %arg10[%add3A_20] : memref<327680xf32, #tpu.memory_space<hbm>> -> memref<128xf32, #tpu.memory_space<hbm>>
        %dma_wait3A_108 = tpu.memref_slice %arg10[%add3A_20] : memref<327680xf32, #tpu.memory_space<hbm>> -> memref<128xf32, #tpu.memory_space<hbm>>
        tpu.wait_dma2 semaphore(%run_scoped3A : memref<!tpu.dma_semaphore, #tpu.memory_space<semaphore_mem>>) src(%arg18 : memref<128xf32, #tpu.memory_space<vmem>>) dst(%dma_wait3A_108 : memref<128xf32, #tpu.memory_space<hbm>>)
        tpu.yield
      }) : () -> ()
      %scan3A_106 = arith.constant 0 : i32
      scf.yield %scan3A_106 : i32
    }
    %scan3A_6 = arith.constant 80 : i32
    %scan3A_7 = arith.constant 0 : i32
    %scan3A_8 = arith.constant 0 : i32
    %scan3A_9 = arith.constant 4 : i32
    %scan3A_10 = arith.addi %scan3A_8, %scan3A_9 : i32
    %scan3A_11 = arith.constant 1 : i32
    %scan3A_12 = scf.for %scan3A_14 = %scan3A_8 to %scan3A_10 step %scan3A_11 iter_args(%scan3A_15 = %scan3A_7) -> (i32)  : i32 {
      %mul3A_16 = arith.constant 320 : i32
      %mul3A_17 = arith.muli %add3A, %mul3A_16 : i32
      %mul3A_18 = arith.constant 80 : i32
      %mul3A_19 = arith.muli %scan3A_14, %mul3A_18 : i32
      %add3A_20 = arith.addi %mul3A_17, %mul3A_19 : i32
      "tpu.region"() ({
        %run_scoped3A = tpu.sem_alloc : memref<!tpu.dma_semaphore, #tpu.memory_space<semaphore_mem>>
        %dma_start3A_26 = tpu.memref_slice %arg7[%add3A_20] : memref<10240xi32, #tpu.memory_space<hbm>> -> memref<80xi32, #tpu.memory_space<hbm>>
        %dma_start3A_27 = tpu.memref_slice %arg7[%add3A_20] : memref<10240xi32, #tpu.memory_space<hbm>> -> memref<80xi32, #tpu.memory_space<hbm>>
        tpu.enqueue_dma source(%dma_start3A_27 : memref<80xi32, #tpu.memory_space<hbm>>) target(%arg19 : memref<80xi32, #tpu.memory_space<vmem>>) target_semaphore(%run_scoped3A : memref<!tpu.dma_semaphore, #tpu.memory_space<semaphore_mem>>)
        %dma_wait3A_28 = tpu.memref_slice %arg7[%add3A_20] : memref<10240xi32, #tpu.memory_space<hbm>> -> memref<80xi32, #tpu.memory_space<hbm>>
        %dma_wait3A_29 = tpu.memref_slice %arg7[%add3A_20] : memref<10240xi32, #tpu.memory_space<hbm>> -> memref<80xi32, #tpu.memory_space<hbm>>
        tpu.wait_dma2 semaphore(%run_scoped3A : memref<!tpu.dma_semaphore, #tpu.memory_space<semaphore_mem>>) src(%dma_wait3A_29 : memref<80xi32, #tpu.memory_space<hbm>>) dst(%arg19 : memref<80xi32, #tpu.memory_space<vmem>>)
        tpu.yield
      }) : () -> ()
      %dma_start3A = arith.constant 0 : i32
      %dma_start3A_21 = arith.constant 0 : i32
      %dma_start3A_22 = tpu.memref_slice %arg5[%dma_start3A, %dma_start3A_21] : memref<100x128xf32, #tpu.memory_space<hbm>> -> memref<100x128xf32, #tpu.memory_space<hbm>>
      tpu.enqueue_indirect_dma source(%dma_start3A_22 : memref<100x128xf32, #tpu.memory_space<hbm>>) target(%arg20 : memref<80x128xf32, #tpu.memory_space<vmem>>) offsets(%arg19 : memref<80xi32, #tpu.memory_space<vmem>>) semaphore(%arg21 : memref<!tpu.dma_semaphore, #tpu.memory_space<semaphore_mem>>)
      %dma_wait3A = arith.constant 0 : i32
      %dma_wait3A_23 = arith.constant 0 : i32
      %dma_wait3A_24 = tpu.memref_slice %arg5[%dma_wait3A, %dma_wait3A_23] : memref<100x128xf32, #tpu.memory_space<hbm>> -> memref<100x128xf32, #tpu.memory_space<hbm>>
      tpu.wait_indirect_dma semaphore(%arg21 : memref<!tpu.dma_semaphore, #tpu.memory_space<semaphore_mem>>) src(%dma_wait3A_24 : memref<100x128xf32, #tpu.memory_space<hbm>>) dst(%arg20 : memref<80x128xf32, #tpu.memory_space<vmem>>)
      "tpu.region"() ({
        %run_scoped3A = tpu.sem_alloc : memref<!tpu.dma_semaphore, #tpu.memory_space<semaphore_mem>>
        %dma_start3A_26 = arith.constant 0 : i32
        %dma_start3A_27 = tpu.memref_slice %arg11[%add3A_20, %dma_start3A_26] : memref<10240x128xf32, #tpu.memory_space<hbm>> -> memref<80x128xf32, #tpu.memory_space<hbm>>
        %dma_start3A_28 = arith.constant 0 : i32
        %dma_start3A_29 = tpu.memref_slice %arg11[%add3A_20, %dma_start3A_28] : memref<10240x128xf32, #tpu.memory_space<hbm>> -> memref<80x128xf32, #tpu.memory_space<hbm>>
        tpu.enqueue_dma source(%arg20 : memref<80x128xf32, #tpu.memory_space<vmem>>) target(%dma_start3A_29 : memref<80x128xf32, #tpu.memory_space<hbm>>) target_semaphore(%run_scoped3A : memref<!tpu.dma_semaphore, #tpu.memory_space<semaphore_mem>>)
        %dma_wait3A_30 = arith.constant 0 : i32
        %dma_wait3A_31 = tpu.memref_slice %arg11[%add3A_20, %dma_wait3A_30] : memref<10240x128xf32, #tpu.memory_space<hbm>> -> memref<80x128xf32, #tpu.memory_space<hbm>>
        %dma_wait3A_32 = arith.constant 0 : i32
        %dma_wait3A_33 = tpu.memref_slice %arg11[%add3A_20, %dma_wait3A_32] : memref<10240x128xf32, #tpu.memory_space<hbm>> -> memref<80x128xf32, #tpu.memory_space<hbm>>
        tpu.wait_dma2 semaphore(%run_scoped3A : memref<!tpu.dma_semaphore, #tpu.memory_space<semaphore_mem>>) src(%arg20 : memref<80x128xf32, #tpu.memory_space<vmem>>) dst(%dma_wait3A_33 : memref<80x128xf32, #tpu.memory_space<hbm>>)
        tpu.yield
      }) : () -> ()
      %scan3A_25 = arith.constant 0 : i32
      scf.yield %scan3A_25 : i32
    }
    %scan3A_13 = arith.constant 4 : i32
    return
  }
}

#map = affine_map<(d0, d1) -> (0, 0)>
#map1 = affine_map<(d0, d1) -> (0)>
module attributes {stable_mosaic.version = 14 : i64} {
  func.func @k(%arg0: i32, %arg1: i32, %arg2: memref<10240x128xf32, #tpu.memory_space<hbm>>, %arg3: memref<327680xi32, #tpu.memory_space<hbm>>, %arg4: memref<327680x128xf32, #tpu.memory_space<hbm>>, %arg5: memref<10240xi32, #tpu.memory_space<vmem>>, %arg6: memref<128x128xf32, #tpu.memory_space<vmem>>, %arg7: memref<128x128xf32, #tpu.memory_space<vmem>>, %arg8: memref<128x128xf32, #tpu.memory_space<vmem>>, %arg9: memref<128x128xf32, #tpu.memory_space<vmem>>, %arg10: memref<128x128xf32, #tpu.memory_space<vmem>>, %arg11: memref<!tpu.dma_semaphore, #tpu.memory_space<semaphore_mem>>, %arg12: memref<!tpu.dma_semaphore, #tpu.memory_space<semaphore_mem>>, %arg13: memref<!tpu.dma_semaphore, #tpu.memory_space<semaphore_mem>>, %arg14: memref<!tpu.dma_semaphore, #tpu.memory_space<semaphore_mem>>, %arg15: memref<!tpu.dma_semaphore, #tpu.memory_space<semaphore_mem>>, %arg16: memref<!tpu.dma_semaphore, #tpu.memory_space<semaphore_mem>>, %arg17: memref<!tpu.dma_semaphore, #tpu.memory_space<semaphore_mem>>, %arg18: memref<!tpu.dma_semaphore, #tpu.memory_space<semaphore_mem>>, %arg19: memref<!tpu.dma_semaphore, #tpu.memory_space<semaphore_mem>>, %arg20: memref<!tpu.dma_semaphore, #tpu.memory_space<semaphore_mem>>) attributes {dimension_semantics = [#tpu.dimension_semantics<core_parallel>, #tpu.dimension_semantics<subcore_parallel>], iteration_bounds = array<i64: 2, 16>, scalar_prefetch = 0 : i64, scratch_operands = 16 : i64, tpu.core_type = #tpu.core_type<sc_vector_subcore>, window_params = [{transform_indices = #map}, {transform_indices = #map1}, {transform_indices = #map}]} {
    %mul3A = arith.constant 2 : i32
    %mul3A_0 = arith.muli %arg1, %mul3A : i32
    %add3A = arith.addi %mul3A_0, %arg0 : i32
    %mul3A_1 = arith.constant 10240 : i32
    %mul3A_2 = arith.muli %add3A, %mul3A_1 : i32
    "tpu.region"() ({
      %run_scoped3A = tpu.sem_alloc : memref<!tpu.dma_semaphore, #tpu.memory_space<semaphore_mem>>
      %dma_start3A_122 = tpu.memref_slice %arg3[%mul3A_2] : memref<327680xi32, #tpu.memory_space<hbm>> -> memref<10240xi32, #tpu.memory_space<hbm>>
      %dma_start3A_123 = tpu.memref_slice %arg3[%mul3A_2] : memref<327680xi32, #tpu.memory_space<hbm>> -> memref<10240xi32, #tpu.memory_space<hbm>>
      tpu.enqueue_dma source(%dma_start3A_123 : memref<10240xi32, #tpu.memory_space<hbm>>) target(%arg5 : memref<10240xi32, #tpu.memory_space<vmem>>) target_semaphore(%run_scoped3A : memref<!tpu.dma_semaphore, #tpu.memory_space<semaphore_mem>>)
      %dma_wait3A_124 = tpu.memref_slice %arg3[%mul3A_2] : memref<327680xi32, #tpu.memory_space<hbm>> -> memref<10240xi32, #tpu.memory_space<hbm>>
      %dma_wait3A_125 = tpu.memref_slice %arg3[%mul3A_2] : memref<327680xi32, #tpu.memory_space<hbm>> -> memref<10240xi32, #tpu.memory_space<hbm>>
      tpu.wait_dma2 semaphore(%run_scoped3A : memref<!tpu.dma_semaphore, #tpu.memory_space<semaphore_mem>>) src(%dma_wait3A_125 : memref<10240xi32, #tpu.memory_space<hbm>>) dst(%arg5 : memref<10240xi32, #tpu.memory_space<vmem>>)
      tpu.yield
    }) : () -> ()
    %dma_start3A = arith.constant 0 : i32
    %dma_start3A_3 = tpu.memref_slice %arg5[%dma_start3A] : memref<10240xi32, #tpu.memory_space<vmem>> -> memref<128xi32, #tpu.memory_space<vmem>>
    %dma_start3A_4 = arith.constant 0 : i32
    %dma_start3A_5 = arith.constant 0 : i32
    %dma_start3A_6 = tpu.memref_slice %arg2[%dma_start3A_4, %dma_start3A_5] : memref<10240x128xf32, #tpu.memory_space<hbm>> -> memref<10240x128xf32, #tpu.memory_space<hbm>>
    tpu.enqueue_indirect_dma source(%dma_start3A_6 : memref<10240x128xf32, #tpu.memory_space<hbm>>) target(%arg6 : memref<128x128xf32, #tpu.memory_space<vmem>>) offsets(%dma_start3A_3 : memref<128xi32, #tpu.memory_space<vmem>>) semaphore(%arg11 : memref<!tpu.dma_semaphore, #tpu.memory_space<semaphore_mem>>)
    %dma_start3A_7 = arith.constant 128 : i32
    %dma_start3A_8 = tpu.memref_slice %arg5[%dma_start3A_7] : memref<10240xi32, #tpu.memory_space<vmem>> -> memref<128xi32, #tpu.memory_space<vmem>>
    %dma_start3A_9 = arith.constant 0 : i32
    %dma_start3A_10 = arith.constant 0 : i32
    %dma_start3A_11 = tpu.memref_slice %arg2[%dma_start3A_9, %dma_start3A_10] : memref<10240x128xf32, #tpu.memory_space<hbm>> -> memref<10240x128xf32, #tpu.memory_space<hbm>>
    tpu.enqueue_indirect_dma source(%dma_start3A_11 : memref<10240x128xf32, #tpu.memory_space<hbm>>) target(%arg7 : memref<128x128xf32, #tpu.memory_space<vmem>>) offsets(%dma_start3A_8 : memref<128xi32, #tpu.memory_space<vmem>>) semaphore(%arg12 : memref<!tpu.dma_semaphore, #tpu.memory_space<semaphore_mem>>)
    %dma_start3A_12 = arith.constant 256 : i32
    %dma_start3A_13 = tpu.memref_slice %arg5[%dma_start3A_12] : memref<10240xi32, #tpu.memory_space<vmem>> -> memref<128xi32, #tpu.memory_space<vmem>>
    %dma_start3A_14 = arith.constant 0 : i32
    %dma_start3A_15 = arith.constant 0 : i32
    %dma_start3A_16 = tpu.memref_slice %arg2[%dma_start3A_14, %dma_start3A_15] : memref<10240x128xf32, #tpu.memory_space<hbm>> -> memref<10240x128xf32, #tpu.memory_space<hbm>>
    tpu.enqueue_indirect_dma source(%dma_start3A_16 : memref<10240x128xf32, #tpu.memory_space<hbm>>) target(%arg8 : memref<128x128xf32, #tpu.memory_space<vmem>>) offsets(%dma_start3A_13 : memref<128xi32, #tpu.memory_space<vmem>>) semaphore(%arg13 : memref<!tpu.dma_semaphore, #tpu.memory_space<semaphore_mem>>)
    %dma_start3A_17 = arith.constant 384 : i32
    %dma_start3A_18 = tpu.memref_slice %arg5[%dma_start3A_17] : memref<10240xi32, #tpu.memory_space<vmem>> -> memref<128xi32, #tpu.memory_space<vmem>>
    %dma_start3A_19 = arith.constant 0 : i32
    %dma_start3A_20 = arith.constant 0 : i32
    %dma_start3A_21 = tpu.memref_slice %arg2[%dma_start3A_19, %dma_start3A_20] : memref<10240x128xf32, #tpu.memory_space<hbm>> -> memref<10240x128xf32, #tpu.memory_space<hbm>>
    tpu.enqueue_indirect_dma source(%dma_start3A_21 : memref<10240x128xf32, #tpu.memory_space<hbm>>) target(%arg9 : memref<128x128xf32, #tpu.memory_space<vmem>>) offsets(%dma_start3A_18 : memref<128xi32, #tpu.memory_space<vmem>>) semaphore(%arg14 : memref<!tpu.dma_semaphore, #tpu.memory_space<semaphore_mem>>)
    %dma_start3A_22 = arith.constant 512 : i32
    %dma_start3A_23 = tpu.memref_slice %arg5[%dma_start3A_22] : memref<10240xi32, #tpu.memory_space<vmem>> -> memref<128xi32, #tpu.memory_space<vmem>>
    %dma_start3A_24 = arith.constant 0 : i32
    %dma_start3A_25 = arith.constant 0 : i32
    %dma_start3A_26 = tpu.memref_slice %arg2[%dma_start3A_24, %dma_start3A_25] : memref<10240x128xf32, #tpu.memory_space<hbm>> -> memref<10240x128xf32, #tpu.memory_space<hbm>>
    tpu.enqueue_indirect_dma source(%dma_start3A_26 : memref<10240x128xf32, #tpu.memory_space<hbm>>) target(%arg10 : memref<128x128xf32, #tpu.memory_space<vmem>>) offsets(%dma_start3A_23 : memref<128xi32, #tpu.memory_space<vmem>>) semaphore(%arg15 : memref<!tpu.dma_semaphore, #tpu.memory_space<semaphore_mem>>)
    %scan3A = arith.constant 0 : i32
    %scan3A_27 = arith.constant 0 : i32
    %scan3A_28 = arith.constant 15 : i32
    %scan3A_29 = arith.addi %scan3A_27, %scan3A_28 : i32
    %scan3A_30 = arith.constant 1 : i32
    %scan3A_31 = scf.for %scan3A_122 = %scan3A_27 to %scan3A_29 step %scan3A_30 iter_args(%scan3A_123 = %scan3A) -> (i32)  : i32 {
      %mul3A_124 = arith.constant 5 : i32
      %mul3A_125 = arith.muli %scan3A_122, %mul3A_124 : i32
      %add3A_126 = arith.constant 0 : i32
      %add3A_127 = arith.addi %mul3A_125, %add3A_126 : i32
      %mul3A_128 = arith.constant 128 : i32
      %mul3A_129 = arith.muli %add3A_127, %mul3A_128 : i32
      %add3A_130 = arith.addi %mul3A_2, %mul3A_129 : i32
      %dma_wait3A_131 = arith.constant 0 : i32
      %dma_wait3A_132 = arith.constant 0 : i32
      %dma_wait3A_133 = tpu.memref_slice %arg4[%dma_wait3A_131, %dma_wait3A_132] : memref<327680x128xf32, #tpu.memory_space<hbm>> -> memref<128x128xf32, #tpu.memory_space<hbm>>
      %dma_wait3A_134 = arith.constant 0 : i32
      %dma_wait3A_135 = arith.constant 0 : i32
      %dma_wait3A_136 = tpu.memref_slice %arg4[%dma_wait3A_134, %dma_wait3A_135] : memref<327680x128xf32, #tpu.memory_space<hbm>> -> memref<128x128xf32, #tpu.memory_space<hbm>>
      tpu.wait_dma2 semaphore(%arg11 : memref<!tpu.dma_semaphore, #tpu.memory_space<semaphore_mem>>) src(%dma_wait3A_136 : memref<128x128xf32, #tpu.memory_space<hbm>>) dst(%arg6 : memref<128x128xf32, #tpu.memory_space<vmem>>)
      %dma_start3A_137 = arith.constant 0 : i32
      %dma_start3A_138 = tpu.memref_slice %arg4[%add3A_130, %dma_start3A_137] : memref<327680x128xf32, #tpu.memory_space<hbm>> -> memref<128x128xf32, #tpu.memory_space<hbm>>
      %dma_start3A_139 = arith.constant 0 : i32
      %dma_start3A_140 = tpu.memref_slice %arg4[%add3A_130, %dma_start3A_139] : memref<327680x128xf32, #tpu.memory_space<hbm>> -> memref<128x128xf32, #tpu.memory_space<hbm>>
      tpu.enqueue_dma source(%arg6 : memref<128x128xf32, #tpu.memory_space<vmem>>) target(%dma_start3A_140 : memref<128x128xf32, #tpu.memory_space<hbm>>) target_semaphore(%arg16 : memref<!tpu.dma_semaphore, #tpu.memory_space<semaphore_mem>>)
      %add3A_141 = arith.constant 1 : i32
      %add3A_142 = arith.addi %mul3A_125, %add3A_141 : i32
      %mul3A_143 = arith.constant 128 : i32
      %mul3A_144 = arith.muli %add3A_142, %mul3A_143 : i32
      %add3A_145 = arith.addi %mul3A_2, %mul3A_144 : i32
      %dma_wait3A_146 = arith.constant 0 : i32
      %dma_wait3A_147 = arith.constant 0 : i32
      %dma_wait3A_148 = tpu.memref_slice %arg4[%dma_wait3A_146, %dma_wait3A_147] : memref<327680x128xf32, #tpu.memory_space<hbm>> -> memref<128x128xf32, #tpu.memory_space<hbm>>
      %dma_wait3A_149 = arith.constant 0 : i32
      %dma_wait3A_150 = arith.constant 0 : i32
      %dma_wait3A_151 = tpu.memref_slice %arg4[%dma_wait3A_149, %dma_wait3A_150] : memref<327680x128xf32, #tpu.memory_space<hbm>> -> memref<128x128xf32, #tpu.memory_space<hbm>>
      tpu.wait_dma2 semaphore(%arg12 : memref<!tpu.dma_semaphore, #tpu.memory_space<semaphore_mem>>) src(%dma_wait3A_151 : memref<128x128xf32, #tpu.memory_space<hbm>>) dst(%arg7 : memref<128x128xf32, #tpu.memory_space<vmem>>)
      %dma_start3A_152 = arith.constant 0 : i32
      %dma_start3A_153 = tpu.memref_slice %arg4[%add3A_145, %dma_start3A_152] : memref<327680x128xf32, #tpu.memory_space<hbm>> -> memref<128x128xf32, #tpu.memory_space<hbm>>
      %dma_start3A_154 = arith.constant 0 : i32
      %dma_start3A_155 = tpu.memref_slice %arg4[%add3A_145, %dma_start3A_154] : memref<327680x128xf32, #tpu.memory_space<hbm>> -> memref<128x128xf32, #tpu.memory_space<hbm>>
      tpu.enqueue_dma source(%arg7 : memref<128x128xf32, #tpu.memory_space<vmem>>) target(%dma_start3A_155 : memref<128x128xf32, #tpu.memory_space<hbm>>) target_semaphore(%arg17 : memref<!tpu.dma_semaphore, #tpu.memory_space<semaphore_mem>>)
      %add3A_156 = arith.constant 2 : i32
      %add3A_157 = arith.addi %mul3A_125, %add3A_156 : i32
      %mul3A_158 = arith.constant 128 : i32
      %mul3A_159 = arith.muli %add3A_157, %mul3A_158 : i32
      %add3A_160 = arith.addi %mul3A_2, %mul3A_159 : i32
      %dma_wait3A_161 = arith.constant 0 : i32
      %dma_wait3A_162 = arith.constant 0 : i32
      %dma_wait3A_163 = tpu.memref_slice %arg4[%dma_wait3A_161, %dma_wait3A_162] : memref<327680x128xf32, #tpu.memory_space<hbm>> -> memref<128x128xf32, #tpu.memory_space<hbm>>
      %dma_wait3A_164 = arith.constant 0 : i32
      %dma_wait3A_165 = arith.constant 0 : i32
      %dma_wait3A_166 = tpu.memref_slice %arg4[%dma_wait3A_164, %dma_wait3A_165] : memref<327680x128xf32, #tpu.memory_space<hbm>> -> memref<128x128xf32, #tpu.memory_space<hbm>>
      tpu.wait_dma2 semaphore(%arg13 : memref<!tpu.dma_semaphore, #tpu.memory_space<semaphore_mem>>) src(%dma_wait3A_166 : memref<128x128xf32, #tpu.memory_space<hbm>>) dst(%arg8 : memref<128x128xf32, #tpu.memory_space<vmem>>)
      %dma_start3A_167 = arith.constant 0 : i32
      %dma_start3A_168 = tpu.memref_slice %arg4[%add3A_160, %dma_start3A_167] : memref<327680x128xf32, #tpu.memory_space<hbm>> -> memref<128x128xf32, #tpu.memory_space<hbm>>
      %dma_start3A_169 = arith.constant 0 : i32
      %dma_start3A_170 = tpu.memref_slice %arg4[%add3A_160, %dma_start3A_169] : memref<327680x128xf32, #tpu.memory_space<hbm>> -> memref<128x128xf32, #tpu.memory_space<hbm>>
      tpu.enqueue_dma source(%arg8 : memref<128x128xf32, #tpu.memory_space<vmem>>) target(%dma_start3A_170 : memref<128x128xf32, #tpu.memory_space<hbm>>) target_semaphore(%arg18 : memref<!tpu.dma_semaphore, #tpu.memory_space<semaphore_mem>>)
      %add3A_171 = arith.constant 3 : i32
      %add3A_172 = arith.addi %mul3A_125, %add3A_171 : i32
      %mul3A_173 = arith.constant 128 : i32
      %mul3A_174 = arith.muli %add3A_172, %mul3A_173 : i32
      %add3A_175 = arith.addi %mul3A_2, %mul3A_174 : i32
      %dma_wait3A_176 = arith.constant 0 : i32
      %dma_wait3A_177 = arith.constant 0 : i32
      %dma_wait3A_178 = tpu.memref_slice %arg4[%dma_wait3A_176, %dma_wait3A_177] : memref<327680x128xf32, #tpu.memory_space<hbm>> -> memref<128x128xf32, #tpu.memory_space<hbm>>
      %dma_wait3A_179 = arith.constant 0 : i32
      %dma_wait3A_180 = arith.constant 0 : i32
      %dma_wait3A_181 = tpu.memref_slice %arg4[%dma_wait3A_179, %dma_wait3A_180] : memref<327680x128xf32, #tpu.memory_space<hbm>> -> memref<128x128xf32, #tpu.memory_space<hbm>>
      tpu.wait_dma2 semaphore(%arg14 : memref<!tpu.dma_semaphore, #tpu.memory_space<semaphore_mem>>) src(%dma_wait3A_181 : memref<128x128xf32, #tpu.memory_space<hbm>>) dst(%arg9 : memref<128x128xf32, #tpu.memory_space<vmem>>)
      %dma_start3A_182 = arith.constant 0 : i32
      %dma_start3A_183 = tpu.memref_slice %arg4[%add3A_175, %dma_start3A_182] : memref<327680x128xf32, #tpu.memory_space<hbm>> -> memref<128x128xf32, #tpu.memory_space<hbm>>
      %dma_start3A_184 = arith.constant 0 : i32
      %dma_start3A_185 = tpu.memref_slice %arg4[%add3A_175, %dma_start3A_184] : memref<327680x128xf32, #tpu.memory_space<hbm>> -> memref<128x128xf32, #tpu.memory_space<hbm>>
      tpu.enqueue_dma source(%arg9 : memref<128x128xf32, #tpu.memory_space<vmem>>) target(%dma_start3A_185 : memref<128x128xf32, #tpu.memory_space<hbm>>) target_semaphore(%arg19 : memref<!tpu.dma_semaphore, #tpu.memory_space<semaphore_mem>>)
      %add3A_186 = arith.constant 4 : i32
      %add3A_187 = arith.addi %mul3A_125, %add3A_186 : i32
      %mul3A_188 = arith.constant 128 : i32
      %mul3A_189 = arith.muli %add3A_187, %mul3A_188 : i32
      %add3A_190 = arith.addi %mul3A_2, %mul3A_189 : i32
      %dma_wait3A_191 = arith.constant 0 : i32
      %dma_wait3A_192 = arith.constant 0 : i32
      %dma_wait3A_193 = tpu.memref_slice %arg4[%dma_wait3A_191, %dma_wait3A_192] : memref<327680x128xf32, #tpu.memory_space<hbm>> -> memref<128x128xf32, #tpu.memory_space<hbm>>
      %dma_wait3A_194 = arith.constant 0 : i32
      %dma_wait3A_195 = arith.constant 0 : i32
      %dma_wait3A_196 = tpu.memref_slice %arg4[%dma_wait3A_194, %dma_wait3A_195] : memref<327680x128xf32, #tpu.memory_space<hbm>> -> memref<128x128xf32, #tpu.memory_space<hbm>>
      tpu.wait_dma2 semaphore(%arg15 : memref<!tpu.dma_semaphore, #tpu.memory_space<semaphore_mem>>) src(%dma_wait3A_196 : memref<128x128xf32, #tpu.memory_space<hbm>>) dst(%arg10 : memref<128x128xf32, #tpu.memory_space<vmem>>)
      %dma_start3A_197 = arith.constant 0 : i32
      %dma_start3A_198 = tpu.memref_slice %arg4[%add3A_190, %dma_start3A_197] : memref<327680x128xf32, #tpu.memory_space<hbm>> -> memref<128x128xf32, #tpu.memory_space<hbm>>
      %dma_start3A_199 = arith.constant 0 : i32
      %dma_start3A_200 = tpu.memref_slice %arg4[%add3A_190, %dma_start3A_199] : memref<327680x128xf32, #tpu.memory_space<hbm>> -> memref<128x128xf32, #tpu.memory_space<hbm>>
      tpu.enqueue_dma source(%arg10 : memref<128x128xf32, #tpu.memory_space<vmem>>) target(%dma_start3A_200 : memref<128x128xf32, #tpu.memory_space<hbm>>) target_semaphore(%arg20 : memref<!tpu.dma_semaphore, #tpu.memory_space<semaphore_mem>>)
      %add3A_201 = arith.constant 5 : i32
      %add3A_202 = arith.addi %mul3A_125, %add3A_201 : i32
      %add3A_203 = arith.constant 0 : i32
      %add3A_204 = arith.addi %add3A_202, %add3A_203 : i32
      %mul3A_205 = arith.constant 128 : i32
      %mul3A_206 = arith.muli %add3A_204, %mul3A_205 : i32
      %dma_wait3A_207 = arith.constant 0 : i32
      %dma_wait3A_208 = arith.constant 0 : i32
      %dma_wait3A_209 = tpu.memref_slice %arg4[%dma_wait3A_207, %dma_wait3A_208] : memref<327680x128xf32, #tpu.memory_space<hbm>> -> memref<128x128xf32, #tpu.memory_space<hbm>>
      %dma_wait3A_210 = arith.constant 0 : i32
      %dma_wait3A_211 = arith.constant 0 : i32
      %dma_wait3A_212 = tpu.memref_slice %arg4[%dma_wait3A_210, %dma_wait3A_211] : memref<327680x128xf32, #tpu.memory_space<hbm>> -> memref<128x128xf32, #tpu.memory_space<hbm>>
      tpu.wait_dma2 semaphore(%arg16 : memref<!tpu.dma_semaphore, #tpu.memory_space<semaphore_mem>>) src(%arg6 : memref<128x128xf32, #tpu.memory_space<vmem>>) dst(%dma_wait3A_212 : memref<128x128xf32, #tpu.memory_space<hbm>>)
      %dma_start3A_213 = tpu.memref_slice %arg5[%mul3A_206] : memref<10240xi32, #tpu.memory_space<vmem>> -> memref<128xi32, #tpu.memory_space<vmem>>
      %dma_start3A_214 = arith.constant 0 : i32
      %dma_start3A_215 = arith.constant 0 : i32
      %dma_start3A_216 = tpu.memref_slice %arg2[%dma_start3A_214, %dma_start3A_215] : memref<10240x128xf32, #tpu.memory_space<hbm>> -> memref<10240x128xf32, #tpu.memory_space<hbm>>
      tpu.enqueue_indirect_dma source(%dma_start3A_216 : memref<10240x128xf32, #tpu.memory_space<hbm>>) target(%arg6 : memref<128x128xf32, #tpu.memory_space<vmem>>) offsets(%dma_start3A_213 : memref<128xi32, #tpu.memory_space<vmem>>) semaphore(%arg11 : memref<!tpu.dma_semaphore, #tpu.memory_space<semaphore_mem>>)
      %add3A_217 = arith.constant 5 : i32
      %add3A_218 = arith.addi %mul3A_125, %add3A_217 : i32
      %add3A_219 = arith.constant 1 : i32
      %add3A_220 = arith.addi %add3A_218, %add3A_219 : i32
      %mul3A_221 = arith.constant 128 : i32
      %mul3A_222 = arith.muli %add3A_220, %mul3A_221 : i32
      %dma_wait3A_223 = arith.constant 0 : i32
      %dma_wait3A_224 = arith.constant 0 : i32
      %dma_wait3A_225 = tpu.memref_slice %arg4[%dma_wait3A_223, %dma_wait3A_224] : memref<327680x128xf32, #tpu.memory_space<hbm>> -> memref<128x128xf32, #tpu.memory_space<hbm>>
      %dma_wait3A_226 = arith.constant 0 : i32
      %dma_wait3A_227 = arith.constant 0 : i32
      %dma_wait3A_228 = tpu.memref_slice %arg4[%dma_wait3A_226, %dma_wait3A_227] : memref<327680x128xf32, #tpu.memory_space<hbm>> -> memref<128x128xf32, #tpu.memory_space<hbm>>
      tpu.wait_dma2 semaphore(%arg17 : memref<!tpu.dma_semaphore, #tpu.memory_space<semaphore_mem>>) src(%arg7 : memref<128x128xf32, #tpu.memory_space<vmem>>) dst(%dma_wait3A_228 : memref<128x128xf32, #tpu.memory_space<hbm>>)
      %dma_start3A_229 = tpu.memref_slice %arg5[%mul3A_222] : memref<10240xi32, #tpu.memory_space<vmem>> -> memref<128xi32, #tpu.memory_space<vmem>>
      %dma_start3A_230 = arith.constant 0 : i32
      %dma_start3A_231 = arith.constant 0 : i32
      %dma_start3A_232 = tpu.memref_slice %arg2[%dma_start3A_230, %dma_start3A_231] : memref<10240x128xf32, #tpu.memory_space<hbm>> -> memref<10240x128xf32, #tpu.memory_space<hbm>>
      tpu.enqueue_indirect_dma source(%dma_start3A_232 : memref<10240x128xf32, #tpu.memory_space<hbm>>) target(%arg7 : memref<128x128xf32, #tpu.memory_space<vmem>>) offsets(%dma_start3A_229 : memref<128xi32, #tpu.memory_space<vmem>>) semaphore(%arg12 : memref<!tpu.dma_semaphore, #tpu.memory_space<semaphore_mem>>)
      %add3A_233 = arith.constant 5 : i32
      %add3A_234 = arith.addi %mul3A_125, %add3A_233 : i32
      %add3A_235 = arith.constant 2 : i32
      %add3A_236 = arith.addi %add3A_234, %add3A_235 : i32
      %mul3A_237 = arith.constant 128 : i32
      %mul3A_238 = arith.muli %add3A_236, %mul3A_237 : i32
      %dma_wait3A_239 = arith.constant 0 : i32
      %dma_wait3A_240 = arith.constant 0 : i32
      %dma_wait3A_241 = tpu.memref_slice %arg4[%dma_wait3A_239, %dma_wait3A_240] : memref<327680x128xf32, #tpu.memory_space<hbm>> -> memref<128x128xf32, #tpu.memory_space<hbm>>
      %dma_wait3A_242 = arith.constant 0 : i32
      %dma_wait3A_243 = arith.constant 0 : i32
      %dma_wait3A_244 = tpu.memref_slice %arg4[%dma_wait3A_242, %dma_wait3A_243] : memref<327680x128xf32, #tpu.memory_space<hbm>> -> memref<128x128xf32, #tpu.memory_space<hbm>>
      tpu.wait_dma2 semaphore(%arg18 : memref<!tpu.dma_semaphore, #tpu.memory_space<semaphore_mem>>) src(%arg8 : memref<128x128xf32, #tpu.memory_space<vmem>>) dst(%dma_wait3A_244 : memref<128x128xf32, #tpu.memory_space<hbm>>)
      %dma_start3A_245 = tpu.memref_slice %arg5[%mul3A_238] : memref<10240xi32, #tpu.memory_space<vmem>> -> memref<128xi32, #tpu.memory_space<vmem>>
      %dma_start3A_246 = arith.constant 0 : i32
      %dma_start3A_247 = arith.constant 0 : i32
      %dma_start3A_248 = tpu.memref_slice %arg2[%dma_start3A_246, %dma_start3A_247] : memref<10240x128xf32, #tpu.memory_space<hbm>> -> memref<10240x128xf32, #tpu.memory_space<hbm>>
      tpu.enqueue_indirect_dma source(%dma_start3A_248 : memref<10240x128xf32, #tpu.memory_space<hbm>>) target(%arg8 : memref<128x128xf32, #tpu.memory_space<vmem>>) offsets(%dma_start3A_245 : memref<128xi32, #tpu.memory_space<vmem>>) semaphore(%arg13 : memref<!tpu.dma_semaphore, #tpu.memory_space<semaphore_mem>>)
      %add3A_249 = arith.constant 5 : i32
      %add3A_250 = arith.addi %mul3A_125, %add3A_249 : i32
      %add3A_251 = arith.constant 3 : i32
      %add3A_252 = arith.addi %add3A_250, %add3A_251 : i32
      %mul3A_253 = arith.constant 128 : i32
      %mul3A_254 = arith.muli %add3A_252, %mul3A_253 : i32
      %dma_wait3A_255 = arith.constant 0 : i32
      %dma_wait3A_256 = arith.constant 0 : i32
      %dma_wait3A_257 = tpu.memref_slice %arg4[%dma_wait3A_255, %dma_wait3A_256] : memref<327680x128xf32, #tpu.memory_space<hbm>> -> memref<128x128xf32, #tpu.memory_space<hbm>>
      %dma_wait3A_258 = arith.constant 0 : i32
      %dma_wait3A_259 = arith.constant 0 : i32
      %dma_wait3A_260 = tpu.memref_slice %arg4[%dma_wait3A_258, %dma_wait3A_259] : memref<327680x128xf32, #tpu.memory_space<hbm>> -> memref<128x128xf32, #tpu.memory_space<hbm>>
      tpu.wait_dma2 semaphore(%arg19 : memref<!tpu.dma_semaphore, #tpu.memory_space<semaphore_mem>>) src(%arg9 : memref<128x128xf32, #tpu.memory_space<vmem>>) dst(%dma_wait3A_260 : memref<128x128xf32, #tpu.memory_space<hbm>>)
      %dma_start3A_261 = tpu.memref_slice %arg5[%mul3A_254] : memref<10240xi32, #tpu.memory_space<vmem>> -> memref<128xi32, #tpu.memory_space<vmem>>
      %dma_start3A_262 = arith.constant 0 : i32
      %dma_start3A_263 = arith.constant 0 : i32
      %dma_start3A_264 = tpu.memref_slice %arg2[%dma_start3A_262, %dma_start3A_263] : memref<10240x128xf32, #tpu.memory_space<hbm>> -> memref<10240x128xf32, #tpu.memory_space<hbm>>
      tpu.enqueue_indirect_dma source(%dma_start3A_264 : memref<10240x128xf32, #tpu.memory_space<hbm>>) target(%arg9 : memref<128x128xf32, #tpu.memory_space<vmem>>) offsets(%dma_start3A_261 : memref<128xi32, #tpu.memory_space<vmem>>) semaphore(%arg14 : memref<!tpu.dma_semaphore, #tpu.memory_space<semaphore_mem>>)
      %add3A_265 = arith.constant 5 : i32
      %add3A_266 = arith.addi %mul3A_125, %add3A_265 : i32
      %add3A_267 = arith.constant 4 : i32
      %add3A_268 = arith.addi %add3A_266, %add3A_267 : i32
      %mul3A_269 = arith.constant 128 : i32
      %mul3A_270 = arith.muli %add3A_268, %mul3A_269 : i32
      %dma_wait3A_271 = arith.constant 0 : i32
      %dma_wait3A_272 = arith.constant 0 : i32
      %dma_wait3A_273 = tpu.memref_slice %arg4[%dma_wait3A_271, %dma_wait3A_272] : memref<327680x128xf32, #tpu.memory_space<hbm>> -> memref<128x128xf32, #tpu.memory_space<hbm>>
      %dma_wait3A_274 = arith.constant 0 : i32
      %dma_wait3A_275 = arith.constant 0 : i32
      %dma_wait3A_276 = tpu.memref_slice %arg4[%dma_wait3A_274, %dma_wait3A_275] : memref<327680x128xf32, #tpu.memory_space<hbm>> -> memref<128x128xf32, #tpu.memory_space<hbm>>
      tpu.wait_dma2 semaphore(%arg20 : memref<!tpu.dma_semaphore, #tpu.memory_space<semaphore_mem>>) src(%arg10 : memref<128x128xf32, #tpu.memory_space<vmem>>) dst(%dma_wait3A_276 : memref<128x128xf32, #tpu.memory_space<hbm>>)
      %dma_start3A_277 = tpu.memref_slice %arg5[%mul3A_270] : memref<10240xi32, #tpu.memory_space<vmem>> -> memref<128xi32, #tpu.memory_space<vmem>>
      %dma_start3A_278 = arith.constant 0 : i32
      %dma_start3A_279 = arith.constant 0 : i32
      %dma_start3A_280 = tpu.memref_slice %arg2[%dma_start3A_278, %dma_start3A_279] : memref<10240x128xf32, #tpu.memory_space<hbm>> -> memref<10240x128xf32, #tpu.memory_space<hbm>>
      tpu.enqueue_indirect_dma source(%dma_start3A_280 : memref<10240x128xf32, #tpu.memory_space<hbm>>) target(%arg10 : memref<128x128xf32, #tpu.memory_space<vmem>>) offsets(%dma_start3A_277 : memref<128xi32, #tpu.memory_space<vmem>>) semaphore(%arg15 : memref<!tpu.dma_semaphore, #tpu.memory_space<semaphore_mem>>)
      %scan3A_281 = arith.constant 0 : i32
      scf.yield %scan3A_281 : i32
    }
    %scan3A_32 = arith.constant 15 : i32
    %add3A_33 = arith.constant 9600 : i32
    %add3A_34 = arith.addi %mul3A_2, %add3A_33 : i32
    %dma_wait3A = arith.constant 0 : i32
    %dma_wait3A_35 = arith.constant 0 : i32
    %dma_wait3A_36 = tpu.memref_slice %arg4[%dma_wait3A, %dma_wait3A_35] : memref<327680x128xf32, #tpu.memory_space<hbm>> -> memref<128x128xf32, #tpu.memory_space<hbm>>
    %dma_wait3A_37 = arith.constant 0 : i32
    %dma_wait3A_38 = arith.constant 0 : i32
    %dma_wait3A_39 = tpu.memref_slice %arg4[%dma_wait3A_37, %dma_wait3A_38] : memref<327680x128xf32, #tpu.memory_space<hbm>> -> memref<128x128xf32, #tpu.memory_space<hbm>>
    tpu.wait_dma2 semaphore(%arg11 : memref<!tpu.dma_semaphore, #tpu.memory_space<semaphore_mem>>) src(%dma_wait3A_39 : memref<128x128xf32, #tpu.memory_space<hbm>>) dst(%arg6 : memref<128x128xf32, #tpu.memory_space<vmem>>)
    %dma_start3A_40 = arith.constant 0 : i32
    %dma_start3A_41 = tpu.memref_slice %arg4[%add3A_34, %dma_start3A_40] : memref<327680x128xf32, #tpu.memory_space<hbm>> -> memref<128x128xf32, #tpu.memory_space<hbm>>
    %dma_start3A_42 = arith.constant 0 : i32
    %dma_start3A_43 = tpu.memref_slice %arg4[%add3A_34, %dma_start3A_42] : memref<327680x128xf32, #tpu.memory_space<hbm>> -> memref<128x128xf32, #tpu.memory_space<hbm>>
    tpu.enqueue_dma source(%arg6 : memref<128x128xf32, #tpu.memory_space<vmem>>) target(%dma_start3A_43 : memref<128x128xf32, #tpu.memory_space<hbm>>) target_semaphore(%arg16 : memref<!tpu.dma_semaphore, #tpu.memory_space<semaphore_mem>>)
    %add3A_44 = arith.constant 9728 : i32
    %add3A_45 = arith.addi %mul3A_2, %add3A_44 : i32
    %dma_wait3A_46 = arith.constant 0 : i32
    %dma_wait3A_47 = arith.constant 0 : i32
    %dma_wait3A_48 = tpu.memref_slice %arg4[%dma_wait3A_46, %dma_wait3A_47] : memref<327680x128xf32, #tpu.memory_space<hbm>> -> memref<128x128xf32, #tpu.memory_space<hbm>>
    %dma_wait3A_49 = arith.constant 0 : i32
    %dma_wait3A_50 = arith.constant 0 : i32
    %dma_wait3A_51 = tpu.memref_slice %arg4[%dma_wait3A_49, %dma_wait3A_50] : memref<327680x128xf32, #tpu.memory_space<hbm>> -> memref<128x128xf32, #tpu.memory_space<hbm>>
    tpu.wait_dma2 semaphore(%arg12 : memref<!tpu.dma_semaphore, #tpu.memory_space<semaphore_mem>>) src(%dma_wait3A_51 : memref<128x128xf32, #tpu.memory_space<hbm>>) dst(%arg7 : memref<128x128xf32, #tpu.memory_space<vmem>>)
    %dma_start3A_52 = arith.constant 0 : i32
    %dma_start3A_53 = tpu.memref_slice %arg4[%add3A_45, %dma_start3A_52] : memref<327680x128xf32, #tpu.memory_space<hbm>> -> memref<128x128xf32, #tpu.memory_space<hbm>>
    %dma_start3A_54 = arith.constant 0 : i32
    %dma_start3A_55 = tpu.memref_slice %arg4[%add3A_45, %dma_start3A_54] : memref<327680x128xf32, #tpu.memory_space<hbm>> -> memref<128x128xf32, #tpu.memory_space<hbm>>
    tpu.enqueue_dma source(%arg7 : memref<128x128xf32, #tpu.memory_space<vmem>>) target(%dma_start3A_55 : memref<128x128xf32, #tpu.memory_space<hbm>>) target_semaphore(%arg17 : memref<!tpu.dma_semaphore, #tpu.memory_space<semaphore_mem>>)
    %add3A_56 = arith.constant 9856 : i32
    %add3A_57 = arith.addi %mul3A_2, %add3A_56 : i32
    %dma_wait3A_58 = arith.constant 0 : i32
    %dma_wait3A_59 = arith.constant 0 : i32
    %dma_wait3A_60 = tpu.memref_slice %arg4[%dma_wait3A_58, %dma_wait3A_59] : memref<327680x128xf32, #tpu.memory_space<hbm>> -> memref<128x128xf32, #tpu.memory_space<hbm>>
    %dma_wait3A_61 = arith.constant 0 : i32
    %dma_wait3A_62 = arith.constant 0 : i32
    %dma_wait3A_63 = tpu.memref_slice %arg4[%dma_wait3A_61, %dma_wait3A_62] : memref<327680x128xf32, #tpu.memory_space<hbm>> -> memref<128x128xf32, #tpu.memory_space<hbm>>
    tpu.wait_dma2 semaphore(%arg13 : memref<!tpu.dma_semaphore, #tpu.memory_space<semaphore_mem>>) src(%dma_wait3A_63 : memref<128x128xf32, #tpu.memory_space<hbm>>) dst(%arg8 : memref<128x128xf32, #tpu.memory_space<vmem>>)
    %dma_start3A_64 = arith.constant 0 : i32
    %dma_start3A_65 = tpu.memref_slice %arg4[%add3A_57, %dma_start3A_64] : memref<327680x128xf32, #tpu.memory_space<hbm>> -> memref<128x128xf32, #tpu.memory_space<hbm>>
    %dma_start3A_66 = arith.constant 0 : i32
    %dma_start3A_67 = tpu.memref_slice %arg4[%add3A_57, %dma_start3A_66] : memref<327680x128xf32, #tpu.memory_space<hbm>> -> memref<128x128xf32, #tpu.memory_space<hbm>>
    tpu.enqueue_dma source(%arg8 : memref<128x128xf32, #tpu.memory_space<vmem>>) target(%dma_start3A_67 : memref<128x128xf32, #tpu.memory_space<hbm>>) target_semaphore(%arg18 : memref<!tpu.dma_semaphore, #tpu.memory_space<semaphore_mem>>)
    %add3A_68 = arith.constant 9984 : i32
    %add3A_69 = arith.addi %mul3A_2, %add3A_68 : i32
    %dma_wait3A_70 = arith.constant 0 : i32
    %dma_wait3A_71 = arith.constant 0 : i32
    %dma_wait3A_72 = tpu.memref_slice %arg4[%dma_wait3A_70, %dma_wait3A_71] : memref<327680x128xf32, #tpu.memory_space<hbm>> -> memref<128x128xf32, #tpu.memory_space<hbm>>
    %dma_wait3A_73 = arith.constant 0 : i32
    %dma_wait3A_74 = arith.constant 0 : i32
    %dma_wait3A_75 = tpu.memref_slice %arg4[%dma_wait3A_73, %dma_wait3A_74] : memref<327680x128xf32, #tpu.memory_space<hbm>> -> memref<128x128xf32, #tpu.memory_space<hbm>>
    tpu.wait_dma2 semaphore(%arg14 : memref<!tpu.dma_semaphore, #tpu.memory_space<semaphore_mem>>) src(%dma_wait3A_75 : memref<128x128xf32, #tpu.memory_space<hbm>>) dst(%arg9 : memref<128x128xf32, #tpu.memory_space<vmem>>)
    %dma_start3A_76 = arith.constant 0 : i32
    %dma_start3A_77 = tpu.memref_slice %arg4[%add3A_69, %dma_start3A_76] : memref<327680x128xf32, #tpu.memory_space<hbm>> -> memref<128x128xf32, #tpu.memory_space<hbm>>
    %dma_start3A_78 = arith.constant 0 : i32
    %dma_start3A_79 = tpu.memref_slice %arg4[%add3A_69, %dma_start3A_78] : memref<327680x128xf32, #tpu.memory_space<hbm>> -> memref<128x128xf32, #tpu.memory_space<hbm>>
    tpu.enqueue_dma source(%arg9 : memref<128x128xf32, #tpu.memory_space<vmem>>) target(%dma_start3A_79 : memref<128x128xf32, #tpu.memory_space<hbm>>) target_semaphore(%arg19 : memref<!tpu.dma_semaphore, #tpu.memory_space<semaphore_mem>>)
    %add3A_80 = arith.constant 10112 : i32
    %add3A_81 = arith.addi %mul3A_2, %add3A_80 : i32
    %dma_wait3A_82 = arith.constant 0 : i32
    %dma_wait3A_83 = arith.constant 0 : i32
    %dma_wait3A_84 = tpu.memref_slice %arg4[%dma_wait3A_82, %dma_wait3A_83] : memref<327680x128xf32, #tpu.memory_space<hbm>> -> memref<128x128xf32, #tpu.memory_space<hbm>>
    %dma_wait3A_85 = arith.constant 0 : i32
    %dma_wait3A_86 = arith.constant 0 : i32
    %dma_wait3A_87 = tpu.memref_slice %arg4[%dma_wait3A_85, %dma_wait3A_86] : memref<327680x128xf32, #tpu.memory_space<hbm>> -> memref<128x128xf32, #tpu.memory_space<hbm>>
    tpu.wait_dma2 semaphore(%arg15 : memref<!tpu.dma_semaphore, #tpu.memory_space<semaphore_mem>>) src(%dma_wait3A_87 : memref<128x128xf32, #tpu.memory_space<hbm>>) dst(%arg10 : memref<128x128xf32, #tpu.memory_space<vmem>>)
    %dma_start3A_88 = arith.constant 0 : i32
    %dma_start3A_89 = tpu.memref_slice %arg4[%add3A_81, %dma_start3A_88] : memref<327680x128xf32, #tpu.memory_space<hbm>> -> memref<128x128xf32, #tpu.memory_space<hbm>>
    %dma_start3A_90 = arith.constant 0 : i32
    %dma_start3A_91 = tpu.memref_slice %arg4[%add3A_81, %dma_start3A_90] : memref<327680x128xf32, #tpu.memory_space<hbm>> -> memref<128x128xf32, #tpu.memory_space<hbm>>
    tpu.enqueue_dma source(%arg10 : memref<128x128xf32, #tpu.memory_space<vmem>>) target(%dma_start3A_91 : memref<128x128xf32, #tpu.memory_space<hbm>>) target_semaphore(%arg20 : memref<!tpu.dma_semaphore, #tpu.memory_space<semaphore_mem>>)
    %dma_wait3A_92 = arith.constant 0 : i32
    %dma_wait3A_93 = arith.constant 0 : i32
    %dma_wait3A_94 = tpu.memref_slice %arg4[%dma_wait3A_92, %dma_wait3A_93] : memref<327680x128xf32, #tpu.memory_space<hbm>> -> memref<128x128xf32, #tpu.memory_space<hbm>>
    %dma_wait3A_95 = arith.constant 0 : i32
    %dma_wait3A_96 = arith.constant 0 : i32
    %dma_wait3A_97 = tpu.memref_slice %arg4[%dma_wait3A_95, %dma_wait3A_96] : memref<327680x128xf32, #tpu.memory_space<hbm>> -> memref<128x128xf32, #tpu.memory_space<hbm>>
    tpu.wait_dma2 semaphore(%arg16 : memref<!tpu.dma_semaphore, #tpu.memory_space<semaphore_mem>>) src(%arg6 : memref<128x128xf32, #tpu.memory_space<vmem>>) dst(%dma_wait3A_97 : memref<128x128xf32, #tpu.memory_space<hbm>>)
    %dma_wait3A_98 = arith.constant 0 : i32
    %dma_wait3A_99 = arith.constant 0 : i32
    %dma_wait3A_100 = tpu.memref_slice %arg4[%dma_wait3A_98, %dma_wait3A_99] : memref<327680x128xf32, #tpu.memory_space<hbm>> -> memref<128x128xf32, #tpu.memory_space<hbm>>
    %dma_wait3A_101 = arith.constant 0 : i32
    %dma_wait3A_102 = arith.constant 0 : i32
    %dma_wait3A_103 = tpu.memref_slice %arg4[%dma_wait3A_101, %dma_wait3A_102] : memref<327680x128xf32, #tpu.memory_space<hbm>> -> memref<128x128xf32, #tpu.memory_space<hbm>>
    tpu.wait_dma2 semaphore(%arg17 : memref<!tpu.dma_semaphore, #tpu.memory_space<semaphore_mem>>) src(%arg7 : memref<128x128xf32, #tpu.memory_space<vmem>>) dst(%dma_wait3A_103 : memref<128x128xf32, #tpu.memory_space<hbm>>)
    %dma_wait3A_104 = arith.constant 0 : i32
    %dma_wait3A_105 = arith.constant 0 : i32
    %dma_wait3A_106 = tpu.memref_slice %arg4[%dma_wait3A_104, %dma_wait3A_105] : memref<327680x128xf32, #tpu.memory_space<hbm>> -> memref<128x128xf32, #tpu.memory_space<hbm>>
    %dma_wait3A_107 = arith.constant 0 : i32
    %dma_wait3A_108 = arith.constant 0 : i32
    %dma_wait3A_109 = tpu.memref_slice %arg4[%dma_wait3A_107, %dma_wait3A_108] : memref<327680x128xf32, #tpu.memory_space<hbm>> -> memref<128x128xf32, #tpu.memory_space<hbm>>
    tpu.wait_dma2 semaphore(%arg18 : memref<!tpu.dma_semaphore, #tpu.memory_space<semaphore_mem>>) src(%arg8 : memref<128x128xf32, #tpu.memory_space<vmem>>) dst(%dma_wait3A_109 : memref<128x128xf32, #tpu.memory_space<hbm>>)
    %dma_wait3A_110 = arith.constant 0 : i32
    %dma_wait3A_111 = arith.constant 0 : i32
    %dma_wait3A_112 = tpu.memref_slice %arg4[%dma_wait3A_110, %dma_wait3A_111] : memref<327680x128xf32, #tpu.memory_space<hbm>> -> memref<128x128xf32, #tpu.memory_space<hbm>>
    %dma_wait3A_113 = arith.constant 0 : i32
    %dma_wait3A_114 = arith.constant 0 : i32
    %dma_wait3A_115 = tpu.memref_slice %arg4[%dma_wait3A_113, %dma_wait3A_114] : memref<327680x128xf32, #tpu.memory_space<hbm>> -> memref<128x128xf32, #tpu.memory_space<hbm>>
    tpu.wait_dma2 semaphore(%arg19 : memref<!tpu.dma_semaphore, #tpu.memory_space<semaphore_mem>>) src(%arg9 : memref<128x128xf32, #tpu.memory_space<vmem>>) dst(%dma_wait3A_115 : memref<128x128xf32, #tpu.memory_space<hbm>>)
    %dma_wait3A_116 = arith.constant 0 : i32
    %dma_wait3A_117 = arith.constant 0 : i32
    %dma_wait3A_118 = tpu.memref_slice %arg4[%dma_wait3A_116, %dma_wait3A_117] : memref<327680x128xf32, #tpu.memory_space<hbm>> -> memref<128x128xf32, #tpu.memory_space<hbm>>
    %dma_wait3A_119 = arith.constant 0 : i32
    %dma_wait3A_120 = arith.constant 0 : i32
    %dma_wait3A_121 = tpu.memref_slice %arg4[%dma_wait3A_119, %dma_wait3A_120] : memref<327680x128xf32, #tpu.memory_space<hbm>> -> memref<128x128xf32, #tpu.memory_space<hbm>>
    tpu.wait_dma2 semaphore(%arg20 : memref<!tpu.dma_semaphore, #tpu.memory_space<semaphore_mem>>) src(%arg10 : memref<128x128xf32, #tpu.memory_space<vmem>>) dst(%dma_wait3A_121 : memref<128x128xf32, #tpu.memory_space<hbm>>)
    return
  }
}

#map = affine_map<(d0, d1) -> (0, 0)>
#map1 = affine_map<(d0, d1) -> (0)>
module attributes {stable_mosaic.version = 14 : i64} {
  func.func @k(%arg0: i32, %arg1: i32, %arg2: memref<10240x128xf32, #tpu.memory_space<hbm>>, %arg3: memref<327680xi32, #tpu.memory_space<hbm>>, %arg4: memref<327680x128xf32, #tpu.memory_space<hbm>>, %arg5: memref<10240xi32, #tpu.memory_space<vmem>>, %arg6: memref<128x128xf32, #tpu.memory_space<vmem>>, %arg7: memref<128x128xf32, #tpu.memory_space<vmem>>, %arg8: memref<128x128xf32, #tpu.memory_space<vmem>>, %arg9: memref<128x128xf32, #tpu.memory_space<vmem>>, %arg10: memref<128x128xf32, #tpu.memory_space<vmem>>, %arg11: memref<!tpu.dma_semaphore, #tpu.memory_space<semaphore_mem>>, %arg12: memref<!tpu.dma_semaphore, #tpu.memory_space<semaphore_mem>>, %arg13: memref<!tpu.dma_semaphore, #tpu.memory_space<semaphore_mem>>, %arg14: memref<!tpu.dma_semaphore, #tpu.memory_space<semaphore_mem>>, %arg15: memref<!tpu.dma_semaphore, #tpu.memory_space<semaphore_mem>>, %arg16: memref<!tpu.dma_semaphore, #tpu.memory_space<semaphore_mem>>, %arg17: memref<!tpu.dma_semaphore, #tpu.memory_space<semaphore_mem>>, %arg18: memref<!tpu.dma_semaphore, #tpu.memory_space<semaphore_mem>>, %arg19: memref<!tpu.dma_semaphore, #tpu.memory_space<semaphore_mem>>, %arg20: memref<!tpu.dma_semaphore, #tpu.memory_space<semaphore_mem>>) attributes {dimension_semantics = [#tpu.dimension_semantics<core_parallel>, #tpu.dimension_semantics<subcore_parallel>], iteration_bounds = array<i64: 2, 16>, scalar_prefetch = 0 : i64, scratch_operands = 16 : i64, tpu.core_type = #tpu.core_type<sc_vector_subcore>, window_params = [{transform_indices = #map}, {transform_indices = #map1}, {transform_indices = #map}]} {
    %mul3A = arith.constant 2 : i32
    %mul3A_0 = arith.muli %arg1, %mul3A : i32
    %add3A = arith.addi %mul3A_0, %arg0 : i32
    %mul3A_1 = arith.constant 10240 : i32
    %mul3A_2 = arith.muli %add3A, %mul3A_1 : i32
    "tpu.region"() ({
      %run_scoped3A = tpu.sem_alloc : memref<!tpu.dma_semaphore, #tpu.memory_space<semaphore_mem>>
      %dma_start3A_122 = tpu.memref_slice %arg3[%mul3A_2] : memref<327680xi32, #tpu.memory_space<hbm>> -> memref<10240xi32, #tpu.memory_space<hbm>>
      %dma_start3A_123 = tpu.memref_slice %arg3[%mul3A_2] : memref<327680xi32, #tpu.memory_space<hbm>> -> memref<10240xi32, #tpu.memory_space<hbm>>
      tpu.enqueue_dma source(%dma_start3A_123 : memref<10240xi32, #tpu.memory_space<hbm>>) target(%arg5 : memref<10240xi32, #tpu.memory_space<vmem>>) target_semaphore(%run_scoped3A : memref<!tpu.dma_semaphore, #tpu.memory_space<semaphore_mem>>)
      %dma_wait3A_124 = tpu.memref_slice %arg3[%mul3A_2] : memref<327680xi32, #tpu.memory_space<hbm>> -> memref<10240xi32, #tpu.memory_space<hbm>>
      %dma_wait3A_125 = tpu.memref_slice %arg3[%mul3A_2] : memref<327680xi32, #tpu.memory_space<hbm>> -> memref<10240xi32, #tpu.memory_space<hbm>>
      tpu.wait_dma2 semaphore(%run_scoped3A : memref<!tpu.dma_semaphore, #tpu.memory_space<semaphore_mem>>) src(%dma_wait3A_125 : memref<10240xi32, #tpu.memory_space<hbm>>) dst(%arg5 : memref<10240xi32, #tpu.memory_space<vmem>>)
      tpu.yield
    }) : () -> ()
    %dma_start3A = arith.constant 0 : i32
    %dma_start3A_3 = tpu.memref_slice %arg5[%dma_start3A] : memref<10240xi32, #tpu.memory_space<vmem>> -> memref<128xi32, #tpu.memory_space<vmem>>
    %dma_start3A_4 = arith.constant 0 : i32
    %dma_start3A_5 = arith.constant 0 : i32
    %dma_start3A_6 = tpu.memref_slice %arg2[%dma_start3A_4, %dma_start3A_5] : memref<10240x128xf32, #tpu.memory_space<hbm>> -> memref<10240x128xf32, #tpu.memory_space<hbm>>
    tpu.enqueue_indirect_dma source(%dma_start3A_6 : memref<10240x128xf32, #tpu.memory_space<hbm>>) target(%arg6 : memref<128x128xf32, #tpu.memory_space<vmem>>) offsets(%dma_start3A_3 : memref<128xi32, #tpu.memory_space<vmem>>) semaphore(%arg11 : memref<!tpu.dma_semaphore, #tpu.memory_space<semaphore_mem>>)
    %dma_start3A_7 = arith.constant 128 : i32
    %dma_start3A_8 = tpu.memref_slice %arg5[%dma_start3A_7] : memref<10240xi32, #tpu.memory_space<vmem>> -> memref<128xi32, #tpu.memory_space<vmem>>
    %dma_start3A_9 = arith.constant 0 : i32
    %dma_start3A_10 = arith.constant 0 : i32
    %dma_start3A_11 = tpu.memref_slice %arg2[%dma_start3A_9, %dma_start3A_10] : memref<10240x128xf32, #tpu.memory_space<hbm>> -> memref<10240x128xf32, #tpu.memory_space<hbm>>
    tpu.enqueue_indirect_dma source(%dma_start3A_11 : memref<10240x128xf32, #tpu.memory_space<hbm>>) target(%arg7 : memref<128x128xf32, #tpu.memory_space<vmem>>) offsets(%dma_start3A_8 : memref<128xi32, #tpu.memory_space<vmem>>) semaphore(%arg12 : memref<!tpu.dma_semaphore, #tpu.memory_space<semaphore_mem>>)
    %dma_start3A_12 = arith.constant 256 : i32
    %dma_start3A_13 = tpu.memref_slice %arg5[%dma_start3A_12] : memref<10240xi32, #tpu.memory_space<vmem>> -> memref<128xi32, #tpu.memory_space<vmem>>
    %dma_start3A_14 = arith.constant 0 : i32
    %dma_start3A_15 = arith.constant 0 : i32
    %dma_start3A_16 = tpu.memref_slice %arg2[%dma_start3A_14, %dma_start3A_15] : memref<10240x128xf32, #tpu.memory_space<hbm>> -> memref<10240x128xf32, #tpu.memory_space<hbm>>
    tpu.enqueue_indirect_dma source(%dma_start3A_16 : memref<10240x128xf32, #tpu.memory_space<hbm>>) target(%arg8 : memref<128x128xf32, #tpu.memory_space<vmem>>) offsets(%dma_start3A_13 : memref<128xi32, #tpu.memory_space<vmem>>) semaphore(%arg13 : memref<!tpu.dma_semaphore, #tpu.memory_space<semaphore_mem>>)
    %dma_start3A_17 = arith.constant 384 : i32
    %dma_start3A_18 = tpu.memref_slice %arg5[%dma_start3A_17] : memref<10240xi32, #tpu.memory_space<vmem>> -> memref<128xi32, #tpu.memory_space<vmem>>
    %dma_start3A_19 = arith.constant 0 : i32
    %dma_start3A_20 = arith.constant 0 : i32
    %dma_start3A_21 = tpu.memref_slice %arg2[%dma_start3A_19, %dma_start3A_20] : memref<10240x128xf32, #tpu.memory_space<hbm>> -> memref<10240x128xf32, #tpu.memory_space<hbm>>
    tpu.enqueue_indirect_dma source(%dma_start3A_21 : memref<10240x128xf32, #tpu.memory_space<hbm>>) target(%arg9 : memref<128x128xf32, #tpu.memory_space<vmem>>) offsets(%dma_start3A_18 : memref<128xi32, #tpu.memory_space<vmem>>) semaphore(%arg14 : memref<!tpu.dma_semaphore, #tpu.memory_space<semaphore_mem>>)
    %dma_start3A_22 = arith.constant 512 : i32
    %dma_start3A_23 = tpu.memref_slice %arg5[%dma_start3A_22] : memref<10240xi32, #tpu.memory_space<vmem>> -> memref<128xi32, #tpu.memory_space<vmem>>
    %dma_start3A_24 = arith.constant 0 : i32
    %dma_start3A_25 = arith.constant 0 : i32
    %dma_start3A_26 = tpu.memref_slice %arg2[%dma_start3A_24, %dma_start3A_25] : memref<10240x128xf32, #tpu.memory_space<hbm>> -> memref<10240x128xf32, #tpu.memory_space<hbm>>
    tpu.enqueue_indirect_dma source(%dma_start3A_26 : memref<10240x128xf32, #tpu.memory_space<hbm>>) target(%arg10 : memref<128x128xf32, #tpu.memory_space<vmem>>) offsets(%dma_start3A_23 : memref<128xi32, #tpu.memory_space<vmem>>) semaphore(%arg15 : memref<!tpu.dma_semaphore, #tpu.memory_space<semaphore_mem>>)
    %scan3A = arith.constant 0 : i32
    %scan3A_27 = arith.constant 0 : i32
    %scan3A_28 = arith.constant 15 : i32
    %scan3A_29 = arith.addi %scan3A_27, %scan3A_28 : i32
    %scan3A_30 = arith.constant 1 : i32
    %scan3A_31 = scf.for %scan3A_122 = %scan3A_27 to %scan3A_29 step %scan3A_30 iter_args(%scan3A_123 = %scan3A) -> (i32)  : i32 {
      %mul3A_124 = arith.constant 5 : i32
      %mul3A_125 = arith.muli %scan3A_122, %mul3A_124 : i32
      %add3A_126 = arith.constant 0 : i32
      %add3A_127 = arith.addi %mul3A_125, %add3A_126 : i32
      %mul3A_128 = arith.constant 128 : i32
      %mul3A_129 = arith.muli %add3A_127, %mul3A_128 : i32
      %add3A_130 = arith.addi %mul3A_2, %mul3A_129 : i32
      %dma_wait3A_131 = arith.constant 0 : i32
      %dma_wait3A_132 = arith.constant 0 : i32
      %dma_wait3A_133 = tpu.memref_slice %arg4[%dma_wait3A_131, %dma_wait3A_132] : memref<327680x128xf32, #tpu.memory_space<hbm>> -> memref<128x128xf32, #tpu.memory_space<hbm>>
      %dma_wait3A_134 = arith.constant 0 : i32
      %dma_wait3A_135 = arith.constant 0 : i32
      %dma_wait3A_136 = tpu.memref_slice %arg4[%dma_wait3A_134, %dma_wait3A_135] : memref<327680x128xf32, #tpu.memory_space<hbm>> -> memref<128x128xf32, #tpu.memory_space<hbm>>
      tpu.wait_dma2 semaphore(%arg11 : memref<!tpu.dma_semaphore, #tpu.memory_space<semaphore_mem>>) src(%dma_wait3A_136 : memref<128x128xf32, #tpu.memory_space<hbm>>) dst(%arg6 : memref<128x128xf32, #tpu.memory_space<vmem>>)
      %dma_start3A_137 = arith.constant 0 : i32
      %dma_start3A_138 = tpu.memref_slice %arg4[%add3A_130, %dma_start3A_137] : memref<327680x128xf32, #tpu.memory_space<hbm>> -> memref<128x128xf32, #tpu.memory_space<hbm>>
      %dma_start3A_139 = arith.constant 0 : i32
      %dma_start3A_140 = tpu.memref_slice %arg4[%add3A_130, %dma_start3A_139] : memref<327680x128xf32, #tpu.memory_space<hbm>> -> memref<128x128xf32, #tpu.memory_space<hbm>>
      tpu.enqueue_dma source(%arg6 : memref<128x128xf32, #tpu.memory_space<vmem>>) target(%dma_start3A_140 : memref<128x128xf32, #tpu.memory_space<hbm>>) target_semaphore(%arg16 : memref<!tpu.dma_semaphore, #tpu.memory_space<semaphore_mem>>)
      %add3A_141 = arith.constant 1 : i32
      %add3A_142 = arith.addi %mul3A_125, %add3A_141 : i32
      %mul3A_143 = arith.constant 128 : i32
      %mul3A_144 = arith.muli %add3A_142, %mul3A_143 : i32
      %add3A_145 = arith.addi %mul3A_2, %mul3A_144 : i32
      %dma_wait3A_146 = arith.constant 0 : i32
      %dma_wait3A_147 = arith.constant 0 : i32
      %dma_wait3A_148 = tpu.memref_slice %arg4[%dma_wait3A_146, %dma_wait3A_147] : memref<327680x128xf32, #tpu.memory_space<hbm>> -> memref<128x128xf32, #tpu.memory_space<hbm>>
      %dma_wait3A_149 = arith.constant 0 : i32
      %dma_wait3A_150 = arith.constant 0 : i32
      %dma_wait3A_151 = tpu.memref_slice %arg4[%dma_wait3A_149, %dma_wait3A_150] : memref<327680x128xf32, #tpu.memory_space<hbm>> -> memref<128x128xf32, #tpu.memory_space<hbm>>
      tpu.wait_dma2 semaphore(%arg12 : memref<!tpu.dma_semaphore, #tpu.memory_space<semaphore_mem>>) src(%dma_wait3A_151 : memref<128x128xf32, #tpu.memory_space<hbm>>) dst(%arg7 : memref<128x128xf32, #tpu.memory_space<vmem>>)
      %dma_start3A_152 = arith.constant 0 : i32
      %dma_start3A_153 = tpu.memref_slice %arg4[%add3A_145, %dma_start3A_152] : memref<327680x128xf32, #tpu.memory_space<hbm>> -> memref<128x128xf32, #tpu.memory_space<hbm>>
      %dma_start3A_154 = arith.constant 0 : i32
      %dma_start3A_155 = tpu.memref_slice %arg4[%add3A_145, %dma_start3A_154] : memref<327680x128xf32, #tpu.memory_space<hbm>> -> memref<128x128xf32, #tpu.memory_space<hbm>>
      tpu.enqueue_dma source(%arg7 : memref<128x128xf32, #tpu.memory_space<vmem>>) target(%dma_start3A_155 : memref<128x128xf32, #tpu.memory_space<hbm>>) target_semaphore(%arg17 : memref<!tpu.dma_semaphore, #tpu.memory_space<semaphore_mem>>)
      %add3A_156 = arith.constant 2 : i32
      %add3A_157 = arith.addi %mul3A_125, %add3A_156 : i32
      %mul3A_158 = arith.constant 128 : i32
      %mul3A_159 = arith.muli %add3A_157, %mul3A_158 : i32
      %add3A_160 = arith.addi %mul3A_2, %mul3A_159 : i32
      %dma_wait3A_161 = arith.constant 0 : i32
      %dma_wait3A_162 = arith.constant 0 : i32
      %dma_wait3A_163 = tpu.memref_slice %arg4[%dma_wait3A_161, %dma_wait3A_162] : memref<327680x128xf32, #tpu.memory_space<hbm>> -> memref<128x128xf32, #tpu.memory_space<hbm>>
      %dma_wait3A_164 = arith.constant 0 : i32
      %dma_wait3A_165 = arith.constant 0 : i32
      %dma_wait3A_166 = tpu.memref_slice %arg4[%dma_wait3A_164, %dma_wait3A_165] : memref<327680x128xf32, #tpu.memory_space<hbm>> -> memref<128x128xf32, #tpu.memory_space<hbm>>
      tpu.wait_dma2 semaphore(%arg13 : memref<!tpu.dma_semaphore, #tpu.memory_space<semaphore_mem>>) src(%dma_wait3A_166 : memref<128x128xf32, #tpu.memory_space<hbm>>) dst(%arg8 : memref<128x128xf32, #tpu.memory_space<vmem>>)
      %dma_start3A_167 = arith.constant 0 : i32
      %dma_start3A_168 = tpu.memref_slice %arg4[%add3A_160, %dma_start3A_167] : memref<327680x128xf32, #tpu.memory_space<hbm>> -> memref<128x128xf32, #tpu.memory_space<hbm>>
      %dma_start3A_169 = arith.constant 0 : i32
      %dma_start3A_170 = tpu.memref_slice %arg4[%add3A_160, %dma_start3A_169] : memref<327680x128xf32, #tpu.memory_space<hbm>> -> memref<128x128xf32, #tpu.memory_space<hbm>>
      tpu.enqueue_dma source(%arg8 : memref<128x128xf32, #tpu.memory_space<vmem>>) target(%dma_start3A_170 : memref<128x128xf32, #tpu.memory_space<hbm>>) target_semaphore(%arg18 : memref<!tpu.dma_semaphore, #tpu.memory_space<semaphore_mem>>)
      %add3A_171 = arith.constant 3 : i32
      %add3A_172 = arith.addi %mul3A_125, %add3A_171 : i32
      %mul3A_173 = arith.constant 128 : i32
      %mul3A_174 = arith.muli %add3A_172, %mul3A_173 : i32
      %add3A_175 = arith.addi %mul3A_2, %mul3A_174 : i32
      %dma_wait3A_176 = arith.constant 0 : i32
      %dma_wait3A_177 = arith.constant 0 : i32
      %dma_wait3A_178 = tpu.memref_slice %arg4[%dma_wait3A_176, %dma_wait3A_177] : memref<327680x128xf32, #tpu.memory_space<hbm>> -> memref<128x128xf32, #tpu.memory_space<hbm>>
      %dma_wait3A_179 = arith.constant 0 : i32
      %dma_wait3A_180 = arith.constant 0 : i32
      %dma_wait3A_181 = tpu.memref_slice %arg4[%dma_wait3A_179, %dma_wait3A_180] : memref<327680x128xf32, #tpu.memory_space<hbm>> -> memref<128x128xf32, #tpu.memory_space<hbm>>
      tpu.wait_dma2 semaphore(%arg14 : memref<!tpu.dma_semaphore, #tpu.memory_space<semaphore_mem>>) src(%dma_wait3A_181 : memref<128x128xf32, #tpu.memory_space<hbm>>) dst(%arg9 : memref<128x128xf32, #tpu.memory_space<vmem>>)
      %dma_start3A_182 = arith.constant 0 : i32
      %dma_start3A_183 = tpu.memref_slice %arg4[%add3A_175, %dma_start3A_182] : memref<327680x128xf32, #tpu.memory_space<hbm>> -> memref<128x128xf32, #tpu.memory_space<hbm>>
      %dma_start3A_184 = arith.constant 0 : i32
      %dma_start3A_185 = tpu.memref_slice %arg4[%add3A_175, %dma_start3A_184] : memref<327680x128xf32, #tpu.memory_space<hbm>> -> memref<128x128xf32, #tpu.memory_space<hbm>>
      tpu.enqueue_dma source(%arg9 : memref<128x128xf32, #tpu.memory_space<vmem>>) target(%dma_start3A_185 : memref<128x128xf32, #tpu.memory_space<hbm>>) target_semaphore(%arg19 : memref<!tpu.dma_semaphore, #tpu.memory_space<semaphore_mem>>)
      %add3A_186 = arith.constant 4 : i32
      %add3A_187 = arith.addi %mul3A_125, %add3A_186 : i32
      %mul3A_188 = arith.constant 128 : i32
      %mul3A_189 = arith.muli %add3A_187, %mul3A_188 : i32
      %add3A_190 = arith.addi %mul3A_2, %mul3A_189 : i32
      %dma_wait3A_191 = arith.constant 0 : i32
      %dma_wait3A_192 = arith.constant 0 : i32
      %dma_wait3A_193 = tpu.memref_slice %arg4[%dma_wait3A_191, %dma_wait3A_192] : memref<327680x128xf32, #tpu.memory_space<hbm>> -> memref<128x128xf32, #tpu.memory_space<hbm>>
      %dma_wait3A_194 = arith.constant 0 : i32
      %dma_wait3A_195 = arith.constant 0 : i32
      %dma_wait3A_196 = tpu.memref_slice %arg4[%dma_wait3A_194, %dma_wait3A_195] : memref<327680x128xf32, #tpu.memory_space<hbm>> -> memref<128x128xf32, #tpu.memory_space<hbm>>
      tpu.wait_dma2 semaphore(%arg15 : memref<!tpu.dma_semaphore, #tpu.memory_space<semaphore_mem>>) src(%dma_wait3A_196 : memref<128x128xf32, #tpu.memory_space<hbm>>) dst(%arg10 : memref<128x128xf32, #tpu.memory_space<vmem>>)
      %dma_start3A_197 = arith.constant 0 : i32
      %dma_start3A_198 = tpu.memref_slice %arg4[%add3A_190, %dma_start3A_197] : memref<327680x128xf32, #tpu.memory_space<hbm>> -> memref<128x128xf32, #tpu.memory_space<hbm>>
      %dma_start3A_199 = arith.constant 0 : i32
      %dma_start3A_200 = tpu.memref_slice %arg4[%add3A_190, %dma_start3A_199] : memref<327680x128xf32, #tpu.memory_space<hbm>> -> memref<128x128xf32, #tpu.memory_space<hbm>>
      tpu.enqueue_dma source(%arg10 : memref<128x128xf32, #tpu.memory_space<vmem>>) target(%dma_start3A_200 : memref<128x128xf32, #tpu.memory_space<hbm>>) target_semaphore(%arg20 : memref<!tpu.dma_semaphore, #tpu.memory_space<semaphore_mem>>)
      %add3A_201 = arith.constant 5 : i32
      %add3A_202 = arith.addi %mul3A_125, %add3A_201 : i32
      %add3A_203 = arith.constant 0 : i32
      %add3A_204 = arith.addi %add3A_202, %add3A_203 : i32
      %mul3A_205 = arith.constant 128 : i32
      %mul3A_206 = arith.muli %add3A_204, %mul3A_205 : i32
      %dma_wait3A_207 = arith.constant 0 : i32
      %dma_wait3A_208 = arith.constant 0 : i32
      %dma_wait3A_209 = tpu.memref_slice %arg4[%dma_wait3A_207, %dma_wait3A_208] : memref<327680x128xf32, #tpu.memory_space<hbm>> -> memref<128x128xf32, #tpu.memory_space<hbm>>
      %dma_wait3A_210 = arith.constant 0 : i32
      %dma_wait3A_211 = arith.constant 0 : i32
      %dma_wait3A_212 = tpu.memref_slice %arg4[%dma_wait3A_210, %dma_wait3A_211] : memref<327680x128xf32, #tpu.memory_space<hbm>> -> memref<128x128xf32, #tpu.memory_space<hbm>>
      tpu.wait_dma2 semaphore(%arg16 : memref<!tpu.dma_semaphore, #tpu.memory_space<semaphore_mem>>) src(%arg6 : memref<128x128xf32, #tpu.memory_space<vmem>>) dst(%dma_wait3A_212 : memref<128x128xf32, #tpu.memory_space<hbm>>)
      %dma_start3A_213 = tpu.memref_slice %arg5[%mul3A_206] : memref<10240xi32, #tpu.memory_space<vmem>> -> memref<128xi32, #tpu.memory_space<vmem>>
      %dma_start3A_214 = arith.constant 0 : i32
      %dma_start3A_215 = arith.constant 0 : i32
      %dma_start3A_216 = tpu.memref_slice %arg2[%dma_start3A_214, %dma_start3A_215] : memref<10240x128xf32, #tpu.memory_space<hbm>> -> memref<10240x128xf32, #tpu.memory_space<hbm>>
      tpu.enqueue_indirect_dma source(%dma_start3A_216 : memref<10240x128xf32, #tpu.memory_space<hbm>>) target(%arg6 : memref<128x128xf32, #tpu.memory_space<vmem>>) offsets(%dma_start3A_213 : memref<128xi32, #tpu.memory_space<vmem>>) semaphore(%arg11 : memref<!tpu.dma_semaphore, #tpu.memory_space<semaphore_mem>>)
      %add3A_217 = arith.constant 5 : i32
      %add3A_218 = arith.addi %mul3A_125, %add3A_217 : i32
      %add3A_219 = arith.constant 1 : i32
      %add3A_220 = arith.addi %add3A_218, %add3A_219 : i32
      %mul3A_221 = arith.constant 128 : i32
      %mul3A_222 = arith.muli %add3A_220, %mul3A_221 : i32
      %dma_wait3A_223 = arith.constant 0 : i32
      %dma_wait3A_224 = arith.constant 0 : i32
      %dma_wait3A_225 = tpu.memref_slice %arg4[%dma_wait3A_223, %dma_wait3A_224] : memref<327680x128xf32, #tpu.memory_space<hbm>> -> memref<128x128xf32, #tpu.memory_space<hbm>>
      %dma_wait3A_226 = arith.constant 0 : i32
      %dma_wait3A_227 = arith.constant 0 : i32
      %dma_wait3A_228 = tpu.memref_slice %arg4[%dma_wait3A_226, %dma_wait3A_227] : memref<327680x128xf32, #tpu.memory_space<hbm>> -> memref<128x128xf32, #tpu.memory_space<hbm>>
      tpu.wait_dma2 semaphore(%arg17 : memref<!tpu.dma_semaphore, #tpu.memory_space<semaphore_mem>>) src(%arg7 : memref<128x128xf32, #tpu.memory_space<vmem>>) dst(%dma_wait3A_228 : memref<128x128xf32, #tpu.memory_space<hbm>>)
      %dma_start3A_229 = tpu.memref_slice %arg5[%mul3A_222] : memref<10240xi32, #tpu.memory_space<vmem>> -> memref<128xi32, #tpu.memory_space<vmem>>
      %dma_start3A_230 = arith.constant 0 : i32
      %dma_start3A_231 = arith.constant 0 : i32
      %dma_start3A_232 = tpu.memref_slice %arg2[%dma_start3A_230, %dma_start3A_231] : memref<10240x128xf32, #tpu.memory_space<hbm>> -> memref<10240x128xf32, #tpu.memory_space<hbm>>
      tpu.enqueue_indirect_dma source(%dma_start3A_232 : memref<10240x128xf32, #tpu.memory_space<hbm>>) target(%arg7 : memref<128x128xf32, #tpu.memory_space<vmem>>) offsets(%dma_start3A_229 : memref<128xi32, #tpu.memory_space<vmem>>) semaphore(%arg12 : memref<!tpu.dma_semaphore, #tpu.memory_space<semaphore_mem>>)
      %add3A_233 = arith.constant 5 : i32
      %add3A_234 = arith.addi %mul3A_125, %add3A_233 : i32
      %add3A_235 = arith.constant 2 : i32
      %add3A_236 = arith.addi %add3A_234, %add3A_235 : i32
      %mul3A_237 = arith.constant 128 : i32
      %mul3A_238 = arith.muli %add3A_236, %mul3A_237 : i32
      %dma_wait3A_239 = arith.constant 0 : i32
      %dma_wait3A_240 = arith.constant 0 : i32
      %dma_wait3A_241 = tpu.memref_slice %arg4[%dma_wait3A_239, %dma_wait3A_240] : memref<327680x128xf32, #tpu.memory_space<hbm>> -> memref<128x128xf32, #tpu.memory_space<hbm>>
      %dma_wait3A_242 = arith.constant 0 : i32
      %dma_wait3A_243 = arith.constant 0 : i32
      %dma_wait3A_244 = tpu.memref_slice %arg4[%dma_wait3A_242, %dma_wait3A_243] : memref<327680x128xf32, #tpu.memory_space<hbm>> -> memref<128x128xf32, #tpu.memory_space<hbm>>
      tpu.wait_dma2 semaphore(%arg18 : memref<!tpu.dma_semaphore, #tpu.memory_space<semaphore_mem>>) src(%arg8 : memref<128x128xf32, #tpu.memory_space<vmem>>) dst(%dma_wait3A_244 : memref<128x128xf32, #tpu.memory_space<hbm>>)
      %dma_start3A_245 = tpu.memref_slice %arg5[%mul3A_238] : memref<10240xi32, #tpu.memory_space<vmem>> -> memref<128xi32, #tpu.memory_space<vmem>>
      %dma_start3A_246 = arith.constant 0 : i32
      %dma_start3A_247 = arith.constant 0 : i32
      %dma_start3A_248 = tpu.memref_slice %arg2[%dma_start3A_246, %dma_start3A_247] : memref<10240x128xf32, #tpu.memory_space<hbm>> -> memref<10240x128xf32, #tpu.memory_space<hbm>>
      tpu.enqueue_indirect_dma source(%dma_start3A_248 : memref<10240x128xf32, #tpu.memory_space<hbm>>) target(%arg8 : memref<128x128xf32, #tpu.memory_space<vmem>>) offsets(%dma_start3A_245 : memref<128xi32, #tpu.memory_space<vmem>>) semaphore(%arg13 : memref<!tpu.dma_semaphore, #tpu.memory_space<semaphore_mem>>)
      %add3A_249 = arith.constant 5 : i32
      %add3A_250 = arith.addi %mul3A_125, %add3A_249 : i32
      %add3A_251 = arith.constant 3 : i32
      %add3A_252 = arith.addi %add3A_250, %add3A_251 : i32
      %mul3A_253 = arith.constant 128 : i32
      %mul3A_254 = arith.muli %add3A_252, %mul3A_253 : i32
      %dma_wait3A_255 = arith.constant 0 : i32
      %dma_wait3A_256 = arith.constant 0 : i32
      %dma_wait3A_257 = tpu.memref_slice %arg4[%dma_wait3A_255, %dma_wait3A_256] : memref<327680x128xf32, #tpu.memory_space<hbm>> -> memref<128x128xf32, #tpu.memory_space<hbm>>
      %dma_wait3A_258 = arith.constant 0 : i32
      %dma_wait3A_259 = arith.constant 0 : i32
      %dma_wait3A_260 = tpu.memref_slice %arg4[%dma_wait3A_258, %dma_wait3A_259] : memref<327680x128xf32, #tpu.memory_space<hbm>> -> memref<128x128xf32, #tpu.memory_space<hbm>>
      tpu.wait_dma2 semaphore(%arg19 : memref<!tpu.dma_semaphore, #tpu.memory_space<semaphore_mem>>) src(%arg9 : memref<128x128xf32, #tpu.memory_space<vmem>>) dst(%dma_wait3A_260 : memref<128x128xf32, #tpu.memory_space<hbm>>)
      %dma_start3A_261 = tpu.memref_slice %arg5[%mul3A_254] : memref<10240xi32, #tpu.memory_space<vmem>> -> memref<128xi32, #tpu.memory_space<vmem>>
      %dma_start3A_262 = arith.constant 0 : i32
      %dma_start3A_263 = arith.constant 0 : i32
      %dma_start3A_264 = tpu.memref_slice %arg2[%dma_start3A_262, %dma_start3A_263] : memref<10240x128xf32, #tpu.memory_space<hbm>> -> memref<10240x128xf32, #tpu.memory_space<hbm>>
      tpu.enqueue_indirect_dma source(%dma_start3A_264 : memref<10240x128xf32, #tpu.memory_space<hbm>>) target(%arg9 : memref<128x128xf32, #tpu.memory_space<vmem>>) offsets(%dma_start3A_261 : memref<128xi32, #tpu.memory_space<vmem>>) semaphore(%arg14 : memref<!tpu.dma_semaphore, #tpu.memory_space<semaphore_mem>>)
      %add3A_265 = arith.constant 5 : i32
      %add3A_266 = arith.addi %mul3A_125, %add3A_265 : i32
      %add3A_267 = arith.constant 4 : i32
      %add3A_268 = arith.addi %add3A_266, %add3A_267 : i32
      %mul3A_269 = arith.constant 128 : i32
      %mul3A_270 = arith.muli %add3A_268, %mul3A_269 : i32
      %dma_wait3A_271 = arith.constant 0 : i32
      %dma_wait3A_272 = arith.constant 0 : i32
      %dma_wait3A_273 = tpu.memref_slice %arg4[%dma_wait3A_271, %dma_wait3A_272] : memref<327680x128xf32, #tpu.memory_space<hbm>> -> memref<128x128xf32, #tpu.memory_space<hbm>>
      %dma_wait3A_274 = arith.constant 0 : i32
      %dma_wait3A_275 = arith.constant 0 : i32
      %dma_wait3A_276 = tpu.memref_slice %arg4[%dma_wait3A_274, %dma_wait3A_275] : memref<327680x128xf32, #tpu.memory_space<hbm>> -> memref<128x128xf32, #tpu.memory_space<hbm>>
      tpu.wait_dma2 semaphore(%arg20 : memref<!tpu.dma_semaphore, #tpu.memory_space<semaphore_mem>>) src(%arg10 : memref<128x128xf32, #tpu.memory_space<vmem>>) dst(%dma_wait3A_276 : memref<128x128xf32, #tpu.memory_space<hbm>>)
      %dma_start3A_277 = tpu.memref_slice %arg5[%mul3A_270] : memref<10240xi32, #tpu.memory_space<vmem>> -> memref<128xi32, #tpu.memory_space<vmem>>
      %dma_start3A_278 = arith.constant 0 : i32
      %dma_start3A_279 = arith.constant 0 : i32
      %dma_start3A_280 = tpu.memref_slice %arg2[%dma_start3A_278, %dma_start3A_279] : memref<10240x128xf32, #tpu.memory_space<hbm>> -> memref<10240x128xf32, #tpu.memory_space<hbm>>
      tpu.enqueue_indirect_dma source(%dma_start3A_280 : memref<10240x128xf32, #tpu.memory_space<hbm>>) target(%arg10 : memref<128x128xf32, #tpu.memory_space<vmem>>) offsets(%dma_start3A_277 : memref<128xi32, #tpu.memory_space<vmem>>) semaphore(%arg15 : memref<!tpu.dma_semaphore, #tpu.memory_space<semaphore_mem>>)
      %scan3A_281 = arith.constant 0 : i32
      scf.yield %scan3A_281 : i32
    }
    %scan3A_32 = arith.constant 15 : i32
    %add3A_33 = arith.constant 9600 : i32
    %add3A_34 = arith.addi %mul3A_2, %add3A_33 : i32
    %dma_wait3A = arith.constant 0 : i32
    %dma_wait3A_35 = arith.constant 0 : i32
    %dma_wait3A_36 = tpu.memref_slice %arg4[%dma_wait3A, %dma_wait3A_35] : memref<327680x128xf32, #tpu.memory_space<hbm>> -> memref<128x128xf32, #tpu.memory_space<hbm>>
    %dma_wait3A_37 = arith.constant 0 : i32
    %dma_wait3A_38 = arith.constant 0 : i32
    %dma_wait3A_39 = tpu.memref_slice %arg4[%dma_wait3A_37, %dma_wait3A_38] : memref<327680x128xf32, #tpu.memory_space<hbm>> -> memref<128x128xf32, #tpu.memory_space<hbm>>
    tpu.wait_dma2 semaphore(%arg11 : memref<!tpu.dma_semaphore, #tpu.memory_space<semaphore_mem>>) src(%dma_wait3A_39 : memref<128x128xf32, #tpu.memory_space<hbm>>) dst(%arg6 : memref<128x128xf32, #tpu.memory_space<vmem>>)
    %dma_start3A_40 = arith.constant 0 : i32
    %dma_start3A_41 = tpu.memref_slice %arg4[%add3A_34, %dma_start3A_40] : memref<327680x128xf32, #tpu.memory_space<hbm>> -> memref<128x128xf32, #tpu.memory_space<hbm>>
    %dma_start3A_42 = arith.constant 0 : i32
    %dma_start3A_43 = tpu.memref_slice %arg4[%add3A_34, %dma_start3A_42] : memref<327680x128xf32, #tpu.memory_space<hbm>> -> memref<128x128xf32, #tpu.memory_space<hbm>>
    tpu.enqueue_dma source(%arg6 : memref<128x128xf32, #tpu.memory_space<vmem>>) target(%dma_start3A_43 : memref<128x128xf32, #tpu.memory_space<hbm>>) target_semaphore(%arg16 : memref<!tpu.dma_semaphore, #tpu.memory_space<semaphore_mem>>)
    %add3A_44 = arith.constant 9728 : i32
    %add3A_45 = arith.addi %mul3A_2, %add3A_44 : i32
    %dma_wait3A_46 = arith.constant 0 : i32
    %dma_wait3A_47 = arith.constant 0 : i32
    %dma_wait3A_48 = tpu.memref_slice %arg4[%dma_wait3A_46, %dma_wait3A_47] : memref<327680x128xf32, #tpu.memory_space<hbm>> -> memref<128x128xf32, #tpu.memory_space<hbm>>
    %dma_wait3A_49 = arith.constant 0 : i32
    %dma_wait3A_50 = arith.constant 0 : i32
    %dma_wait3A_51 = tpu.memref_slice %arg4[%dma_wait3A_49, %dma_wait3A_50] : memref<327680x128xf32, #tpu.memory_space<hbm>> -> memref<128x128xf32, #tpu.memory_space<hbm>>
    tpu.wait_dma2 semaphore(%arg12 : memref<!tpu.dma_semaphore, #tpu.memory_space<semaphore_mem>>) src(%dma_wait3A_51 : memref<128x128xf32, #tpu.memory_space<hbm>>) dst(%arg7 : memref<128x128xf32, #tpu.memory_space<vmem>>)
    %dma_start3A_52 = arith.constant 0 : i32
    %dma_start3A_53 = tpu.memref_slice %arg4[%add3A_45, %dma_start3A_52] : memref<327680x128xf32, #tpu.memory_space<hbm>> -> memref<128x128xf32, #tpu.memory_space<hbm>>
    %dma_start3A_54 = arith.constant 0 : i32
    %dma_start3A_55 = tpu.memref_slice %arg4[%add3A_45, %dma_start3A_54] : memref<327680x128xf32, #tpu.memory_space<hbm>> -> memref<128x128xf32, #tpu.memory_space<hbm>>
    tpu.enqueue_dma source(%arg7 : memref<128x128xf32, #tpu.memory_space<vmem>>) target(%dma_start3A_55 : memref<128x128xf32, #tpu.memory_space<hbm>>) target_semaphore(%arg17 : memref<!tpu.dma_semaphore, #tpu.memory_space<semaphore_mem>>)
    %add3A_56 = arith.constant 9856 : i32
    %add3A_57 = arith.addi %mul3A_2, %add3A_56 : i32
    %dma_wait3A_58 = arith.constant 0 : i32
    %dma_wait3A_59 = arith.constant 0 : i32
    %dma_wait3A_60 = tpu.memref_slice %arg4[%dma_wait3A_58, %dma_wait3A_59] : memref<327680x128xf32, #tpu.memory_space<hbm>> -> memref<128x128xf32, #tpu.memory_space<hbm>>
    %dma_wait3A_61 = arith.constant 0 : i32
    %dma_wait3A_62 = arith.constant 0 : i32
    %dma_wait3A_63 = tpu.memref_slice %arg4[%dma_wait3A_61, %dma_wait3A_62] : memref<327680x128xf32, #tpu.memory_space<hbm>> -> memref<128x128xf32, #tpu.memory_space<hbm>>
    tpu.wait_dma2 semaphore(%arg13 : memref<!tpu.dma_semaphore, #tpu.memory_space<semaphore_mem>>) src(%dma_wait3A_63 : memref<128x128xf32, #tpu.memory_space<hbm>>) dst(%arg8 : memref<128x128xf32, #tpu.memory_space<vmem>>)
    %dma_start3A_64 = arith.constant 0 : i32
    %dma_start3A_65 = tpu.memref_slice %arg4[%add3A_57, %dma_start3A_64] : memref<327680x128xf32, #tpu.memory_space<hbm>> -> memref<128x128xf32, #tpu.memory_space<hbm>>
    %dma_start3A_66 = arith.constant 0 : i32
    %dma_start3A_67 = tpu.memref_slice %arg4[%add3A_57, %dma_start3A_66] : memref<327680x128xf32, #tpu.memory_space<hbm>> -> memref<128x128xf32, #tpu.memory_space<hbm>>
    tpu.enqueue_dma source(%arg8 : memref<128x128xf32, #tpu.memory_space<vmem>>) target(%dma_start3A_67 : memref<128x128xf32, #tpu.memory_space<hbm>>) target_semaphore(%arg18 : memref<!tpu.dma_semaphore, #tpu.memory_space<semaphore_mem>>)
    %add3A_68 = arith.constant 9984 : i32
    %add3A_69 = arith.addi %mul3A_2, %add3A_68 : i32
    %dma_wait3A_70 = arith.constant 0 : i32
    %dma_wait3A_71 = arith.constant 0 : i32
    %dma_wait3A_72 = tpu.memref_slice %arg4[%dma_wait3A_70, %dma_wait3A_71] : memref<327680x128xf32, #tpu.memory_space<hbm>> -> memref<128x128xf32, #tpu.memory_space<hbm>>
    %dma_wait3A_73 = arith.constant 0 : i32
    %dma_wait3A_74 = arith.constant 0 : i32
    %dma_wait3A_75 = tpu.memref_slice %arg4[%dma_wait3A_73, %dma_wait3A_74] : memref<327680x128xf32, #tpu.memory_space<hbm>> -> memref<128x128xf32, #tpu.memory_space<hbm>>
    tpu.wait_dma2 semaphore(%arg14 : memref<!tpu.dma_semaphore, #tpu.memory_space<semaphore_mem>>) src(%dma_wait3A_75 : memref<128x128xf32, #tpu.memory_space<hbm>>) dst(%arg9 : memref<128x128xf32, #tpu.memory_space<vmem>>)
    %dma_start3A_76 = arith.constant 0 : i32
    %dma_start3A_77 = tpu.memref_slice %arg4[%add3A_69, %dma_start3A_76] : memref<327680x128xf32, #tpu.memory_space<hbm>> -> memref<128x128xf32, #tpu.memory_space<hbm>>
    %dma_start3A_78 = arith.constant 0 : i32
    %dma_start3A_79 = tpu.memref_slice %arg4[%add3A_69, %dma_start3A_78] : memref<327680x128xf32, #tpu.memory_space<hbm>> -> memref<128x128xf32, #tpu.memory_space<hbm>>
    tpu.enqueue_dma source(%arg9 : memref<128x128xf32, #tpu.memory_space<vmem>>) target(%dma_start3A_79 : memref<128x128xf32, #tpu.memory_space<hbm>>) target_semaphore(%arg19 : memref<!tpu.dma_semaphore, #tpu.memory_space<semaphore_mem>>)
    %add3A_80 = arith.constant 10112 : i32
    %add3A_81 = arith.addi %mul3A_2, %add3A_80 : i32
    %dma_wait3A_82 = arith.constant 0 : i32
    %dma_wait3A_83 = arith.constant 0 : i32
    %dma_wait3A_84 = tpu.memref_slice %arg4[%dma_wait3A_82, %dma_wait3A_83] : memref<327680x128xf32, #tpu.memory_space<hbm>> -> memref<128x128xf32, #tpu.memory_space<hbm>>
    %dma_wait3A_85 = arith.constant 0 : i32
    %dma_wait3A_86 = arith.constant 0 : i32
    %dma_wait3A_87 = tpu.memref_slice %arg4[%dma_wait3A_85, %dma_wait3A_86] : memref<327680x128xf32, #tpu.memory_space<hbm>> -> memref<128x128xf32, #tpu.memory_space<hbm>>
    tpu.wait_dma2 semaphore(%arg15 : memref<!tpu.dma_semaphore, #tpu.memory_space<semaphore_mem>>) src(%dma_wait3A_87 : memref<128x128xf32, #tpu.memory_space<hbm>>) dst(%arg10 : memref<128x128xf32, #tpu.memory_space<vmem>>)
    %dma_start3A_88 = arith.constant 0 : i32
    %dma_start3A_89 = tpu.memref_slice %arg4[%add3A_81, %dma_start3A_88] : memref<327680x128xf32, #tpu.memory_space<hbm>> -> memref<128x128xf32, #tpu.memory_space<hbm>>
    %dma_start3A_90 = arith.constant 0 : i32
    %dma_start3A_91 = tpu.memref_slice %arg4[%add3A_81, %dma_start3A_90] : memref<327680x128xf32, #tpu.memory_space<hbm>> -> memref<128x128xf32, #tpu.memory_space<hbm>>
    tpu.enqueue_dma source(%arg10 : memref<128x128xf32, #tpu.memory_space<vmem>>) target(%dma_start3A_91 : memref<128x128xf32, #tpu.memory_space<hbm>>) target_semaphore(%arg20 : memref<!tpu.dma_semaphore, #tpu.memory_space<semaphore_mem>>)
    %dma_wait3A_92 = arith.constant 0 : i32
    %dma_wait3A_93 = arith.constant 0 : i32
    %dma_wait3A_94 = tpu.memref_slice %arg4[%dma_wait3A_92, %dma_wait3A_93] : memref<327680x128xf32, #tpu.memory_space<hbm>> -> memref<128x128xf32, #tpu.memory_space<hbm>>
    %dma_wait3A_95 = arith.constant 0 : i32
    %dma_wait3A_96 = arith.constant 0 : i32
    %dma_wait3A_97 = tpu.memref_slice %arg4[%dma_wait3A_95, %dma_wait3A_96] : memref<327680x128xf32, #tpu.memory_space<hbm>> -> memref<128x128xf32, #tpu.memory_space<hbm>>
    tpu.wait_dma2 semaphore(%arg16 : memref<!tpu.dma_semaphore, #tpu.memory_space<semaphore_mem>>) src(%arg6 : memref<128x128xf32, #tpu.memory_space<vmem>>) dst(%dma_wait3A_97 : memref<128x128xf32, #tpu.memory_space<hbm>>)
    %dma_wait3A_98 = arith.constant 0 : i32
    %dma_wait3A_99 = arith.constant 0 : i32
    %dma_wait3A_100 = tpu.memref_slice %arg4[%dma_wait3A_98, %dma_wait3A_99] : memref<327680x128xf32, #tpu.memory_space<hbm>> -> memref<128x128xf32, #tpu.memory_space<hbm>>
    %dma_wait3A_101 = arith.constant 0 : i32
    %dma_wait3A_102 = arith.constant 0 : i32
    %dma_wait3A_103 = tpu.memref_slice %arg4[%dma_wait3A_101, %dma_wait3A_102] : memref<327680x128xf32, #tpu.memory_space<hbm>> -> memref<128x128xf32, #tpu.memory_space<hbm>>
    tpu.wait_dma2 semaphore(%arg17 : memref<!tpu.dma_semaphore, #tpu.memory_space<semaphore_mem>>) src(%arg7 : memref<128x128xf32, #tpu.memory_space<vmem>>) dst(%dma_wait3A_103 : memref<128x128xf32, #tpu.memory_space<hbm>>)
    %dma_wait3A_104 = arith.constant 0 : i32
    %dma_wait3A_105 = arith.constant 0 : i32
    %dma_wait3A_106 = tpu.memref_slice %arg4[%dma_wait3A_104, %dma_wait3A_105] : memref<327680x128xf32, #tpu.memory_space<hbm>> -> memref<128x128xf32, #tpu.memory_space<hbm>>
    %dma_wait3A_107 = arith.constant 0 : i32
    %dma_wait3A_108 = arith.constant 0 : i32
    %dma_wait3A_109 = tpu.memref_slice %arg4[%dma_wait3A_107, %dma_wait3A_108] : memref<327680x128xf32, #tpu.memory_space<hbm>> -> memref<128x128xf32, #tpu.memory_space<hbm>>
    tpu.wait_dma2 semaphore(%arg18 : memref<!tpu.dma_semaphore, #tpu.memory_space<semaphore_mem>>) src(%arg8 : memref<128x128xf32, #tpu.memory_space<vmem>>) dst(%dma_wait3A_109 : memref<128x128xf32, #tpu.memory_space<hbm>>)
    %dma_wait3A_110 = arith.constant 0 : i32
    %dma_wait3A_111 = arith.constant 0 : i32
    %dma_wait3A_112 = tpu.memref_slice %arg4[%dma_wait3A_110, %dma_wait3A_111] : memref<327680x128xf32, #tpu.memory_space<hbm>> -> memref<128x128xf32, #tpu.memory_space<hbm>>
    %dma_wait3A_113 = arith.constant 0 : i32
    %dma_wait3A_114 = arith.constant 0 : i32
    %dma_wait3A_115 = tpu.memref_slice %arg4[%dma_wait3A_113, %dma_wait3A_114] : memref<327680x128xf32, #tpu.memory_space<hbm>> -> memref<128x128xf32, #tpu.memory_space<hbm>>
    tpu.wait_dma2 semaphore(%arg19 : memref<!tpu.dma_semaphore, #tpu.memory_space<semaphore_mem>>) src(%arg9 : memref<128x128xf32, #tpu.memory_space<vmem>>) dst(%dma_wait3A_115 : memref<128x128xf32, #tpu.memory_space<hbm>>)
    %dma_wait3A_116 = arith.constant 0 : i32
    %dma_wait3A_117 = arith.constant 0 : i32
    %dma_wait3A_118 = tpu.memref_slice %arg4[%dma_wait3A_116, %dma_wait3A_117] : memref<327680x128xf32, #tpu.memory_space<hbm>> -> memref<128x128xf32, #tpu.memory_space<hbm>>
    %dma_wait3A_119 = arith.constant 0 : i32
    %dma_wait3A_120 = arith.constant 0 : i32
    %dma_wait3A_121 = tpu.memref_slice %arg4[%dma_wait3A_119, %dma_wait3A_120] : memref<327680x128xf32, #tpu.memory_space<hbm>> -> memref<128x128xf32, #tpu.memory_space<hbm>>
    tpu.wait_dma2 semaphore(%arg20 : memref<!tpu.dma_semaphore, #tpu.memory_space<semaphore_mem>>) src(%arg10 : memref<128x128xf32, #tpu.memory_space<vmem>>) dst(%dma_wait3A_121 : memref<128x128xf32, #tpu.memory_space<hbm>>)
    return
  }
}

#map = affine_map<(d0, d1) -> (0, 0)>
#map1 = affine_map<(d0, d1) -> (0)>
module attributes {stable_mosaic.version = 14 : i64} {
  func.func @k(%arg0: i32, %arg1: i32, %arg2: memref<10240x128xf32, #tpu.memory_space<hbm>>, %arg3: memref<327680xi32, #tpu.memory_space<hbm>>, %arg4: memref<327680x128xf32, #tpu.memory_space<hbm>>, %arg5: memref<10240xi32, #tpu.memory_space<vmem>>, %arg6: memref<128x128xf32, #tpu.memory_space<vmem>>, %arg7: memref<128x128xf32, #tpu.memory_space<vmem>>, %arg8: memref<128x128xf32, #tpu.memory_space<vmem>>, %arg9: memref<128x128xf32, #tpu.memory_space<vmem>>, %arg10: memref<128x128xf32, #tpu.memory_space<vmem>>, %arg11: memref<!tpu.dma_semaphore, #tpu.memory_space<semaphore_mem>>, %arg12: memref<!tpu.dma_semaphore, #tpu.memory_space<semaphore_mem>>, %arg13: memref<!tpu.dma_semaphore, #tpu.memory_space<semaphore_mem>>, %arg14: memref<!tpu.dma_semaphore, #tpu.memory_space<semaphore_mem>>, %arg15: memref<!tpu.dma_semaphore, #tpu.memory_space<semaphore_mem>>, %arg16: memref<!tpu.dma_semaphore, #tpu.memory_space<semaphore_mem>>, %arg17: memref<!tpu.dma_semaphore, #tpu.memory_space<semaphore_mem>>, %arg18: memref<!tpu.dma_semaphore, #tpu.memory_space<semaphore_mem>>, %arg19: memref<!tpu.dma_semaphore, #tpu.memory_space<semaphore_mem>>, %arg20: memref<!tpu.dma_semaphore, #tpu.memory_space<semaphore_mem>>) attributes {dimension_semantics = [#tpu.dimension_semantics<core_parallel>, #tpu.dimension_semantics<subcore_parallel>], iteration_bounds = array<i64: 2, 16>, scalar_prefetch = 0 : i64, scratch_operands = 16 : i64, tpu.core_type = #tpu.core_type<sc_vector_subcore>, window_params = [{transform_indices = #map}, {transform_indices = #map1}, {transform_indices = #map}]} {
    %mul3A = arith.constant 2 : i32
    %mul3A_0 = arith.muli %arg1, %mul3A : i32
    %add3A = arith.addi %mul3A_0, %arg0 : i32
    %mul3A_1 = arith.constant 10240 : i32
    %mul3A_2 = arith.muli %add3A, %mul3A_1 : i32
    "tpu.region"() ({
      %run_scoped3A = tpu.sem_alloc : memref<!tpu.dma_semaphore, #tpu.memory_space<semaphore_mem>>
      %dma_start3A_122 = tpu.memref_slice %arg3[%mul3A_2] : memref<327680xi32, #tpu.memory_space<hbm>> -> memref<10240xi32, #tpu.memory_space<hbm>>
      %dma_start3A_123 = tpu.memref_slice %arg3[%mul3A_2] : memref<327680xi32, #tpu.memory_space<hbm>> -> memref<10240xi32, #tpu.memory_space<hbm>>
      tpu.enqueue_dma source(%dma_start3A_123 : memref<10240xi32, #tpu.memory_space<hbm>>) target(%arg5 : memref<10240xi32, #tpu.memory_space<vmem>>) target_semaphore(%run_scoped3A : memref<!tpu.dma_semaphore, #tpu.memory_space<semaphore_mem>>)
      %dma_wait3A_124 = tpu.memref_slice %arg3[%mul3A_2] : memref<327680xi32, #tpu.memory_space<hbm>> -> memref<10240xi32, #tpu.memory_space<hbm>>
      %dma_wait3A_125 = tpu.memref_slice %arg3[%mul3A_2] : memref<327680xi32, #tpu.memory_space<hbm>> -> memref<10240xi32, #tpu.memory_space<hbm>>
      tpu.wait_dma2 semaphore(%run_scoped3A : memref<!tpu.dma_semaphore, #tpu.memory_space<semaphore_mem>>) src(%dma_wait3A_125 : memref<10240xi32, #tpu.memory_space<hbm>>) dst(%arg5 : memref<10240xi32, #tpu.memory_space<vmem>>)
      tpu.yield
    }) : () -> ()
    %dma_start3A = arith.constant 0 : i32
    %dma_start3A_3 = tpu.memref_slice %arg5[%dma_start3A] : memref<10240xi32, #tpu.memory_space<vmem>> -> memref<128xi32, #tpu.memory_space<vmem>>
    %dma_start3A_4 = arith.constant 0 : i32
    %dma_start3A_5 = arith.constant 0 : i32
    %dma_start3A_6 = tpu.memref_slice %arg2[%dma_start3A_4, %dma_start3A_5] : memref<10240x128xf32, #tpu.memory_space<hbm>> -> memref<10240x128xf32, #tpu.memory_space<hbm>>
    tpu.enqueue_indirect_dma source(%dma_start3A_6 : memref<10240x128xf32, #tpu.memory_space<hbm>>) target(%arg6 : memref<128x128xf32, #tpu.memory_space<vmem>>) offsets(%dma_start3A_3 : memref<128xi32, #tpu.memory_space<vmem>>) semaphore(%arg11 : memref<!tpu.dma_semaphore, #tpu.memory_space<semaphore_mem>>)
    %dma_start3A_7 = arith.constant 128 : i32
    %dma_start3A_8 = tpu.memref_slice %arg5[%dma_start3A_7] : memref<10240xi32, #tpu.memory_space<vmem>> -> memref<128xi32, #tpu.memory_space<vmem>>
    %dma_start3A_9 = arith.constant 0 : i32
    %dma_start3A_10 = arith.constant 0 : i32
    %dma_start3A_11 = tpu.memref_slice %arg2[%dma_start3A_9, %dma_start3A_10] : memref<10240x128xf32, #tpu.memory_space<hbm>> -> memref<10240x128xf32, #tpu.memory_space<hbm>>
    tpu.enqueue_indirect_dma source(%dma_start3A_11 : memref<10240x128xf32, #tpu.memory_space<hbm>>) target(%arg7 : memref<128x128xf32, #tpu.memory_space<vmem>>) offsets(%dma_start3A_8 : memref<128xi32, #tpu.memory_space<vmem>>) semaphore(%arg12 : memref<!tpu.dma_semaphore, #tpu.memory_space<semaphore_mem>>)
    %dma_start3A_12 = arith.constant 256 : i32
    %dma_start3A_13 = tpu.memref_slice %arg5[%dma_start3A_12] : memref<10240xi32, #tpu.memory_space<vmem>> -> memref<128xi32, #tpu.memory_space<vmem>>
    %dma_start3A_14 = arith.constant 0 : i32
    %dma_start3A_15 = arith.constant 0 : i32
    %dma_start3A_16 = tpu.memref_slice %arg2[%dma_start3A_14, %dma_start3A_15] : memref<10240x128xf32, #tpu.memory_space<hbm>> -> memref<10240x128xf32, #tpu.memory_space<hbm>>
    tpu.enqueue_indirect_dma source(%dma_start3A_16 : memref<10240x128xf32, #tpu.memory_space<hbm>>) target(%arg8 : memref<128x128xf32, #tpu.memory_space<vmem>>) offsets(%dma_start3A_13 : memref<128xi32, #tpu.memory_space<vmem>>) semaphore(%arg13 : memref<!tpu.dma_semaphore, #tpu.memory_space<semaphore_mem>>)
    %dma_start3A_17 = arith.constant 384 : i32
    %dma_start3A_18 = tpu.memref_slice %arg5[%dma_start3A_17] : memref<10240xi32, #tpu.memory_space<vmem>> -> memref<128xi32, #tpu.memory_space<vmem>>
    %dma_start3A_19 = arith.constant 0 : i32
    %dma_start3A_20 = arith.constant 0 : i32
    %dma_start3A_21 = tpu.memref_slice %arg2[%dma_start3A_19, %dma_start3A_20] : memref<10240x128xf32, #tpu.memory_space<hbm>> -> memref<10240x128xf32, #tpu.memory_space<hbm>>
    tpu.enqueue_indirect_dma source(%dma_start3A_21 : memref<10240x128xf32, #tpu.memory_space<hbm>>) target(%arg9 : memref<128x128xf32, #tpu.memory_space<vmem>>) offsets(%dma_start3A_18 : memref<128xi32, #tpu.memory_space<vmem>>) semaphore(%arg14 : memref<!tpu.dma_semaphore, #tpu.memory_space<semaphore_mem>>)
    %dma_start3A_22 = arith.constant 512 : i32
    %dma_start3A_23 = tpu.memref_slice %arg5[%dma_start3A_22] : memref<10240xi32, #tpu.memory_space<vmem>> -> memref<128xi32, #tpu.memory_space<vmem>>
    %dma_start3A_24 = arith.constant 0 : i32
    %dma_start3A_25 = arith.constant 0 : i32
    %dma_start3A_26 = tpu.memref_slice %arg2[%dma_start3A_24, %dma_start3A_25] : memref<10240x128xf32, #tpu.memory_space<hbm>> -> memref<10240x128xf32, #tpu.memory_space<hbm>>
    tpu.enqueue_indirect_dma source(%dma_start3A_26 : memref<10240x128xf32, #tpu.memory_space<hbm>>) target(%arg10 : memref<128x128xf32, #tpu.memory_space<vmem>>) offsets(%dma_start3A_23 : memref<128xi32, #tpu.memory_space<vmem>>) semaphore(%arg15 : memref<!tpu.dma_semaphore, #tpu.memory_space<semaphore_mem>>)
    %scan3A = arith.constant 0 : i32
    %scan3A_27 = arith.constant 0 : i32
    %scan3A_28 = arith.constant 15 : i32
    %scan3A_29 = arith.addi %scan3A_27, %scan3A_28 : i32
    %scan3A_30 = arith.constant 1 : i32
    %scan3A_31 = scf.for %scan3A_122 = %scan3A_27 to %scan3A_29 step %scan3A_30 iter_args(%scan3A_123 = %scan3A) -> (i32)  : i32 {
      %mul3A_124 = arith.constant 5 : i32
      %mul3A_125 = arith.muli %scan3A_122, %mul3A_124 : i32
      %add3A_126 = arith.constant 0 : i32
      %add3A_127 = arith.addi %mul3A_125, %add3A_126 : i32
      %mul3A_128 = arith.constant 128 : i32
      %mul3A_129 = arith.muli %add3A_127, %mul3A_128 : i32
      %add3A_130 = arith.addi %mul3A_2, %mul3A_129 : i32
      %dma_wait3A_131 = arith.constant 0 : i32
      %dma_wait3A_132 = arith.constant 0 : i32
      %dma_wait3A_133 = tpu.memref_slice %arg4[%dma_wait3A_131, %dma_wait3A_132] : memref<327680x128xf32, #tpu.memory_space<hbm>> -> memref<128x128xf32, #tpu.memory_space<hbm>>
      %dma_wait3A_134 = arith.constant 0 : i32
      %dma_wait3A_135 = arith.constant 0 : i32
      %dma_wait3A_136 = tpu.memref_slice %arg4[%dma_wait3A_134, %dma_wait3A_135] : memref<327680x128xf32, #tpu.memory_space<hbm>> -> memref<128x128xf32, #tpu.memory_space<hbm>>
      tpu.wait_dma2 semaphore(%arg11 : memref<!tpu.dma_semaphore, #tpu.memory_space<semaphore_mem>>) src(%dma_wait3A_136 : memref<128x128xf32, #tpu.memory_space<hbm>>) dst(%arg6 : memref<128x128xf32, #tpu.memory_space<vmem>>)
      %dma_start3A_137 = arith.constant 0 : i32
      %dma_start3A_138 = tpu.memref_slice %arg4[%add3A_130, %dma_start3A_137] : memref<327680x128xf32, #tpu.memory_space<hbm>> -> memref<128x128xf32, #tpu.memory_space<hbm>>
      %dma_start3A_139 = arith.constant 0 : i32
      %dma_start3A_140 = tpu.memref_slice %arg4[%add3A_130, %dma_start3A_139] : memref<327680x128xf32, #tpu.memory_space<hbm>> -> memref<128x128xf32, #tpu.memory_space<hbm>>
      tpu.enqueue_dma source(%arg6 : memref<128x128xf32, #tpu.memory_space<vmem>>) target(%dma_start3A_140 : memref<128x128xf32, #tpu.memory_space<hbm>>) target_semaphore(%arg16 : memref<!tpu.dma_semaphore, #tpu.memory_space<semaphore_mem>>)
      %add3A_141 = arith.constant 1 : i32
      %add3A_142 = arith.addi %mul3A_125, %add3A_141 : i32
      %mul3A_143 = arith.constant 128 : i32
      %mul3A_144 = arith.muli %add3A_142, %mul3A_143 : i32
      %add3A_145 = arith.addi %mul3A_2, %mul3A_144 : i32
      %dma_wait3A_146 = arith.constant 0 : i32
      %dma_wait3A_147 = arith.constant 0 : i32
      %dma_wait3A_148 = tpu.memref_slice %arg4[%dma_wait3A_146, %dma_wait3A_147] : memref<327680x128xf32, #tpu.memory_space<hbm>> -> memref<128x128xf32, #tpu.memory_space<hbm>>
      %dma_wait3A_149 = arith.constant 0 : i32
      %dma_wait3A_150 = arith.constant 0 : i32
      %dma_wait3A_151 = tpu.memref_slice %arg4[%dma_wait3A_149, %dma_wait3A_150] : memref<327680x128xf32, #tpu.memory_space<hbm>> -> memref<128x128xf32, #tpu.memory_space<hbm>>
      tpu.wait_dma2 semaphore(%arg12 : memref<!tpu.dma_semaphore, #tpu.memory_space<semaphore_mem>>) src(%dma_wait3A_151 : memref<128x128xf32, #tpu.memory_space<hbm>>) dst(%arg7 : memref<128x128xf32, #tpu.memory_space<vmem>>)
      %dma_start3A_152 = arith.constant 0 : i32
      %dma_start3A_153 = tpu.memref_slice %arg4[%add3A_145, %dma_start3A_152] : memref<327680x128xf32, #tpu.memory_space<hbm>> -> memref<128x128xf32, #tpu.memory_space<hbm>>
      %dma_start3A_154 = arith.constant 0 : i32
      %dma_start3A_155 = tpu.memref_slice %arg4[%add3A_145, %dma_start3A_154] : memref<327680x128xf32, #tpu.memory_space<hbm>> -> memref<128x128xf32, #tpu.memory_space<hbm>>
      tpu.enqueue_dma source(%arg7 : memref<128x128xf32, #tpu.memory_space<vmem>>) target(%dma_start3A_155 : memref<128x128xf32, #tpu.memory_space<hbm>>) target_semaphore(%arg17 : memref<!tpu.dma_semaphore, #tpu.memory_space<semaphore_mem>>)
      %add3A_156 = arith.constant 2 : i32
      %add3A_157 = arith.addi %mul3A_125, %add3A_156 : i32
      %mul3A_158 = arith.constant 128 : i32
      %mul3A_159 = arith.muli %add3A_157, %mul3A_158 : i32
      %add3A_160 = arith.addi %mul3A_2, %mul3A_159 : i32
      %dma_wait3A_161 = arith.constant 0 : i32
      %dma_wait3A_162 = arith.constant 0 : i32
      %dma_wait3A_163 = tpu.memref_slice %arg4[%dma_wait3A_161, %dma_wait3A_162] : memref<327680x128xf32, #tpu.memory_space<hbm>> -> memref<128x128xf32, #tpu.memory_space<hbm>>
      %dma_wait3A_164 = arith.constant 0 : i32
      %dma_wait3A_165 = arith.constant 0 : i32
      %dma_wait3A_166 = tpu.memref_slice %arg4[%dma_wait3A_164, %dma_wait3A_165] : memref<327680x128xf32, #tpu.memory_space<hbm>> -> memref<128x128xf32, #tpu.memory_space<hbm>>
      tpu.wait_dma2 semaphore(%arg13 : memref<!tpu.dma_semaphore, #tpu.memory_space<semaphore_mem>>) src(%dma_wait3A_166 : memref<128x128xf32, #tpu.memory_space<hbm>>) dst(%arg8 : memref<128x128xf32, #tpu.memory_space<vmem>>)
      %dma_start3A_167 = arith.constant 0 : i32
      %dma_start3A_168 = tpu.memref_slice %arg4[%add3A_160, %dma_start3A_167] : memref<327680x128xf32, #tpu.memory_space<hbm>> -> memref<128x128xf32, #tpu.memory_space<hbm>>
      %dma_start3A_169 = arith.constant 0 : i32
      %dma_start3A_170 = tpu.memref_slice %arg4[%add3A_160, %dma_start3A_169] : memref<327680x128xf32, #tpu.memory_space<hbm>> -> memref<128x128xf32, #tpu.memory_space<hbm>>
      tpu.enqueue_dma source(%arg8 : memref<128x128xf32, #tpu.memory_space<vmem>>) target(%dma_start3A_170 : memref<128x128xf32, #tpu.memory_space<hbm>>) target_semaphore(%arg18 : memref<!tpu.dma_semaphore, #tpu.memory_space<semaphore_mem>>)
      %add3A_171 = arith.constant 3 : i32
      %add3A_172 = arith.addi %mul3A_125, %add3A_171 : i32
      %mul3A_173 = arith.constant 128 : i32
      %mul3A_174 = arith.muli %add3A_172, %mul3A_173 : i32
      %add3A_175 = arith.addi %mul3A_2, %mul3A_174 : i32
      %dma_wait3A_176 = arith.constant 0 : i32
      %dma_wait3A_177 = arith.constant 0 : i32
      %dma_wait3A_178 = tpu.memref_slice %arg4[%dma_wait3A_176, %dma_wait3A_177] : memref<327680x128xf32, #tpu.memory_space<hbm>> -> memref<128x128xf32, #tpu.memory_space<hbm>>
      %dma_wait3A_179 = arith.constant 0 : i32
      %dma_wait3A_180 = arith.constant 0 : i32
      %dma_wait3A_181 = tpu.memref_slice %arg4[%dma_wait3A_179, %dma_wait3A_180] : memref<327680x128xf32, #tpu.memory_space<hbm>> -> memref<128x128xf32, #tpu.memory_space<hbm>>
      tpu.wait_dma2 semaphore(%arg14 : memref<!tpu.dma_semaphore, #tpu.memory_space<semaphore_mem>>) src(%dma_wait3A_181 : memref<128x128xf32, #tpu.memory_space<hbm>>) dst(%arg9 : memref<128x128xf32, #tpu.memory_space<vmem>>)
      %dma_start3A_182 = arith.constant 0 : i32
      %dma_start3A_183 = tpu.memref_slice %arg4[%add3A_175, %dma_start3A_182] : memref<327680x128xf32, #tpu.memory_space<hbm>> -> memref<128x128xf32, #tpu.memory_space<hbm>>
      %dma_start3A_184 = arith.constant 0 : i32
      %dma_start3A_185 = tpu.memref_slice %arg4[%add3A_175, %dma_start3A_184] : memref<327680x128xf32, #tpu.memory_space<hbm>> -> memref<128x128xf32, #tpu.memory_space<hbm>>
      tpu.enqueue_dma source(%arg9 : memref<128x128xf32, #tpu.memory_space<vmem>>) target(%dma_start3A_185 : memref<128x128xf32, #tpu.memory_space<hbm>>) target_semaphore(%arg19 : memref<!tpu.dma_semaphore, #tpu.memory_space<semaphore_mem>>)
      %add3A_186 = arith.constant 4 : i32
      %add3A_187 = arith.addi %mul3A_125, %add3A_186 : i32
      %mul3A_188 = arith.constant 128 : i32
      %mul3A_189 = arith.muli %add3A_187, %mul3A_188 : i32
      %add3A_190 = arith.addi %mul3A_2, %mul3A_189 : i32
      %dma_wait3A_191 = arith.constant 0 : i32
      %dma_wait3A_192 = arith.constant 0 : i32
      %dma_wait3A_193 = tpu.memref_slice %arg4[%dma_wait3A_191, %dma_wait3A_192] : memref<327680x128xf32, #tpu.memory_space<hbm>> -> memref<128x128xf32, #tpu.memory_space<hbm>>
      %dma_wait3A_194 = arith.constant 0 : i32
      %dma_wait3A_195 = arith.constant 0 : i32
      %dma_wait3A_196 = tpu.memref_slice %arg4[%dma_wait3A_194, %dma_wait3A_195] : memref<327680x128xf32, #tpu.memory_space<hbm>> -> memref<128x128xf32, #tpu.memory_space<hbm>>
      tpu.wait_dma2 semaphore(%arg15 : memref<!tpu.dma_semaphore, #tpu.memory_space<semaphore_mem>>) src(%dma_wait3A_196 : memref<128x128xf32, #tpu.memory_space<hbm>>) dst(%arg10 : memref<128x128xf32, #tpu.memory_space<vmem>>)
      %dma_start3A_197 = arith.constant 0 : i32
      %dma_start3A_198 = tpu.memref_slice %arg4[%add3A_190, %dma_start3A_197] : memref<327680x128xf32, #tpu.memory_space<hbm>> -> memref<128x128xf32, #tpu.memory_space<hbm>>
      %dma_start3A_199 = arith.constant 0 : i32
      %dma_start3A_200 = tpu.memref_slice %arg4[%add3A_190, %dma_start3A_199] : memref<327680x128xf32, #tpu.memory_space<hbm>> -> memref<128x128xf32, #tpu.memory_space<hbm>>
      tpu.enqueue_dma source(%arg10 : memref<128x128xf32, #tpu.memory_space<vmem>>) target(%dma_start3A_200 : memref<128x128xf32, #tpu.memory_space<hbm>>) target_semaphore(%arg20 : memref<!tpu.dma_semaphore, #tpu.memory_space<semaphore_mem>>)
      %add3A_201 = arith.constant 5 : i32
      %add3A_202 = arith.addi %mul3A_125, %add3A_201 : i32
      %add3A_203 = arith.constant 0 : i32
      %add3A_204 = arith.addi %add3A_202, %add3A_203 : i32
      %mul3A_205 = arith.constant 128 : i32
      %mul3A_206 = arith.muli %add3A_204, %mul3A_205 : i32
      %dma_wait3A_207 = arith.constant 0 : i32
      %dma_wait3A_208 = arith.constant 0 : i32
      %dma_wait3A_209 = tpu.memref_slice %arg4[%dma_wait3A_207, %dma_wait3A_208] : memref<327680x128xf32, #tpu.memory_space<hbm>> -> memref<128x128xf32, #tpu.memory_space<hbm>>
      %dma_wait3A_210 = arith.constant 0 : i32
      %dma_wait3A_211 = arith.constant 0 : i32
      %dma_wait3A_212 = tpu.memref_slice %arg4[%dma_wait3A_210, %dma_wait3A_211] : memref<327680x128xf32, #tpu.memory_space<hbm>> -> memref<128x128xf32, #tpu.memory_space<hbm>>
      tpu.wait_dma2 semaphore(%arg16 : memref<!tpu.dma_semaphore, #tpu.memory_space<semaphore_mem>>) src(%arg6 : memref<128x128xf32, #tpu.memory_space<vmem>>) dst(%dma_wait3A_212 : memref<128x128xf32, #tpu.memory_space<hbm>>)
      %dma_start3A_213 = tpu.memref_slice %arg5[%mul3A_206] : memref<10240xi32, #tpu.memory_space<vmem>> -> memref<128xi32, #tpu.memory_space<vmem>>
      %dma_start3A_214 = arith.constant 0 : i32
      %dma_start3A_215 = arith.constant 0 : i32
      %dma_start3A_216 = tpu.memref_slice %arg2[%dma_start3A_214, %dma_start3A_215] : memref<10240x128xf32, #tpu.memory_space<hbm>> -> memref<10240x128xf32, #tpu.memory_space<hbm>>
      tpu.enqueue_indirect_dma source(%dma_start3A_216 : memref<10240x128xf32, #tpu.memory_space<hbm>>) target(%arg6 : memref<128x128xf32, #tpu.memory_space<vmem>>) offsets(%dma_start3A_213 : memref<128xi32, #tpu.memory_space<vmem>>) semaphore(%arg11 : memref<!tpu.dma_semaphore, #tpu.memory_space<semaphore_mem>>)
      %add3A_217 = arith.constant 5 : i32
      %add3A_218 = arith.addi %mul3A_125, %add3A_217 : i32
      %add3A_219 = arith.constant 1 : i32
      %add3A_220 = arith.addi %add3A_218, %add3A_219 : i32
      %mul3A_221 = arith.constant 128 : i32
      %mul3A_222 = arith.muli %add3A_220, %mul3A_221 : i32
      %dma_wait3A_223 = arith.constant 0 : i32
      %dma_wait3A_224 = arith.constant 0 : i32
      %dma_wait3A_225 = tpu.memref_slice %arg4[%dma_wait3A_223, %dma_wait3A_224] : memref<327680x128xf32, #tpu.memory_space<hbm>> -> memref<128x128xf32, #tpu.memory_space<hbm>>
      %dma_wait3A_226 = arith.constant 0 : i32
      %dma_wait3A_227 = arith.constant 0 : i32
      %dma_wait3A_228 = tpu.memref_slice %arg4[%dma_wait3A_226, %dma_wait3A_227] : memref<327680x128xf32, #tpu.memory_space<hbm>> -> memref<128x128xf32, #tpu.memory_space<hbm>>
      tpu.wait_dma2 semaphore(%arg17 : memref<!tpu.dma_semaphore, #tpu.memory_space<semaphore_mem>>) src(%arg7 : memref<128x128xf32, #tpu.memory_space<vmem>>) dst(%dma_wait3A_228 : memref<128x128xf32, #tpu.memory_space<hbm>>)
      %dma_start3A_229 = tpu.memref_slice %arg5[%mul3A_222] : memref<10240xi32, #tpu.memory_space<vmem>> -> memref<128xi32, #tpu.memory_space<vmem>>
      %dma_start3A_230 = arith.constant 0 : i32
      %dma_start3A_231 = arith.constant 0 : i32
      %dma_start3A_232 = tpu.memref_slice %arg2[%dma_start3A_230, %dma_start3A_231] : memref<10240x128xf32, #tpu.memory_space<hbm>> -> memref<10240x128xf32, #tpu.memory_space<hbm>>
      tpu.enqueue_indirect_dma source(%dma_start3A_232 : memref<10240x128xf32, #tpu.memory_space<hbm>>) target(%arg7 : memref<128x128xf32, #tpu.memory_space<vmem>>) offsets(%dma_start3A_229 : memref<128xi32, #tpu.memory_space<vmem>>) semaphore(%arg12 : memref<!tpu.dma_semaphore, #tpu.memory_space<semaphore_mem>>)
      %add3A_233 = arith.constant 5 : i32
      %add3A_234 = arith.addi %mul3A_125, %add3A_233 : i32
      %add3A_235 = arith.constant 2 : i32
      %add3A_236 = arith.addi %add3A_234, %add3A_235 : i32
      %mul3A_237 = arith.constant 128 : i32
      %mul3A_238 = arith.muli %add3A_236, %mul3A_237 : i32
      %dma_wait3A_239 = arith.constant 0 : i32
      %dma_wait3A_240 = arith.constant 0 : i32
      %dma_wait3A_241 = tpu.memref_slice %arg4[%dma_wait3A_239, %dma_wait3A_240] : memref<327680x128xf32, #tpu.memory_space<hbm>> -> memref<128x128xf32, #tpu.memory_space<hbm>>
      %dma_wait3A_242 = arith.constant 0 : i32
      %dma_wait3A_243 = arith.constant 0 : i32
      %dma_wait3A_244 = tpu.memref_slice %arg4[%dma_wait3A_242, %dma_wait3A_243] : memref<327680x128xf32, #tpu.memory_space<hbm>> -> memref<128x128xf32, #tpu.memory_space<hbm>>
      tpu.wait_dma2 semaphore(%arg18 : memref<!tpu.dma_semaphore, #tpu.memory_space<semaphore_mem>>) src(%arg8 : memref<128x128xf32, #tpu.memory_space<vmem>>) dst(%dma_wait3A_244 : memref<128x128xf32, #tpu.memory_space<hbm>>)
      %dma_start3A_245 = tpu.memref_slice %arg5[%mul3A_238] : memref<10240xi32, #tpu.memory_space<vmem>> -> memref<128xi32, #tpu.memory_space<vmem>>
      %dma_start3A_246 = arith.constant 0 : i32
      %dma_start3A_247 = arith.constant 0 : i32
      %dma_start3A_248 = tpu.memref_slice %arg2[%dma_start3A_246, %dma_start3A_247] : memref<10240x128xf32, #tpu.memory_space<hbm>> -> memref<10240x128xf32, #tpu.memory_space<hbm>>
      tpu.enqueue_indirect_dma source(%dma_start3A_248 : memref<10240x128xf32, #tpu.memory_space<hbm>>) target(%arg8 : memref<128x128xf32, #tpu.memory_space<vmem>>) offsets(%dma_start3A_245 : memref<128xi32, #tpu.memory_space<vmem>>) semaphore(%arg13 : memref<!tpu.dma_semaphore, #tpu.memory_space<semaphore_mem>>)
      %add3A_249 = arith.constant 5 : i32
      %add3A_250 = arith.addi %mul3A_125, %add3A_249 : i32
      %add3A_251 = arith.constant 3 : i32
      %add3A_252 = arith.addi %add3A_250, %add3A_251 : i32
      %mul3A_253 = arith.constant 128 : i32
      %mul3A_254 = arith.muli %add3A_252, %mul3A_253 : i32
      %dma_wait3A_255 = arith.constant 0 : i32
      %dma_wait3A_256 = arith.constant 0 : i32
      %dma_wait3A_257 = tpu.memref_slice %arg4[%dma_wait3A_255, %dma_wait3A_256] : memref<327680x128xf32, #tpu.memory_space<hbm>> -> memref<128x128xf32, #tpu.memory_space<hbm>>
      %dma_wait3A_258 = arith.constant 0 : i32
      %dma_wait3A_259 = arith.constant 0 : i32
      %dma_wait3A_260 = tpu.memref_slice %arg4[%dma_wait3A_258, %dma_wait3A_259] : memref<327680x128xf32, #tpu.memory_space<hbm>> -> memref<128x128xf32, #tpu.memory_space<hbm>>
      tpu.wait_dma2 semaphore(%arg19 : memref<!tpu.dma_semaphore, #tpu.memory_space<semaphore_mem>>) src(%arg9 : memref<128x128xf32, #tpu.memory_space<vmem>>) dst(%dma_wait3A_260 : memref<128x128xf32, #tpu.memory_space<hbm>>)
      %dma_start3A_261 = tpu.memref_slice %arg5[%mul3A_254] : memref<10240xi32, #tpu.memory_space<vmem>> -> memref<128xi32, #tpu.memory_space<vmem>>
      %dma_start3A_262 = arith.constant 0 : i32
      %dma_start3A_263 = arith.constant 0 : i32
      %dma_start3A_264 = tpu.memref_slice %arg2[%dma_start3A_262, %dma_start3A_263] : memref<10240x128xf32, #tpu.memory_space<hbm>> -> memref<10240x128xf32, #tpu.memory_space<hbm>>
      tpu.enqueue_indirect_dma source(%dma_start3A_264 : memref<10240x128xf32, #tpu.memory_space<hbm>>) target(%arg9 : memref<128x128xf32, #tpu.memory_space<vmem>>) offsets(%dma_start3A_261 : memref<128xi32, #tpu.memory_space<vmem>>) semaphore(%arg14 : memref<!tpu.dma_semaphore, #tpu.memory_space<semaphore_mem>>)
      %add3A_265 = arith.constant 5 : i32
      %add3A_266 = arith.addi %mul3A_125, %add3A_265 : i32
      %add3A_267 = arith.constant 4 : i32
      %add3A_268 = arith.addi %add3A_266, %add3A_267 : i32
      %mul3A_269 = arith.constant 128 : i32
      %mul3A_270 = arith.muli %add3A_268, %mul3A_269 : i32
      %dma_wait3A_271 = arith.constant 0 : i32
      %dma_wait3A_272 = arith.constant 0 : i32
      %dma_wait3A_273 = tpu.memref_slice %arg4[%dma_wait3A_271, %dma_wait3A_272] : memref<327680x128xf32, #tpu.memory_space<hbm>> -> memref<128x128xf32, #tpu.memory_space<hbm>>
      %dma_wait3A_274 = arith.constant 0 : i32
      %dma_wait3A_275 = arith.constant 0 : i32
      %dma_wait3A_276 = tpu.memref_slice %arg4[%dma_wait3A_274, %dma_wait3A_275] : memref<327680x128xf32, #tpu.memory_space<hbm>> -> memref<128x128xf32, #tpu.memory_space<hbm>>
      tpu.wait_dma2 semaphore(%arg20 : memref<!tpu.dma_semaphore, #tpu.memory_space<semaphore_mem>>) src(%arg10 : memref<128x128xf32, #tpu.memory_space<vmem>>) dst(%dma_wait3A_276 : memref<128x128xf32, #tpu.memory_space<hbm>>)
      %dma_start3A_277 = tpu.memref_slice %arg5[%mul3A_270] : memref<10240xi32, #tpu.memory_space<vmem>> -> memref<128xi32, #tpu.memory_space<vmem>>
      %dma_start3A_278 = arith.constant 0 : i32
      %dma_start3A_279 = arith.constant 0 : i32
      %dma_start3A_280 = tpu.memref_slice %arg2[%dma_start3A_278, %dma_start3A_279] : memref<10240x128xf32, #tpu.memory_space<hbm>> -> memref<10240x128xf32, #tpu.memory_space<hbm>>
      tpu.enqueue_indirect_dma source(%dma_start3A_280 : memref<10240x128xf32, #tpu.memory_space<hbm>>) target(%arg10 : memref<128x128xf32, #tpu.memory_space<vmem>>) offsets(%dma_start3A_277 : memref<128xi32, #tpu.memory_space<vmem>>) semaphore(%arg15 : memref<!tpu.dma_semaphore, #tpu.memory_space<semaphore_mem>>)
      %scan3A_281 = arith.constant 0 : i32
      scf.yield %scan3A_281 : i32
    }
    %scan3A_32 = arith.constant 15 : i32
    %add3A_33 = arith.constant 9600 : i32
    %add3A_34 = arith.addi %mul3A_2, %add3A_33 : i32
    %dma_wait3A = arith.constant 0 : i32
    %dma_wait3A_35 = arith.constant 0 : i32
    %dma_wait3A_36 = tpu.memref_slice %arg4[%dma_wait3A, %dma_wait3A_35] : memref<327680x128xf32, #tpu.memory_space<hbm>> -> memref<128x128xf32, #tpu.memory_space<hbm>>
    %dma_wait3A_37 = arith.constant 0 : i32
    %dma_wait3A_38 = arith.constant 0 : i32
    %dma_wait3A_39 = tpu.memref_slice %arg4[%dma_wait3A_37, %dma_wait3A_38] : memref<327680x128xf32, #tpu.memory_space<hbm>> -> memref<128x128xf32, #tpu.memory_space<hbm>>
    tpu.wait_dma2 semaphore(%arg11 : memref<!tpu.dma_semaphore, #tpu.memory_space<semaphore_mem>>) src(%dma_wait3A_39 : memref<128x128xf32, #tpu.memory_space<hbm>>) dst(%arg6 : memref<128x128xf32, #tpu.memory_space<vmem>>)
    %dma_start3A_40 = arith.constant 0 : i32
    %dma_start3A_41 = tpu.memref_slice %arg4[%add3A_34, %dma_start3A_40] : memref<327680x128xf32, #tpu.memory_space<hbm>> -> memref<128x128xf32, #tpu.memory_space<hbm>>
    %dma_start3A_42 = arith.constant 0 : i32
    %dma_start3A_43 = tpu.memref_slice %arg4[%add3A_34, %dma_start3A_42] : memref<327680x128xf32, #tpu.memory_space<hbm>> -> memref<128x128xf32, #tpu.memory_space<hbm>>
    tpu.enqueue_dma source(%arg6 : memref<128x128xf32, #tpu.memory_space<vmem>>) target(%dma_start3A_43 : memref<128x128xf32, #tpu.memory_space<hbm>>) target_semaphore(%arg16 : memref<!tpu.dma_semaphore, #tpu.memory_space<semaphore_mem>>)
    %add3A_44 = arith.constant 9728 : i32
    %add3A_45 = arith.addi %mul3A_2, %add3A_44 : i32
    %dma_wait3A_46 = arith.constant 0 : i32
    %dma_wait3A_47 = arith.constant 0 : i32
    %dma_wait3A_48 = tpu.memref_slice %arg4[%dma_wait3A_46, %dma_wait3A_47] : memref<327680x128xf32, #tpu.memory_space<hbm>> -> memref<128x128xf32, #tpu.memory_space<hbm>>
    %dma_wait3A_49 = arith.constant 0 : i32
    %dma_wait3A_50 = arith.constant 0 : i32
    %dma_wait3A_51 = tpu.memref_slice %arg4[%dma_wait3A_49, %dma_wait3A_50] : memref<327680x128xf32, #tpu.memory_space<hbm>> -> memref<128x128xf32, #tpu.memory_space<hbm>>
    tpu.wait_dma2 semaphore(%arg12 : memref<!tpu.dma_semaphore, #tpu.memory_space<semaphore_mem>>) src(%dma_wait3A_51 : memref<128x128xf32, #tpu.memory_space<hbm>>) dst(%arg7 : memref<128x128xf32, #tpu.memory_space<vmem>>)
    %dma_start3A_52 = arith.constant 0 : i32
    %dma_start3A_53 = tpu.memref_slice %arg4[%add3A_45, %dma_start3A_52] : memref<327680x128xf32, #tpu.memory_space<hbm>> -> memref<128x128xf32, #tpu.memory_space<hbm>>
    %dma_start3A_54 = arith.constant 0 : i32
    %dma_start3A_55 = tpu.memref_slice %arg4[%add3A_45, %dma_start3A_54] : memref<327680x128xf32, #tpu.memory_space<hbm>> -> memref<128x128xf32, #tpu.memory_space<hbm>>
    tpu.enqueue_dma source(%arg7 : memref<128x128xf32, #tpu.memory_space<vmem>>) target(%dma_start3A_55 : memref<128x128xf32, #tpu.memory_space<hbm>>) target_semaphore(%arg17 : memref<!tpu.dma_semaphore, #tpu.memory_space<semaphore_mem>>)
    %add3A_56 = arith.constant 9856 : i32
    %add3A_57 = arith.addi %mul3A_2, %add3A_56 : i32
    %dma_wait3A_58 = arith.constant 0 : i32
    %dma_wait3A_59 = arith.constant 0 : i32
    %dma_wait3A_60 = tpu.memref_slice %arg4[%dma_wait3A_58, %dma_wait3A_59] : memref<327680x128xf32, #tpu.memory_space<hbm>> -> memref<128x128xf32, #tpu.memory_space<hbm>>
    %dma_wait3A_61 = arith.constant 0 : i32
    %dma_wait3A_62 = arith.constant 0 : i32
    %dma_wait3A_63 = tpu.memref_slice %arg4[%dma_wait3A_61, %dma_wait3A_62] : memref<327680x128xf32, #tpu.memory_space<hbm>> -> memref<128x128xf32, #tpu.memory_space<hbm>>
    tpu.wait_dma2 semaphore(%arg13 : memref<!tpu.dma_semaphore, #tpu.memory_space<semaphore_mem>>) src(%dma_wait3A_63 : memref<128x128xf32, #tpu.memory_space<hbm>>) dst(%arg8 : memref<128x128xf32, #tpu.memory_space<vmem>>)
    %dma_start3A_64 = arith.constant 0 : i32
    %dma_start3A_65 = tpu.memref_slice %arg4[%add3A_57, %dma_start3A_64] : memref<327680x128xf32, #tpu.memory_space<hbm>> -> memref<128x128xf32, #tpu.memory_space<hbm>>
    %dma_start3A_66 = arith.constant 0 : i32
    %dma_start3A_67 = tpu.memref_slice %arg4[%add3A_57, %dma_start3A_66] : memref<327680x128xf32, #tpu.memory_space<hbm>> -> memref<128x128xf32, #tpu.memory_space<hbm>>
    tpu.enqueue_dma source(%arg8 : memref<128x128xf32, #tpu.memory_space<vmem>>) target(%dma_start3A_67 : memref<128x128xf32, #tpu.memory_space<hbm>>) target_semaphore(%arg18 : memref<!tpu.dma_semaphore, #tpu.memory_space<semaphore_mem>>)
    %add3A_68 = arith.constant 9984 : i32
    %add3A_69 = arith.addi %mul3A_2, %add3A_68 : i32
    %dma_wait3A_70 = arith.constant 0 : i32
    %dma_wait3A_71 = arith.constant 0 : i32
    %dma_wait3A_72 = tpu.memref_slice %arg4[%dma_wait3A_70, %dma_wait3A_71] : memref<327680x128xf32, #tpu.memory_space<hbm>> -> memref<128x128xf32, #tpu.memory_space<hbm>>
    %dma_wait3A_73 = arith.constant 0 : i32
    %dma_wait3A_74 = arith.constant 0 : i32
    %dma_wait3A_75 = tpu.memref_slice %arg4[%dma_wait3A_73, %dma_wait3A_74] : memref<327680x128xf32, #tpu.memory_space<hbm>> -> memref<128x128xf32, #tpu.memory_space<hbm>>
    tpu.wait_dma2 semaphore(%arg14 : memref<!tpu.dma_semaphore, #tpu.memory_space<semaphore_mem>>) src(%dma_wait3A_75 : memref<128x128xf32, #tpu.memory_space<hbm>>) dst(%arg9 : memref<128x128xf32, #tpu.memory_space<vmem>>)
    %dma_start3A_76 = arith.constant 0 : i32
    %dma_start3A_77 = tpu.memref_slice %arg4[%add3A_69, %dma_start3A_76] : memref<327680x128xf32, #tpu.memory_space<hbm>> -> memref<128x128xf32, #tpu.memory_space<hbm>>
    %dma_start3A_78 = arith.constant 0 : i32
    %dma_start3A_79 = tpu.memref_slice %arg4[%add3A_69, %dma_start3A_78] : memref<327680x128xf32, #tpu.memory_space<hbm>> -> memref<128x128xf32, #tpu.memory_space<hbm>>
    tpu.enqueue_dma source(%arg9 : memref<128x128xf32, #tpu.memory_space<vmem>>) target(%dma_start3A_79 : memref<128x128xf32, #tpu.memory_space<hbm>>) target_semaphore(%arg19 : memref<!tpu.dma_semaphore, #tpu.memory_space<semaphore_mem>>)
    %add3A_80 = arith.constant 10112 : i32
    %add3A_81 = arith.addi %mul3A_2, %add3A_80 : i32
    %dma_wait3A_82 = arith.constant 0 : i32
    %dma_wait3A_83 = arith.constant 0 : i32
    %dma_wait3A_84 = tpu.memref_slice %arg4[%dma_wait3A_82, %dma_wait3A_83] : memref<327680x128xf32, #tpu.memory_space<hbm>> -> memref<128x128xf32, #tpu.memory_space<hbm>>
    %dma_wait3A_85 = arith.constant 0 : i32
    %dma_wait3A_86 = arith.constant 0 : i32
    %dma_wait3A_87 = tpu.memref_slice %arg4[%dma_wait3A_85, %dma_wait3A_86] : memref<327680x128xf32, #tpu.memory_space<hbm>> -> memref<128x128xf32, #tpu.memory_space<hbm>>
    tpu.wait_dma2 semaphore(%arg15 : memref<!tpu.dma_semaphore, #tpu.memory_space<semaphore_mem>>) src(%dma_wait3A_87 : memref<128x128xf32, #tpu.memory_space<hbm>>) dst(%arg10 : memref<128x128xf32, #tpu.memory_space<vmem>>)
    %dma_start3A_88 = arith.constant 0 : i32
    %dma_start3A_89 = tpu.memref_slice %arg4[%add3A_81, %dma_start3A_88] : memref<327680x128xf32, #tpu.memory_space<hbm>> -> memref<128x128xf32, #tpu.memory_space<hbm>>
    %dma_start3A_90 = arith.constant 0 : i32
    %dma_start3A_91 = tpu.memref_slice %arg4[%add3A_81, %dma_start3A_90] : memref<327680x128xf32, #tpu.memory_space<hbm>> -> memref<128x128xf32, #tpu.memory_space<hbm>>
    tpu.enqueue_dma source(%arg10 : memref<128x128xf32, #tpu.memory_space<vmem>>) target(%dma_start3A_91 : memref<128x128xf32, #tpu.memory_space<hbm>>) target_semaphore(%arg20 : memref<!tpu.dma_semaphore, #tpu.memory_space<semaphore_mem>>)
    %dma_wait3A_92 = arith.constant 0 : i32
    %dma_wait3A_93 = arith.constant 0 : i32
    %dma_wait3A_94 = tpu.memref_slice %arg4[%dma_wait3A_92, %dma_wait3A_93] : memref<327680x128xf32, #tpu.memory_space<hbm>> -> memref<128x128xf32, #tpu.memory_space<hbm>>
    %dma_wait3A_95 = arith.constant 0 : i32
    %dma_wait3A_96 = arith.constant 0 : i32
    %dma_wait3A_97 = tpu.memref_slice %arg4[%dma_wait3A_95, %dma_wait3A_96] : memref<327680x128xf32, #tpu.memory_space<hbm>> -> memref<128x128xf32, #tpu.memory_space<hbm>>
    tpu.wait_dma2 semaphore(%arg16 : memref<!tpu.dma_semaphore, #tpu.memory_space<semaphore_mem>>) src(%arg6 : memref<128x128xf32, #tpu.memory_space<vmem>>) dst(%dma_wait3A_97 : memref<128x128xf32, #tpu.memory_space<hbm>>)
    %dma_wait3A_98 = arith.constant 0 : i32
    %dma_wait3A_99 = arith.constant 0 : i32
    %dma_wait3A_100 = tpu.memref_slice %arg4[%dma_wait3A_98, %dma_wait3A_99] : memref<327680x128xf32, #tpu.memory_space<hbm>> -> memref<128x128xf32, #tpu.memory_space<hbm>>
    %dma_wait3A_101 = arith.constant 0 : i32
    %dma_wait3A_102 = arith.constant 0 : i32
    %dma_wait3A_103 = tpu.memref_slice %arg4[%dma_wait3A_101, %dma_wait3A_102] : memref<327680x128xf32, #tpu.memory_space<hbm>> -> memref<128x128xf32, #tpu.memory_space<hbm>>
    tpu.wait_dma2 semaphore(%arg17 : memref<!tpu.dma_semaphore, #tpu.memory_space<semaphore_mem>>) src(%arg7 : memref<128x128xf32, #tpu.memory_space<vmem>>) dst(%dma_wait3A_103 : memref<128x128xf32, #tpu.memory_space<hbm>>)
    %dma_wait3A_104 = arith.constant 0 : i32
    %dma_wait3A_105 = arith.constant 0 : i32
    %dma_wait3A_106 = tpu.memref_slice %arg4[%dma_wait3A_104, %dma_wait3A_105] : memref<327680x128xf32, #tpu.memory_space<hbm>> -> memref<128x128xf32, #tpu.memory_space<hbm>>
    %dma_wait3A_107 = arith.constant 0 : i32
    %dma_wait3A_108 = arith.constant 0 : i32
    %dma_wait3A_109 = tpu.memref_slice %arg4[%dma_wait3A_107, %dma_wait3A_108] : memref<327680x128xf32, #tpu.memory_space<hbm>> -> memref<128x128xf32, #tpu.memory_space<hbm>>
    tpu.wait_dma2 semaphore(%arg18 : memref<!tpu.dma_semaphore, #tpu.memory_space<semaphore_mem>>) src(%arg8 : memref<128x128xf32, #tpu.memory_space<vmem>>) dst(%dma_wait3A_109 : memref<128x128xf32, #tpu.memory_space<hbm>>)
    %dma_wait3A_110 = arith.constant 0 : i32
    %dma_wait3A_111 = arith.constant 0 : i32
    %dma_wait3A_112 = tpu.memref_slice %arg4[%dma_wait3A_110, %dma_wait3A_111] : memref<327680x128xf32, #tpu.memory_space<hbm>> -> memref<128x128xf32, #tpu.memory_space<hbm>>
    %dma_wait3A_113 = arith.constant 0 : i32
    %dma_wait3A_114 = arith.constant 0 : i32
    %dma_wait3A_115 = tpu.memref_slice %arg4[%dma_wait3A_113, %dma_wait3A_114] : memref<327680x128xf32, #tpu.memory_space<hbm>> -> memref<128x128xf32, #tpu.memory_space<hbm>>
    tpu.wait_dma2 semaphore(%arg19 : memref<!tpu.dma_semaphore, #tpu.memory_space<semaphore_mem>>) src(%arg9 : memref<128x128xf32, #tpu.memory_space<vmem>>) dst(%dma_wait3A_115 : memref<128x128xf32, #tpu.memory_space<hbm>>)
    %dma_wait3A_116 = arith.constant 0 : i32
    %dma_wait3A_117 = arith.constant 0 : i32
    %dma_wait3A_118 = tpu.memref_slice %arg4[%dma_wait3A_116, %dma_wait3A_117] : memref<327680x128xf32, #tpu.memory_space<hbm>> -> memref<128x128xf32, #tpu.memory_space<hbm>>
    %dma_wait3A_119 = arith.constant 0 : i32
    %dma_wait3A_120 = arith.constant 0 : i32
    %dma_wait3A_121 = tpu.memref_slice %arg4[%dma_wait3A_119, %dma_wait3A_120] : memref<327680x128xf32, #tpu.memory_space<hbm>> -> memref<128x128xf32, #tpu.memory_space<hbm>>
    tpu.wait_dma2 semaphore(%arg20 : memref<!tpu.dma_semaphore, #tpu.memory_space<semaphore_mem>>) src(%arg10 : memref<128x128xf32, #tpu.memory_space<vmem>>) dst(%dma_wait3A_121 : memref<128x128xf32, #tpu.memory_space<hbm>>)
    return
  }
}

#map = affine_map<(d0, d1) -> (0)>
module attributes {stable_mosaic.version = 14 : i64} {
  func.func @k(%arg0: i32, %arg1: i32, %arg2: memref<10240xf32, #tpu.memory_space<hbm>>, %arg3: memref<10240xf32, #tpu.memory_space<hbm>>, %arg4: memref<81920xi32, #tpu.memory_space<hbm>>, %arg5: memref<81920xf32, #tpu.memory_space<hbm>>, %arg6: memref<81920xf32, #tpu.memory_space<hbm>>, %arg7: memref<10240xf32, #tpu.memory_space<vmem>>, %arg8: memref<10240xf32, #tpu.memory_space<vmem>>, %arg9: memref<128xi32, #tpu.memory_space<vmem>>, %arg10: memref<128xf32, #tpu.memory_space<vmem>>, %arg11: memref<128xf32, #tpu.memory_space<vmem>>) attributes {dimension_semantics = [#tpu.dimension_semantics<core_parallel>, #tpu.dimension_semantics<subcore_parallel>], iteration_bounds = array<i64: 2, 16>, scalar_prefetch = 0 : i64, scratch_operands = 5 : i64, tpu.core_type = #tpu.core_type<sc_vector_subcore>, window_params = [{transform_indices = #map}, {transform_indices = #map}, {transform_indices = #map}, {transform_indices = #map}, {transform_indices = #map}]} {
    %mul3A = arith.constant 2 : i32
    %mul3A_0 = arith.muli %arg1, %mul3A : i32
    %add3A = arith.addi %mul3A_0, %arg0 : i32
    "tpu.region"() ({
      %run_scoped3A = tpu.sem_alloc : memref<!tpu.dma_semaphore, #tpu.memory_space<semaphore_mem>>
      tpu.enqueue_dma source(%arg2 : memref<10240xf32, #tpu.memory_space<hbm>>) target(%arg7 : memref<10240xf32, #tpu.memory_space<vmem>>) target_semaphore(%run_scoped3A : memref<!tpu.dma_semaphore, #tpu.memory_space<semaphore_mem>>)
      tpu.wait_dma2 semaphore(%run_scoped3A : memref<!tpu.dma_semaphore, #tpu.memory_space<semaphore_mem>>) src(%arg2 : memref<10240xf32, #tpu.memory_space<hbm>>) dst(%arg7 : memref<10240xf32, #tpu.memory_space<vmem>>)
      tpu.yield
    }) : () -> ()
    "tpu.region"() ({
      %run_scoped3A = tpu.sem_alloc : memref<!tpu.dma_semaphore, #tpu.memory_space<semaphore_mem>>
      tpu.enqueue_dma source(%arg3 : memref<10240xf32, #tpu.memory_space<hbm>>) target(%arg8 : memref<10240xf32, #tpu.memory_space<vmem>>) target_semaphore(%run_scoped3A : memref<!tpu.dma_semaphore, #tpu.memory_space<semaphore_mem>>)
      tpu.wait_dma2 semaphore(%run_scoped3A : memref<!tpu.dma_semaphore, #tpu.memory_space<semaphore_mem>>) src(%arg3 : memref<10240xf32, #tpu.memory_space<hbm>>) dst(%arg8 : memref<10240xf32, #tpu.memory_space<vmem>>)
      tpu.yield
    }) : () -> ()
    %scan3A = arith.constant 0 : i32
    %scan3A_1 = arith.constant 0 : i32
    %scan3A_2 = arith.constant 20 : i32
    %scan3A_3 = arith.addi %scan3A_1, %scan3A_2 : i32
    %scan3A_4 = arith.constant 1 : i32
    %scan3A_5 = scf.for %scan3A_7 = %scan3A_1 to %scan3A_3 step %scan3A_4 iter_args(%scan3A_8 = %scan3A) -> (i32)  : i32 {
      %mul3A_9 = arith.constant 2560 : i32
      %mul3A_10 = arith.muli %add3A, %mul3A_9 : i32
      %mul3A_11 = arith.constant 128 : i32
      %mul3A_12 = arith.muli %scan3A_7, %mul3A_11 : i32
      %add3A_13 = arith.addi %mul3A_10, %mul3A_12 : i32
      "tpu.region"() ({
        %run_scoped3A = tpu.sem_alloc : memref<!tpu.dma_semaphore, #tpu.memory_space<semaphore_mem>>
        %dma_start3A = tpu.memref_slice %arg4[%add3A_13] : memref<81920xi32, #tpu.memory_space<hbm>> -> memref<128xi32, #tpu.memory_space<hbm>>
        %dma_start3A_76 = tpu.memref_slice %arg4[%add3A_13] : memref<81920xi32, #tpu.memory_space<hbm>> -> memref<128xi32, #tpu.memory_space<hbm>>
        tpu.enqueue_dma source(%dma_start3A_76 : memref<128xi32, #tpu.memory_space<hbm>>) target(%arg9 : memref<128xi32, #tpu.memory_space<vmem>>) target_semaphore(%run_scoped3A : memref<!tpu.dma_semaphore, #tpu.memory_space<semaphore_mem>>)
        %dma_wait3A = tpu.memref_slice %arg4[%add3A_13] : memref<81920xi32, #tpu.memory_space<hbm>> -> memref<128xi32, #tpu.memory_space<hbm>>
        %dma_wait3A_77 = tpu.memref_slice %arg4[%add3A_13] : memref<81920xi32, #tpu.memory_space<hbm>> -> memref<128xi32, #tpu.memory_space<hbm>>
        tpu.wait_dma2 semaphore(%run_scoped3A : memref<!tpu.dma_semaphore, #tpu.memory_space<semaphore_mem>>) src(%dma_wait3A_77 : memref<128xi32, #tpu.memory_space<hbm>>) dst(%arg9 : memref<128xi32, #tpu.memory_space<vmem>>)
        tpu.yield
      }) : () -> ()
      %get3A = arith.constant 0 : index
      %get3A_14 = tpu.vector_load %arg9[%get3A] {strides = array<i32>} : memref<128xi32, #tpu.memory_space<vmem>>, vector<16xi32>,
      %gather3A = tpu.vector_load_idx %arg7[%get3A_14] : memref<10240xf32, #tpu.memory_space<vmem>>[vector<16xi32>], vector<16xf32>,
      %swap3A = arith.constant 0 : index
      %swap3A_15 = tpu.vector_load %arg10[%swap3A] {strides = array<i32>} : memref<128xf32, #tpu.memory_space<vmem>>, vector<16xf32>,
      tpu.vector_store %arg10[%swap3A], %gather3A {strides = array<i32>} : memref<128xf32, #tpu.memory_space<vmem>>, vector<16xf32>,
      %gather3A_16 = tpu.vector_load_idx %arg8[%get3A_14] : memref<10240xf32, #tpu.memory_space<vmem>>[vector<16xi32>], vector<16xf32>,
      %swap3A_17 = arith.constant 0 : index
      %swap3A_18 = tpu.vector_load %arg11[%swap3A_17] {strides = array<i32>} : memref<128xf32, #tpu.memory_space<vmem>>, vector<16xf32>,
      tpu.vector_store %arg11[%swap3A_17], %gather3A_16 {strides = array<i32>} : memref<128xf32, #tpu.memory_space<vmem>>, vector<16xf32>,
      %get3A_19 = arith.constant 16 : index
      %get3A_20 = tpu.vector_load %arg9[%get3A_19] {strides = array<i32>} : memref<128xi32, #tpu.memory_space<vmem>>, vector<16xi32>,
      %gather3A_21 = tpu.vector_load_idx %arg7[%get3A_20] : memref<10240xf32, #tpu.memory_space<vmem>>[vector<16xi32>], vector<16xf32>,
      %swap3A_22 = arith.constant 16 : index
      %swap3A_23 = tpu.vector_load %arg10[%swap3A_22] {strides = array<i32>} : memref<128xf32, #tpu.memory_space<vmem>>, vector<16xf32>,
      tpu.vector_store %arg10[%swap3A_22], %gather3A_21 {strides = array<i32>} : memref<128xf32, #tpu.memory_space<vmem>>, vector<16xf32>,
      %gather3A_24 = tpu.vector_load_idx %arg8[%get3A_20] : memref<10240xf32, #tpu.memory_space<vmem>>[vector<16xi32>], vector<16xf32>,
      %swap3A_25 = arith.constant 16 : index
      %swap3A_26 = tpu.vector_load %arg11[%swap3A_25] {strides = array<i32>} : memref<128xf32, #tpu.memory_space<vmem>>, vector<16xf32>,
      tpu.vector_store %arg11[%swap3A_25], %gather3A_24 {strides = array<i32>} : memref<128xf32, #tpu.memory_space<vmem>>, vector<16xf32>,
      %get3A_27 = arith.constant 32 : index
      %get3A_28 = tpu.vector_load %arg9[%get3A_27] {strides = array<i32>} : memref<128xi32, #tpu.memory_space<vmem>>, vector<16xi32>,
      %gather3A_29 = tpu.vector_load_idx %arg7[%get3A_28] : memref<10240xf32, #tpu.memory_space<vmem>>[vector<16xi32>], vector<16xf32>,
      %swap3A_30 = arith.constant 32 : index
      %swap3A_31 = tpu.vector_load %arg10[%swap3A_30] {strides = array<i32>} : memref<128xf32, #tpu.memory_space<vmem>>, vector<16xf32>,
      tpu.vector_store %arg10[%swap3A_30], %gather3A_29 {strides = array<i32>} : memref<128xf32, #tpu.memory_space<vmem>>, vector<16xf32>,
      %gather3A_32 = tpu.vector_load_idx %arg8[%get3A_28] : memref<10240xf32, #tpu.memory_space<vmem>>[vector<16xi32>], vector<16xf32>,
      %swap3A_33 = arith.constant 32 : index
      %swap3A_34 = tpu.vector_load %arg11[%swap3A_33] {strides = array<i32>} : memref<128xf32, #tpu.memory_space<vmem>>, vector<16xf32>,
      tpu.vector_store %arg11[%swap3A_33], %gather3A_32 {strides = array<i32>} : memref<128xf32, #tpu.memory_space<vmem>>, vector<16xf32>,
      %get3A_35 = arith.constant 48 : index
      %get3A_36 = tpu.vector_load %arg9[%get3A_35] {strides = array<i32>} : memref<128xi32, #tpu.memory_space<vmem>>, vector<16xi32>,
      %gather3A_37 = tpu.vector_load_idx %arg7[%get3A_36] : memref<10240xf32, #tpu.memory_space<vmem>>[vector<16xi32>], vector<16xf32>,
      %swap3A_38 = arith.constant 48 : index
      %swap3A_39 = tpu.vector_load %arg10[%swap3A_38] {strides = array<i32>} : memref<128xf32, #tpu.memory_space<vmem>>, vector<16xf32>,
      tpu.vector_store %arg10[%swap3A_38], %gather3A_37 {strides = array<i32>} : memref<128xf32, #tpu.memory_space<vmem>>, vector<16xf32>,
      %gather3A_40 = tpu.vector_load_idx %arg8[%get3A_36] : memref<10240xf32, #tpu.memory_space<vmem>>[vector<16xi32>], vector<16xf32>,
      %swap3A_41 = arith.constant 48 : index
      %swap3A_42 = tpu.vector_load %arg11[%swap3A_41] {strides = array<i32>} : memref<128xf32, #tpu.memory_space<vmem>>, vector<16xf32>,
      tpu.vector_store %arg11[%swap3A_41], %gather3A_40 {strides = array<i32>} : memref<128xf32, #tpu.memory_space<vmem>>, vector<16xf32>,
      %get3A_43 = arith.constant 64 : index
      %get3A_44 = tpu.vector_load %arg9[%get3A_43] {strides = array<i32>} : memref<128xi32, #tpu.memory_space<vmem>>, vector<16xi32>,
      %gather3A_45 = tpu.vector_load_idx %arg7[%get3A_44] : memref<10240xf32, #tpu.memory_space<vmem>>[vector<16xi32>], vector<16xf32>,
      %swap3A_46 = arith.constant 64 : index
      %swap3A_47 = tpu.vector_load %arg10[%swap3A_46] {strides = array<i32>} : memref<128xf32, #tpu.memory_space<vmem>>, vector<16xf32>,
      tpu.vector_store %arg10[%swap3A_46], %gather3A_45 {strides = array<i32>} : memref<128xf32, #tpu.memory_space<vmem>>, vector<16xf32>,
      %gather3A_48 = tpu.vector_load_idx %arg8[%get3A_44] : memref<10240xf32, #tpu.memory_space<vmem>>[vector<16xi32>], vector<16xf32>,
      %swap3A_49 = arith.constant 64 : index
      %swap3A_50 = tpu.vector_load %arg11[%swap3A_49] {strides = array<i32>} : memref<128xf32, #tpu.memory_space<vmem>>, vector<16xf32>,
      tpu.vector_store %arg11[%swap3A_49], %gather3A_48 {strides = array<i32>} : memref<128xf32, #tpu.memory_space<vmem>>, vector<16xf32>,
      %get3A_51 = arith.constant 80 : index
      %get3A_52 = tpu.vector_load %arg9[%get3A_51] {strides = array<i32>} : memref<128xi32, #tpu.memory_space<vmem>>, vector<16xi32>,
      %gather3A_53 = tpu.vector_load_idx %arg7[%get3A_52] : memref<10240xf32, #tpu.memory_space<vmem>>[vector<16xi32>], vector<16xf32>,
      %swap3A_54 = arith.constant 80 : index
      %swap3A_55 = tpu.vector_load %arg10[%swap3A_54] {strides = array<i32>} : memref<128xf32, #tpu.memory_space<vmem>>, vector<16xf32>,
      tpu.vector_store %arg10[%swap3A_54], %gather3A_53 {strides = array<i32>} : memref<128xf32, #tpu.memory_space<vmem>>, vector<16xf32>,
      %gather3A_56 = tpu.vector_load_idx %arg8[%get3A_52] : memref<10240xf32, #tpu.memory_space<vmem>>[vector<16xi32>], vector<16xf32>,
      %swap3A_57 = arith.constant 80 : index
      %swap3A_58 = tpu.vector_load %arg11[%swap3A_57] {strides = array<i32>} : memref<128xf32, #tpu.memory_space<vmem>>, vector<16xf32>,
      tpu.vector_store %arg11[%swap3A_57], %gather3A_56 {strides = array<i32>} : memref<128xf32, #tpu.memory_space<vmem>>, vector<16xf32>,
      %get3A_59 = arith.constant 96 : index
      %get3A_60 = tpu.vector_load %arg9[%get3A_59] {strides = array<i32>} : memref<128xi32, #tpu.memory_space<vmem>>, vector<16xi32>,
      %gather3A_61 = tpu.vector_load_idx %arg7[%get3A_60] : memref<10240xf32, #tpu.memory_space<vmem>>[vector<16xi32>], vector<16xf32>,
      %swap3A_62 = arith.constant 96 : index
      %swap3A_63 = tpu.vector_load %arg10[%swap3A_62] {strides = array<i32>} : memref<128xf32, #tpu.memory_space<vmem>>, vector<16xf32>,
      tpu.vector_store %arg10[%swap3A_62], %gather3A_61 {strides = array<i32>} : memref<128xf32, #tpu.memory_space<vmem>>, vector<16xf32>,
      %gather3A_64 = tpu.vector_load_idx %arg8[%get3A_60] : memref<10240xf32, #tpu.memory_space<vmem>>[vector<16xi32>], vector<16xf32>,
      %swap3A_65 = arith.constant 96 : index
      %swap3A_66 = tpu.vector_load %arg11[%swap3A_65] {strides = array<i32>} : memref<128xf32, #tpu.memory_space<vmem>>, vector<16xf32>,
      tpu.vector_store %arg11[%swap3A_65], %gather3A_64 {strides = array<i32>} : memref<128xf32, #tpu.memory_space<vmem>>, vector<16xf32>,
      %get3A_67 = arith.constant 112 : index
      %get3A_68 = tpu.vector_load %arg9[%get3A_67] {strides = array<i32>} : memref<128xi32, #tpu.memory_space<vmem>>, vector<16xi32>,
      %gather3A_69 = tpu.vector_load_idx %arg7[%get3A_68] : memref<10240xf32, #tpu.memory_space<vmem>>[vector<16xi32>], vector<16xf32>,
      %swap3A_70 = arith.constant 112 : index
      %swap3A_71 = tpu.vector_load %arg10[%swap3A_70] {strides = array<i32>} : memref<128xf32, #tpu.memory_space<vmem>>, vector<16xf32>,
      tpu.vector_store %arg10[%swap3A_70], %gather3A_69 {strides = array<i32>} : memref<128xf32, #tpu.memory_space<vmem>>, vector<16xf32>,
      %gather3A_72 = tpu.vector_load_idx %arg8[%get3A_68] : memref<10240xf32, #tpu.memory_space<vmem>>[vector<16xi32>], vector<16xf32>,
      %swap3A_73 = arith.constant 112 : index
      %swap3A_74 = tpu.vector_load %arg11[%swap3A_73] {strides = array<i32>} : memref<128xf32, #tpu.memory_space<vmem>>, vector<16xf32>,
      tpu.vector_store %arg11[%swap3A_73], %gather3A_72 {strides = array<i32>} : memref<128xf32, #tpu.memory_space<vmem>>, vector<16xf32>,
      "tpu.region"() ({
        %run_scoped3A = tpu.sem_alloc : memref<!tpu.dma_semaphore, #tpu.memory_space<semaphore_mem>>
        %dma_start3A = tpu.memref_slice %arg5[%add3A_13] : memref<81920xf32, #tpu.memory_space<hbm>> -> memref<128xf32, #tpu.memory_space<hbm>>
        %dma_start3A_76 = tpu.memref_slice %arg5[%add3A_13] : memref<81920xf32, #tpu.memory_space<hbm>> -> memref<128xf32, #tpu.memory_space<hbm>>
        tpu.enqueue_dma source(%arg10 : memref<128xf32, #tpu.memory_space<vmem>>) target(%dma_start3A_76 : memref<128xf32, #tpu.memory_space<hbm>>) target_semaphore(%run_scoped3A : memref<!tpu.dma_semaphore, #tpu.memory_space<semaphore_mem>>)
        %dma_wait3A = tpu.memref_slice %arg5[%add3A_13] : memref<81920xf32, #tpu.memory_space<hbm>> -> memref<128xf32, #tpu.memory_space<hbm>>
        %dma_wait3A_77 = tpu.memref_slice %arg5[%add3A_13] : memref<81920xf32, #tpu.memory_space<hbm>> -> memref<128xf32, #tpu.memory_space<hbm>>
        tpu.wait_dma2 semaphore(%run_scoped3A : memref<!tpu.dma_semaphore, #tpu.memory_space<semaphore_mem>>) src(%arg10 : memref<128xf32, #tpu.memory_space<vmem>>) dst(%dma_wait3A_77 : memref<128xf32, #tpu.memory_space<hbm>>)
        tpu.yield
      }) : () -> ()
      "tpu.region"() ({
        %run_scoped3A = tpu.sem_alloc : memref<!tpu.dma_semaphore, #tpu.memory_space<semaphore_mem>>
        %dma_start3A = tpu.memref_slice %arg6[%add3A_13] : memref<81920xf32, #tpu.memory_space<hbm>> -> memref<128xf32, #tpu.memory_space<hbm>>
        %dma_start3A_76 = tpu.memref_slice %arg6[%add3A_13] : memref<81920xf32, #tpu.memory_space<hbm>> -> memref<128xf32, #tpu.memory_space<hbm>>
        tpu.enqueue_dma source(%arg11 : memref<128xf32, #tpu.memory_space<vmem>>) target(%dma_start3A_76 : memref<128xf32, #tpu.memory_space<hbm>>) target_semaphore(%run_scoped3A : memref<!tpu.dma_semaphore, #tpu.memory_space<semaphore_mem>>)
        %dma_wait3A = tpu.memref_slice %arg6[%add3A_13] : memref<81920xf32, #tpu.memory_space<hbm>> -> memref<128xf32, #tpu.memory_space<hbm>>
        %dma_wait3A_77 = tpu.memref_slice %arg6[%add3A_13] : memref<81920xf32, #tpu.memory_space<hbm>> -> memref<128xf32, #tpu.memory_space<hbm>>
        tpu.wait_dma2 semaphore(%run_scoped3A : memref<!tpu.dma_semaphore, #tpu.memory_space<semaphore_mem>>) src(%arg11 : memref<128xf32, #tpu.memory_space<vmem>>) dst(%dma_wait3A_77 : memref<128xf32, #tpu.memory_space<hbm>>)
        tpu.yield
      }) : () -> ()
      %scan3A_75 = arith.constant 0 : i32
      scf.yield %scan3A_75 : i32
    }
    %scan3A_6 = arith.constant 20 : i32
    return
  }
}

module attributes {stable_mosaic.version = 14 : i64} {
  func.func @_geom_body(%arg0: i32, %arg1: memref<256x32xf32, #tpu.memory_space<vmem>>, %arg2: memref<256x32xf32, #tpu.memory_space<vmem>>, %arg3: memref<256x32xf32, #tpu.memory_space<vmem>>, %arg4: memref<256xf32, #tpu.memory_space<vmem>>, %arg5: memref<256xf32, #tpu.memory_space<vmem>>, %arg6: memref<256xf32, #tpu.memory_space<vmem>>, %arg7: memref<256x32xi32, #tpu.memory_space<vmem>>, %arg8: memref<256x32xf32, #tpu.memory_space<vmem>>, %arg9: memref<256xf32, #tpu.memory_space<vmem>>, %arg10: memref<256x8xf32, #tpu.memory_space<vmem>>, %arg11: memref<256x8xi32, #tpu.memory_space<vmem>>) attributes {dimension_semantics = [#tpu.dimension_semantics<arbitrary>], iteration_bounds = array<i64: 40>, scalar_prefetch = 0 : i64, scratch_operands = 0 : i64, tpu.core_type = #tpu.core_type<tc>, window_params = [{transform_indices = @transform_0, window_bounds = array<i64: 256, 32>}, {transform_indices = @transform_1, window_bounds = array<i64: 256, 32>}, {transform_indices = @transform_2, window_bounds = array<i64: 256, 32>}, {transform_indices = @transform_3, window_bounds = array<i64: 256>}, {transform_indices = @transform_4, window_bounds = array<i64: 256>}, {transform_indices = @transform_5, window_bounds = array<i64: 256>}, {transform_indices = @transform_6, window_bounds = array<i64: 256, 32>}, {transform_indices = @transform_7, window_bounds = array<i64: 256, 32>}, {transform_indices = @transform_8, window_bounds = array<i64: 256>}, {transform_indices = @transform_9, window_bounds = array<i64: 256, 8>}, {transform_indices = @transform_10, window_bounds = array<i64: 256, 8>}]} {
    %get3A = arith.constant 0 : index
    %get3A_0 = vector.load %arg4[%get3A] : memref<256xf32, #tpu.memory_space<vmem>>, vector<256xf32>
    %get3A_1 = arith.constant 0 : index
    %get3A_2 = vector.load %arg5[%get3A_1] : memref<256xf32, #tpu.memory_space<vmem>>, vector<256xf32>
    %get3A_3 = arith.constant 0 : index
    %get3A_4 = vector.load %arg6[%get3A_3] : memref<256xf32, #tpu.memory_space<vmem>>, vector<256xf32>
    %get3A_5 = arith.constant 0 : index
    %get3A_6 = arith.constant 0 : index
    %get3A_7 = vector.load %arg1[%get3A_5, %get3A_6] : memref<256x32xf32, #tpu.memory_space<vmem>>, vector<256x32xf32>
    %broadcast_in_dim3A = vector.shape_cast %get3A_0 : vector<256xf32> to vector<256x1xf32>
    %sub3A = vector.broadcast %broadcast_in_dim3A : vector<256x1xf32> to vector<256x32xf32>
    %sub3A_8 = arith.subf %get3A_7, %sub3A : vector<256x32xf32>
    %get3A_9 = arith.constant 0 : index
    %get3A_10 = arith.constant 0 : index
    %get3A_11 = vector.load %arg2[%get3A_9, %get3A_10] : memref<256x32xf32, #tpu.memory_space<vmem>>, vector<256x32xf32>
    %broadcast_in_dim3A_12 = vector.shape_cast %get3A_2 : vector<256xf32> to vector<256x1xf32>
    %sub3A_13 = vector.broadcast %broadcast_in_dim3A_12 : vector<256x1xf32> to vector<256x32xf32>
    %sub3A_14 = arith.subf %get3A_11, %sub3A_13 : vector<256x32xf32>
    %get3A_15 = arith.constant 0 : index
    %get3A_16 = arith.constant 0 : index
    %get3A_17 = vector.load %arg3[%get3A_15, %get3A_16] : memref<256x32xf32, #tpu.memory_space<vmem>>, vector<256x32xf32>
    %broadcast_in_dim3A_18 = vector.shape_cast %get3A_4 : vector<256xf32> to vector<256x1xf32>
    %sub3A_19 = vector.broadcast %broadcast_in_dim3A_18 : vector<256x1xf32> to vector<256x32xf32>
    %sub3A_20 = arith.subf %get3A_17, %sub3A_19 : vector<256x32xf32>
    %mul3A = arith.mulf %sub3A_8, %sub3A_8 : vector<256x32xf32>
    %mul3A_21 = arith.mulf %sub3A_14, %sub3A_14 : vector<256x32xf32>
    %add3A = arith.addf %mul3A, %mul3A_21 : vector<256x32xf32>
    %mul3A_22 = arith.mulf %sub3A_20, %sub3A_20 : vector<256x32xf32>
    %add3A_23 = arith.addf %add3A, %mul3A_22 : vector<256x32xf32>
    %add3A_24 = arith.constant 9.99999996E-13 : f32
    %add3A_25 = vector.broadcast %add3A_24 : f32 to vector<256x32xf32>
    %add3A_26 = arith.addf %add3A_23, %add3A_25 : vector<256x32xf32>
    %sqrt3A = math.sqrt %add3A_26 : vector<256x32xf32>
    %swap3A = arith.constant 0 : index
    %swap3A_27 = arith.constant 0 : index
    %swap3A_28 = vector.load %arg8[%swap3A, %swap3A_27] : memref<256x32xf32, #tpu.memory_space<vmem>>, vector<256x32xf32>
    tpu.vector_store %arg8[%swap3A, %swap3A_27], %sqrt3A {strides = array<i32>} : memref<256x32xf32, #tpu.memory_space<vmem>>, vector<256x32xf32>,
    %add3A_29 = arith.addf %get3A_0, %get3A_2 : vector<256xf32>
    %add3A_30 = arith.addf %add3A_29, %get3A_4 : vector<256xf32>
    %swap3A_31 = arith.constant 0 : index
    %swap3A_32 = vector.load %arg9[%swap3A_31] : memref<256xf32, #tpu.memory_space<vmem>>, vector<256xf32>
    tpu.vector_store %arg9[%swap3A_31], %add3A_30 {strides = array<i32>} : memref<256xf32, #tpu.memory_space<vmem>>, vector<256xf32>,
    %get3A_33 = arith.constant 0 : index
    %get3A_34 = arith.constant 0 : index
    %get3A_35 = vector.load %arg7[%get3A_33, %get3A_34] : memref<256x32xi32, #tpu.memory_space<vmem>>, vector<256x32xi32>
    %convert_element_type3A = arith.sitofp %get3A_35 : vector<256x32xi32> to vector<256x32xf32>
    %iota3A = tpu.iota {dimensions = array<i32: 1>} : vector<256x32xi32>
    %convert_element_type3A_36 = arith.sitofp %iota3A : vector<256x32xi32> to vector<256x32xf32>
    %broadcast_in_dim3A_37 = arith.constant true
    %broadcast_in_dim3A_38 = vector.broadcast %broadcast_in_dim3A_37 : i1 to vector<256x32xi1>
    %jit3A = arith.constant 0x7F800000 : f32
    %broadcast_in_dim3A_39 = vector.broadcast %jit3A : f32 to vector<256x32xf32>
    %select_n3A = arith.select %broadcast_in_dim3A_38, %sqrt3A, %broadcast_in_dim3A_39 : vector<256x32xi1>, vector<256x32xf32>
    %reduce_min3A = arith.constant dense<0x7F800000> : vector<256xf32>
    %reduce_min3A_40 = vector.multi_reduction <minimumf>, %select_n3A, %reduce_min3A [1] : vector<256x32xf32> to vector<256xf32>
    %broadcast_in_dim3A_41 = vector.shape_cast %reduce_min3A_40 : vector<256xf32> to vector<256x1xf32>
    %eq3A = vector.broadcast %broadcast_in_dim3A_41 : vector<256x1xf32> to vector<256x32xf32>
    %eq3A_42 = arith.cmpf oeq, %select_n3A, %eq3A : vector<256x32xf32>
    %jit3A_43 = arith.constant 1.000000e+09 : f32
    %broadcast_in_dim3A_44 = vector.broadcast %jit3A_43 : f32 to vector<256x32xf32>
    %select_n3A_45 = arith.select %eq3A_42, %convert_element_type3A_36, %broadcast_in_dim3A_44 : vector<256x32xi1>, vector<256x32xf32>
    %reduce_min3A_46 = arith.constant dense<0x7F800000> : vector<256xf32>
    %reduce_min3A_47 = vector.multi_reduction <minimumf>, %select_n3A_45, %reduce_min3A_46 [1] : vector<256x32xf32> to vector<256xf32>
    %broadcast_in_dim3A_48 = vector.shape_cast %reduce_min3A_47 : vector<256xf32> to vector<256x1xf32>
    %eq3A_49 = vector.broadcast %broadcast_in_dim3A_48 : vector<256x1xf32> to vector<256x32xf32>
    %eq3A_50 = arith.cmpf oeq, %convert_element_type3A_36, %eq3A_49 : vector<256x32xf32>
    %jit3A_51 = arith.constant 0.000000e+00 : f32
    %broadcast_in_dim3A_52 = vector.broadcast %jit3A_51 : f32 to vector<256x32xf32>
    %select_n3A_53 = arith.select %eq3A_50, %sqrt3A, %broadcast_in_dim3A_52 : vector<256x32xi1>, vector<256x32xf32>
    %reduce_sum3A = arith.constant dense<0.000000e+00> : vector<256xf32>
    %reduce_sum3A_54 = vector.multi_reduction <add>, %select_n3A_53, %reduce_sum3A [1] : vector<256x32xf32> to vector<256xf32>
    %jit3A_55 = arith.constant 0.000000e+00 : f32
    %broadcast_in_dim3A_56 = vector.broadcast %jit3A_55 : f32 to vector<256x32xf32>
    %select_n3A_57 = arith.select %eq3A_50, %convert_element_type3A, %broadcast_in_dim3A_56 : vector<256x32xi1>, vector<256x32xf32>
    %reduce_sum3A_58 = arith.constant dense<0.000000e+00> : vector<256xf32>
    %reduce_sum3A_59 = vector.multi_reduction <add>, %select_n3A_57, %reduce_sum3A_58 [1] : vector<256x32xf32> to vector<256xf32>
    %not3A = arith.constant dense<true> : vector<256x32xi1>
    %not3A_60 = arith.xori %eq3A_50, %not3A : vector<256x32xi1>
    %and3A = arith.andi %broadcast_in_dim3A_38, %not3A_60 : vector<256x32xi1>
    %jit3A_61 = arith.constant 0x7F800000 : f32
    %broadcast_in_dim3A_62 = vector.broadcast %jit3A_61 : f32 to vector<256x32xf32>
    %select_n3A_63 = arith.select %and3A, %sqrt3A, %broadcast_in_dim3A_62 : vector<256x32xi1>, vector<256x32xf32>
    %reduce_min3A_64 = arith.constant dense<0x7F800000> : vector<256xf32>
    %reduce_min3A_65 = vector.multi_reduction <minimumf>, %select_n3A_63, %reduce_min3A_64 [1] : vector<256x32xf32> to vector<256xf32>
    %broadcast_in_dim3A_66 = vector.shape_cast %reduce_min3A_65 : vector<256xf32> to vector<256x1xf32>
    %eq3A_67 = vector.broadcast %broadcast_in_dim3A_66 : vector<256x1xf32> to vector<256x32xf32>
    %eq3A_68 = arith.cmpf oeq, %select_n3A_63, %eq3A_67 : vector<256x32xf32>
    %jit3A_69 = arith.constant 1.000000e+09 : f32
    %broadcast_in_dim3A_70 = vector.broadcast %jit3A_69 : f32 to vector<256x32xf32>
    %select_n3A_71 = arith.select %eq3A_68, %convert_element_type3A_36, %broadcast_in_dim3A_70 : vector<256x32xi1>, vector<256x32xf32>
    %reduce_min3A_72 = arith.constant dense<0x7F800000> : vector<256xf32>
    %reduce_min3A_73 = vector.multi_reduction <minimumf>, %select_n3A_71, %reduce_min3A_72 [1] : vector<256x32xf32> to vector<256xf32>
    %broadcast_in_dim3A_74 = vector.shape_cast %reduce_min3A_73 : vector<256xf32> to vector<256x1xf32>
    %eq3A_75 = vector.broadcast %broadcast_in_dim3A_74 : vector<256x1xf32> to vector<256x32xf32>
    %eq3A_76 = arith.cmpf oeq, %convert_element_type3A_36, %eq3A_75 : vector<256x32xf32>
    %jit3A_77 = arith.constant 0.000000e+00 : f32
    %broadcast_in_dim3A_78 = vector.broadcast %jit3A_77 : f32 to vector<256x32xf32>
    %select_n3A_79 = arith.select %eq3A_76, %sqrt3A, %broadcast_in_dim3A_78 : vector<256x32xi1>, vector<256x32xf32>
    %reduce_sum3A_80 = arith.constant dense<0.000000e+00> : vector<256xf32>
    %reduce_sum3A_81 = vector.multi_reduction <add>, %select_n3A_79, %reduce_sum3A_80 [1] : vector<256x32xf32> to vector<256xf32>
    %jit3A_82 = arith.constant 0.000000e+00 : f32
    %broadcast_in_dim3A_83 = vector.broadcast %jit3A_82 : f32 to vector<256x32xf32>
    %select_n3A_84 = arith.select %eq3A_76, %convert_element_type3A, %broadcast_in_dim3A_83 : vector<256x32xi1>, vector<256x32xf32>
    %reduce_sum3A_85 = arith.constant dense<0.000000e+00> : vector<256xf32>
    %reduce_sum3A_86 = vector.multi_reduction <add>, %select_n3A_84, %reduce_sum3A_85 [1] : vector<256x32xf32> to vector<256xf32>
    %not3A_87 = arith.constant dense<true> : vector<256x32xi1>
    %not3A_88 = arith.xori %eq3A_76, %not3A_87 : vector<256x32xi1>
    %and3A_89 = arith.andi %and3A, %not3A_88 : vector<256x32xi1>
    %jit3A_90 = arith.constant 0x7F800000 : f32
    %broadcast_in_dim3A_91 = vector.broadcast %jit3A_90 : f32 to vector<256x32xf32>
    %select_n3A_92 = arith.select %and3A_89, %sqrt3A, %broadcast_in_dim3A_91 : vector<256x32xi1>, vector<256x32xf32>
    %reduce_min3A_93 = arith.constant dense<0x7F800000> : vector<256xf32>
    %reduce_min3A_94 = vector.multi_reduction <minimumf>, %select_n3A_92, %reduce_min3A_93 [1] : vector<256x32xf32> to vector<256xf32>
    %broadcast_in_dim3A_95 = vector.shape_cast %reduce_min3A_94 : vector<256xf32> to vector<256x1xf32>
    %eq3A_96 = vector.broadcast %broadcast_in_dim3A_95 : vector<256x1xf32> to vector<256x32xf32>
    %eq3A_97 = arith.cmpf oeq, %select_n3A_92, %eq3A_96 : vector<256x32xf32>
    %jit3A_98 = arith.constant 1.000000e+09 : f32
    %broadcast_in_dim3A_99 = vector.broadcast %jit3A_98 : f32 to vector<256x32xf32>
    %select_n3A_100 = arith.select %eq3A_97, %convert_element_type3A_36, %broadcast_in_dim3A_99 : vector<256x32xi1>, vector<256x32xf32>
    %reduce_min3A_101 = arith.constant dense<0x7F800000> : vector<256xf32>
    %reduce_min3A_102 = vector.multi_reduction <minimumf>, %select_n3A_100, %reduce_min3A_101 [1] : vector<256x32xf32> to vector<256xf32>
    %broadcast_in_dim3A_103 = vector.shape_cast %reduce_min3A_102 : vector<256xf32> to vector<256x1xf32>
    %eq3A_104 = vector.broadcast %broadcast_in_dim3A_103 : vector<256x1xf32> to vector<256x32xf32>
    %eq3A_105 = arith.cmpf oeq, %convert_element_type3A_36, %eq3A_104 : vector<256x32xf32>
    %jit3A_106 = arith.constant 0.000000e+00 : f32
    %broadcast_in_dim3A_107 = vector.broadcast %jit3A_106 : f32 to vector<256x32xf32>
    %select_n3A_108 = arith.select %eq3A_105, %sqrt3A, %broadcast_in_dim3A_107 : vector<256x32xi1>, vector<256x32xf32>
    %reduce_sum3A_109 = arith.constant dense<0.000000e+00> : vector<256xf32>
    %reduce_sum3A_110 = vector.multi_reduction <add>, %select_n3A_108, %reduce_sum3A_109 [1] : vector<256x32xf32> to vector<256xf32>
    %jit3A_111 = arith.constant 0.000000e+00 : f32
    %broadcast_in_dim3A_112 = vector.broadcast %jit3A_111 : f32 to vector<256x32xf32>
    %select_n3A_113 = arith.select %eq3A_105, %convert_element_type3A, %broadcast_in_dim3A_112 : vector<256x32xi1>, vector<256x32xf32>
    %reduce_sum3A_114 = arith.constant dense<0.000000e+00> : vector<256xf32>
    %reduce_sum3A_115 = vector.multi_reduction <add>, %select_n3A_113, %reduce_sum3A_114 [1] : vector<256x32xf32> to vector<256xf32>
    %not3A_116 = arith.constant dense<true> : vector<256x32xi1>
    %not3A_117 = arith.xori %eq3A_105, %not3A_116 : vector<256x32xi1>
    %and3A_118 = arith.andi %and3A_89, %not3A_117 : vector<256x32xi1>
    %jit3A_119 = arith.constant 0x7F800000 : f32
    %broadcast_in_dim3A_120 = vector.broadcast %jit3A_119 : f32 to vector<256x32xf32>
    %select_n3A_121 = arith.select %and3A_118, %sqrt3A, %broadcast_in_dim3A_120 : vector<256x32xi1>, vector<256x32xf32>
    %reduce_min3A_122 = arith.constant dense<0x7F800000> : vector<256xf32>
    %reduce_min3A_123 = vector.multi_reduction <minimumf>, %select_n3A_121, %reduce_min3A_122 [1] : vector<256x32xf32> to vector<256xf32>
    %broadcast_in_dim3A_124 = vector.shape_cast %reduce_min3A_123 : vector<256xf32> to vector<256x1xf32>
    %eq3A_125 = vector.broadcast %broadcast_in_dim3A_124 : vector<256x1xf32> to vector<256x32xf32>
    %eq3A_126 = arith.cmpf oeq, %select_n3A_121, %eq3A_125 : vector<256x32xf32>
    %jit3A_127 = arith.constant 1.000000e+09 : f32
    %broadcast_in_dim3A_128 = vector.broadcast %jit3A_127 : f32 to vector<256x32xf32>
    %select_n3A_129 = arith.select %eq3A_126, %convert_element_type3A_36, %broadcast_in_dim3A_128 : vector<256x32xi1>, vector<256x32xf32>
    %reduce_min3A_130 = arith.constant dense<0x7F800000> : vector<256xf32>
    %reduce_min3A_131 = vector.multi_reduction <minimumf>, %select_n3A_129, %reduce_min3A_130 [1] : vector<256x32xf32> to vector<256xf32>
    %broadcast_in_dim3A_132 = vector.shape_cast %reduce_min3A_131 : vector<256xf32> to vector<256x1xf32>
    %eq3A_133 = vector.broadcast %broadcast_in_dim3A_132 : vector<256x1xf32> to vector<256x32xf32>
    %eq3A_134 = arith.cmpf oeq, %convert_element_type3A_36, %eq3A_133 : vector<256x32xf32>
    %jit3A_135 = arith.constant 0.000000e+00 : f32
    %broadcast_in_dim3A_136 = vector.broadcast %jit3A_135 : f32 to vector<256x32xf32>
    %select_n3A_137 = arith.select %eq3A_134, %sqrt3A, %broadcast_in_dim3A_136 : vector<256x32xi1>, vector<256x32xf32>
    %reduce_sum3A_138 = arith.constant dense<0.000000e+00> : vector<256xf32>
    %reduce_sum3A_139 = vector.multi_reduction <add>, %select_n3A_137, %reduce_sum3A_138 [1] : vector<256x32xf32> to vector<256xf32>
    %jit3A_140 = arith.constant 0.000000e+00 : f32
    %broadcast_in_dim3A_141 = vector.broadcast %jit3A_140 : f32 to vector<256x32xf32>
    %select_n3A_142 = arith.select %eq3A_134, %convert_element_type3A, %broadcast_in_dim3A_141 : vector<256x32xi1>, vector<256x32xf32>
    %reduce_sum3A_143 = arith.constant dense<0.000000e+00> : vector<256xf32>
    %reduce_sum3A_144 = vector.multi_reduction <add>, %select_n3A_142, %reduce_sum3A_143 [1] : vector<256x32xf32> to vector<256xf32>
    %not3A_145 = arith.constant dense<true> : vector<256x32xi1>
    %not3A_146 = arith.xori %eq3A_134, %not3A_145 : vector<256x32xi1>
    %and3A_147 = arith.andi %and3A_118, %not3A_146 : vector<256x32xi1>
    %jit3A_148 = arith.constant 0x7F800000 : f32
    %broadcast_in_dim3A_149 = vector.broadcast %jit3A_148 : f32 to vector<256x32xf32>
    %select_n3A_150 = arith.select %and3A_147, %sqrt3A, %broadcast_in_dim3A_149 : vector<256x32xi1>, vector<256x32xf32>
    %reduce_min3A_151 = arith.constant dense<0x7F800000> : vector<256xf32>
    %reduce_min3A_152 = vector.multi_reduction <minimumf>, %select_n3A_150, %reduce_min3A_151 [1] : vector<256x32xf32> to vector<256xf32>
    %broadcast_in_dim3A_153 = vector.shape_cast %reduce_min3A_152 : vector<256xf32> to vector<256x1xf32>
    %eq3A_154 = vector.broadcast %broadcast_in_dim3A_153 : vector<256x1xf32> to vector<256x32xf32>
    %eq3A_155 = arith.cmpf oeq, %select_n3A_150, %eq3A_154 : vector<256x32xf32>
    %jit3A_156 = arith.constant 1.000000e+09 : f32
    %broadcast_in_dim3A_157 = vector.broadcast %jit3A_156 : f32 to vector<256x32xf32>
    %select_n3A_158 = arith.select %eq3A_155, %convert_element_type3A_36, %broadcast_in_dim3A_157 : vector<256x32xi1>, vector<256x32xf32>
    %reduce_min3A_159 = arith.constant dense<0x7F800000> : vector<256xf32>
    %reduce_min3A_160 = vector.multi_reduction <minimumf>, %select_n3A_158, %reduce_min3A_159 [1] : vector<256x32xf32> to vector<256xf32>
    %broadcast_in_dim3A_161 = vector.shape_cast %reduce_min3A_160 : vector<256xf32> to vector<256x1xf32>
    %eq3A_162 = vector.broadcast %broadcast_in_dim3A_161 : vector<256x1xf32> to vector<256x32xf32>
    %eq3A_163 = arith.cmpf oeq, %convert_element_type3A_36, %eq3A_162 : vector<256x32xf32>
    %jit3A_164 = arith.constant 0.000000e+00 : f32
    %broadcast_in_dim3A_165 = vector.broadcast %jit3A_164 : f32 to vector<256x32xf32>
    %select_n3A_166 = arith.select %eq3A_163, %sqrt3A, %broadcast_in_dim3A_165 : vector<256x32xi1>, vector<256x32xf32>
    %reduce_sum3A_167 = arith.constant dense<0.000000e+00> : vector<256xf32>
    %reduce_sum3A_168 = vector.multi_reduction <add>, %select_n3A_166, %reduce_sum3A_167 [1] : vector<256x32xf32> to vector<256xf32>
    %jit3A_169 = arith.constant 0.000000e+00 : f32
    %broadcast_in_dim3A_170 = vector.broadcast %jit3A_169 : f32 to vector<256x32xf32>
    %select_n3A_171 = arith.select %eq3A_163, %convert_element_type3A, %broadcast_in_dim3A_170 : vector<256x32xi1>, vector<256x32xf32>
    %reduce_sum3A_172 = arith.constant dense<0.000000e+00> : vector<256xf32>
    %reduce_sum3A_173 = vector.multi_reduction <add>, %select_n3A_171, %reduce_sum3A_172 [1] : vector<256x32xf32> to vector<256xf32>
    %not3A_174 = arith.constant dense<true> : vector<256x32xi1>
    %not3A_175 = arith.xori %eq3A_163, %not3A_174 : vector<256x32xi1>
    %and3A_176 = arith.andi %and3A_147, %not3A_175 : vector<256x32xi1>
    %jit3A_177 = arith.constant 0x7F800000 : f32
    %broadcast_in_dim3A_178 = vector.broadcast %jit3A_177 : f32 to vector<256x32xf32>
    %select_n3A_179 = arith.select %and3A_176, %sqrt3A, %broadcast_in_dim3A_178 : vector<256x32xi1>, vector<256x32xf32>
    %reduce_min3A_180 = arith.constant dense<0x7F800000> : vector<256xf32>
    %reduce_min3A_181 = vector.multi_reduction <minimumf>, %select_n3A_179, %reduce_min3A_180 [1] : vector<256x32xf32> to vector<256xf32>
    %broadcast_in_dim3A_182 = vector.shape_cast %reduce_min3A_181 : vector<256xf32> to vector<256x1xf32>
    %eq3A_183 = vector.broadcast %broadcast_in_dim3A_182 : vector<256x1xf32> to vector<256x32xf32>
    %eq3A_184 = arith.cmpf oeq, %select_n3A_179, %eq3A_183 : vector<256x32xf32>
    %jit3A_185 = arith.constant 1.000000e+09 : f32
    %broadcast_in_dim3A_186 = vector.broadcast %jit3A_185 : f32 to vector<256x32xf32>
    %select_n3A_187 = arith.select %eq3A_184, %convert_element_type3A_36, %broadcast_in_dim3A_186 : vector<256x32xi1>, vector<256x32xf32>
    %reduce_min3A_188 = arith.constant dense<0x7F800000> : vector<256xf32>
    %reduce_min3A_189 = vector.multi_reduction <minimumf>, %select_n3A_187, %reduce_min3A_188 [1] : vector<256x32xf32> to vector<256xf32>
    %broadcast_in_dim3A_190 = vector.shape_cast %reduce_min3A_189 : vector<256xf32> to vector<256x1xf32>
    %eq3A_191 = vector.broadcast %broadcast_in_dim3A_190 : vector<256x1xf32> to vector<256x32xf32>
    %eq3A_192 = arith.cmpf oeq, %convert_element_type3A_36, %eq3A_191 : vector<256x32xf32>
    %jit3A_193 = arith.constant 0.000000e+00 : f32
    %broadcast_in_dim3A_194 = vector.broadcast %jit3A_193 : f32 to vector<256x32xf32>
    %select_n3A_195 = arith.select %eq3A_192, %sqrt3A, %broadcast_in_dim3A_194 : vector<256x32xi1>, vector<256x32xf32>
    %reduce_sum3A_196 = arith.constant dense<0.000000e+00> : vector<256xf32>
    %reduce_sum3A_197 = vector.multi_reduction <add>, %select_n3A_195, %reduce_sum3A_196 [1] : vector<256x32xf32> to vector<256xf32>
    %jit3A_198 = arith.constant 0.000000e+00 : f32
    %broadcast_in_dim3A_199 = vector.broadcast %jit3A_198 : f32 to vector<256x32xf32>
    %select_n3A_200 = arith.select %eq3A_192, %convert_element_type3A, %broadcast_in_dim3A_199 : vector<256x32xi1>, vector<256x32xf32>
    %reduce_sum3A_201 = arith.constant dense<0.000000e+00> : vector<256xf32>
    %reduce_sum3A_202 = vector.multi_reduction <add>, %select_n3A_200, %reduce_sum3A_201 [1] : vector<256x32xf32> to vector<256xf32>
    %not3A_203 = arith.constant dense<true> : vector<256x32xi1>
    %not3A_204 = arith.xori %eq3A_192, %not3A_203 : vector<256x32xi1>
    %and3A_205 = arith.andi %and3A_176, %not3A_204 : vector<256x32xi1>
    %jit3A_206 = arith.constant 0x7F800000 : f32
    %broadcast_in_dim3A_207 = vector.broadcast %jit3A_206 : f32 to vector<256x32xf32>
    %select_n3A_208 = arith.select %and3A_205, %sqrt3A, %broadcast_in_dim3A_207 : vector<256x32xi1>, vector<256x32xf32>
    %reduce_min3A_209 = arith.constant dense<0x7F800000> : vector<256xf32>
    %reduce_min3A_210 = vector.multi_reduction <minimumf>, %select_n3A_208, %reduce_min3A_209 [1] : vector<256x32xf32> to vector<256xf32>
    %broadcast_in_dim3A_211 = vector.shape_cast %reduce_min3A_210 : vector<256xf32> to vector<256x1xf32>
    %eq3A_212 = vector.broadcast %broadcast_in_dim3A_211 : vector<256x1xf32> to vector<256x32xf32>
    %eq3A_213 = arith.cmpf oeq, %select_n3A_208, %eq3A_212 : vector<256x32xf32>
    %jit3A_214 = arith.constant 1.000000e+09 : f32
    %broadcast_in_dim3A_215 = vector.broadcast %jit3A_214 : f32 to vector<256x32xf32>
    %select_n3A_216 = arith.select %eq3A_213, %convert_element_type3A_36, %broadcast_in_dim3A_215 : vector<256x32xi1>, vector<256x32xf32>
    %reduce_min3A_217 = arith.constant dense<0x7F800000> : vector<256xf32>
    %reduce_min3A_218 = vector.multi_reduction <minimumf>, %select_n3A_216, %reduce_min3A_217 [1] : vector<256x32xf32> to vector<256xf32>
    %broadcast_in_dim3A_219 = vector.shape_cast %reduce_min3A_218 : vector<256xf32> to vector<256x1xf32>
    %eq3A_220 = vector.broadcast %broadcast_in_dim3A_219 : vector<256x1xf32> to vector<256x32xf32>
    %eq3A_221 = arith.cmpf oeq, %convert_element_type3A_36, %eq3A_220 : vector<256x32xf32>
    %jit3A_222 = arith.constant 0.000000e+00 : f32
    %broadcast_in_dim3A_223 = vector.broadcast %jit3A_222 : f32 to vector<256x32xf32>
    %select_n3A_224 = arith.select %eq3A_221, %sqrt3A, %broadcast_in_dim3A_223 : vector<256x32xi1>, vector<256x32xf32>
    %reduce_sum3A_225 = arith.constant dense<0.000000e+00> : vector<256xf32>
    %reduce_sum3A_226 = vector.multi_reduction <add>, %select_n3A_224, %reduce_sum3A_225 [1] : vector<256x32xf32> to vector<256xf32>
    %jit3A_227 = arith.constant 0.000000e+00 : f32
    %broadcast_in_dim3A_228 = vector.broadcast %jit3A_227 : f32 to vector<256x32xf32>
    %select_n3A_229 = arith.select %eq3A_221, %convert_element_type3A, %broadcast_in_dim3A_228 : vector<256x32xi1>, vector<256x32xf32>
    %reduce_sum3A_230 = arith.constant dense<0.000000e+00> : vector<256xf32>
    %reduce_sum3A_231 = vector.multi_reduction <add>, %select_n3A_229, %reduce_sum3A_230 [1] : vector<256x32xf32> to vector<256xf32>
    %not3A_232 = arith.constant dense<true> : vector<256x32xi1>
    %not3A_233 = arith.xori %eq3A_221, %not3A_232 : vector<256x32xi1>
    %and3A_234 = arith.andi %and3A_205, %not3A_233 : vector<256x32xi1>
    %jit3A_235 = arith.constant 0x7F800000 : f32
    %broadcast_in_dim3A_236 = vector.broadcast %jit3A_235 : f32 to vector<256x32xf32>
    %select_n3A_237 = arith.select %and3A_234, %sqrt3A, %broadcast_in_dim3A_236 : vector<256x32xi1>, vector<256x32xf32>
    %reduce_min3A_238 = arith.constant dense<0x7F800000> : vector<256xf32>
    %reduce_min3A_239 = vector.multi_reduction <minimumf>, %select_n3A_237, %reduce_min3A_238 [1] : vector<256x32xf32> to vector<256xf32>
    %broadcast_in_dim3A_240 = vector.shape_cast %reduce_min3A_239 : vector<256xf32> to vector<256x1xf32>
    %eq3A_241 = vector.broadcast %broadcast_in_dim3A_240 : vector<256x1xf32> to vector<256x32xf32>
    %eq3A_242 = arith.cmpf oeq, %select_n3A_237, %eq3A_241 : vector<256x32xf32>
    %jit3A_243 = arith.constant 1.000000e+09 : f32
    %broadcast_in_dim3A_244 = vector.broadcast %jit3A_243 : f32 to vector<256x32xf32>
    %select_n3A_245 = arith.select %eq3A_242, %convert_element_type3A_36, %broadcast_in_dim3A_244 : vector<256x32xi1>, vector<256x32xf32>
    %reduce_min3A_246 = arith.constant dense<0x7F800000> : vector<256xf32>
    %reduce_min3A_247 = vector.multi_reduction <minimumf>, %select_n3A_245, %reduce_min3A_246 [1] : vector<256x32xf32> to vector<256xf32>
    %broadcast_in_dim3A_248 = vector.shape_cast %reduce_min3A_247 : vector<256xf32> to vector<256x1xf32>
    %eq3A_249 = vector.broadcast %broadcast_in_dim3A_248 : vector<256x1xf32> to vector<256x32xf32>
    %eq3A_250 = arith.cmpf oeq, %convert_element_type3A_36, %eq3A_249 : vector<256x32xf32>
    %jit3A_251 = arith.constant 0.000000e+00 : f32
    %broadcast_in_dim3A_252 = vector.broadcast %jit3A_251 : f32 to vector<256x32xf32>
    %select_n3A_253 = arith.select %eq3A_250, %sqrt3A, %broadcast_in_dim3A_252 : vector<256x32xi1>, vector<256x32xf32>
    %reduce_sum3A_254 = arith.constant dense<0.000000e+00> : vector<256xf32>
    %reduce_sum3A_255 = vector.multi_reduction <add>, %select_n3A_253, %reduce_sum3A_254 [1] : vector<256x32xf32> to vector<256xf32>
    %jit3A_256 = arith.constant 0.000000e+00 : f32
    %broadcast_in_dim3A_257 = vector.broadcast %jit3A_256 : f32 to vector<256x32xf32>
    %select_n3A_258 = arith.select %eq3A_250, %convert_element_type3A, %broadcast_in_dim3A_257 : vector<256x32xi1>, vector<256x32xf32>
    %reduce_sum3A_259 = arith.constant dense<0.000000e+00> : vector<256xf32>
    %reduce_sum3A_260 = vector.multi_reduction <add>, %select_n3A_258, %reduce_sum3A_259 [1] : vector<256x32xf32> to vector<256xf32>
    %stack3A = vector.shape_cast %reduce_sum3A_54 : vector<256xf32> to vector<256x1xf32>
    %stack3A_261 = vector.shape_cast %reduce_sum3A_81 : vector<256xf32> to vector<256x1xf32>
    %stack3A_262 = vector.shape_cast %reduce_sum3A_110 : vector<256xf32> to vector<256x1xf32>
    %stack3A_263 = vector.shape_cast %reduce_sum3A_139 : vector<256xf32> to vector<256x1xf32>
    %stack3A_264 = vector.shape_cast %reduce_sum3A_168 : vector<256xf32> to vector<256x1xf32>
    %stack3A_265 = vector.shape_cast %reduce_sum3A_197 : vector<256xf32> to vector<256x1xf32>
    %stack3A_266 = vector.shape_cast %reduce_sum3A_226 : vector<256xf32> to vector<256x1xf32>
    %stack3A_267 = vector.shape_cast %reduce_sum3A_255 : vector<256xf32> to vector<256x1xf32>
    %stack3A_268 = tpu.concatenate %stack3A, %stack3A_261, %stack3A_262, %stack3A_263, %stack3A_264, %stack3A_265, %stack3A_266, %stack3A_267 in 1 : vector<256x1xf32>, vector<256x1xf32>, vector<256x1xf32>, vector<256x1xf32>, vector<256x1xf32>, vector<256x1xf32>, vector<256x1xf32>, vector<256x1xf32> -> vector<256x8xf32>
    %swap3A_269 = arith.constant 0 : index
    %swap3A_270 = arith.constant 0 : index
    %swap3A_271 = vector.load %arg10[%swap3A_269, %swap3A_270] : memref<256x8xf32, #tpu.memory_space<vmem>>, vector<256x8xf32>
    tpu.vector_store %arg10[%swap3A_269, %swap3A_270], %stack3A_268 {strides = array<i32>} : memref<256x8xf32, #tpu.memory_space<vmem>>, vector<256x8xf32>,
    %stack3A_272 = vector.shape_cast %reduce_sum3A_59 : vector<256xf32> to vector<256x1xf32>
    %stack3A_273 = vector.shape_cast %reduce_sum3A_86 : vector<256xf32> to vector<256x1xf32>
    %stack3A_274 = vector.shape_cast %reduce_sum3A_115 : vector<256xf32> to vector<256x1xf32>
    %stack3A_275 = vector.shape_cast %reduce_sum3A_144 : vector<256xf32> to vector<256x1xf32>
    %stack3A_276 = vector.shape_cast %reduce_sum3A_173 : vector<256xf32> to vector<256x1xf32>
    %stack3A_277 = vector.shape_cast %reduce_sum3A_202 : vector<256xf32> to vector<256x1xf32>
    %stack3A_278 = vector.shape_cast %reduce_sum3A_231 : vector<256xf32> to vector<256x1xf32>
    %stack3A_279 = vector.shape_cast %reduce_sum3A_260 : vector<256xf32> to vector<256x1xf32>
    %stack3A_280 = tpu.concatenate %stack3A_272, %stack3A_273, %stack3A_274, %stack3A_275, %stack3A_276, %stack3A_277, %stack3A_278, %stack3A_279 in 1 : vector<256x1xf32>, vector<256x1xf32>, vector<256x1xf32>, vector<256x1xf32>, vector<256x1xf32>, vector<256x1xf32>, vector<256x1xf32>, vector<256x1xf32> -> vector<256x8xf32>
    %convert_element_type3A_281 = arith.fptosi %stack3A_280 : vector<256x8xf32> to vector<256x8xi32>
    %swap3A_282 = arith.constant 0 : index
    %swap3A_283 = arith.constant 0 : index
    %swap3A_284 = vector.load %arg11[%swap3A_282, %swap3A_283] : memref<256x8xi32, #tpu.memory_space<vmem>>, vector<256x8xi32>
    tpu.vector_store %arg11[%swap3A_282, %swap3A_283], %convert_element_type3A_281 {strides = array<i32>} : memref<256x8xi32, #tpu.memory_space<vmem>>, vector<256x8xi32>,
    return
  }
  func.func @transform_0(%arg0: i32) -> (i32, i32) {
    %c0_i32 = arith.constant 0 : i32
    %c0_i32_0 = arith.constant 0 : i32
    return %arg0, %c0_i32 : i32, i32
  }
  func.func @transform_1(%arg0: i32) -> (i32, i32) {
    %c0_i32 = arith.constant 0 : i32
    %c0_i32_0 = arith.constant 0 : i32
    return %arg0, %c0_i32 : i32, i32
  }
  func.func @transform_2(%arg0: i32) -> (i32, i32) {
    %c0_i32 = arith.constant 0 : i32
    %c0_i32_0 = arith.constant 0 : i32
    return %arg0, %c0_i32 : i32, i32
  }
  func.func @transform_3(%arg0: i32) -> i32 {
    %c0_i32 = arith.constant 0 : i32
    return %arg0 : i32
  }
  func.func @transform_4(%arg0: i32) -> i32 {
    %c0_i32 = arith.constant 0 : i32
    return %arg0 : i32
  }
  func.func @transform_5(%arg0: i32) -> i32 {
    %c0_i32 = arith.constant 0 : i32
    return %arg0 : i32
  }
  func.func @transform_6(%arg0: i32) -> (i32, i32) {
    %c0_i32 = arith.constant 0 : i32
    %c0_i32_0 = arith.constant 0 : i32
    return %arg0, %c0_i32 : i32, i32
  }
  func.func @transform_7(%arg0: i32) -> (i32, i32) {
    %c0_i32 = arith.constant 0 : i32
    %c0_i32_0 = arith.constant 0 : i32
    return %arg0, %c0_i32 : i32, i32
  }
  func.func @transform_8(%arg0: i32) -> i32 {
    %c0_i32 = arith.constant 0 : i32
    return %arg0 : i32
  }
  func.func @transform_9(%arg0: i32) -> (i32, i32) {
    %c0_i32 = arith.constant 0 : i32
    %c0_i32_0 = arith.constant 0 : i32
    return %arg0, %c0_i32 : i32, i32
  }
  func.func @transform_10(%arg0: i32) -> (i32, i32) {
    %c0_i32 = arith.constant 0 : i32
    %c0_i32_0 = arith.constant 0 : i32
    return %arg0, %c0_i32 : i32, i32
  }
}

module attributes {stable_mosaic.version = 14 : i64} {
  func.func @_conv_body(%arg0: i32, %arg1: memref<8192x128xf32, #tpu.memory_space<vmem>>, %arg2: memref<256x32xf32, #tpu.memory_space<vmem>>, %arg3: memref<256x128xf32, #tpu.memory_space<vmem>>, %arg4: memref<16x128xf32, #tpu.memory_space<vmem>>, %arg5: memref<128xf32, #tpu.memory_space<vmem>>, %arg6: memref<256x128xf32, #tpu.memory_space<vmem>>, %arg7: memref<128xf32, #tpu.memory_space<vmem>>, %arg8: memref<256x128xf32, #tpu.memory_space<vmem>>) attributes {dimension_semantics = [#tpu.dimension_semantics<arbitrary>], iteration_bounds = array<i64: 40>, scalar_prefetch = 0 : i64, scratch_operands = 0 : i64, tpu.core_type = #tpu.core_type<tc>, window_params = [{transform_indices = @transform_0, window_bounds = array<i64: 8192, 128>}, {transform_indices = @transform_1, window_bounds = array<i64: 256, 32>}, {transform_indices = @transform_2, window_bounds = array<i64: 256, 128>}, {pipeline_mode = #tpu.pipeline_mode<synchronous>, transform_indices = @transform_3, window_bounds = array<i64: 16, 128>}, {pipeline_mode = #tpu.pipeline_mode<synchronous>, transform_indices = @transform_4, window_bounds = array<i64: 128>}, {pipeline_mode = #tpu.pipeline_mode<synchronous>, transform_indices = @transform_5, window_bounds = array<i64: 256, 128>}, {pipeline_mode = #tpu.pipeline_mode<synchronous>, transform_indices = @transform_6, window_bounds = array<i64: 128>}, {transform_indices = @transform_7, window_bounds = array<i64: 256, 128>}]} {
    %get3A = arith.constant 0 : index
    %get3A_0 = arith.constant 0 : index
    %get3A_1 = vector.load %arg2[%get3A, %get3A_0] : memref<256x32xf32, #tpu.memory_space<vmem>>, vector<256x32xf32>
    %iota3A = tpu.iota {dimensions = array<i32: 2>} : vector<1x1x16xi32>
    %convert_element_type3A = arith.sitofp %iota3A : vector<1x1x16xi32> to vector<1x1x16xf32>
    %mul3A = arith.constant 0.106666669 : f32
    %mul3A_2 = vector.broadcast %mul3A : f32 to vector<1x1x16xf32>
    %mul3A_3 = arith.mulf %convert_element_type3A, %mul3A_2 : vector<1x1x16xf32>
    %broadcast_in_dim3A = vector.shape_cast %get3A_1 : vector<256x32xf32> to vector<256x32x1xf32>
    %sub3A = vector.broadcast %broadcast_in_dim3A : vector<256x32x1xf32> to vector<256x32x16xf32>
    %sub3A_4 = vector.broadcast %mul3A_3 : vector<1x1x16xf32> to vector<256x32x16xf32>
    %sub3A_5 = arith.subf %sub3A, %sub3A_4 : vector<256x32x16xf32>
    %integer_pow3A = arith.mulf %sub3A_5, %sub3A_5 : vector<256x32x16xf32>
    %mul3A_6 = arith.constant -5.000000e+01 : f32
    %mul3A_7 = vector.broadcast %mul3A_6 : f32 to vector<256x32x16xf32>
    %mul3A_8 = arith.mulf %mul3A_7, %integer_pow3A : vector<256x32x16xf32>
    %exp3A = math.exp %mul3A_8 : vector<256x32x16xf32>
    %reshape3A = vector.shape_cast %exp3A : vector<256x32x16xf32> to vector<8192x16xf32>
    %convert_element_type3A_9 = arith.truncf %reshape3A : vector<8192x16xf32> to vector<8192x16xbf16>
    %get3A_10 = arith.constant 0 : index
    %get3A_11 = arith.constant 0 : index
    %get3A_12 = vector.load %arg4[%get3A_10, %get3A_11] : memref<16x128xf32, #tpu.memory_space<vmem>>, vector<16x128xf32>
    %convert_element_type3A_13 = arith.truncf %get3A_12 : vector<16x128xf32> to vector<16x128xbf16>
    %dot_general3A = arith.constant dense<0.000000e+00> : vector<8192x128xf32>
    %dot_general3A_14 = tpu.matmul %convert_element_type3A_9, %convert_element_type3A_13, %dot_general3A {dimension_numbers = #tpu.dot_dimension_numbers<[1], [0], [0], [1], [0, 0, 1, 1], [], []>, transpose_lhs_hint = false} : vector<8192x16xbf16>, vector<16x128xbf16>, vector<8192x128xf32> -> vector<8192x128xf32>
    %get3A_15 = arith.constant 0 : index
    %get3A_16 = vector.load %arg5[%get3A_15] : memref<128xf32, #tpu.memory_space<vmem>>, vector<128xf32>
    %broadcast_in_dim3A_17 = vector.shape_cast %get3A_16 : vector<128xf32> to vector<1x128xf32>
    %add3A = vector.broadcast %broadcast_in_dim3A_17 : vector<1x128xf32> to vector<8192x128xf32>
    %add3A_18 = arith.addf %dot_general3A_14, %add3A : vector<8192x128xf32>
    %get3A_19 = arith.constant 0 : index
    %get3A_20 = arith.constant 0 : index
    %get3A_21 = vector.load %arg1[%get3A_19, %get3A_20] : memref<8192x128xf32, #tpu.memory_space<vmem>>, vector<8192x128xf32>
    %mul3A_22 = arith.mulf %add3A_18, %get3A_21 : vector<8192x128xf32>
    %reshape3A_23 = vector.shape_cast %mul3A_22 : vector<8192x128xf32> to vector<256x32x128xf32>
    %reduce_sum3A = arith.constant dense<0.000000e+00> : vector<256x128xf32>
    %reduce_sum3A_24 = vector.multi_reduction <add>, %reshape3A_23, %reduce_sum3A [1] : vector<256x32x128xf32> to vector<256x128xf32>
    %get3A_25 = arith.constant 0 : index
    %get3A_26 = arith.constant 0 : index
    %get3A_27 = vector.load %arg3[%get3A_25, %get3A_26] : memref<256x128xf32, #tpu.memory_space<vmem>>, vector<256x128xf32>
    %concatenate3A = tpu.concatenate %get3A_27, %reduce_sum3A_24 in 1 : vector<256x128xf32>, vector<256x128xf32> -> vector<256x256xf32>
    %convert_element_type3A_28 = arith.truncf %concatenate3A : vector<256x256xf32> to vector<256x256xbf16>
    %get3A_29 = arith.constant 0 : index
    %get3A_30 = arith.constant 0 : index
    %get3A_31 = vector.load %arg6[%get3A_29, %get3A_30] : memref<256x128xf32, #tpu.memory_space<vmem>>, vector<256x128xf32>
    %convert_element_type3A_32 = arith.truncf %get3A_31 : vector<256x128xf32> to vector<256x128xbf16>
    %dot_general3A_33 = arith.constant dense<0.000000e+00> : vector<256x128xf32>
    %dot_general3A_34 = tpu.matmul %convert_element_type3A_28, %convert_element_type3A_32, %dot_general3A_33 {dimension_numbers = #tpu.dot_dimension_numbers<[1], [0], [0], [1], [0, 0, 1, 1], [], []>, transpose_lhs_hint = false} : vector<256x256xbf16>, vector<256x128xbf16>, vector<256x128xf32> -> vector<256x128xf32>
    %get3A_35 = arith.constant 0 : index
    %get3A_36 = vector.load %arg7[%get3A_35] : memref<128xf32, #tpu.memory_space<vmem>>, vector<128xf32>
    %broadcast_in_dim3A_37 = vector.shape_cast %get3A_36 : vector<128xf32> to vector<1x128xf32>
    %add3A_38 = vector.broadcast %broadcast_in_dim3A_37 : vector<1x128xf32> to vector<256x128xf32>
    %add3A_39 = arith.addf %dot_general3A_34, %add3A_38 : vector<256x128xf32>
    %tanh3A = math.tanh %add3A_39 : vector<256x128xf32>
    %swap3A = arith.constant 0 : index
    %swap3A_40 = arith.constant 0 : index
    %swap3A_41 = vector.load %arg8[%swap3A, %swap3A_40] : memref<256x128xf32, #tpu.memory_space<vmem>>, vector<256x128xf32>
    tpu.vector_store %arg8[%swap3A, %swap3A_40], %tanh3A {strides = array<i32>} : memref<256x128xf32, #tpu.memory_space<vmem>>, vector<256x128xf32>,
    return
  }
  func.func @transform_0(%arg0: i32) -> (i32, i32) {
    %c0_i32 = arith.constant 0 : i32
    %c0_i32_0 = arith.constant 0 : i32
    return %arg0, %c0_i32 : i32, i32
  }
  func.func @transform_1(%arg0: i32) -> (i32, i32) {
    %c0_i32 = arith.constant 0 : i32
    %c0_i32_0 = arith.constant 0 : i32
    return %arg0, %c0_i32 : i32, i32
  }
  func.func @transform_2(%arg0: i32) -> (i32, i32) {
    %c0_i32 = arith.constant 0 : i32
    %c0_i32_0 = arith.constant 0 : i32
    return %arg0, %c0_i32 : i32, i32
  }
  func.func @transform_3(%arg0: i32) -> (i32, i32) {
    %c0_i32 = arith.constant 0 : i32
    %c0_i32_0 = arith.constant 0 : i32
    %c0_i32_1 = arith.constant 0 : i32
    return %c0_i32, %c0_i32_0 : i32, i32
  }
  func.func @transform_4(%arg0: i32) -> i32 {
    %c0_i32 = arith.constant 0 : i32
    %c0_i32_0 = arith.constant 0 : i32
    return %c0_i32 : i32
  }
  func.func @transform_5(%arg0: i32) -> (i32, i32) {
    %c0_i32 = arith.constant 0 : i32
    %c0_i32_0 = arith.constant 0 : i32
    %c0_i32_1 = arith.constant 0 : i32
    return %c0_i32, %c0_i32_0 : i32, i32
  }
  func.func @transform_6(%arg0: i32) -> i32 {
    %c0_i32 = arith.constant 0 : i32
    %c0_i32_0 = arith.constant 0 : i32
    return %c0_i32 : i32
  }
  func.func @transform_7(%arg0: i32) -> (i32, i32) {
    %c0_i32 = arith.constant 0 : i32
    %c0_i32_0 = arith.constant 0 : i32
    return %arg0, %c0_i32 : i32, i32
  }
}

module attributes {stable_mosaic.version = 14 : i64} {
  func.func @_conv_final_body(%arg0: i32, %arg1: memref<8192x128xf32, #tpu.memory_space<vmem>>, %arg2: memref<256x32xf32, #tpu.memory_space<vmem>>, %arg3: memref<256x128xf32, #tpu.memory_space<vmem>>, %arg4: memref<16x128xf32, #tpu.memory_space<vmem>>, %arg5: memref<128xf32, #tpu.memory_space<vmem>>, %arg6: memref<256x128xf32, #tpu.memory_space<vmem>>, %arg7: memref<128xf32, #tpu.memory_space<vmem>>, %arg8: memref<128xf32, #tpu.memory_space<vmem>>, %arg9: memref<1x1xf32, #tpu.memory_space<vmem>>, %arg10: memref<128xf32, #tpu.memory_space<vmem>>, %arg11: memref<128xf32, #tpu.memory_space<vmem>>, %arg12: memref<256x128xf32, #tpu.memory_space<vmem>>, %arg13: memref<1x1xf32, #tpu.memory_space<vmem>>, %arg14: memref<256xf32, #tpu.memory_space<vmem>>, %arg15: memref<256xf32, #tpu.memory_space<vmem>>) attributes {dimension_semantics = [#tpu.dimension_semantics<arbitrary>], iteration_bounds = array<i64: 40>, scalar_prefetch = 0 : i64, scratch_operands = 0 : i64, tpu.core_type = #tpu.core_type<tc>, window_params = [{transform_indices = @transform_0, window_bounds = array<i64: 8192, 128>}, {transform_indices = @transform_1, window_bounds = array<i64: 256, 32>}, {transform_indices = @transform_2, window_bounds = array<i64: 256, 128>}, {pipeline_mode = #tpu.pipeline_mode<synchronous>, transform_indices = @transform_3, window_bounds = array<i64: 16, 128>}, {pipeline_mode = #tpu.pipeline_mode<synchronous>, transform_indices = @transform_4, window_bounds = array<i64: 128>}, {pipeline_mode = #tpu.pipeline_mode<synchronous>, transform_indices = @transform_5, window_bounds = array<i64: 256, 128>}, {pipeline_mode = #tpu.pipeline_mode<synchronous>, transform_indices = @transform_6, window_bounds = array<i64: 128>}, {pipeline_mode = #tpu.pipeline_mode<synchronous>, transform_indices = @transform_7, window_bounds = array<i64: 128>}, {pipeline_mode = #tpu.pipeline_mode<synchronous>, transform_indices = @transform_8, window_bounds = array<i64: 1, 1>}, {pipeline_mode = #tpu.pipeline_mode<synchronous>, transform_indices = @transform_9, window_bounds = array<i64: 128>}, {pipeline_mode = #tpu.pipeline_mode<synchronous>, transform_indices = @transform_10, window_bounds = array<i64: 128>}, {transform_indices = @transform_11, window_bounds = array<i64: 256, 128>}, {pipeline_mode = #tpu.pipeline_mode<synchronous>, transform_indices = @transform_12, window_bounds = array<i64: 1, 1>}, {transform_indices = @transform_13, window_bounds = array<i64: 256>}, {transform_indices = @transform_14, window_bounds = array<i64: 256>}]} {
    %get3A = arith.constant 0 : index
    %get3A_0 = arith.constant 0 : index
    %get3A_1 = vector.load %arg2[%get3A, %get3A_0] : memref<256x32xf32, #tpu.memory_space<vmem>>, vector<256x32xf32>
    %iota3A = tpu.iota {dimensions = array<i32: 2>} : vector<1x1x16xi32>
    %convert_element_type3A = arith.sitofp %iota3A : vector<1x1x16xi32> to vector<1x1x16xf32>
    %mul3A = arith.constant 0.106666669 : f32
    %mul3A_2 = vector.broadcast %mul3A : f32 to vector<1x1x16xf32>
    %mul3A_3 = arith.mulf %convert_element_type3A, %mul3A_2 : vector<1x1x16xf32>
    %broadcast_in_dim3A = vector.shape_cast %get3A_1 : vector<256x32xf32> to vector<256x32x1xf32>
    %sub3A = vector.broadcast %broadcast_in_dim3A : vector<256x32x1xf32> to vector<256x32x16xf32>
    %sub3A_4 = vector.broadcast %mul3A_3 : vector<1x1x16xf32> to vector<256x32x16xf32>
    %sub3A_5 = arith.subf %sub3A, %sub3A_4 : vector<256x32x16xf32>
    %integer_pow3A = arith.mulf %sub3A_5, %sub3A_5 : vector<256x32x16xf32>
    %mul3A_6 = arith.constant -5.000000e+01 : f32
    %mul3A_7 = vector.broadcast %mul3A_6 : f32 to vector<256x32x16xf32>
    %mul3A_8 = arith.mulf %mul3A_7, %integer_pow3A : vector<256x32x16xf32>
    %exp3A = math.exp %mul3A_8 : vector<256x32x16xf32>
    %reshape3A = vector.shape_cast %exp3A : vector<256x32x16xf32> to vector<8192x16xf32>
    %convert_element_type3A_9 = arith.truncf %reshape3A : vector<8192x16xf32> to vector<8192x16xbf16>
    %get3A_10 = arith.constant 0 : index
    %get3A_11 = arith.constant 0 : index
    %get3A_12 = vector.load %arg4[%get3A_10, %get3A_11] : memref<16x128xf32, #tpu.memory_space<vmem>>, vector<16x128xf32>
    %convert_element_type3A_13 = arith.truncf %get3A_12 : vector<16x128xf32> to vector<16x128xbf16>
    %dot_general3A = arith.constant dense<0.000000e+00> : vector<8192x128xf32>
    %dot_general3A_14 = tpu.matmul %convert_element_type3A_9, %convert_element_type3A_13, %dot_general3A {dimension_numbers = #tpu.dot_dimension_numbers<[1], [0], [0], [1], [0, 0, 1, 1], [], []>, transpose_lhs_hint = false} : vector<8192x16xbf16>, vector<16x128xbf16>, vector<8192x128xf32> -> vector<8192x128xf32>
    %get3A_15 = arith.constant 0 : index
    %get3A_16 = vector.load %arg5[%get3A_15] : memref<128xf32, #tpu.memory_space<vmem>>, vector<128xf32>
    %broadcast_in_dim3A_17 = vector.shape_cast %get3A_16 : vector<128xf32> to vector<1x128xf32>
    %add3A = vector.broadcast %broadcast_in_dim3A_17 : vector<1x128xf32> to vector<8192x128xf32>
    %add3A_18 = arith.addf %dot_general3A_14, %add3A : vector<8192x128xf32>
    %get3A_19 = arith.constant 0 : index
    %get3A_20 = arith.constant 0 : index
    %get3A_21 = vector.load %arg1[%get3A_19, %get3A_20] : memref<8192x128xf32, #tpu.memory_space<vmem>>, vector<8192x128xf32>
    %mul3A_22 = arith.mulf %add3A_18, %get3A_21 : vector<8192x128xf32>
    %reshape3A_23 = vector.shape_cast %mul3A_22 : vector<8192x128xf32> to vector<256x32x128xf32>
    %reduce_sum3A = arith.constant dense<0.000000e+00> : vector<256x128xf32>
    %reduce_sum3A_24 = vector.multi_reduction <add>, %reshape3A_23, %reduce_sum3A [1] : vector<256x32x128xf32> to vector<256x128xf32>
    %get3A_25 = arith.constant 0 : index
    %get3A_26 = arith.constant 0 : index
    %get3A_27 = vector.load %arg3[%get3A_25, %get3A_26] : memref<256x128xf32, #tpu.memory_space<vmem>>, vector<256x128xf32>
    %concatenate3A = tpu.concatenate %get3A_27, %reduce_sum3A_24 in 1 : vector<256x128xf32>, vector<256x128xf32> -> vector<256x256xf32>
    %convert_element_type3A_28 = arith.truncf %concatenate3A : vector<256x256xf32> to vector<256x256xbf16>
    %get3A_29 = arith.constant 0 : index
    %get3A_30 = arith.constant 0 : index
    %get3A_31 = vector.load %arg6[%get3A_29, %get3A_30] : memref<256x128xf32, #tpu.memory_space<vmem>>, vector<256x128xf32>
    %convert_element_type3A_32 = arith.truncf %get3A_31 : vector<256x128xf32> to vector<256x128xbf16>
    %dot_general3A_33 = arith.constant dense<0.000000e+00> : vector<256x128xf32>
    %dot_general3A_34 = tpu.matmul %convert_element_type3A_28, %convert_element_type3A_32, %dot_general3A_33 {dimension_numbers = #tpu.dot_dimension_numbers<[1], [0], [0], [1], [0, 0, 1, 1], [], []>, transpose_lhs_hint = false} : vector<256x256xbf16>, vector<256x128xbf16>, vector<256x128xf32> -> vector<256x128xf32>
    %get3A_35 = arith.constant 0 : index
    %get3A_36 = vector.load %arg7[%get3A_35] : memref<128xf32, #tpu.memory_space<vmem>>, vector<128xf32>
    %broadcast_in_dim3A_37 = vector.shape_cast %get3A_36 : vector<128xf32> to vector<1x128xf32>
    %add3A_38 = vector.broadcast %broadcast_in_dim3A_37 : vector<1x128xf32> to vector<256x128xf32>
    %add3A_39 = arith.addf %dot_general3A_34, %add3A_38 : vector<256x128xf32>
    %tanh3A = math.tanh %add3A_39 : vector<256x128xf32>
    %swap3A = arith.constant 0 : index
    %swap3A_40 = arith.constant 0 : index
    %swap3A_41 = vector.load %arg12[%swap3A, %swap3A_40] : memref<256x128xf32, #tpu.memory_space<vmem>>, vector<256x128xf32>
    tpu.vector_store %arg12[%swap3A, %swap3A_40], %tanh3A {strides = array<i32>} : memref<256x128xf32, #tpu.memory_space<vmem>>, vector<256x128xf32>,
    %iota3A_42 = tpu.iota {dimensions = array<i32: 1>} : vector<1x256xi32>
    %iota3A_43 = vector.shape_cast %iota3A_42 : vector<1x256xi32> to vector<256xi32>
    %mul3A_44 = arith.constant 256 : i32
    %mul3A_45 = arith.muli %arg0, %mul3A_44 : i32
    %add3A_46 = vector.broadcast %mul3A_45 : i32 to vector<256xi32>
    %add3A_47 = arith.addi %iota3A_43, %add3A_46 : vector<256xi32>
    %convert_element_type3A_48 = arith.truncf %tanh3A : vector<256x128xf32> to vector<256x128xbf16>
    %convert_element_type3A_49 = arith.extf %convert_element_type3A_48 : vector<256x128xbf16> to vector<256x128xf32>
    %lt3A = arith.constant 10000 : i32
    %lt3A_50 = vector.broadcast %lt3A : i32 to vector<256xi32>
    %lt3A_51 = arith.cmpi slt, %add3A_47, %lt3A_50 : vector<256xi32>
    %get3A_52 = arith.constant 0 : index
    %get3A_53 = vector.load %arg8[%get3A_52] : memref<128xf32, #tpu.memory_space<vmem>>, vector<128xf32>
    %convert_element_type3A_54 = arith.truncf %get3A_53 : vector<128xf32> to vector<128xbf16>
    %convert_element_type3A_55 = arith.extf %convert_element_type3A_54 : vector<128xbf16> to vector<128xf32>
    %broadcast_in_dim3A_56 = vector.shape_cast %convert_element_type3A_55 : vector<128xf32> to vector<1x128xf32>
    %mul3A_57 = vector.broadcast %broadcast_in_dim3A_56 : vector<1x128xf32> to vector<256x128xf32>
    %mul3A_58 = arith.mulf %convert_element_type3A_49, %mul3A_57 : vector<256x128xf32>
    %reduce_sum3A_59 = arith.constant dense<0.000000e+00> : vector<256xf32>
    %reduce_sum3A_60 = vector.multi_reduction <add>, %mul3A_58, %reduce_sum3A_59 [1] : vector<256x128xf32> to vector<256xf32>
    %jit3A = arith.constant 0.000000e+00 : f32
    %broadcast_in_dim3A_61 = vector.broadcast %jit3A : f32 to vector<256xf32>
    %select_n3A = arith.select %lt3A_51, %reduce_sum3A_60, %broadcast_in_dim3A_61 : vector<256xi1>, vector<256xf32>
    %get3A_62 = arith.constant 0 : index
    %get3A_63 = vector.load %arg10[%get3A_62] : memref<128xf32, #tpu.memory_space<vmem>>, vector<128xf32>
    %convert_element_type3A_64 = arith.truncf %get3A_63 : vector<128xf32> to vector<128xbf16>
    %convert_element_type3A_65 = arith.extf %convert_element_type3A_64 : vector<128xbf16> to vector<128xf32>
    %broadcast_in_dim3A_66 = vector.shape_cast %convert_element_type3A_65 : vector<128xf32> to vector<1x128xf32>
    %mul3A_67 = vector.broadcast %broadcast_in_dim3A_66 : vector<1x128xf32> to vector<256x128xf32>
    %mul3A_68 = arith.mulf %convert_element_type3A_49, %mul3A_67 : vector<256x128xf32>
    %reduce_sum3A_69 = arith.constant dense<0.000000e+00> : vector<256xf32>
    %reduce_sum3A_70 = vector.multi_reduction <add>, %mul3A_68, %reduce_sum3A_69 [1] : vector<256x128xf32> to vector<256xf32>
    %swap3A_71 = arith.constant 0 : index
    %swap3A_72 = vector.load %arg14[%swap3A_71] : memref<256xf32, #tpu.memory_space<vmem>>, vector<256xf32>
    tpu.vector_store %arg14[%swap3A_71], %reduce_sum3A_70 {strides = array<i32>} : memref<256xf32, #tpu.memory_space<vmem>>, vector<256xf32>,
    %get3A_73 = arith.constant 0 : index
    %get3A_74 = vector.load %arg11[%get3A_73] : memref<128xf32, #tpu.memory_space<vmem>>, vector<128xf32>
    %convert_element_type3A_75 = arith.truncf %get3A_74 : vector<128xf32> to vector<128xbf16>
    %convert_element_type3A_76 = arith.extf %convert_element_type3A_75 : vector<128xbf16> to vector<128xf32>
    %broadcast_in_dim3A_77 = vector.shape_cast %convert_element_type3A_76 : vector<128xf32> to vector<1x128xf32>
    %mul3A_78 = vector.broadcast %broadcast_in_dim3A_77 : vector<1x128xf32> to vector<256x128xf32>
    %mul3A_79 = arith.mulf %convert_element_type3A_49, %mul3A_78 : vector<256x128xf32>
    %reduce_sum3A_80 = arith.constant dense<0.000000e+00> : vector<256xf32>
    %reduce_sum3A_81 = vector.multi_reduction <add>, %mul3A_79, %reduce_sum3A_80 [1] : vector<256x128xf32> to vector<256xf32>
    %swap3A_82 = arith.constant 0 : index
    %swap3A_83 = vector.load %arg15[%swap3A_82] : memref<256xf32, #tpu.memory_space<vmem>>, vector<256xf32>
    tpu.vector_store %arg15[%swap3A_82], %reduce_sum3A_81 {strides = array<i32>} : memref<256xf32, #tpu.memory_space<vmem>>, vector<256xf32>,
    %eq3A = arith.constant 0 : i32
    %eq3A_84 = arith.cmpi eq, %arg0, %eq3A : i32
    %convert_element_type3A_85 = arith.extui %eq3A_84 : i1 to i32
    %cond3A = arith.constant 0 : i32
    %cond3A_86 = arith.cmpi ne, %convert_element_type3A_85, %cond3A : i32
    scf.if %cond3A_86 {
      %get3A_100 = arith.constant 0 : index
      %get3A_101 = arith.constant 0 : index
      %get3A_102 = vector.load %arg9[%get3A_100, %get3A_101] : memref<1x1xf32, #tpu.memory_space<vmem>>, vector<1x1xf32>
      %mul3A_103 = arith.constant 1.000000e+04 : f32
      %mul3A_104 = vector.broadcast %mul3A_103 : f32 to vector<1x1xf32>
      %mul3A_105 = arith.mulf %mul3A_104, %get3A_102 : vector<1x1xf32>
      %swap3A_106 = arith.constant 0 : index
      %swap3A_107 = arith.constant 0 : index
      %swap3A_108 = vector.load %arg13[%swap3A_106, %swap3A_107] : memref<1x1xf32, #tpu.memory_space<vmem>>, vector<1x1xf32>
      tpu.vector_store %arg13[%swap3A_106, %swap3A_107], %mul3A_105 {strides = array<i32>} : memref<1x1xf32, #tpu.memory_space<vmem>>, vector<1x1xf32>,
    } else {
    }
    %get3A_87 = arith.constant 0 : index
    %get3A_88 = arith.constant 0 : index
    %get3A_89 = vector.load %arg13[%get3A_87, %get3A_88] : memref<1x1xf32, #tpu.memory_space<vmem>>, vector<1x1xf32>
    %reduce_sum3A_90 = vector.shape_cast %select_n3A : vector<256xf32> to vector<1x256xf32>
    %reduce_sum3A_91 = arith.constant dense<0.000000e+00> : vector<1xf32>
    %reduce_sum3A_92 = vector.multi_reduction <add>, %reduce_sum3A_90, %reduce_sum3A_91 [1] : vector<1x256xf32> to vector<1xf32>
    %reduce_sum3A_93 = vector.shape_cast %reduce_sum3A_92 : vector<1xf32> to vector<1x1xf32>
    %reduce_sum3A_94 = vector.extract %reduce_sum3A_93[0, 0] : f32 from vector<1x1xf32>
    %add3A_95 = vector.broadcast %reduce_sum3A_94 : f32 to vector<1x1xf32>
    %add3A_96 = arith.addf %get3A_89, %add3A_95 : vector<1x1xf32>
    %swap3A_97 = arith.constant 0 : index
    %swap3A_98 = arith.constant 0 : index
    %swap3A_99 = vector.load %arg13[%swap3A_97, %swap3A_98] : memref<1x1xf32, #tpu.memory_space<vmem>>, vector<1x1xf32>
    tpu.vector_store %arg13[%swap3A_97, %swap3A_98], %add3A_96 {strides = array<i32>} : memref<1x1xf32, #tpu.memory_space<vmem>>, vector<1x1xf32>,
    return
  }
  func.func @transform_0(%arg0: i32) -> (i32, i32) {
    %c0_i32 = arith.constant 0 : i32
    %c0_i32_0 = arith.constant 0 : i32
    return %arg0, %c0_i32 : i32, i32
  }
  func.func @transform_1(%arg0: i32) -> (i32, i32) {
    %c0_i32 = arith.constant 0 : i32
    %c0_i32_0 = arith.constant 0 : i32
    return %arg0, %c0_i32 : i32, i32
  }
  func.func @transform_2(%arg0: i32) -> (i32, i32) {
    %c0_i32 = arith.constant 0 : i32
    %c0_i32_0 = arith.constant 0 : i32
    return %arg0, %c0_i32 : i32, i32
  }
  func.func @transform_3(%arg0: i32) -> (i32, i32) {
    %c0_i32 = arith.constant 0 : i32
    %c0_i32_0 = arith.constant 0 : i32
    %c0_i32_1 = arith.constant 0 : i32
    return %c0_i32, %c0_i32_0 : i32, i32
  }
  func.func @transform_4(%arg0: i32) -> i32 {
    %c0_i32 = arith.constant 0 : i32
    %c0_i32_0 = arith.constant 0 : i32
    return %c0_i32 : i32
  }
  func.func @transform_5(%arg0: i32) -> (i32, i32) {
    %c0_i32 = arith.constant 0 : i32
    %c0_i32_0 = arith.constant 0 : i32
    %c0_i32_1 = arith.constant 0 : i32
    return %c0_i32, %c0_i32_0 : i32, i32
  }
  func.func @transform_6(%arg0: i32) -> i32 {
    %c0_i32 = arith.constant 0 : i32
    %c0_i32_0 = arith.constant 0 : i32
    return %c0_i32 : i32
  }
  func.func @transform_7(%arg0: i32) -> i32 {
    %c0_i32 = arith.constant 0 : i32
    %c0_i32_0 = arith.constant 0 : i32
    return %c0_i32 : i32
  }
  func.func @transform_8(%arg0: i32) -> (i32, i32) {
    %c0_i32 = arith.constant 0 : i32
    %c0_i32_0 = arith.constant 0 : i32
    %c0_i32_1 = arith.constant 0 : i32
    return %c0_i32, %c0_i32_0 : i32, i32
  }
  func.func @transform_9(%arg0: i32) -> i32 {
    %c0_i32 = arith.constant 0 : i32
    %c0_i32_0 = arith.constant 0 : i32
    return %c0_i32 : i32
  }
  func.func @transform_10(%arg0: i32) -> i32 {
    %c0_i32 = arith.constant 0 : i32
    %c0_i32_0 = arith.constant 0 : i32
    return %c0_i32 : i32
  }
  func.func @transform_11(%arg0: i32) -> (i32, i32) {
    %c0_i32 = arith.constant 0 : i32
    %c0_i32_0 = arith.constant 0 : i32
    return %arg0, %c0_i32 : i32, i32
  }
  func.func @transform_12(%arg0: i32) -> (i32, i32) {
    %c0_i32 = arith.constant 0 : i32
    %c0_i32_0 = arith.constant 0 : i32
    %c0_i32_1 = arith.constant 0 : i32
    return %c0_i32, %c0_i32_0 : i32, i32
  }
  func.func @transform_13(%arg0: i32) -> i32 {
    %c0_i32 = arith.constant 0 : i32
    return %arg0 : i32
  }
  func.func @transform_14(%arg0: i32) -> i32 {
    %c0_i32 = arith.constant 0 : i32
    return %arg0 : i32
  }
}

module attributes {stable_mosaic.version = 14 : i64} {
  func.func @_edge_body(%arg0: i32, %arg1: memref<256xf32, #tpu.memory_space<vmem>>, %arg2: memref<256xf32, #tpu.memory_space<vmem>>, %arg3: memref<256x8xf32, #tpu.memory_space<vmem>>, %arg4: memref<256x8xf32, #tpu.memory_space<vmem>>, %arg5: memref<256x8xf32, #tpu.memory_space<vmem>>, %arg6: memref<1x1xf32, #tpu.memory_space<vmem>>, %arg7: memref<256x8xf32, #tpu.memory_space<vmem>>) attributes {dimension_semantics = [#tpu.dimension_semantics<arbitrary>], iteration_bounds = array<i64: 40>, scalar_prefetch = 0 : i64, scratch_operands = 0 : i64, tpu.core_type = #tpu.core_type<tc>, window_params = [{transform_indices = @transform_0, window_bounds = array<i64: 256>}, {transform_indices = @transform_1, window_bounds = array<i64: 256>}, {transform_indices = @transform_2, window_bounds = array<i64: 256, 8>}, {transform_indices = @transform_3, window_bounds = array<i64: 256, 8>}, {transform_indices = @transform_4, window_bounds = array<i64: 256, 8>}, {pipeline_mode = #tpu.pipeline_mode<synchronous>, transform_indices = @transform_5, window_bounds = array<i64: 1, 1>}, {transform_indices = @transform_6, window_bounds = array<i64: 256, 8>}]} {
    %get3A = arith.constant 0 : index
    %get3A_0 = vector.load %arg1[%get3A] : memref<256xf32, #tpu.memory_space<vmem>>, vector<256xf32>
    %broadcast_in_dim3A = vector.shape_cast %get3A_0 : vector<256xf32> to vector<256x1xf32>
    %get3A_1 = arith.constant 0 : index
    %get3A_2 = arith.constant 0 : index
    %get3A_3 = vector.load %arg4[%get3A_1, %get3A_2] : memref<256x8xf32, #tpu.memory_space<vmem>>, vector<256x8xf32>
    %add3A = vector.broadcast %broadcast_in_dim3A : vector<256x1xf32> to vector<256x8xf32>
    %add3A_4 = arith.addf %add3A, %get3A_3 : vector<256x8xf32>
    %get3A_5 = arith.constant 0 : index
    %get3A_6 = arith.constant 0 : index
    %get3A_7 = vector.load %arg6[%get3A_5, %get3A_6] : memref<1x1xf32, #tpu.memory_space<vmem>>, vector<1x1xf32>
    %get3A_8 = vector.extract %get3A_7[0, 0] : f32 from vector<1x1xf32>
    %add3A_9 = vector.broadcast %get3A_8 : f32 to vector<256x8xf32>
    %add3A_10 = arith.addf %add3A_4, %add3A_9 : vector<256x8xf32>
    %get3A_11 = arith.constant 0 : index
    %get3A_12 = arith.constant 0 : index
    %get3A_13 = vector.load %arg5[%get3A_11, %get3A_12] : memref<256x8xf32, #tpu.memory_space<vmem>>, vector<256x8xf32>
    %get3A_14 = arith.constant 0 : index
    %get3A_15 = vector.load %arg2[%get3A_14] : memref<256xf32, #tpu.memory_space<vmem>>, vector<256xf32>
    %broadcast_in_dim3A_16 = vector.shape_cast %get3A_15 : vector<256xf32> to vector<256x1xf32>
    %sub3A = vector.broadcast %broadcast_in_dim3A_16 : vector<256x1xf32> to vector<256x8xf32>
    %sub3A_17 = arith.subf %get3A_13, %sub3A : vector<256x8xf32>
    %get3A_18 = arith.constant 0 : index
    %get3A_19 = arith.constant 0 : index
    %get3A_20 = vector.load %arg3[%get3A_18, %get3A_19] : memref<256x8xf32, #tpu.memory_space<vmem>>, vector<256x8xf32>
    %lt3A = arith.constant 1.600000e+00 : f32
    %lt3A_21 = vector.broadcast %lt3A : f32 to vector<256x8xf32>
    %lt3A_22 = arith.cmpf olt, %get3A_20, %lt3A_21 : vector<256x8xf32>
    %convert_element_type3A = arith.extui %lt3A_22 : vector<256x8xi1> to vector<256x8xi32>
    %convert_element_type3A_23 = arith.sitofp %convert_element_type3A : vector<256x8xi32> to vector<256x8xf32>
    %mul3A = arith.mulf %add3A_10, %convert_element_type3A_23 : vector<256x8xf32>
    %mul3A_24 = arith.mulf %mul3A, %sub3A_17 : vector<256x8xf32>
    %add3A_25 = arith.constant 9.99999971E-10 : f32
    %add3A_26 = vector.broadcast %add3A_25 : f32 to vector<256x8xf32>
    %add3A_27 = arith.addf %get3A_20, %add3A_26 : vector<256x8xf32>
    %div3A = arith.divf %mul3A_24, %add3A_27 : vector<256x8xf32>
    %swap3A = arith.constant 0 : index
    %swap3A_28 = arith.constant 0 : index
    %swap3A_29 = vector.load %arg7[%swap3A, %swap3A_28] : memref<256x8xf32, #tpu.memory_space<vmem>>, vector<256x8xf32>
    tpu.vector_store %arg7[%swap3A, %swap3A_28], %div3A {strides = array<i32>} : memref<256x8xf32, #tpu.memory_space<vmem>>, vector<256x8xf32>,
    return
  }
  func.func @transform_0(%arg0: i32) -> i32 {
    %c0_i32 = arith.constant 0 : i32
    return %arg0 : i32
  }
  func.func @transform_1(%arg0: i32) -> i32 {
    %c0_i32 = arith.constant 0 : i32
    return %arg0 : i32
  }
  func.func @transform_2(%arg0: i32) -> (i32, i32) {
    %c0_i32 = arith.constant 0 : i32
    %c0_i32_0 = arith.constant 0 : i32
    return %arg0, %c0_i32 : i32, i32
  }
  func.func @transform_3(%arg0: i32) -> (i32, i32) {
    %c0_i32 = arith.constant 0 : i32
    %c0_i32_0 = arith.constant 0 : i32
    return %arg0, %c0_i32 : i32, i32
  }
  func.func @transform_4(%arg0: i32) -> (i32, i32) {
    %c0_i32 = arith.constant 0 : i32
    %c0_i32_0 = arith.constant 0 : i32
    return %arg0, %c0_i32 : i32, i32
  }
  func.func @transform_5(%arg0: i32) -> (i32, i32) {
    %c0_i32 = arith.constant 0 : i32
    %c0_i32_0 = arith.constant 0 : i32
    %c0_i32_1 = arith.constant 0 : i32
    return %c0_i32, %c0_i32_0 : i32, i32
  }
  func.func @transform_6(%arg0: i32) -> (i32, i32) {
    %c0_i32 = arith.constant 0 : i32
    %c0_i32_0 = arith.constant 0 : i32
    return %arg0, %c0_i32 : i32, i32
  }
}

</mosaic_0001>

<sc_bundles>
// kernel: kernel.12.cloned.1.call-start
scs
__scs_entry_jumppad:
0x0: {  	(pc) =	sbr.rel $0x88, $3  }
0x1: {  	(tag) =	ssettag $0x0;
	lr =	simm.s32 $0x1  }
0x2: {  	[smem:$0x3F95] =	sst lr;
	_ =	strace $0xD0000000  }
0x3: {  	_ = 	snop  }
0x4: {  	_ = 	snop  }
0x5: {  	_ = 	snop  }
0x6: {  	_ = 	snop  }
0x7: {  	_ = 	snop  }
__scs_overlays_trampoline_lowered:
0x8: {  	[smem:$0x3FA4] =	sst s0  }
0x9: {  	[smem:$0x3FA5] =	sst s1  }
0xa: {  	[smem:$0x3FA6] =	sst s2  }
0xb: {  	[smem:$0x3FA7] =	sst s3  }
0xc: {  	[smem:$0x3FA8] =	sst s4  }
0xd: {  	[smem:$0x3FA9] =	sst s5  }
0xe: {  	[smem:$0x3FAA] =	sst s6  }
0xf: {  	[smem:$0x3FAB] =	sst s7  }
0x10: {  	[smem:$0x3FAC] =	sst s8  }
0x11: {  	[smem:$0x3FAD] =	sst s9;
	s0 =	simm.s32 @!p0 $0x0  }
0x12: {  	s1 =	sld [smem:$0x3F93];
	s0 =	simm.s32 @p0 $0x1  }
0x13: {  	[smem:$0x3FAE] =	sst s0;
	s0 =	simm.s32 @!p1 $0x0  }
0x14: {  	s2 =	sld [smem:$0x3F92];
	s0 =	simm.s32 @p1 $0x1  }
0x15: {  	[smem:$0x3FAF] =	sst s0;
	s0 =	simm.s32 @!p2 $0x0  }
0x16: {  	s3 =	sld [smem:$0x3FDB];
	s0 =	simm.s32 @p2 $0x1  }
0x17: {  	s4 =	simm.s32 $0x1BF5;
	[smem:$0x3FB1] =	sst s0  }
0x18: {  	s0 =	sld [smem:$0x3F94];
	_ =	swait.ge [sflag:s4], $0x0  }
0x19: {  	s7 =	sld [smem:$0x3F95]  }
0x1a: {  	s8 =	sadd.s32 $0xFFFFE003, lr  }
0x1b: {  	s9 =	sadd.s32 $0xFFFFFEF7, lr;
	s5 =	simm.s32 $0xFFFFFFFF;
	p2 =	slt.u32 s8, $0xFFFFF086  }
0x1c: {  	p1 =	slt.u32 s9, $0xF7A;
	s5 =	simm.s32 @!p2 $0x0  }
0x1d: {  	s5 =	simm.s32 @p1 $0x1;
	p0 =	seq.s32 s7, s2  }
0x1e: {  	s7 =	smul.u32 @!p0 $0xF7A, s2;
	p2 =	seq.s32 @!p0 s5, $0x0  }
0x1f: {  	s9 =	smul.u32 $0xF7A, s1;
	s8 =	simm.s32 @!p0 $0x1BF5;
	p2 =	por !p2, p0  }
0x20: {  	[sflag:s8] =	ssyncset.s32 @!p0 $0xFFFFF086;
	s6 =	sadd.s32 @!p0 s3, s7;
	s7 =	simm.s32 @!p0 $0x108  }
0x21: {  	s3 =	sadd.s32 s3, s9;
	s6 =	sadd.s32 @!p0 $0x88, s6;
	s7 =	simm.s32 @p2 $0x1082  }
0x22: {  	[simem:s7], [sflag:s8] =	dma.local @!p0 [hbm:s6], $0xF7A  }
0x23: {  	s9 =	sor.u32 $0xD0000000, s2;
	s6 =	simm.s32 $0x108;
	_ =	swait.ge @!p0 [sflag:s8], $0x0  }
0x24: {  	s3 =	sadd.s32 $0x88, s3;
	s6 =	simm.s32 @!p1 $0x1082;
	[sflag:s4] =	ssyncset.s32 $0xFFFFF086  }
0x25: {  	[simem:s6], [sflag:s4] =	dma.local [hbm:s3], $0xF7A  }
0x26: {  	[smem:$0x3F95] =	sst s1;
	(tag) =	ssettag s2;
	_ =	strace s9  }
0x27: {  	s1 =	sld [smem:$0x3FA5]  }
0x28: {  	s2 =	sld [smem:$0x3FA6]  }
0x29: {  	s4 =	sld [smem:$0x3FA8]  }
0x2a: {  	p0 =	seq.s32 s5, $0x0;
	s5 =	sld [smem:$0x3FA9]  }
0x2b: {  	s6 =	sld [smem:$0x3FAA]  }
0x2c: {  	s7 =	sld [smem:$0x3FAB]  }
0x2d: {  	s3 =	simm.s32 $0x108;
	s8 =	sld [smem:$0x3FAC]  }
0x2e: {  	s3 =	simm.s32 @!p0 $0x1082;
	s9 =	sld [smem:$0x3FAD]  }
0x2f: {  	lr =	sadd.s32 s0, s3;
	s0 =	sld [smem:$0x3FA4]  }
0x30: {  	s3 =	sld [smem:$0x3FA7]  }
0x31: {  	[smem:$0x3FB0] =	sst s10  }
0x32: {  	s10 =	sld [smem:$0x3FAE];
	_ =	sdelay $0x3  }
0x33: {  	p0 =	seq.s32 s10, $0x1;
	s10 =	sld [smem:$0x3FB0];
	_ =	sdelay $0x3  }
0x34: {  	[smem:$0x3FB0] =	sst s10  }
0x35: {  	s10 =	sld [smem:$0x3FAF];
	_ =	sdelay $0x3  }
0x36: {  	p1 =	seq.s32 s10, $0x1;
	s10 =	sld [smem:$0x3FB0];
	_ =	sdelay $0x3  }
0x37: {  	[smem:$0x3FB0] =	sst s10  }
0x38: {  	s10 =	sld [smem:$0x3FB1]  }
0x39: {  	_ = 	snop;
	(pc) =	sbr.ind lr, $3  }
0x3a: {  	_ = 	snop  }
0x3b: {  	_ = 	snop  }
0x3c: {  	p2 =	seq.s32 s10, $0x1;
	s10 =	sld [smem:$0x3FB0]  }
0x3d: {  	_ =	shalt  }
0x3e: {  	_ =	shalt  }
0x3f: {  	_ =	shalt  }
0x40: {  	_ =	shalt  }
0x41: {  	_ =	shalt  }
0x42: {  	_ =	shalt  }
0x43: {  	_ =	shalt  }
0x44: {  	_ =	shalt  }
0x45: {  	_ =	shalt  }
0x46: {  	_ =	shalt  }
0x47: {  	_ =	shalt  }
0x48: {  	_ =	shalt  }
0x49: {  	_ =	shalt  }
0x4a: {  	_ =	shalt  }
0x4b: {  	_ =	shalt  }
0x4c: {  	_ =	shalt  }
0x4d: {  	_ =	shalt  }
0x4e: {  	_ =	shalt  }
0x4f: {  	_ =	shalt  }
0x50: {  	_ =	shalt  }
0x51: {  	_ =	shalt  }
0x52: {  	_ =	shalt  }
0x53: {  	_ =	shalt  }
0x54: {  	_ =	shalt  }
0x55: {  	_ =	shalt  }
0x56: {  	_ =	shalt  }
0x57: {  	_ =	shalt  }
0x58: {  	_ =	shalt  }
0x59: {  	_ =	shalt  }
0x5a: {  	_ =	shalt  }
0x5b: {  	_ =	shalt  }
0x5c: {  	_ =	shalt  }
0x5d: {  	_ =	shalt  }
0x5e: {  	_ =	shalt  }
0x5f: {  	_ =	shalt  }
0x60: {  	_ =	shalt  }
0x61: {  	_ =	shalt  }
0x62: {  	_ =	shalt  }
0x63: {  	_ =	shalt  }
0x64: {  	_ =	shalt  }
0x65: {  	_ =	shalt  }
0x66: {  	_ =	shalt  }
0x67: {  	_ =	shalt  }
0x68: {  	_ =	shalt  }
0x69: {  	_ =	shalt  }
0x6a: {  	_ =	shalt  }
0x6b: {  	_ =	shalt  }
0x6c: {  	_ =	shalt  }
0x6d: {  	_ =	shalt  }
0x6e: {  	_ =	shalt  }
0x6f: {  	_ =	shalt  }
0x70: {  	_ =	shalt  }
0x71: {  	_ =	shalt  }
0x72: {  	_ =	shalt  }
0x73: {  	_ =	shalt  }
0x74: {  	_ =	shalt  }
0x75: {  	_ =	shalt  }
0x76: {  	_ =	shalt  }
0x77: {  	_ =	shalt  }
0x78: {  	_ =	shalt  }
0x79: {  	_ =	shalt  }
0x7a: {  	_ =	shalt  }
0x7b: {  	_ =	shalt  }
0x7c: {  	_ =	shalt  }
0x7d: {  	_ =	shalt  }
0x7e: {  	_ =	shalt  }
0x7f: {  	_ =	shalt  }
0x80: {  	_ =	shalt  }
0x81: {  	_ =	shalt  }
0x82: {  	_ =	shalt  }
0x83: {  	_ =	shalt  }
0x84: {  	_ =	shalt  }
0x85: {  	_ =	shalt  }
0x86: {  	_ =	shalt  }
0x87: {  	_ =	shalt  }
.Lfunc_end0:
.L_simem_size_0:
called_computation_lowered:
.L_overlay_start_0:
0x88: {  	s2 =	sld [smem:$0x3FD9]  }
0x89: {  	s3 =	sld [smem:$0x3FFE];
	_ =	sdelay $0x1  }
0x8a: {  	s1 =	srdreg.scid  }
0x8b: {  	s0 =	sand.u32 $0x1, s1  }
0x8c: {  	s14 =	sshll.u32 s0, $0xA;
	s2 =	sadd.s32 s3, s2  }
0x8d: {  	s2 =	sadd.s32 s2, s14  }
0x8e: {  	[smem:$0x3FBC] =	sst s2  }
0x8f: {  	_ = 	snop  }
0x90: {  	s2 =	sld [smem:$0x3FD0];
	_ =	sdelay $0x2  }
0x91: {  	s4 =	simm.s32 $0xA;
	s5 =	simm.s32 $0x10;
	s15 =	sld [smem:$0x3FC6]  }
0x92: {  	[smem:s5], [sflag:s4] =	dma.local [hbm:s2], $0x1  }
0x93: {  	_ =	swait.eq [sflag:s4], $0x1  }
0x94: {  	[sflag:s4] =	ssyncset.done $0x0  }
0x95: {  	[sflag:s4] =	ssyncadd.s32 $0xFFFFFFFF  }
0x96: {  	s16 =	sld [smem:$0x11];
	(tm) =	ssettm $0x1  }
0x97: {  	s17 =	sld [smem:$0x3FFB];
	_ =	sdelay $0x3  }
0x98: {  	_ =	strace s17  }
0x99: {  	s4 =	sld [smem:$0x3FFC];
	_ =	sdelay $0x3  }
0x9a: {  	_ =	strace s4  }
0x9b: {  	s4 =	sld [smem:$0x3FFD];
	_ =	sdelay $0x3  }
0x9c: {  	_ =	strace s4  }
0x9d: {  	_ =	strace $0x8FFFFFFF  }
0x9e: {  	s18 =	sld [smem:$0x3FDB];
	_ =	sdelay $0x1  }
0x9f: {  	s19 =	simm.s32 $_scs_section_size  }
0xa0: {  	s6 =	simm.s32 $_size__tile_overlayer_lowered;
	s7 =	simm.s32 $_tile_overlayer_lowered  }
0xa1: {  	s22 =	simm.s32 $0x1BFF;
	s21 =	sshll.u32 s7, $0x1;
	s4 =	sadd.s32 s19, s18  }
0xa2: {  	s8 =	simm.s32 $0x0;
	s20 =	sshll.u32 s6, $0x1;
	s6 =	sadd.s32 s21, s4  }
0xa3: {  	[timem:s8], [sflag:s22] =	dma.local [hbm:s6], s20  }
0xa4: {  	_ =	swait.ge [sflag:s22], s20  }
0xa5: {  	s5 =	ssub.s32 $0x0, s20;
	[sflag:s22] =	ssyncset.done $0x0  }
0xa6: {  	[sflag:s22] =	ssyncadd.s32 s5;
	_ =	sdelay $0x1  }
0xa7: {  	s23 =	simm.s32 $0x1B8B  }
0xa8: {  	_ =	swait.ge [sflag:s23], $0x1  }
0xa9: {  	[sflag:s23] =	ssyncset.done $0x0  }
0xaa: {  	s25 =	simm.s32 $0x1B8E;
	s24 =	sld [smem:$0x3FFE];
	[sflag:s23] =	ssyncadd.s32 $0xFFFFFFFF  }
0xab: {  	s26 =	simm.s32 $execute0_lowered;
	[smem:$0x3FD2] =	sst s25  }
0xac: {  	s6 =	sshll.u32 s26, $0x1;
	_ =	strace $0x80000046;
	[dreg:$0x1] =	wrdreg $0xFFFFFFFF  }
0xad: {  	s28 =	simm.s32 $_size_execute0_lowered;
	s4 =	sadd.s32 s4, s6;
	[dreg:$0x0] =	wrdreg $0x0  }
0xae: {  	s6 =	sshll.u32 s28, $0x1;
	[dreg:$0x2] =	wrdreg s4  }
0xaf: {  	[dreg:$0x3] =	wrdreg s6  }
0xb0: {  	[dreg:$0x4] =	wrdreg $0xC0  }
0xb1: {  	_ =	task [dreg:s8], $0x5FFFF  }
0xb2: {  	[dreg:$0x1] =	wrdreg $0xFFFFFFFF  }
0xb3: {  	[dreg:$0x0] =	wrdreg $0x60  }
0xb4: {  	[dreg:$0x2] =	wrdreg s24  }
0xb5: {  	[dreg:$0x3] =	wrdreg s16  }
0xb6: {  	[dreg:$0x4] =	wrdreg s15  }
0xb7: {  	[dreg:$0x5] =	wrdreg $0x9  }
0xb8: {  	_ =	task.clear_ibuf [dreg:s8], $0x6FFFF;
	_ =	strace $0x90000046  }
0xb9: {  	s29 =	simm.s32 $0x9;
	_ =	strace $0x80000048  }
0xba: {  	_ =	swait.ge [sflag:s29], $0x1  }
0xbb: {  	[sflag:s29] =	ssyncadd.s32 $0xFFFFFFFF  }
0xbc: {  	_ =	strace $0x90000048  }
0xbd: {  	_ =	sfence  }
0xbe: {  	s30 =	sld [smem:$0x0];
	_ =	sdelay $0x2  }
0xbf: {  	s31 =	sshll.u32 s1, $0xD;
	s1 =	sshrl.u32 s1, $0x2  }
0xc0: {  	s3 =	sand.u32 $0x4000, s31;
	s1 =	sadd.s32 s1, s30  }
0xc1: {  	s0 =	sor.u32 s3, s0;
	s1 =	sshll.u32 s1, $0x11  }
0xc2: {  	s0 =	sor.u32 s1, s0  }
0xc3: {  	s0 =	sadd.s32 $0x8F2B, s0  }
0xc4: {  	[sflag:s0] =	ssyncadd.remote.s32 $0x1  }
0xc5: {  	_ =	sfence.sel $0xFFFF  }
0xc6: {  	[dreg:$0x0] =	wrdreg $0xFFFFFFFF;
	(pc) =	sbr.abs _section_cstart, $3  }
0xc7: {  	[dreg:$0x1] =	wrdreg $0xFFFFFFFF  }
0xc8: {  	_ =	task.clear_ibuf [dreg:s8], $0x2FFFF;
	_ =	strace $0x9FFFFFFF  }
0xc9: {  	(tm) =	ssettm $0x7FFFFFFF  }
tec
execute0_lowered:
.L_overlay_start_1:
0x0: {  	(tag) =	ssettag $0x1  }
0x1: {  	s0 =	rddreg [dreg:$0x0]  }
0x2: {  	s3 =	rddreg [dreg:$0x2]  }
0x3: {  	s1 =	srdreg.scid;
	s6 =	stileid.u32;
	s4 =	simm.s32 $0x0  }
0x4: {  	s28 =	simm.s32 $0x7A00;
	s29 =	simm.s32 $0x50;
	s30 =	simm.s32 $0x7A50  }
0x5: {  	s31 =	simm.s32 $0x1;
	s1 =	sand.u32 $0x1, s1;
	s2 =	smul.u32 $0x5000, s6  }
0x6: {  	[smem:$0x7FF] =	sst s4;
	s6 =	sshll.u32 s6, $0x1;
	s7 =	sadd.s32 $0x7000, s0  }
0x7: {  	s17 =	sadd.s32 $0x7600, s0;
	s14 =	sadd.s32 $0x7C00, s0;
	s5 =	smul.u32 $0x2800, s1  }
0x8: {  	_ =	strace $0x80000047;
	[dreg:$0x4] =	wrdreg s7;
	s16 =	sor.u32 s1, s6  }
0x9: {  	[dreg:$0x5] =	wrdreg s17;
	s1 =	ssub.s32 $0x2, s1;
	s18 =	smul.u32 $0x140, s16  }
0xa: {  	s19 =	sshrl.u32 s1, $0x1;
	s2 =	sadd.s32 s5, s2;
	s5 =	smul.u32 $0x1400, s16  }
0xb: {  	s1 =	ssub.s32 s1, s19;
	s2 =	sshrl.u32 s2, $0x3;
	s8 =	sshrl.u32 s18, $0x3  }
0xc: {  	s21 =	sadd.s32 $0x50, s18;
	s13 =	sadd.s32 $0xA0, s18;
	s25 =	sadd.s32 $0xF0, s18  }
0xd: {  	s2 =	sadd.s32 s2, s0;
	s0 =	sadd.s32 $0x58200, s0;
	s20 =	sadd.s32 s14, s8  }
0xe: {  	s8 =	smax.u32 s1, $0x1;
	s22 =	sshrl.u32 s21, $0x3;
	s1 =	sshll.u32 s21, $0x4  }
0xf: {  	s23 =	sshrl.u32 s13, $0x3;
	s24 =	sshll.u32 s13, $0x4;
	s26 =	sshrl.u32 s25, $0x3  }
0x10: {  	s21 =	simm.s32 $0x2800;
	[dreg:$0x6] =	wrdreg s20;
	s9 =	sadd.s32 s0, s5  }
0x11: {  	s10 =	sadd.s32 s14, s22;
	s11 =	sadd.s32 s0, s1;
	s12 =	sadd.s32 s14, s23  }
0x12: {  	s13 =	sadd.s32 s0, s24;
	s5 =	sshll.u32 s25, $0x4;
	s14 =	sadd.s32 s14, s26  }
0x13: {  	s16 =	sadd.s32 $0x4E200, s2;
	s17 =	sadd.s32 $0x3A200, s2;
	s18 =	sadd.s32 $0x44200, s2  }
0x14: {  	s19 =	sadd.s32 $0x30200, s2;
	s20 =	simm.s32 $0x2;
	s22 =	simm.s32 $0x5000  }
0x15: {  	s23 =	simm.s32 $0x7800;
	s24 =	simm.s32 $0x7880;
	s25 =	simm.s32 $0x7900  }
0x16: {  	s26 =	simm.s32 $0x7980;
	s15 =	sadd.s32 s0, s5;
	s0 =	simm.s32 $0x0  }
.LBB2_1:
0x17: {  	s1 =	rddreg [dreg:$0x4]  }
0x18: {  	[tilespmem:s4], [sflag:$0x2] =	stream.linear.gather [hbm4b:s1+s4], $0x2800, $0x38;
	[tilespmem:$0xA250] =	vst v63  }
0x19: {  	_ =	swait.ge [sflag:s20], $0x2800  }
0x1a: {  	[sflag:s20] =	ssyncset.done $0x0  }
0x1b: {  	s6 =	rddreg [dreg:$0x5];
	[sflag:s20] =	ssyncadd.s32 $0xFFFFD800  }
0x1c: {  	[tilespmem:s21], [sflag:$0x2] =	stream.linear.gather [hbm4b:s6+s4], $0x2800, $0x38;
	[tilespmem:$0xA250] =	vst v63  }
0x1d: {  	_ =	swait.ge [sflag:s20], $0x2800  }
0x1e: {  	[sflag:s20] =	ssyncset.done $0x0  }
0x1f: {  	[sflag:s20] =	ssyncadd.s32 $0xFFFFD800  }
0x20: {  	s7 =	rddreg [dreg:$0x1]  }
0x21: {  	[tilespmem:s22], [sflag:$0x2] =	stream.linear.gather [hbm4b:s7+s4], $0x2800, $0x38;
	[tilespmem:$0xA250] =	vst v63  }
0x22: {  	_ =	swait.ge [sflag:s20], $0x2800  }
0x23: {  	[sflag:s20] =	ssyncset.done $0x0  }
0x24: {  	s2 =	sadd.s32 $0x0, s19;
	[sflag:s20] =	ssyncadd.s32 $0xFFFFD800  }
0x25: {  	[tilespmem:s23], [sflag:$0x2] =	stream.linear.gather [hbm4b:s2+s4], $0x80, $0x38;
	[tilespmem:$0xA250] =	vst v63  }
0x26: {  	_ =	swait.ge [sflag:s20], $0x80  }
0x27: {  	[sflag:s20] =	ssyncset.done $0x0  }
0x28: {  	[sflag:s20] =	ssyncadd.s32 $0xFFFFFF80  }
0x29: {  	v0 =	vld [tilespmem:$0x7800];
	_ =	sdelay $0x7  }
0x2a: {  	v1 =	vld.idx.msk [tilespmem:v0+s4+$0x0], $0xffff;
	_ =	sdelay $0x4  }
0x2b: {  	[tilespmem:$0x7880] =	vst v1  }
0x2c: {  	v1 =	vld.idx.msk [tilespmem:v0+s21+$0x0], $0xffff;
	_ =	sdelay $0x3  }
0x2d: {  	v2 =	vld [tilespmem:$0x7810]  }
0x2e: {  	[tilespmem:$0x7900] =	vst v1  }
0x2f: {  	v0 =	vld.idx.msk [tilespmem:v0+s22+$0x0], $0xffff;
	_ =	sdelay $0x4  }
0x30: {  	[tilespmem:$0x7980] =	vst v0  }
0x31: {  	v0 =	vld.idx.msk [tilespmem:v2+s4+$0x0], $0xffff;
	_ =	sdelay $0x4  }
0x32: {  	[tilespmem:$0x7890] =	vst v0  }
0x33: {  	v0 =	vld.idx.msk [tilespmem:v2+s21+$0x0], $0xffff;
	_ =	sdelay $0x3  }
0x34: {  	v58 =	vld [tilespmem:$0x7820]  }
0x35: {  	[tilespmem:$0x7910] =	vst v0  }
0x36: {  	v0 =	vld.idx.msk [tilespmem:v2+s22+$0x0], $0xffff;
	_ =	sdelay $0x4  }
0x37: {  	[tilespmem:$0x7990] =	vst v0  }
0x38: {  	v0 =	vld.idx.msk [tilespmem:v58+s4+$0x0], $0xffff;
	_ =	sdelay $0x4  }
0x39: {  	[tilespmem:$0x78A0] =	vst v0  }
0x3a: {  	v0 =	vld.idx.msk [tilespmem:v58+s21+$0x0], $0xffff;
	_ =	sdelay $0x3  }
0x3b: {  	v59 =	vld [tilespmem:$0x7830]  }
0x3c: {  	[tilespmem:$0x7920] =	vst v0  }
0x3d: {  	v0 =	vld.idx.msk [tilespmem:v58+s22+$0x0], $0xffff;
	_ =	sdelay $0x4  }
0x3e: {  	[tilespmem:$0x79A0] =	vst v0  }
0x3f: {  	v0 =	vld.idx.msk [tilespmem:v59+s4+$0x0], $0xffff;
	_ =	sdelay $0x4  }
0x40: {  	[tilespmem:$0x78B0] =	vst v0  }
0x41: {  	v0 =	vld.idx.msk [tilespmem:v59+s21+$0x0], $0xffff;
	_ =	sdelay $0x3  }
0x42: {  	v60 =	vld [tilespmem:$0x7840]  }
0x43: {  	[tilespmem:$0x7930] =	vst v0  }
0x44: {  	v0 =	vld.idx.msk [tilespmem:v59+s22+$0x0], $0xffff;
	_ =	sdelay $0x4  }
0x45: {  	[tilespmem:$0x79B0] =	vst v0  }
0x46: {  	v0 =	vld.idx.msk [tilespmem:v60+s4+$0x0], $0xffff;
	_ =	sdelay $0x4  }
0x47: {  	[tilespmem:$0x78C0] =	vst v0  }
0x48: {  	v0 =	vld.idx.msk [tilespmem:v60+s21+$0x0], $0xffff;
	_ =	sdelay $0x3  }
0x49: {  	v61 =	vld [tilespmem:$0x7850]  }
0x4a: {  	[tilespmem:$0x7940] =	vst v0  }
0x4b: {  	v0 =	vld.idx.msk [tilespmem:v60+s22+$0x0], $0xffff;
	_ =	sdelay $0x4  }
0x4c: {  	[tilespmem:$0x79C0] =	vst v0  }
0x4d: {  	v0 =	vld.idx.msk [tilespmem:v61+s4+$0x0], $0xffff;
	_ =	sdelay $0x4  }
0x4e: {  	[tilespmem:$0x78D0] =	vst v0  }
0x4f: {  	v0 =	vld.idx.msk [tilespmem:v61+s21+$0x0], $0xffff;
	_ =	sdelay $0x3  }
0x50: {  	v62 =	vld [tilespmem:$0x7860]  }
0x51: {  	[tilespmem:$0x7950] =	vst v0  }
0x52: {  	v0 =	vld.idx.msk [tilespmem:v61+s22+$0x0], $0xffff;
	_ =	sdelay $0x4  }
0x53: {  	[tilespmem:$0x79D0] =	vst v0  }
0x54: {  	v0 =	vld.idx.msk [tilespmem:v62+s4+$0x0], $0xffff;
	_ =	sdelay $0x4  }
0x55: {  	[tilespmem:$0x78E0] =	vst v0  }
0x56: {  	v0 =	vld.idx.msk [tilespmem:v62+s21+$0x0], $0xffff;
	_ =	sdelay $0x3  }
0x57: {  	v63 =	vld [tilespmem:$0x7870]  }
0x58: {  	[tilespmem:$0x7960] =	vst v0  }
0x59: {  	v0 =	vld.idx.msk [tilespmem:v62+s22+$0x0], $0xffff;
	_ =	sdelay $0x4  }
0x5a: {  	[tilespmem:$0x79E0] =	vst v0  }
0x5b: {  	v0 =	vld.idx.msk [tilespmem:v63+s4+$0x0], $0xffff;
	_ =	sdelay $0x4  }
0x5c: {  	[tilespmem:$0x78F0] =	vst v0  }
0x5d: {  	v0 =	vld.idx.msk [tilespmem:v63+s21+$0x0], $0xffff;
	_ =	sdelay $0x4  }
0x5e: {  	[tilespmem:$0x7970] =	vst v0  }
0x5f: {  	v0 =	vld.idx.msk [tilespmem:v63+s22+$0x0], $0xffff;
	_ =	sdelay $0x4  }
0x60: {  	s5 =	sadd.s32 $0x0, s18;
	[tilespmem:$0x79F0] =	vst v0  }
0x61: {  	[hbm4b:s5+s4] =	stream.linear.scatter [tilespmem:s24], [sflag:$0x2], $0x80, $0x38;
	[tilespmem:$0xA250] =	vst v63  }
0x62: {  	_ =	swait.ge [sflag:s20], $0x80  }
0x63: {  	[sflag:s20] =	ssyncset.done $0x0  }
0x64: {  	s6 =	sadd.s32 $0x0, s17;
	[sflag:s20] =	ssyncadd.s32 $0xFFFFFF80  }
0x65: {  	[hbm4b:s6+s4] =	stream.linear.scatter [tilespmem:s25], [sflag:$0x2], $0x80, $0x38;
	[tilespmem:$0xA250] =	vst v63  }
0x66: {  	_ =	swait.ge [sflag:s20], $0x80  }
0x67: {  	[sflag:s20] =	ssyncset.done $0x0  }
0x68: {  	s7 =	sadd.s32 $0x0, s16;
	[sflag:s20] =	ssyncadd.s32 $0xFFFFFF80  }
0x69: {  	[hbm4b:s7+s4] =	stream.linear.scatter [tilespmem:s26], [sflag:$0x2], $0x80, $0x38;
	[tilespmem:$0xA250] =	vst v63  }
0x6a: {  	_ =	swait.ge [sflag:s20], $0x80  }
0x6b: {  	s1 =	simm.s32 $0x10;
	s2 =	simm.s32 $0x20;
	[sflag:s20] =	ssyncset.done $0x0  }
.LBB2_2:
0x6c: {  	s7 =	sadd.s32 s1, s19  }
0x6d: {  	[sflag:s20] =	ssyncadd.s32 $0xFFFFFF80;
	s5 =	smov.u32 s2;
	s6 =	sadd.s32 $0x10, s2  }
0x6e: {  	[tilespmem:s23], [sflag:$0x2] =	stream.linear.gather [hbm4b:s7+s4], $0x80, $0x38;
	[tilespmem:$0xA250] =	vst v63  }
0x6f: {  	p0 =	sne.s32 s2, $0x4F0;
	_ =	swait.ge [sflag:s20], $0x80  }
0x70: {  	[sflag:s20] =	ssyncset.done $0x0  }
0x71: {  	[sflag:s20] =	ssyncadd.s32 $0xFFFFFF80  }
0x72: {  	v0 =	vld [tilespmem:$0x7800];
	_ =	sdelay $0x7  }
0x73: {  	v1 =	vld.idx.msk [tilespmem:v0+s4+$0x0], $0xffff;
	_ =	sdelay $0x5  }
0x74: {  	[tilespmem:$0x7880] =	vst v1  }
0x75: {  	v1 =	vld.idx.msk [tilespmem:v0+s21+$0x0], $0xffff;
	_ =	sdelay $0x5  }
0x76: {  	[tilespmem:$0x7900] =	vst v1;
	v1 =	vld [tilespmem:$0x7810]  }
0x77: {  	v0 =	vld.idx.msk [tilespmem:v0+s22+$0x0], $0xffff;
	_ =	sdelay $0x5  }
0x78: {  	[tilespmem:$0x7980] =	vst v0  }
0x79: {  	v0 =	vld.idx.msk [tilespmem:v1+s4+$0x0], $0xffff;
	_ =	sdelay $0x5  }
0x7a: {  	[tilespmem:$0x7890] =	vst v0  }
0x7b: {  	v0 =	vld.idx.msk [tilespmem:v1+s21+$0x0], $0xffff;
	_ =	sdelay $0x5  }
0x7c: {  	[tilespmem:$0x7910] =	vst v0;
	v0 =	vld [tilespmem:$0x7820]  }
0x7d: {  	v1 =	vld.idx.msk [tilespmem:v1+s22+$0x0], $0xffff;
	_ =	sdelay $0x5  }
0x7e: {  	[tilespmem:$0x7990] =	vst v1  }
0x7f: {  	v1 =	vld.idx.msk [tilespmem:v0+s4+$0x0], $0xffff;
	_ =	sdelay $0x5  }
0x80: {  	[tilespmem:$0x78A0] =	vst v1  }
0x81: {  	v1 =	vld.idx.msk [tilespmem:v0+s21+$0x0], $0xffff;
	_ =	sdelay $0x5  }
0x82: {  	[tilespmem:$0x7920] =	vst v1;
	v1 =	vld [tilespmem:$0x7830]  }
0x83: {  	v0 =	vld.idx.msk [tilespmem:v0+s22+$0x0], $0xffff;
	_ =	sdelay $0x5  }
0x84: {  	[tilespmem:$0x79A0] =	vst v0  }
0x85: {  	v0 =	vld.idx.msk [tilespmem:v1+s4+$0x0], $0xffff;
	_ =	sdelay $0x5  }
0x86: {  	[tilespmem:$0x78B0] =	vst v0  }
0x87: {  	v0 =	vld.idx.msk [tilespmem:v1+s21+$0x0], $0xffff;
	_ =	sdelay $0x5  }
0x88: {  	[tilespmem:$0x7930] =	vst v0;
	v0 =	vld [tilespmem:$0x7840]  }
0x89: {  	v1 =	vld.idx.msk [tilespmem:v1+s22+$0x0], $0xffff;
	_ =	sdelay $0x5  }
0x8a: {  	[tilespmem:$0x79B0] =	vst v1  }
0x8b: {  	v1 =	vld.idx.msk [tilespmem:v0+s4+$0x0], $0xffff;
	_ =	sdelay $0x5  }
0x8c: {  	[tilespmem:$0x78C0] =	vst v1  }
0x8d: {  	v1 =	vld.idx.msk [tilespmem:v0+s21+$0x0], $0xffff;
	_ =	sdelay $0x5  }
0x8e: {  	[tilespmem:$0x7940] =	vst v1;
	v1 =	vld [tilespmem:$0x7850]  }
0x8f: {  	v0 =	vld.idx.msk [tilespmem:v0+s22+$0x0], $0xffff;
	_ =	sdelay $0x5  }
0x90: {  	[tilespmem:$0x79C0] =	vst v0  }
0x91: {  	v0 =	vld.idx.msk [tilespmem:v1+s4+$0x0], $0xffff;
	_ =	sdelay $0x5  }
0x92: {  	[tilespmem:$0x78D0] =	vst v0  }
0x93: {  	v0 =	vld.idx.msk [tilespmem:v1+s21+$0x0], $0xffff;
	_ =	sdelay $0x5  }
0x94: {  	[tilespmem:$0x7950] =	vst v0;
	v0 =	vld [tilespmem:$0x7860]  }
0x95: {  	v1 =	vld.idx.msk [tilespmem:v1+s22+$0x0], $0xffff;
	_ =	sdelay $0x5  }
0x96: {  	[tilespmem:$0x79D0] =	vst v1  }
0x97: {  	v1 =	vld.idx.msk [tilespmem:v0+s4+$0x0], $0xffff;
	_ =	sdelay $0x5  }
0x98: {  	[tilespmem:$0x78E0] =	vst v1  }
0x99: {  	v1 =	vld.idx.msk [tilespmem:v0+s21+$0x0], $0xffff;
	_ =	sdelay $0x5  }
0x9a: {  	[tilespmem:$0x7960] =	vst v1;
	v1 =	vld [tilespmem:$0x7870]  }
0x9b: {  	v0 =	vld.idx.msk [tilespmem:v0+s22+$0x0], $0xffff;
	_ =	sdelay $0x5  }
0x9c: {  	[tilespmem:$0x79E0] =	vst v0  }
0x9d: {  	v0 =	vld.idx.msk [tilespmem:v1+s4+$0x0], $0xffff;
	_ =	sdelay $0x5  }
0x9e: {  	[tilespmem:$0x78F0] =	vst v0  }
0x9f: {  	v0 =	vld.idx.msk [tilespmem:v1+s21+$0x0], $0xffff;
	_ =	sdelay $0x5  }
0xa0: {  	[tilespmem:$0x7970] =	vst v0  }
0xa1: {  	v0 =	vld.idx.msk [tilespmem:v1+s22+$0x0], $0xffff;
	_ =	sdelay $0x5  }
0xa2: {  	s2 =	sadd.s32 s1, s18;
	[tilespmem:$0x79F0] =	vst v0  }
0xa3: {  	[hbm4b:s2+s4] =	stream.linear.scatter [tilespmem:s24], [sflag:$0x2], $0x80, $0x38;
	[tilespmem:$0xA250] =	vst v63  }
0xa4: {  	_ =	swait.ge [sflag:s20], $0x80  }
0xa5: {  	[sflag:s20] =	ssyncset.done $0x0  }
0xa6: {  	s2 =	sadd.s32 s1, s17;
	[sflag:s20] =	ssyncadd.s32 $0xFFFFFF80  }
0xa7: {  	[hbm4b:s2+s4] =	stream.linear.scatter [tilespmem:s25], [sflag:$0x2], $0x80, $0x38;
	[tilespmem:$0xA250] =	vst v63  }
0xa8: {  	_ =	swait.ge [sflag:s20], $0x80  }
.Ltmp0:
0xa9: {  	[sflag:s20] =	ssyncset.done $0x0;
	(pc) =	sbr.rel @p0 .LBB2_2-.Ltmp0, $4  }
0xaa: {  	s2 =	sadd.s32 s1, s16;
	s1 =	smov.u32 s5;
	[sflag:s20] =	ssyncadd.s32 $0xFFFFFF80  }
0xab: {  	[hbm4b:s2+s4] =	stream.linear.scatter [tilespmem:s26], [sflag:$0x2], $0x80, $0x38;
	[tilespmem:$0xA250] =	vst v63  }
0xac: {  	_ =	swait.ge [sflag:s20], $0x80  }
0xad: {  	s2 =	smov.u32 s6;
	[sflag:s20] =	ssyncset.done $0x0  }
0xae: {  	s2 =	sadd.s32 s1, s19;
	[sflag:s20] =	ssyncadd.s32 $0xFFFFFF80  }
0xaf: {  	[tilespmem:s23], [sflag:$0x2] =	stream.linear.gather [hbm4b:s2+s4], $0x80, $0x38;
	[tilespmem:$0xA250] =	vst v63  }
0xb0: {  	_ =	swait.ge [sflag:s20], $0x80  }
0xb1: {  	[sflag:s20] =	ssyncset.done $0x0  }
0xb2: {  	[sflag:s20] =	ssyncadd.s32 $0xFFFFFF80  }
0xb3: {  	v0 =	vld [tilespmem:$0x7800];
	_ =	sdelay $0x7  }
0xb4: {  	v1 =	vld.idx.msk [tilespmem:v0+s4+$0x0], $0xffff;
	_ =	sdelay $0x4  }
0xb5: {  	[tilespmem:$0x7880] =	vst v1  }
0xb6: {  	v1 =	vld.idx.msk [tilespmem:v0+s21+$0x0], $0xffff;
	_ =	sdelay $0x3  }
0xb7: {  	v2 =	vld [tilespmem:$0x7810]  }
0xb8: {  	[tilespmem:$0x7900] =	vst v1  }
0xb9: {  	v0 =	vld.idx.msk [tilespmem:v0+s22+$0x0], $0xffff;
	_ =	sdelay $0x4  }
0xba: {  	[tilespmem:$0x7980] =	vst v0  }
0xbb: {  	v0 =	vld.idx.msk [tilespmem:v2+s4+$0x0], $0xffff;
	_ =	sdelay $0x4  }
0xbc: {  	[tilespmem:$0x7890] =	vst v0  }
0xbd: {  	v0 =	vld.idx.msk [tilespmem:v2+s21+$0x0], $0xffff;
	_ =	sdelay $0x3  }
0xbe: {  	v58 =	vld [tilespmem:$0x7820]  }
0xbf: {  	[tilespmem:$0x7910] =	vst v0  }
0xc0: {  	v0 =	vld.idx.msk [tilespmem:v2+s22+$0x0], $0xffff;
	_ =	sdelay $0x4  }
0xc1: {  	[tilespmem:$0x7990] =	vst v0  }
0xc2: {  	v0 =	vld.idx.msk [tilespmem:v58+s4+$0x0], $0xffff;
	_ =	sdelay $0x4  }
0xc3: {  	[tilespmem:$0x78A0] =	vst v0  }
0xc4: {  	v0 =	vld.idx.msk [tilespmem:v58+s21+$0x0], $0xffff;
	_ =	sdelay $0x3  }
0xc5: {  	v59 =	vld [tilespmem:$0x7830]  }
0xc6: {  	[tilespmem:$0x7920] =	vst v0  }
0xc7: {  	v0 =	vld.idx.msk [tilespmem:v58+s22+$0x0], $0xffff;
	_ =	sdelay $0x4  }
0xc8: {  	[tilespmem:$0x79A0] =	vst v0  }
0xc9: {  	v0 =	vld.idx.msk [tilespmem:v59+s4+$0x0], $0xffff;
	_ =	sdelay $0x4  }
0xca: {  	[tilespmem:$0x78B0] =	vst v0  }
0xcb: {  	v0 =	vld.idx.msk [tilespmem:v59+s21+$0x0], $0xffff;
	_ =	sdelay $0x3  }
0xcc: {  	v60 =	vld [tilespmem:$0x7840]  }
0xcd: {  	[tilespmem:$0x7930] =	vst v0  }
0xce: {  	v0 =	vld.idx.msk [tilespmem:v59+s22+$0x0], $0xffff;
	_ =	sdelay $0x4  }
0xcf: {  	[tilespmem:$0x79B0] =	vst v0  }
0xd0: {  	v0 =	vld.idx.msk [tilespmem:v60+s4+$0x0], $0xffff;
	_ =	sdelay $0x4  }
0xd1: {  	[tilespmem:$0x78C0] =	vst v0  }
0xd2: {  	v0 =	vld.idx.msk [tilespmem:v60+s21+$0x0], $0xffff;
	_ =	sdelay $0x3  }
0xd3: {  	v61 =	vld [tilespmem:$0x7850]  }
0xd4: {  	[tilespmem:$0x7940] =	vst v0  }
0xd5: {  	v0 =	vld.idx.msk [tilespmem:v60+s22+$0x0], $0xffff;
	_ =	sdelay $0x4  }
0xd6: {  	[tilespmem:$0x79C0] =	vst v0  }
0xd7: {  	v0 =	vld.idx.msk [tilespmem:v61+s4+$0x0], $0xffff;
	_ =	sdelay $0x4  }
0xd8: {  	[tilespmem:$0x78D0] =	vst v0  }
0xd9: {  	v0 =	vld.idx.msk [tilespmem:v61+s21+$0x0], $0xffff;
	_ =	sdelay $0x3  }
0xda: {  	v62 =	vld [tilespmem:$0x7860]  }
0xdb: {  	[tilespmem:$0x7950] =	vst v0  }
0xdc: {  	v0 =	vld.idx.msk [tilespmem:v61+s22+$0x0], $0xffff;
	_ =	sdelay $0x4  }
0xdd: {  	[tilespmem:$0x79D0] =	vst v0  }
0xde: {  	v0 =	vld.idx.msk [tilespmem:v62+s4+$0x0], $0xffff;
	_ =	sdelay $0x4  }
0xdf: {  	[tilespmem:$0x78E0] =	vst v0  }
0xe0: {  	v0 =	vld.idx.msk [tilespmem:v62+s21+$0x0], $0xffff;
	_ =	sdelay $0x3  }
0xe1: {  	v63 =	vld [tilespmem:$0x7870]  }
0xe2: {  	[tilespmem:$0x7960] =	vst v0  }
0xe3: {  	v0 =	vld.idx.msk [tilespmem:v62+s22+$0x0], $0xffff;
	_ =	sdelay $0x4  }
0xe4: {  	[tilespmem:$0x79E0] =	vst v0  }
0xe5: {  	v0 =	vld.idx.msk [tilespmem:v63+s4+$0x0], $0xffff;
	_ =	sdelay $0x4  }
0xe6: {  	[tilespmem:$0x78F0] =	vst v0  }
0xe7: {  	v0 =	vld.idx.msk [tilespmem:v63+s21+$0x0], $0xffff;
	_ =	sdelay $0x4  }
0xe8: {  	[tilespmem:$0x7970] =	vst v0  }
0xe9: {  	v0 =	vld.idx.msk [tilespmem:v63+s22+$0x0], $0xffff;
	_ =	sdelay $0x4  }
0xea: {  	s7 =	sadd.s32 s1, s18;
	[tilespmem:$0x79F0] =	vst v0  }
0xeb: {  	[hbm4b:s7+s4] =	stream.linear.scatter [tilespmem:s24], [sflag:$0x2], $0x80, $0x38;
	[tilespmem:$0xA250] =	vst v63  }
0xec: {  	_ =	swait.ge [sflag:s20], $0x80  }
0xed: {  	[sflag:s20] =	ssyncset.done $0x0  }
0xee: {  	s5 =	sadd.s32 s1, s17;
	[sflag:s20] =	ssyncadd.s32 $0xFFFFFF80  }
0xef: {  	[hbm4b:s5+s4] =	stream.linear.scatter [tilespmem:s25], [sflag:$0x2], $0x80, $0x38;
	[tilespmem:$0xA250] =	vst v63  }
0xf0: {  	_ =	swait.ge [sflag:s20], $0x80  }
0xf1: {  	[sflag:s20] =	ssyncset.done $0x0  }
0xf2: {  	s6 =	sadd.s32 s1, s16;
	[sflag:s20] =	ssyncadd.s32 $0xFFFFFF80  }
0xf3: {  	[hbm4b:s6+s4] =	stream.linear.scatter [tilespmem:s26], [sflag:$0x2], $0x80, $0x38;
	[tilespmem:$0xA250] =	vst v63  }
0xf4: {  	_ =	swait.ge [sflag:s20], $0x80  }
0xf5: {  	[sflag:s20] =	ssyncset.done $0x0  }
0xf6: {  	s7 =	rddreg [dreg:$0x6];
	[sflag:s20] =	ssyncadd.s32 $0xFFFFFF80  }
0xf7: {  	[tilespmem:s28], [sflag:$0x2] =	stream.linear.gather [hbm4b:s7+s4], $0x50, $0x38;
	[tilespmem:$0xA250] =	vst v63  }
0xf8: {  	_ =	swait.ge [sflag:s20], $0x50  }
0xf9: {  	[sflag:s20] =	ssyncset.done $0x0  }
0xfa: {  	[sflag:s20] =	ssyncadd.s32 $0xFFFFFFB0  }
0xfb: {  	[tilespmem:s30], [sflag:$0x1] =	stream.indirect.gather [hbm4b:s3+s29], $0x80, s28, s29, $0xb8;
	[tilespmem:$0xA250] =	vst v63  }
0xfc: {  	_ =	swait.ge [sflag:s31], $0x2800  }
0xfd: {  	[sflag:s31] =	ssyncset.done $0x0  }
0xfe: {  	[sflag:s31] =	ssyncadd.s32 $0xFFFFD800  }
0xff: {  	[hbm4b:s9+s4] =	stream.linear.scatter [tilespmem:s30], [sflag:$0x2], $0x2800, $0x38;
	[tilespmem:$0xA250] =	vst v63  }
0x100: {  	_ =	swait.ge [sflag:s20], $0x2800  }
0x101: {  	[sflag:s20] =	ssyncset.done $0x0  }
0x102: {  	[sflag:s20] =	ssyncadd.s32 $0xFFFFD800  }
0x103: {  	[tilespmem:s28], [sflag:$0x2] =	stream.linear.gather [hbm4b:s10+s4], $0x50, $0x38;
	[tilespmem:$0xA250] =	vst v63  }
0x104: {  	_ =	swait.ge [sflag:s20], $0x50  }
0x105: {  	[sflag:s20] =	ssyncset.done $0x0  }
0x106: {  	[sflag:s20] =	ssyncadd.s32 $0xFFFFFFB0  }
0x107: {  	[tilespmem:s30], [sflag:$0x1] =	stream.indirect.gather [hbm4b:s3+s29], $0x80, s28, s29, $0xb8;
	[tilespmem:$0xA250] =	vst v63  }
0x108: {  	_ =	swait.ge [sflag:s31], $0x2800  }
0x109: {  	[sflag:s31] =	ssyncset.done $0x0  }
0x10a: {  	[sflag:s31] =	ssyncadd.s32 $0xFFFFD800  }
0x10b: {  	[hbm4b:s11+s4] =	stream.linear.scatter [tilespmem:s30], [sflag:$0x2], $0x2800, $0x38;
	[tilespmem:$0xA250] =	vst v63  }
0x10c: {  	_ =	swait.ge [sflag:s20], $0x2800  }
0x10d: {  	[sflag:s20] =	ssyncset.done $0x0  }
0x10e: {  	[sflag:s20] =	ssyncadd.s32 $0xFFFFD800  }
0x10f: {  	[tilespmem:s28], [sflag:$0x2] =	stream.linear.gather [hbm4b:s12+s4], $0x50, $0x38;
	[tilespmem:$0xA250] =	vst v63  }
0x110: {  	_ =	swait.ge [sflag:s20], $0x50  }
0x111: {  	[sflag:s20] =	ssyncset.done $0x0  }
0x112: {  	[sflag:s20] =	ssyncadd.s32 $0xFFFFFFB0  }
0x113: {  	[tilespmem:s30], [sflag:$0x1] =	stream.indirect.gather [hbm4b:s3+s29], $0x80, s28, s29, $0xb8;
	[tilespmem:$0xA250] =	vst v63  }
0x114: {  	_ =	swait.ge [sflag:s31], $0x2800  }
0x115: {  	[sflag:s31] =	ssyncset.done $0x0  }
0x116: {  	[sflag:s31] =	ssyncadd.s32 $0xFFFFD800  }
0x117: {  	[hbm4b:s13+s4] =	stream.linear.scatter [tilespmem:s30], [sflag:$0x2], $0x2800, $0x38;
	[tilespmem:$0xA250] =	vst v63  }
0x118: {  	_ =	swait.ge [sflag:s20], $0x2800  }
0x119: {  	[sflag:s20] =	ssyncset.done $0x0  }
0x11a: {  	[sflag:s20] =	ssyncadd.s32 $0xFFFFD800  }
0x11b: {  	[tilespmem:s28], [sflag:$0x2] =	stream.linear.gather [hbm4b:s14+s4], $0x50, $0x38;
	[tilespmem:$0xA250] =	vst v63  }
0x11c: {  	_ =	swait.ge [sflag:s20], $0x50  }
0x11d: {  	[sflag:s20] =	ssyncset.done $0x0  }
0x11e: {  	[sflag:s20] =	ssyncadd.s32 $0xFFFFFFB0  }
0x11f: {  	[tilespmem:s30], [sflag:$0x1] =	stream.indirect.gather [hbm4b:s3+s29], $0x80, s28, s29, $0xb8;
	[tilespmem:$0xA250] =	vst v63  }
0x120: {  	s0 =	sadd.s32 $0x1, s0;
	_ =	swait.ge [sflag:s31], $0x2800  }
0x121: {  	p0 =	sne.s32 s0, s8;
	[sflag:s31] =	ssyncset.done $0x0  }
.Ltmp1:
0x122: {  	[sflag:s31] =	ssyncadd.s32 $0xFFFFD800;
	(pc) =	sbr.rel @p0 .LBB2_1-.Ltmp1, $4  }
0x123: {  	[hbm4b:s15+s4] =	stream.linear.scatter [tilespmem:s30], [sflag:$0x2], $0x2800, $0x38;
	[tilespmem:$0xA250] =	vst v63  }
0x124: {  	_ =	swait.ge [sflag:s20], $0x2800  }
0x125: {  	[sflag:s20] =	ssyncset.done $0x0  }
0x126: {  	[sflag:s20] =	ssyncadd.s32 $0xFFFFD800  }
0x127: {  	_ =	sfence.sel $0x180000  }
0x128: {  	[bflag:$0x0] =	sbarrier.arrive $0xFFFF  }
0x129: {  	_ =	strace $0x90000047  }
0x12a: {  	s0 =	stileid.u32;
	[bflag:$0x2] =	sbarrier.arrive $0xFFFF  }
0x12b: {  	p0 =	sne.s32 s0, $0x0;
	s0 =	rddreg [dreg:$0x3]  }
0x12c: {  	s0 =	sadd.s32 @!p0 $0x100000, s0  }
0x12d: {  	[sflag:s0] =	ssyncadd.tile.s32 @!p0 $0x1;
	_ =	shalt  }
.Lfunc_end2:
_tile_overlayer_lowered:
.L_overlay_start_2:
0x12e: {  	(tag) =	ssettag $0x2  }
0x12f: {  	s0 =	rddreg [dreg:$0x0];
	s2 =	stileid.u32  }
0x130: {  	s1 =	rddreg [dreg:$0x1];
	p0 =	sne.s32 s2, $0x0  }
0x131: {  	s3 =	rddreg [dreg:$0x2];
	[bflag:$0x3] =	sbarrier.arrive $0xFFFF;
	s2 =	simm.s32 @!p0 $0x1C02  }
0x132: {  	[timem:s3], [sflag:s2] =	dma.local @!p0 [hbm:s0], s1  }
0x133: {  	s0 =	simm.s32 @!p0 $0x2  }
0x134: {  	_ =	swait.ge @!p0 [sflag:s0], s1  }
0x135: {  	s1 =	ssub.s32 @!p0 $0x0, s1;
	[sflag:s0] =	ssyncset.done @!p0 $0x0  }
0x136: {  	[sflag:s0] =	ssyncadd.s32 @!p0 s1  }
0x137: {  	[bflag:$0x3] =	sbarrier.arrive $0xFFFF  }
0x138: {  	_ =	shalt  }

// kernel: kernel.15.cloned.1.call-start
scs
__scs_entry_jumppad:
0x0: {  	(pc) =	sbr.rel $0x88, $3  }
0x1: {  	(tag) =	ssettag $0x0;
	lr =	simm.s32 $0x1  }
0x2: {  	[smem:$0x3F95] =	sst lr;
	_ =	strace $0xD0000000  }
0x3: {  	_ = 	snop  }
0x4: {  	_ = 	snop  }
0x5: {  	_ = 	snop  }
0x6: {  	_ = 	snop  }
0x7: {  	_ = 	snop  }
__scs_overlays_trampoline_lowered:
0x8: {  	[smem:$0x3FA4] =	sst s0  }
0x9: {  	[smem:$0x3FA5] =	sst s1  }
0xa: {  	[smem:$0x3FA6] =	sst s2  }
0xb: {  	[smem:$0x3FA7] =	sst s3  }
0xc: {  	[smem:$0x3FA8] =	sst s4  }
0xd: {  	[smem:$0x3FA9] =	sst s5  }
0xe: {  	[smem:$0x3FAA] =	sst s6  }
0xf: {  	[smem:$0x3FAB] =	sst s7  }
0x10: {  	[smem:$0x3FAC] =	sst s8  }
0x11: {  	[smem:$0x3FAD] =	sst s9;
	s0 =	simm.s32 @!p0 $0x0  }
0x12: {  	s1 =	sld [smem:$0x3F93];
	s0 =	simm.s32 @p0 $0x1  }
0x13: {  	[smem:$0x3FAE] =	sst s0;
	s0 =	simm.s32 @!p1 $0x0  }
0x14: {  	s2 =	sld [smem:$0x3F92];
	s0 =	simm.s32 @p1 $0x1  }
0x15: {  	[smem:$0x3FAF] =	sst s0;
	s0 =	simm.s32 @!p2 $0x0  }
0x16: {  	s3 =	sld [smem:$0x3FDB];
	s0 =	simm.s32 @p2 $0x1  }
0x17: {  	s4 =	simm.s32 $0x1BF5;
	[smem:$0x3FB1] =	sst s0  }
0x18: {  	s0 =	sld [smem:$0x3F94];
	_ =	swait.ge [sflag:s4], $0x0  }
0x19: {  	s7 =	sld [smem:$0x3F95]  }
0x1a: {  	s8 =	sadd.s32 $0xFFFFE003, lr  }
0x1b: {  	s9 =	sadd.s32 $0xFFFFFEF7, lr;
	s5 =	simm.s32 $0xFFFFFFFF;
	p2 =	slt.u32 s8, $0xFFFFF086  }
0x1c: {  	p1 =	slt.u32 s9, $0xF7A;
	s5 =	simm.s32 @!p2 $0x0  }
0x1d: {  	s5 =	simm.s32 @p1 $0x1;
	p0 =	seq.s32 s7, s2  }
0x1e: {  	s7 =	smul.u32 @!p0 $0xF7A, s2;
	p2 =	seq.s32 @!p0 s5, $0x0  }
0x1f: {  	s9 =	smul.u32 $0xF7A, s1;
	s8 =	simm.s32 @!p0 $0x1BF5;
	p2 =	por !p2, p0  }
0x20: {  	[sflag:s8] =	ssyncset.s32 @!p0 $0xFFFFF086;
	s6 =	sadd.s32 @!p0 s3, s7;
	s7 =	simm.s32 @!p0 $0x108  }
0x21: {  	s3 =	sadd.s32 s3, s9;
	s6 =	sadd.s32 @!p0 $0x88, s6;
	s7 =	simm.s32 @p2 $0x1082  }
0x22: {  	[simem:s7], [sflag:s8] =	dma.local @!p0 [hbm:s6], $0xF7A  }
0x23: {  	s9 =	sor.u32 $0xD0000000, s2;
	s6 =	simm.s32 $0x108;
	_ =	swait.ge @!p0 [sflag:s8], $0x0  }
0x24: {  	s3 =	sadd.s32 $0x88, s3;
	s6 =	simm.s32 @!p1 $0x1082;
	[sflag:s4] =	ssyncset.s32 $0xFFFFF086  }
0x25: {  	[simem:s6], [sflag:s4] =	dma.local [hbm:s3], $0xF7A  }
0x26: {  	[smem:$0x3F95] =	sst s1;
	(tag) =	ssettag s2;
	_ =	strace s9  }
0x27: {  	s1 =	sld [smem:$0x3FA5]  }
0x28: {  	s2 =	sld [smem:$0x3FA6]  }
0x29: {  	s4 =	sld [smem:$0x3FA8]  }
0x2a: {  	p0 =	seq.s32 s5, $0x0;
	s5 =	sld [smem:$0x3FA9]  }
0x2b: {  	s6 =	sld [smem:$0x3FAA]  }
0x2c: {  	s7 =	sld [smem:$0x3FAB]  }
0x2d: {  	s3 =	simm.s32 $0x108;
	s8 =	sld [smem:$0x3FAC]  }
0x2e: {  	s3 =	simm.s32 @!p0 $0x1082;
	s9 =	sld [smem:$0x3FAD]  }
0x2f: {  	lr =	sadd.s32 s0, s3;
	s0 =	sld [smem:$0x3FA4]  }
0x30: {  	s3 =	sld [smem:$0x3FA7]  }
0x31: {  	[smem:$0x3FB0] =	sst s10  }
0x32: {  	s10 =	sld [smem:$0x3FAE];
	_ =	sdelay $0x3  }
0x33: {  	p0 =	seq.s32 s10, $0x1;
	s10 =	sld [smem:$0x3FB0];
	_ =	sdelay $0x3  }
0x34: {  	[smem:$0x3FB0] =	sst s10  }
0x35: {  	s10 =	sld [smem:$0x3FAF];
	_ =	sdelay $0x3  }
0x36: {  	p1 =	seq.s32 s10, $0x1;
	s10 =	sld [smem:$0x3FB0];
	_ =	sdelay $0x3  }
0x37: {  	[smem:$0x3FB0] =	sst s10  }
0x38: {  	s10 =	sld [smem:$0x3FB1]  }
0x39: {  	_ = 	snop;
	(pc) =	sbr.ind lr, $3  }
0x3a: {  	_ = 	snop  }
0x3b: {  	_ = 	snop  }
0x3c: {  	p2 =	seq.s32 s10, $0x1;
	s10 =	sld [smem:$0x3FB0]  }
0x3d: {  	_ =	shalt  }
0x3e: {  	_ =	shalt  }
0x3f: {  	_ =	shalt  }
0x40: {  	_ =	shalt  }
0x41: {  	_ =	shalt  }
0x42: {  	_ =	shalt  }
0x43: {  	_ =	shalt  }
0x44: {  	_ =	shalt  }
0x45: {  	_ =	shalt  }
0x46: {  	_ =	shalt  }
0x47: {  	_ =	shalt  }
0x48: {  	_ =	shalt  }
0x49: {  	_ =	shalt  }
0x4a: {  	_ =	shalt  }
0x4b: {  	_ =	shalt  }
0x4c: {  	_ =	shalt  }
0x4d: {  	_ =	shalt  }
0x4e: {  	_ =	shalt  }
0x4f: {  	_ =	shalt  }
0x50: {  	_ =	shalt  }
0x51: {  	_ =	shalt  }
0x52: {  	_ =	shalt  }
0x53: {  	_ =	shalt  }
0x54: {  	_ =	shalt  }
0x55: {  	_ =	shalt  }
0x56: {  	_ =	shalt  }
0x57: {  	_ =	shalt  }
0x58: {  	_ =	shalt  }
0x59: {  	_ =	shalt  }
0x5a: {  	_ =	shalt  }
0x5b: {  	_ =	shalt  }
0x5c: {  	_ =	shalt  }
0x5d: {  	_ =	shalt  }
0x5e: {  	_ =	shalt  }
0x5f: {  	_ =	shalt  }
0x60: {  	_ =	shalt  }
0x61: {  	_ =	shalt  }
0x62: {  	_ =	shalt  }
0x63: {  	_ =	shalt  }
0x64: {  	_ =	shalt  }
0x65: {  	_ =	shalt  }
0x66: {  	_ =	shalt  }
0x67: {  	_ =	shalt  }
0x68: {  	_ =	shalt  }
0x69: {  	_ =	shalt  }
0x6a: {  	_ =	shalt  }
0x6b: {  	_ =	shalt  }
0x6c: {  	_ =	shalt  }
0x6d: {  	_ =	shalt  }
0x6e: {  	_ =	shalt  }
0x6f: {  	_ =	shalt  }
0x70: {  	_ =	shalt  }
0x71: {  	_ =	shalt  }
0x72: {  	_ =	shalt  }
0x73: {  	_ =	shalt  }
0x74: {  	_ =	shalt  }
0x75: {  	_ =	shalt  }
0x76: {  	_ =	shalt  }
0x77: {  	_ =	shalt  }
0x78: {  	_ =	shalt  }
0x79: {  	_ =	shalt  }
0x7a: {  	_ =	shalt  }
0x7b: {  	_ =	shalt  }
0x7c: {  	_ =	shalt  }
0x7d: {  	_ =	shalt  }
0x7e: {  	_ =	shalt  }
0x7f: {  	_ =	shalt  }
0x80: {  	_ =	shalt  }
0x81: {  	_ =	shalt  }
0x82: {  	_ =	shalt  }
0x83: {  	_ =	shalt  }
0x84: {  	_ =	shalt  }
0x85: {  	_ =	shalt  }
0x86: {  	_ =	shalt  }
0x87: {  	_ =	shalt  }
.Lfunc_end0:
.L_simem_size_0:
called_computation.1_lowered:
.L_overlay_start_0:
0x88: {  	s2 =	sld [smem:$0x3FD9]  }
0x89: {  	s3 =	sld [smem:$0x3FFE];
	_ =	sdelay $0x1  }
0x8a: {  	s1 =	srdreg.scid  }
0x8b: {  	s0 =	sand.u32 $0x1, s1  }
0x8c: {  	s16 =	sshll.u32 s0, $0xA;
	s2 =	sadd.s32 s3, s2  }
0x8d: {  	s2 =	sadd.s32 s2, s16  }
0x8e: {  	[smem:$0x3FBC] =	sst s2  }
0x8f: {  	_ = 	snop  }
0x90: {  	(tm) =	ssettm $0x1  }
0x91: {  	s17 =	sld [smem:$0x3FFB];
	_ =	sdelay $0x3  }
0x92: {  	_ =	strace s17  }
0x93: {  	s2 =	sld [smem:$0x3FFC];
	_ =	sdelay $0x3  }
0x94: {  	_ =	strace s2  }
0x95: {  	s2 =	sld [smem:$0x3FFD];
	_ =	sdelay $0x3  }
0x96: {  	_ =	strace s2  }
0x97: {  	_ =	strace $0x8FFFFFFF  }
0x98: {  	s18 =	sld [smem:$0x3FDB];
	_ =	sdelay $0x1  }
0x99: {  	s19 =	simm.s32 $_scs_section_size  }
0x9a: {  	s4 =	simm.s32 $_size__tile_overlayer_lowered;
	s5 =	simm.s32 $_tile_overlayer_lowered  }
0x9b: {  	s22 =	simm.s32 $0x1BFF;
	s21 =	sshll.u32 s5, $0x1;
	s2 =	sadd.s32 s19, s18  }
0x9c: {  	s6 =	simm.s32 $0x0;
	s20 =	sshll.u32 s4, $0x1;
	s4 =	sadd.s32 s21, s2  }
0x9d: {  	[timem:s6], [sflag:s22] =	dma.local [hbm:s4], s20  }
0x9e: {  	_ =	swait.ge [sflag:s22], s20  }
0x9f: {  	s3 =	ssub.s32 $0x0, s20;
	[sflag:s22] =	ssyncset.done $0x0  }
0xa0: {  	[sflag:s22] =	ssyncadd.s32 s3;
	_ =	sdelay $0x1  }
0xa1: {  	s23 =	simm.s32 $0x1B8B  }
0xa2: {  	_ =	swait.ge [sflag:s23], $0x1  }
0xa3: {  	[sflag:s23] =	ssyncset.done $0x0  }
0xa4: {  	s25 =	simm.s32 $0x1B8E;
	s24 =	sld [smem:$0x3FFE];
	[sflag:s23] =	ssyncadd.s32 $0xFFFFFFFF  }
0xa5: {  	s26 =	simm.s32 $execute0_lowered;
	[smem:$0x3FD2] =	sst s25  }
0xa6: {  	s4 =	sshll.u32 s26, $0x1;
	_ =	strace $0x80000049;
	[dreg:$0x1] =	wrdreg $0xFFFFFFFF  }
0xa7: {  	s28 =	simm.s32 $_size_execute0_lowered;
	s2 =	sadd.s32 s2, s4;
	[dreg:$0x0] =	wrdreg $0x0  }
0xa8: {  	s4 =	sshll.u32 s28, $0x1;
	[dreg:$0x2] =	wrdreg s2  }
0xa9: {  	[dreg:$0x3] =	wrdreg s4  }
0xaa: {  	[dreg:$0x4] =	wrdreg $0xC0  }
0xab: {  	_ =	task [dreg:s6], $0x5FFFF  }
0xac: {  	[dreg:$0x1] =	wrdreg $0xFFFFFFFF  }
0xad: {  	[dreg:$0x0] =	wrdreg $0x60  }
0xae: {  	[dreg:$0x2] =	wrdreg s24  }
0xaf: {  	[dreg:$0x3] =	wrdreg $0x9  }
0xb0: {  	_ =	task.clear_ibuf [dreg:s6], $0x4FFFF;
	_ =	strace $0x90000049  }
0xb1: {  	s29 =	simm.s32 $0x9;
	_ =	strace $0x8000004B  }
0xb2: {  	_ =	swait.ge [sflag:s29], $0x1  }
0xb3: {  	[sflag:s29] =	ssyncadd.s32 $0xFFFFFFFF  }
0xb4: {  	_ =	strace $0x9000004B  }
0xb5: {  	_ =	sfence  }
0xb6: {  	s30 =	sld [smem:$0x0];
	_ =	sdelay $0x2  }
0xb7: {  	s31 =	sshll.u32 s1, $0xD;
	s1 =	sshrl.u32 s1, $0x2  }
0xb8: {  	s3 =	sand.u32 $0x4000, s31;
	s1 =	sadd.s32 s1, s30  }
0xb9: {  	s0 =	sor.u32 s3, s0;
	s1 =	sshll.u32 s1, $0x11  }
0xba: {  	s0 =	sor.u32 s1, s0  }
0xbb: {  	s0 =	sadd.s32 $0x8F2B, s0  }
0xbc: {  	[sflag:s0] =	ssyncadd.remote.s32 $0x1  }
0xbd: {  	_ =	sfence.sel $0xFFFF  }
0xbe: {  	[dreg:$0x0] =	wrdreg $0xFFFFFFFF;
	(pc) =	sbr.abs _section_cstart, $3  }
0xbf: {  	[dreg:$0x1] =	wrdreg $0xFFFFFFFF  }
0xc0: {  	_ =	task.clear_ibuf [dreg:s6], $0x2FFFF;
	_ =	strace $0x9FFFFFFF  }
0xc1: {  	(tm) =	ssettm $0x7FFFFFFF  }
tec
execute0_lowered:
.L_overlay_start_1:
0x0: {  	(tag) =	ssettag $0x1  }
0x1: {  	s0 =	srdreg.scid;
	s9 =	stileid.u32  }
0x2: {  	s1 =	rddreg [dreg:$0x0];
	s2 =	simm.s32 $0x0;
	s17 =	simm.s32 $0x80  }
0x3: {  	s28 =	simm.s32 $0x2;
	s0 =	sand.u32 $0x1, s0;
	s3 =	sshll.u32 s9, $0x1  }
0x4: {  	s29 =	simm.s32 $0x3;
	s8 =	smul.u32 $0x5000, s9;
	s4 =	sor.u32 s0, s3  }
0x5: {  	s30 =	simm.s32 $0x4;
	s31 =	simm.s32 $0x5;
	s5 =	smul.u32 $0x2800, s4  }
0x6: {  	[smem:$0x7FF] =	sst s2;
	s6 =	ssub.s32 $0x2, s0;
	s4 =	smul.u32 $0x140000, s4  }
0x7: {  	_ =	strace $0x8000004A;
	s3 =	sadd.s32 $0x58200, s1;
	s7 =	sshrl.u32 s6, $0x1  }
0x8: {  	s6 =	ssub.s32 s6, s7;
	s5 =	sshrl.u32 s5, $0x3;
	s4 =	sshrl.u32 s4, $0x3  }
0x9: {  	s6 =	smax.u32 s6, $0x1;
	s5 =	sadd.s32 s5, s1;
	s1 =	sadd.s32 $0x80200, s1  }
0xa: {  	[dreg:$0x8] =	wrdreg s6;
	s4 =	sadd.s32 s1, s4;
	s5 =	sadd.s32 $0x30200, s5  }
0xb: {  	s25 =	smul.u32 $0x50000, s9;
	[dreg:$0x2] =	wrdreg s5;
	s19 =	sadd.s32 $0x25800, s4  }
0xc: {  	s18 =	smul.u32 $0x2800, s0;
	s20 =	sadd.s32 $0x26000, s4;
	[dreg:$0x3] =	wrdreg s19  }
0xd: {  	s0 =	smul.u32 $0x28000, s0;
	s21 =	sadd.s32 $0x26800, s4;
	[dreg:$0x4] =	wrdreg s20  }
0xe: {  	s23 =	sadd.s32 s18, s8;
	s22 =	sadd.s32 $0x27000, s4;
	[dreg:$0x5] =	wrdreg s21  }
0xf: {  	s18 =	simm.s32 $0x2800;
	s4 =	sadd.s32 $0x27800, s4;
	[dreg:$0x6] =	wrdreg s22  }
0x10: {  	s24 =	sshll.u32 s23, $0x4;
	s23 =	simm.s32 $0xE800;
	[dreg:$0x7] =	wrdreg s4  }
0x11: {  	s4 =	sadd.s32 s24, s1;
	s1 =	sadd.s32 s25, s1;
	s19 =	simm.s32 $0x6800  }
0x12: {  	s21 =	simm.s32 $0xA800;
	s25 =	simm.s32 $0x12800;
	s20 =	simm.s32 $0x8  }
0x13: {  	s22 =	simm.s32 $0x9;
	s24 =	simm.s32 $0xA;
	s26 =	sadd.s32 $0x2000, s4  }
0x14: {  	s12 =	sadd.s32 $0x1800, s4;
	s13 =	sadd.s32 $0x1000, s4;
	s14 =	sadd.s32 $0x800, s4  }
0x15: {  	s15 =	sadd.s32 s0, s1;
	s1 =	simm.s32 $0x6;
	s0 =	simm.s32 $0x7  }
0x16: {  	s4 =	simm.s32 $0x0;
	[dreg:$0x9] =	wrdreg s26;
	s26 =	simm.s32 $0x1  }
.LBB2_1:
0x17: {  	s5 =	rddreg [dreg:$0x2];
	s16 =	simm.s32 $0xB  }
0x18: {  	[tilespmem:s2], [sflag:$0xB] =	stream.linear.gather [hbm4b:s5+s2], $0x2800, $0x38;
	[tilespmem:$0x16800] =	vst v63  }
0x19: {  	_ =	swait.ge [sflag:s16], $0x2800  }
0x1a: {  	[sflag:s16] =	ssyncset.done $0x0  }
0x1b: {  	[sflag:s16] =	ssyncadd.s32 $0xFFFFD800  }
0x1c: {  	[tilespmem:s18], [sflag:$0x1] =	stream.indirect.gather [hbm4b:s3+s17], $0x80, s2, s17, $0xb8;
	[tilespmem:$0x16800] =	vst v63  }
0x1d: {  	_ = 	snop  }
0x1e: {  	[tilespmem:s19], [sflag:$0x2] =	stream.indirect.gather [hbm4b:s3+s17], $0x80, s17, s17, $0xb8;
	[tilespmem:$0x16800] =	vst v63  }
0x1f: {  	s6 =	simm.s32 $0x100  }
0x20: {  	[tilespmem:s21], [sflag:$0x3] =	stream.indirect.gather [hbm4b:s3+s17], $0x80, s6, s17, $0xb8;
	[tilespmem:$0x16800] =	vst v63  }
0x21: {  	s7 =	simm.s32 $0x180  }
0x22: {  	[tilespmem:s23], [sflag:$0x4] =	stream.indirect.gather [hbm4b:s3+s17], $0x80, s7, s17, $0xb8;
	[tilespmem:$0x16800] =	vst v63  }
0x23: {  	s8 =	simm.s32 $0x200  }
0x24: {  	[tilespmem:s25], [sflag:$0x5] =	stream.indirect.gather [hbm4b:s3+s17], $0x80, s8, s17, $0xb8;
	[tilespmem:$0x16800] =	vst v63  }
0x25: {  	_ =	swait.ge [sflag:s26], $0x4000  }
0x26: {  	[sflag:s26] =	ssyncset.done $0x0  }
0x27: {  	[sflag:s26] =	ssyncadd.s32 $0xFFFFC000  }
0x28: {  	[hbm4b:s15+s2] =	stream.linear.scatter [tilespmem:s18], [sflag:$0x6], $0x4000, $0x38;
	[tilespmem:$0x16800] =	vst v63  }
0x29: {  	_ =	swait.ge [sflag:s28], $0x4000  }
0x2a: {  	[sflag:s28] =	ssyncset.done $0x0  }
0x2b: {  	[sflag:s28] =	ssyncadd.s32 $0xFFFFC000  }
0x2c: {  	[hbm4b:s14+s2] =	stream.linear.scatter [tilespmem:s19], [sflag:$0x7], $0x4000, $0x38;
	[tilespmem:$0x16800] =	vst v63  }
0x2d: {  	_ =	swait.ge [sflag:s29], $0x4000  }
0x2e: {  	[sflag:s29] =	ssyncset.done $0x0  }
0x2f: {  	[sflag:s29] =	ssyncadd.s32 $0xFFFFC000  }
0x30: {  	[hbm4b:s13+s2] =	stream.linear.scatter [tilespmem:s21], [sflag:$0x8], $0x4000, $0x38;
	[tilespmem:$0x16800] =	vst v63  }
0x31: {  	_ =	swait.ge [sflag:s30], $0x4000  }
0x32: {  	[sflag:s30] =	ssyncset.done $0x0  }
0x33: {  	[sflag:s30] =	ssyncadd.s32 $0xFFFFC000  }
0x34: {  	[hbm4b:s12+s2] =	stream.linear.scatter [tilespmem:s23], [sflag:$0x9], $0x4000, $0x38;
	[tilespmem:$0x16800] =	vst v63  }
0x35: {  	_ =	swait.ge [sflag:s31], $0x4000  }
0x36: {  	[sflag:s31] =	ssyncset.done $0x0  }
0x37: {  	s10 =	rddreg [dreg:$0x9];
	[sflag:s31] =	ssyncadd.s32 $0xFFFFC000  }
0x38: {  	[hbm4b:s10+s2] =	stream.linear.scatter [tilespmem:s25], [sflag:$0xA], $0x4000, $0x38;
	[tilespmem:$0x16800] =	vst v63  }
0x39: {  	_ =	swait.ge [sflag:s1], $0x4000  }
0x3a: {  	[sflag:s1] =	ssyncset.done $0x0  }
0x3b: {  	s9 =	simm.s32 $0x280;
	[sflag:s1] =	ssyncadd.s32 $0xFFFFC000  }
0x3c: {  	[tilespmem:s18], [sflag:$0x1] =	stream.indirect.gather [hbm4b:s3+s17], $0x80, s9, s17, $0xb8;
	[tilespmem:$0x16800] =	vst v63  }
0x3d: {  	_ =	swait.ge [sflag:s0], $0x4000  }
0x3e: {  	[sflag:s0] =	ssyncset.done $0x0  }
0x3f: {  	s11 =	simm.s32 $0x300;
	[sflag:s0] =	ssyncadd.s32 $0xFFFFC000  }
0x40: {  	[tilespmem:s19], [sflag:$0x2] =	stream.indirect.gather [hbm4b:s3+s17], $0x80, s11, s17, $0xb8;
	[tilespmem:$0x16800] =	vst v63  }
0x41: {  	_ =	swait.ge [sflag:s20], $0x4000  }
0x42: {  	[sflag:s20] =	ssyncset.done $0x0  }
0x43: {  	s16 =	simm.s32 $0x380;
	[sflag:s20] =	ssyncadd.s32 $0xFFFFC000  }
0x44: {  	[tilespmem:s21], [sflag:$0x3] =	stream.indirect.gather [hbm4b:s3+s17], $0x80, s16, s17, $0xb8;
	[tilespmem:$0x16800] =	vst v63  }
0x45: {  	_ =	swait.ge [sflag:s22], $0x4000  }
0x46: {  	[sflag:s22] =	ssyncset.done $0x0  }
0x47: {  	s5 =	simm.s32 $0xA00;
	s6 =	simm.s32 $0x400;
	[sflag:s22] =	ssyncadd.s32 $0xFFFFC000  }
0x48: {  	[tilespmem:s23], [sflag:$0x4] =	stream.indirect.gather [hbm4b:s3+s17], $0x80, s6, s17, $0xb8;
	[tilespmem:$0x16800] =	vst v63  }
0x49: {  	s7 =	sadd.s32 $0x2800, s15;
	s8 =	sadd.s32 $0x2800, s12;
	_ =	swait.ge [sflag:s24], $0x4000  }
0x4a: {  	s10 =	sadd.s32 $0x2800, s10;
	s9 =	sadd.s32 $0x2800, s13;
	[sflag:s24] =	ssyncset.done $0x0  }
0x4b: {  	s16 =	simm.s32 $0x480;
	s6 =	sadd.s32 $0x2800, s14;
	[sflag:s24] =	ssyncadd.s32 $0xFFFFC000  }
.LBB2_2:
0x4c: {  	[tilespmem:s25], [sflag:$0x5] =	stream.indirect.gather [hbm4b:s3+s17], $0x80, s16, s17, $0xb8;
	[tilespmem:$0x16800] =	vst v63  }
0x4d: {  	s16 =	smov.u32 s5  }
0x4e: {  	p0 =	sne.s32 s5, $0x8C00;
	s5 =	sadd.s32 $0xA00, s5;
	_ =	swait.ge [sflag:s26], $0x4000  }
0x4f: {  	[sflag:s26] =	ssyncset.done $0x0  }
0x50: {  	[sflag:s26] =	ssyncadd.s32 $0xFFFFC000  }
0x51: {  	[hbm4b:s7+s2] =	stream.linear.scatter [tilespmem:s18], [sflag:$0x6], $0x4000, $0x38;
	[tilespmem:$0x16800] =	vst v63  }
0x52: {  	_ =	swait.ge [sflag:s28], $0x4000  }
0x53: {  	[sflag:s28] =	ssyncset.done $0x0  }
0x54: {  	[sflag:s28] =	ssyncadd.s32 $0xFFFFC000  }
0x55: {  	[hbm4b:s6+s2] =	stream.linear.scatter [tilespmem:s19], [sflag:$0x7], $0x4000, $0x38;
	[tilespmem:$0x16800] =	vst v63  }
0x56: {  	_ =	swait.ge [sflag:s29], $0x4000  }
0x57: {  	[sflag:s29] =	ssyncset.done $0x0  }
0x58: {  	[sflag:s29] =	ssyncadd.s32 $0xFFFFC000  }
0x59: {  	[hbm4b:s9+s2] =	stream.linear.scatter [tilespmem:s21], [sflag:$0x8], $0x4000, $0x38;
	[tilespmem:$0x16800] =	vst v63  }
0x5a: {  	_ =	swait.ge [sflag:s30], $0x4000  }
0x5b: {  	[sflag:s30] =	ssyncset.done $0x0  }
0x5c: {  	[sflag:s30] =	ssyncadd.s32 $0xFFFFC000  }
0x5d: {  	[hbm4b:s8+s2] =	stream.linear.scatter [tilespmem:s23], [sflag:$0x9], $0x4000, $0x38;
	[tilespmem:$0x16800] =	vst v63  }
0x5e: {  	_ =	swait.ge [sflag:s31], $0x4000  }
0x5f: {  	[sflag:s31] =	ssyncset.done $0x0  }
0x60: {  	[sflag:s31] =	ssyncadd.s32 $0xFFFFC000  }
0x61: {  	[hbm4b:s10+s2] =	stream.linear.scatter [tilespmem:s25], [sflag:$0xA], $0x4000, $0x38;
	[tilespmem:$0x16800] =	vst v63  }
0x62: {  	_ =	swait.ge [sflag:s1], $0x4000  }
0x63: {  	s16 =	sshra.s32 s16, $0x2;
	[sflag:s1] =	ssyncset.done $0x0  }
0x64: {  	s11 =	sadd.s32 $0x280, s16;
	[sflag:s1] =	ssyncadd.s32 $0xFFFFC000  }
0x65: {  	[tilespmem:s18], [sflag:$0x1] =	stream.indirect.gather [hbm4b:s3+s17], $0x80, s11, s17, $0xb8;
	[tilespmem:$0x16800] =	vst v63  }
0x66: {  	_ =	swait.ge [sflag:s0], $0x4000  }
0x67: {  	[sflag:s0] =	ssyncset.done $0x0  }
0x68: {  	s11 =	sadd.s32 $0x300, s16;
	[sflag:s0] =	ssyncadd.s32 $0xFFFFC000  }
0x69: {  	[tilespmem:s19], [sflag:$0x2] =	stream.indirect.gather [hbm4b:s3+s17], $0x80, s11, s17, $0xb8;
	[tilespmem:$0x16800] =	vst v63  }
0x6a: {  	_ =	swait.ge [sflag:s20], $0x4000  }
0x6b: {  	[sflag:s20] =	ssyncset.done $0x0  }
0x6c: {  	s11 =	sadd.s32 $0x380, s16;
	[sflag:s20] =	ssyncadd.s32 $0xFFFFC000  }
0x6d: {  	[tilespmem:s21], [sflag:$0x3] =	stream.indirect.gather [hbm4b:s3+s17], $0x80, s11, s17, $0xb8;
	[tilespmem:$0x16800] =	vst v63  }
0x6e: {  	_ =	swait.ge [sflag:s22], $0x4000  }
0x6f: {  	[sflag:s22] =	ssyncset.done $0x0  }
.Ltmp0:
0x70: {  	s11 =	sadd.s32 $0x400, s16;
	[sflag:s22] =	ssyncadd.s32 $0xFFFFC000;
	(pc) =	sbr.rel @p0 .LBB2_2-.Ltmp0, $4  }
0x71: {  	[tilespmem:s23], [sflag:$0x4] =	stream.indirect.gather [hbm4b:s3+s17], $0x80, s11, s17, $0xb8;
	[tilespmem:$0x16800] =	vst v63  }
0x72: {  	s7 =	sadd.s32 $0x2800, s7;
	s6 =	sadd.s32 $0x2800, s6;
	_ =	swait.ge [sflag:s24], $0x4000  }
0x73: {  	s9 =	sadd.s32 $0x2800, s9;
	s8 =	sadd.s32 $0x2800, s8;
	[sflag:s24] =	ssyncset.done $0x0  }
0x74: {  	s10 =	sadd.s32 $0x2800, s10;
	s16 =	sadd.s32 $0x480, s16;
	[sflag:s24] =	ssyncadd.s32 $0xFFFFC000  }
0x75: {  	[tilespmem:s25], [sflag:$0x5] =	stream.indirect.gather [hbm4b:s3+s17], $0x80, s16, s17, $0xb8;
	[tilespmem:$0x16800] =	vst v63  }
0x76: {  	_ =	swait.ge [sflag:s26], $0x4000  }
0x77: {  	[sflag:s26] =	ssyncset.done $0x0  }
0x78: {  	s5 =	rddreg [dreg:$0x3];
	[sflag:s26] =	ssyncadd.s32 $0xFFFFC000  }
0x79: {  	[hbm4b:s5+s2] =	stream.linear.scatter [tilespmem:s18], [sflag:$0x6], $0x4000, $0x38;
	[tilespmem:$0x16800] =	vst v63  }
0x7a: {  	_ =	swait.ge [sflag:s28], $0x4000  }
0x7b: {  	[sflag:s28] =	ssyncset.done $0x0  }
0x7c: {  	s8 =	rddreg [dreg:$0x4];
	[sflag:s28] =	ssyncadd.s32 $0xFFFFC000  }
0x7d: {  	[hbm4b:s8+s2] =	stream.linear.scatter [tilespmem:s19], [sflag:$0x7], $0x4000, $0x38;
	[tilespmem:$0x16800] =	vst v63  }
0x7e: {  	_ =	swait.ge [sflag:s29], $0x4000  }
0x7f: {  	[sflag:s29] =	ssyncset.done $0x0  }
0x80: {  	s9 =	rddreg [dreg:$0x5];
	[sflag:s29] =	ssyncadd.s32 $0xFFFFC000  }
0x81: {  	[hbm4b:s9+s2] =	stream.linear.scatter [tilespmem:s21], [sflag:$0x8], $0x4000, $0x38;
	[tilespmem:$0x16800] =	vst v63  }
0x82: {  	_ =	swait.ge [sflag:s30], $0x4000  }
0x83: {  	[sflag:s30] =	ssyncset.done $0x0  }
0x84: {  	s10 =	rddreg [dreg:$0x6];
	[sflag:s30] =	ssyncadd.s32 $0xFFFFC000  }
0x85: {  	[hbm4b:s10+s2] =	stream.linear.scatter [tilespmem:s23], [sflag:$0x9], $0x4000, $0x38;
	[tilespmem:$0x16800] =	vst v63  }
0x86: {  	_ =	swait.ge [sflag:s31], $0x4000  }
0x87: {  	[sflag:s31] =	ssyncset.done $0x0  }
0x88: {  	s11 =	rddreg [dreg:$0x7];
	[sflag:s31] =	ssyncadd.s32 $0xFFFFC000  }
0x89: {  	[hbm4b:s11+s2] =	stream.linear.scatter [tilespmem:s25], [sflag:$0xA], $0x4000, $0x38;
	[tilespmem:$0x16800] =	vst v63  }
0x8a: {  	_ =	swait.ge [sflag:s1], $0x4000  }
0x8b: {  	[sflag:s1] =	ssyncset.done $0x0  }
0x8c: {  	[sflag:s1] =	ssyncadd.s32 $0xFFFFC000  }
0x8d: {  	_ =	swait.ge [sflag:s0], $0x4000  }
0x8e: {  	[sflag:s0] =	ssyncset.done $0x0  }
0x8f: {  	[sflag:s0] =	ssyncadd.s32 $0xFFFFC000  }
0x90: {  	_ =	swait.ge [sflag:s20], $0x4000  }
0x91: {  	[sflag:s20] =	ssyncset.done $0x0  }
0x92: {  	[sflag:s20] =	ssyncadd.s32 $0xFFFFC000  }
0x93: {  	_ =	swait.ge [sflag:s22], $0x4000  }
0x94: {  	[sflag:s22] =	ssyncset.done $0x0  }
0x95: {  	[sflag:s22] =	ssyncadd.s32 $0xFFFFC000  }
0x96: {  	_ =	swait.ge [sflag:s24], $0x4000  }
0x97: {  	s4 =	sadd.s32 $0x1, s4;
	s16 =	rddreg [dreg:$0x8]  }
0x98: {  	p0 =	sne.s32 s4, s16  }
.Ltmp1:
0x99: {  	_ = 	snop;
	(pc) =	sbr.rel @p0 .LBB2_1-.Ltmp1, $3  }
0x9a: {  	_ =	sdelay $0x1  }
0x9b: {  	[sflag:s24] =	ssyncset.done $0x0  }
0x9c: {  	[sflag:s24] =	ssyncadd.s32 $0xFFFFC000  }
0x9d: {  	_ =	sfence.sel $0x180000  }
0x9e: {  	[bflag:$0x0] =	sbarrier.arrive $0xFFFF  }
0x9f: {  	_ =	strace $0x9000004A  }
0xa0: {  	s0 =	stileid.u32;
	[bflag:$0x2] =	sbarrier.arrive $0xFFFF  }
0xa1: {  	p0 =	sne.s32 s0, $0x0;
	s0 =	rddreg [dreg:$0x1]  }
0xa2: {  	s0 =	sadd.s32 @!p0 $0x100000, s0  }
0xa3: {  	[sflag:s0] =	ssyncadd.tile.s32 @!p0 $0x1;
	_ =	shalt  }
.Lfunc_end2:
_tile_overlayer_lowered:
.L_overlay_start_2:
0xa4: {  	(tag) =	ssettag $0x2  }
0xa5: {  	s0 =	rddreg [dreg:$0x0];
	s2 =	stileid.u32  }
0xa6: {  	s1 =	rddreg [dreg:$0x1];
	p0 =	sne.s32 s2, $0x0  }
0xa7: {  	s3 =	rddreg [dreg:$0x2];
	[bflag:$0x3] =	sbarrier.arrive $0xFFFF;
	s2 =	simm.s32 @!p0 $0x1C0B  }
0xa8: {  	[timem:s3], [sflag:s2] =	dma.local @!p0 [hbm:s0], s1  }
0xa9: {  	s0 =	simm.s32 @!p0 $0xB  }
0xaa: {  	_ =	swait.ge @!p0 [sflag:s0], s1  }
0xab: {  	s1 =	ssub.s32 @!p0 $0x0, s1;
	[sflag:s0] =	ssyncset.done @!p0 $0x0  }
0xac: {  	[sflag:s0] =	ssyncadd.s32 @!p0 s1  }
0xad: {  	[bflag:$0x3] =	sbarrier.arrive $0xFFFF  }
0xae: {  	_ =	shalt  }

// kernel: kernel.18.cloned.1.call-start
scs
__scs_entry_jumppad:
0x0: {  	(pc) =	sbr.rel $0x88, $3  }
0x1: {  	(tag) =	ssettag $0x0;
	lr =	simm.s32 $0x1  }
0x2: {  	[smem:$0x3F95] =	sst lr;
	_ =	strace $0xD0000000  }
0x3: {  	_ = 	snop  }
0x4: {  	_ = 	snop  }
0x5: {  	_ = 	snop  }
0x6: {  	_ = 	snop  }
0x7: {  	_ = 	snop  }
__scs_overlays_trampoline_lowered:
0x8: {  	[smem:$0x3FA4] =	sst s0  }
0x9: {  	[smem:$0x3FA5] =	sst s1  }
0xa: {  	[smem:$0x3FA6] =	sst s2  }
0xb: {  	[smem:$0x3FA7] =	sst s3  }
0xc: {  	[smem:$0x3FA8] =	sst s4  }
0xd: {  	[smem:$0x3FA9] =	sst s5  }
0xe: {  	[smem:$0x3FAA] =	sst s6  }
0xf: {  	[smem:$0x3FAB] =	sst s7  }
0x10: {  	[smem:$0x3FAC] =	sst s8  }
0x11: {  	[smem:$0x3FAD] =	sst s9;
	s0 =	simm.s32 @!p0 $0x0  }
0x12: {  	s1 =	sld [smem:$0x3F93];
	s0 =	simm.s32 @p0 $0x1  }
0x13: {  	[smem:$0x3FAE] =	sst s0;
	s0 =	simm.s32 @!p1 $0x0  }
0x14: {  	s2 =	sld [smem:$0x3F92];
	s0 =	simm.s32 @p1 $0x1  }
0x15: {  	[smem:$0x3FAF] =	sst s0;
	s0 =	simm.s32 @!p2 $0x0  }
0x16: {  	s3 =	sld [smem:$0x3FDB];
	s0 =	simm.s32 @p2 $0x1  }
0x17: {  	s4 =	simm.s32 $0x1BF5;
	[smem:$0x3FB1] =	sst s0  }
0x18: {  	s0 =	sld [smem:$0x3F94];
	_ =	swait.ge [sflag:s4], $0x0  }
0x19: {  	s7 =	sld [smem:$0x3F95]  }
0x1a: {  	s8 =	sadd.s32 $0xFFFFE003, lr  }
0x1b: {  	s9 =	sadd.s32 $0xFFFFFEF7, lr;
	s5 =	simm.s32 $0xFFFFFFFF;
	p2 =	slt.u32 s8, $0xFFFFF086  }
0x1c: {  	p1 =	slt.u32 s9, $0xF7A;
	s5 =	simm.s32 @!p2 $0x0  }
0x1d: {  	s5 =	simm.s32 @p1 $0x1;
	p0 =	seq.s32 s7, s2  }
0x1e: {  	s7 =	smul.u32 @!p0 $0xF7A, s2;
	p2 =	seq.s32 @!p0 s5, $0x0  }
0x1f: {  	s9 =	smul.u32 $0xF7A, s1;
	s8 =	simm.s32 @!p0 $0x1BF5;
	p2 =	por !p2, p0  }
0x20: {  	[sflag:s8] =	ssyncset.s32 @!p0 $0xFFFFF086;
	s6 =	sadd.s32 @!p0 s3, s7;
	s7 =	simm.s32 @!p0 $0x108  }
0x21: {  	s3 =	sadd.s32 s3, s9;
	s6 =	sadd.s32 @!p0 $0x88, s6;
	s7 =	simm.s32 @p2 $0x1082  }
0x22: {  	[simem:s7], [sflag:s8] =	dma.local @!p0 [hbm:s6], $0xF7A  }
0x23: {  	s9 =	sor.u32 $0xD0000000, s2;
	s6 =	simm.s32 $0x108;
	_ =	swait.ge @!p0 [sflag:s8], $0x0  }
0x24: {  	s3 =	sadd.s32 $0x88, s3;
	s6 =	simm.s32 @!p1 $0x1082;
	[sflag:s4] =	ssyncset.s32 $0xFFFFF086  }
0x25: {  	[simem:s6], [sflag:s4] =	dma.local [hbm:s3], $0xF7A  }
0x26: {  	[smem:$0x3F95] =	sst s1;
	(tag) =	ssettag s2;
	_ =	strace s9  }
0x27: {  	s1 =	sld [smem:$0x3FA5]  }
0x28: {  	s2 =	sld [smem:$0x3FA6]  }
0x29: {  	s4 =	sld [smem:$0x3FA8]  }
0x2a: {  	p0 =	seq.s32 s5, $0x0;
	s5 =	sld [smem:$0x3FA9]  }
0x2b: {  	s6 =	sld [smem:$0x3FAA]  }
0x2c: {  	s7 =	sld [smem:$0x3FAB]  }
0x2d: {  	s3 =	simm.s32 $0x108;
	s8 =	sld [smem:$0x3FAC]  }
0x2e: {  	s3 =	simm.s32 @!p0 $0x1082;
	s9 =	sld [smem:$0x3FAD]  }
0x2f: {  	lr =	sadd.s32 s0, s3;
	s0 =	sld [smem:$0x3FA4]  }
0x30: {  	s3 =	sld [smem:$0x3FA7]  }
0x31: {  	[smem:$0x3FB0] =	sst s10  }
0x32: {  	s10 =	sld [smem:$0x3FAE];
	_ =	sdelay $0x3  }
0x33: {  	p0 =	seq.s32 s10, $0x1;
	s10 =	sld [smem:$0x3FB0];
	_ =	sdelay $0x3  }
0x34: {  	[smem:$0x3FB0] =	sst s10  }
0x35: {  	s10 =	sld [smem:$0x3FAF];
	_ =	sdelay $0x3  }
0x36: {  	p1 =	seq.s32 s10, $0x1;
	s10 =	sld [smem:$0x3FB0];
	_ =	sdelay $0x3  }
0x37: {  	[smem:$0x3FB0] =	sst s10  }
0x38: {  	s10 =	sld [smem:$0x3FB1]  }
0x39: {  	_ = 	snop;
	(pc) =	sbr.ind lr, $3  }
0x3a: {  	_ = 	snop  }
0x3b: {  	_ = 	snop  }
0x3c: {  	p2 =	seq.s32 s10, $0x1;
	s10 =	sld [smem:$0x3FB0]  }
0x3d: {  	_ =	shalt  }
0x3e: {  	_ =	shalt  }
0x3f: {  	_ =	shalt  }
0x40: {  	_ =	shalt  }
0x41: {  	_ =	shalt  }
0x42: {  	_ =	shalt  }
0x43: {  	_ =	shalt  }
0x44: {  	_ =	shalt  }
0x45: {  	_ =	shalt  }
0x46: {  	_ =	shalt  }
0x47: {  	_ =	shalt  }
0x48: {  	_ =	shalt  }
0x49: {  	_ =	shalt  }
0x4a: {  	_ =	shalt  }
0x4b: {  	_ =	shalt  }
0x4c: {  	_ =	shalt  }
0x4d: {  	_ =	shalt  }
0x4e: {  	_ =	shalt  }
0x4f: {  	_ =	shalt  }
0x50: {  	_ =	shalt  }
0x51: {  	_ =	shalt  }
0x52: {  	_ =	shalt  }
0x53: {  	_ =	shalt  }
0x54: {  	_ =	shalt  }
0x55: {  	_ =	shalt  }
0x56: {  	_ =	shalt  }
0x57: {  	_ =	shalt  }
0x58: {  	_ =	shalt  }
0x59: {  	_ =	shalt  }
0x5a: {  	_ =	shalt  }
0x5b: {  	_ =	shalt  }
0x5c: {  	_ =	shalt  }
0x5d: {  	_ =	shalt  }
0x5e: {  	_ =	shalt  }
0x5f: {  	_ =	shalt  }
0x60: {  	_ =	shalt  }
0x61: {  	_ =	shalt  }
0x62: {  	_ =	shalt  }
0x63: {  	_ =	shalt  }
0x64: {  	_ =	shalt  }
0x65: {  	_ =	shalt  }
0x66: {  	_ =	shalt  }
0x67: {  	_ =	shalt  }
0x68: {  	_ =	shalt  }
0x69: {  	_ =	shalt  }
0x6a: {  	_ =	shalt  }
0x6b: {  	_ =	shalt  }
0x6c: {  	_ =	shalt  }
0x6d: {  	_ =	shalt  }
0x6e: {  	_ =	shalt  }
0x6f: {  	_ =	shalt  }
0x70: {  	_ =	shalt  }
0x71: {  	_ =	shalt  }
0x72: {  	_ =	shalt  }
0x73: {  	_ =	shalt  }
0x74: {  	_ =	shalt  }
0x75: {  	_ =	shalt  }
0x76: {  	_ =	shalt  }
0x77: {  	_ =	shalt  }
0x78: {  	_ =	shalt  }
0x79: {  	_ =	shalt  }
0x7a: {  	_ =	shalt  }
0x7b: {  	_ =	shalt  }
0x7c: {  	_ =	shalt  }
0x7d: {  	_ =	shalt  }
0x7e: {  	_ =	shalt  }
0x7f: {  	_ =	shalt  }
0x80: {  	_ =	shalt  }
0x81: {  	_ =	shalt  }
0x82: {  	_ =	shalt  }
0x83: {  	_ =	shalt  }
0x84: {  	_ =	shalt  }
0x85: {  	_ =	shalt  }
0x86: {  	_ =	shalt  }
0x87: {  	_ =	shalt  }
.Lfunc_end0:
.L_simem_size_0:
called_computation.2_lowered:
.L_overlay_start_0:
0x88: {  	s2 =	sld [smem:$0x3FD9]  }
0x89: {  	s3 =	sld [smem:$0x3FFE];
	_ =	sdelay $0x1  }
0x8a: {  	s1 =	srdreg.scid  }
0x8b: {  	s0 =	sand.u32 $0x1, s1  }
0x8c: {  	s16 =	sshll.u32 s0, $0xA;
	s2 =	sadd.s32 s3, s2  }
0x8d: {  	s2 =	sadd.s32 s2, s16  }
0x8e: {  	[smem:$0x3FBC] =	sst s2  }
0x8f: {  	_ = 	snop  }
0x90: {  	(tm) =	ssettm $0x1  }
0x91: {  	s17 =	sld [smem:$0x3FFB];
	_ =	sdelay $0x3  }
0x92: {  	_ =	strace s17  }
0x93: {  	s2 =	sld [smem:$0x3FFC];
	_ =	sdelay $0x3  }
0x94: {  	_ =	strace s2  }
0x95: {  	s2 =	sld [smem:$0x3FFD];
	_ =	sdelay $0x3  }
0x96: {  	_ =	strace s2  }
0x97: {  	_ =	strace $0x8FFFFFFF  }
0x98: {  	s18 =	sld [smem:$0x3FDB];
	_ =	sdelay $0x1  }
0x99: {  	s19 =	simm.s32 $_scs_section_size  }
0x9a: {  	s4 =	simm.s32 $_size__tile_overlayer_lowered;
	s5 =	simm.s32 $_tile_overlayer_lowered  }
0x9b: {  	s22 =	simm.s32 $0x1BFF;
	s21 =	sshll.u32 s5, $0x1;
	s2 =	sadd.s32 s19, s18  }
0x9c: {  	s6 =	simm.s32 $0x0;
	s20 =	sshll.u32 s4, $0x1;
	s4 =	sadd.s32 s21, s2  }
0x9d: {  	[timem:s6], [sflag:s22] =	dma.local [hbm:s4], s20  }
0x9e: {  	_ =	swait.ge [sflag:s22], s20  }
0x9f: {  	s3 =	ssub.s32 $0x0, s20;
	[sflag:s22] =	ssyncset.done $0x0  }
0xa0: {  	[sflag:s22] =	ssyncadd.s32 s3;
	_ =	sdelay $0x1  }
0xa1: {  	s23 =	simm.s32 $0x1B8B  }
0xa2: {  	_ =	swait.ge [sflag:s23], $0x1  }
0xa3: {  	[sflag:s23] =	ssyncset.done $0x0  }
0xa4: {  	s25 =	simm.s32 $0x1B8E;
	s24 =	sld [smem:$0x3FFE];
	[sflag:s23] =	ssyncadd.s32 $0xFFFFFFFF  }
0xa5: {  	s26 =	simm.s32 $execute0_lowered;
	[smem:$0x3FD2] =	sst s25  }
0xa6: {  	s4 =	sshll.u32 s26, $0x1;
	_ =	strace $0x8000004C;
	[dreg:$0x1] =	wrdreg $0xFFFFFFFF  }
0xa7: {  	s28 =	simm.s32 $_size_execute0_lowered;
	s2 =	sadd.s32 s2, s4;
	[dreg:$0x0] =	wrdreg $0x0  }
0xa8: {  	s4 =	sshll.u32 s28, $0x1;
	[dreg:$0x2] =	wrdreg s2  }
0xa9: {  	[dreg:$0x3] =	wrdreg s4  }
0xaa: {  	[dreg:$0x4] =	wrdreg $0xC0  }
0xab: {  	_ =	task [dreg:s6], $0x5FFFF  }
0xac: {  	[dreg:$0x1] =	wrdreg $0xFFFFFFFF  }
0xad: {  	[dreg:$0x0] =	wrdreg $0x60  }
0xae: {  	[dreg:$0x2] =	wrdreg s24  }
0xaf: {  	[dreg:$0x3] =	wrdreg $0x9  }
0xb0: {  	_ =	task.clear_ibuf [dreg:s6], $0x4FFFF;
	_ =	strace $0x9000004C  }
0xb1: {  	s29 =	simm.s32 $0x9;
	_ =	strace $0x8000004E  }
0xb2: {  	_ =	swait.ge [sflag:s29], $0x1  }
0xb3: {  	[sflag:s29] =	ssyncadd.s32 $0xFFFFFFFF  }
0xb4: {  	_ =	strace $0x9000004E  }
0xb5: {  	_ =	sfence  }
0xb6: {  	s30 =	sld [smem:$0x0];
	_ =	sdelay $0x2  }
0xb7: {  	s31 =	sshll.u32 s1, $0xD;
	s1 =	sshrl.u32 s1, $0x2  }
0xb8: {  	s3 =	sand.u32 $0x4000, s31;
	s1 =	sadd.s32 s1, s30  }
0xb9: {  	s0 =	sor.u32 s3, s0;
	s1 =	sshll.u32 s1, $0x11  }
0xba: {  	s0 =	sor.u32 s1, s0  }
0xbb: {  	s0 =	sadd.s32 $0x8F2B, s0  }
0xbc: {  	[sflag:s0] =	ssyncadd.remote.s32 $0x1  }
0xbd: {  	_ =	sfence.sel $0xFFFF  }
0xbe: {  	[dreg:$0x0] =	wrdreg $0xFFFFFFFF;
	(pc) =	sbr.abs _section_cstart, $3  }
0xbf: {  	[dreg:$0x1] =	wrdreg $0xFFFFFFFF  }
0xc0: {  	_ =	task.clear_ibuf [dreg:s6], $0x2FFFF;
	_ =	strace $0x9FFFFFFF  }
0xc1: {  	(tm) =	ssettm $0x7FFFFFFF  }
tec
execute0_lowered:
.L_overlay_start_1:
0x0: {  	(tag) =	ssettag $0x1  }
0x1: {  	s0 =	srdreg.scid;
	s9 =	stileid.u32  }
0x2: {  	s1 =	rddreg [dreg:$0x0];
	s2 =	simm.s32 $0x0;
	s17 =	simm.s32 $0x80  }
0x3: {  	s28 =	simm.s32 $0x2;
	s0 =	sand.u32 $0x1, s0;
	s3 =	sshll.u32 s9, $0x1  }
0x4: {  	s29 =	simm.s32 $0x3;
	s8 =	smul.u32 $0x5000, s9;
	s4 =	sor.u32 s0, s3  }
0x5: {  	s30 =	simm.s32 $0x4;
	s31 =	simm.s32 $0x5;
	s5 =	smul.u32 $0x2800, s4  }
0x6: {  	[smem:$0x7FF] =	sst s2;
	s6 =	ssub.s32 $0x2, s0;
	s4 =	smul.u32 $0x140000, s4  }
0x7: {  	_ =	strace $0x8000004D;
	s3 =	sadd.s32 $0x3A200, s1;
	s7 =	sshrl.u32 s6, $0x1  }
0x8: {  	s6 =	ssub.s32 s6, s7;
	s5 =	sshrl.u32 s5, $0x3;
	s4 =	sshrl.u32 s4, $0x3  }
0x9: {  	s6 =	smax.u32 s6, $0x1;
	s5 =	sadd.s32 s5, s1;
	s1 =	sadd.s32 $0x62200, s1  }
0xa: {  	[dreg:$0x8] =	wrdreg s6;
	s4 =	sadd.s32 s1, s4;
	s5 =	sadd.s32 $0x30200, s5  }
0xb: {  	s25 =	smul.u32 $0x50000, s9;
	[dreg:$0x2] =	wrdreg s5;
	s19 =	sadd.s32 $0x25800, s4  }
0xc: {  	s18 =	smul.u32 $0x2800, s0;
	s20 =	sadd.s32 $0x26000, s4;
	[dreg:$0x3] =	wrdreg s19  }
0xd: {  	s0 =	smul.u32 $0x28000, s0;
	s21 =	sadd.s32 $0x26800, s4;
	[dreg:$0x4] =	wrdreg s20  }
0xe: {  	s23 =	sadd.s32 s18, s8;
	s22 =	sadd.s32 $0x27000, s4;
	[dreg:$0x5] =	wrdreg s21  }
0xf: {  	s18 =	simm.s32 $0x2800;
	s4 =	sadd.s32 $0x27800, s4;
	[dreg:$0x6] =	wrdreg s22  }
0x10: {  	s24 =	sshll.u32 s23, $0x4;
	s23 =	simm.s32 $0xE800;
	[dreg:$0x7] =	wrdreg s4  }
0x11: {  	s4 =	sadd.s32 s24, s1;
	s1 =	sadd.s32 s25, s1;
	s19 =	simm.s32 $0x6800  }
0x12: {  	s21 =	simm.s32 $0xA800;
	s25 =	simm.s32 $0x12800;
	s20 =	simm.s32 $0x8  }
0x13: {  	s22 =	simm.s32 $0x9;
	s24 =	simm.s32 $0xA;
	s26 =	sadd.s32 $0x2000, s4  }
0x14: {  	s12 =	sadd.s32 $0x1800, s4;
	s13 =	sadd.s32 $0x1000, s4;
	s14 =	sadd.s32 $0x800, s4  }
0x15: {  	s15 =	sadd.s32 s0, s1;
	s1 =	simm.s32 $0x6;
	s0 =	simm.s32 $0x7  }
0x16: {  	s4 =	simm.s32 $0x0;
	[dreg:$0x9] =	wrdreg s26;
	s26 =	simm.s32 $0x1  }
.LBB2_1:
0x17: {  	s5 =	rddreg [dreg:$0x2];
	s16 =	simm.s32 $0xB  }
0x18: {  	[tilespmem:s2], [sflag:$0xB] =	stream.linear.gather [hbm4b:s5+s2], $0x2800, $0x38;
	[tilespmem:$0x16800] =	vst v63  }
0x19: {  	_ =	swait.ge [sflag:s16], $0x2800  }
0x1a: {  	[sflag:s16] =	ssyncset.done $0x0  }
0x1b: {  	[sflag:s16] =	ssyncadd.s32 $0xFFFFD800  }
0x1c: {  	[tilespmem:s18], [sflag:$0x1] =	stream.indirect.gather [hbm4b:s3+s17], $0x80, s2, s17, $0xb8;
	[tilespmem:$0x16800] =	vst v63  }
0x1d: {  	_ = 	snop  }
0x1e: {  	[tilespmem:s19], [sflag:$0x2] =	stream.indirect.gather [hbm4b:s3+s17], $0x80, s17, s17, $0xb8;
	[tilespmem:$0x16800] =	vst v63  }
0x1f: {  	s6 =	simm.s32 $0x100  }
0x20: {  	[tilespmem:s21], [sflag:$0x3] =	stream.indirect.gather [hbm4b:s3+s17], $0x80, s6, s17, $0xb8;
	[tilespmem:$0x16800] =	vst v63  }
0x21: {  	s7 =	simm.s32 $0x180  }
0x22: {  	[tilespmem:s23], [sflag:$0x4] =	stream.indirect.gather [hbm4b:s3+s17], $0x80, s7, s17, $0xb8;
	[tilespmem:$0x16800] =	vst v63  }
0x23: {  	s8 =	simm.s32 $0x200  }
0x24: {  	[tilespmem:s25], [sflag:$0x5] =	stream.indirect.gather [hbm4b:s3+s17], $0x80, s8, s17, $0xb8;
	[tilespmem:$0x16800] =	vst v63  }
0x25: {  	_ =	swait.ge [sflag:s26], $0x4000  }
0x26: {  	[sflag:s26] =	ssyncset.done $0x0  }
0x27: {  	[sflag:s26] =	ssyncadd.s32 $0xFFFFC000  }
0x28: {  	[hbm4b:s15+s2] =	stream.linear.scatter [tilespmem:s18], [sflag:$0x6], $0x4000, $0x38;
	[tilespmem:$0x16800] =	vst v63  }
0x29: {  	_ =	swait.ge [sflag:s28], $0x4000  }
0x2a: {  	[sflag:s28] =	ssyncset.done $0x0  }
0x2b: {  	[sflag:s28] =	ssyncadd.s32 $0xFFFFC000  }
0x2c: {  	[hbm4b:s14+s2] =	stream.linear.scatter [tilespmem:s19], [sflag:$0x7], $0x4000, $0x38;
	[tilespmem:$0x16800] =	vst v63  }
0x2d: {  	_ =	swait.ge [sflag:s29], $0x4000  }
0x2e: {  	[sflag:s29] =	ssyncset.done $0x0  }
0x2f: {  	[sflag:s29] =	ssyncadd.s32 $0xFFFFC000  }
0x30: {  	[hbm4b:s13+s2] =	stream.linear.scatter [tilespmem:s21], [sflag:$0x8], $0x4000, $0x38;
	[tilespmem:$0x16800] =	vst v63  }
0x31: {  	_ =	swait.ge [sflag:s30], $0x4000  }
0x32: {  	[sflag:s30] =	ssyncset.done $0x0  }
0x33: {  	[sflag:s30] =	ssyncadd.s32 $0xFFFFC000  }
0x34: {  	[hbm4b:s12+s2] =	stream.linear.scatter [tilespmem:s23], [sflag:$0x9], $0x4000, $0x38;
	[tilespmem:$0x16800] =	vst v63  }
0x35: {  	_ =	swait.ge [sflag:s31], $0x4000  }
0x36: {  	[sflag:s31] =	ssyncset.done $0x0  }
0x37: {  	s10 =	rddreg [dreg:$0x9];
	[sflag:s31] =	ssyncadd.s32 $0xFFFFC000  }
0x38: {  	[hbm4b:s10+s2] =	stream.linear.scatter [tilespmem:s25], [sflag:$0xA], $0x4000, $0x38;
	[tilespmem:$0x16800] =	vst v63  }
0x39: {  	_ =	swait.ge [sflag:s1], $0x4000  }
0x3a: {  	[sflag:s1] =	ssyncset.done $0x0  }
0x3b: {  	s9 =	simm.s32 $0x280;
	[sflag:s1] =	ssyncadd.s32 $0xFFFFC000  }
0x3c: {  	[tilespmem:s18], [sflag:$0x1] =	stream.indirect.gather [hbm4b:s3+s17], $0x80, s9, s17, $0xb8;
	[tilespmem:$0x16800] =	vst v63  }
0x3d: {  	_ =	swait.ge [sflag:s0], $0x4000  }
0x3e: {  	[sflag:s0] =	ssyncset.done $0x0  }
0x3f: {  	s11 =	simm.s32 $0x300;
	[sflag:s0] =	ssyncadd.s32 $0xFFFFC000  }
0x40: {  	[tilespmem:s19], [sflag:$0x2] =	stream.indirect.gather [hbm4b:s3+s17], $0x80, s11, s17, $0xb8;
	[tilespmem:$0x16800] =	vst v63  }
0x41: {  	_ =	swait.ge [sflag:s20], $0x4000  }
0x42: {  	[sflag:s20] =	ssyncset.done $0x0  }
0x43: {  	s16 =	simm.s32 $0x380;
	[sflag:s20] =	ssyncadd.s32 $0xFFFFC000  }
0x44: {  	[tilespmem:s21], [sflag:$0x3] =	stream.indirect.gather [hbm4b:s3+s17], $0x80, s16, s17, $0xb8;
	[tilespmem:$0x16800] =	vst v63  }
0x45: {  	_ =	swait.ge [sflag:s22], $0x4000  }
0x46: {  	[sflag:s22] =	ssyncset.done $0x0  }
0x47: {  	s5 =	simm.s32 $0xA00;
	s6 =	simm.s32 $0x400;
	[sflag:s22] =	ssyncadd.s32 $0xFFFFC000  }
0x48: {  	[tilespmem:s23], [sflag:$0x4] =	stream.indirect.gather [hbm4b:s3+s17], $0x80, s6, s17, $0xb8;
	[tilespmem:$0x16800] =	vst v63  }
0x49: {  	s7 =	sadd.s32 $0x2800, s15;
	s8 =	sadd.s32 $0x2800, s12;
	_ =	swait.ge [sflag:s24], $0x4000  }
0x4a: {  	s10 =	sadd.s32 $0x2800, s10;
	s9 =	sadd.s32 $0x2800, s13;
	[sflag:s24] =	ssyncset.done $0x0  }
0x4b: {  	s16 =	simm.s32 $0x480;
	s6 =	sadd.s32 $0x2800, s14;
	[sflag:s24] =	ssyncadd.s32 $0xFFFFC000  }
.LBB2_2:
0x4c: {  	[tilespmem:s25], [sflag:$0x5] =	stream.indirect.gather [hbm4b:s3+s17], $0x80, s16, s17, $0xb8;
	[tilespmem:$0x16800] =	vst v63  }
0x4d: {  	s16 =	smov.u32 s5  }
0x4e: {  	p0 =	sne.s32 s5, $0x8C00;
	s5 =	sadd.s32 $0xA00, s5;
	_ =	swait.ge [sflag:s26], $0x4000  }
0x4f: {  	[sflag:s26] =	ssyncset.done $0x0  }
0x50: {  	[sflag:s26] =	ssyncadd.s32 $0xFFFFC000  }
0x51: {  	[hbm4b:s7+s2] =	stream.linear.scatter [tilespmem:s18], [sflag:$0x6], $0x4000, $0x38;
	[tilespmem:$0x16800] =	vst v63  }
0x52: {  	_ =	swait.ge [sflag:s28], $0x4000  }
0x53: {  	[sflag:s28] =	ssyncset.done $0x0  }
0x54: {  	[sflag:s28] =	ssyncadd.s32 $0xFFFFC000  }
0x55: {  	[hbm4b:s6+s2] =	stream.linear.scatter [tilespmem:s19], [sflag:$0x7], $0x4000, $0x38;
	[tilespmem:$0x16800] =	vst v63  }
0x56: {  	_ =	swait.ge [sflag:s29], $0x4000  }
0x57: {  	[sflag:s29] =	ssyncset.done $0x0  }
0x58: {  	[sflag:s29] =	ssyncadd.s32 $0xFFFFC000  }
0x59: {  	[hbm4b:s9+s2] =	stream.linear.scatter [tilespmem:s21], [sflag:$0x8], $0x4000, $0x38;
	[tilespmem:$0x16800] =	vst v63  }
0x5a: {  	_ =	swait.ge [sflag:s30], $0x4000  }
0x5b: {  	[sflag:s30] =	ssyncset.done $0x0  }
0x5c: {  	[sflag:s30] =	ssyncadd.s32 $0xFFFFC000  }
0x5d: {  	[hbm4b:s8+s2] =	stream.linear.scatter [tilespmem:s23], [sflag:$0x9], $0x4000, $0x38;
	[tilespmem:$0x16800] =	vst v63  }
0x5e: {  	_ =	swait.ge [sflag:s31], $0x4000  }
0x5f: {  	[sflag:s31] =	ssyncset.done $0x0  }
0x60: {  	[sflag:s31] =	ssyncadd.s32 $0xFFFFC000  }
0x61: {  	[hbm4b:s10+s2] =	stream.linear.scatter [tilespmem:s25], [sflag:$0xA], $0x4000, $0x38;
	[tilespmem:$0x16800] =	vst v63  }
0x62: {  	_ =	swait.ge [sflag:s1], $0x4000  }
0x63: {  	s16 =	sshra.s32 s16, $0x2;
	[sflag:s1] =	ssyncset.done $0x0  }
0x64: {  	s11 =	sadd.s32 $0x280, s16;
	[sflag:s1] =	ssyncadd.s32 $0xFFFFC000  }
0x65: {  	[tilespmem:s18], [sflag:$0x1] =	stream.indirect.gather [hbm4b:s3+s17], $0x80, s11, s17, $0xb8;
	[tilespmem:$0x16800] =	vst v63  }
0x66: {  	_ =	swait.ge [sflag:s0], $0x4000  }
0x67: {  	[sflag:s0] =	ssyncset.done $0x0  }
0x68: {  	s11 =	sadd.s32 $0x300, s16;
	[sflag:s0] =	ssyncadd.s32 $0xFFFFC000  }
0x69: {  	[tilespmem:s19], [sflag:$0x2] =	stream.indirect.gather [hbm4b:s3+s17], $0x80, s11, s17, $0xb8;
	[tilespmem:$0x16800] =	vst v63  }
0x6a: {  	_ =	swait.ge [sflag:s20], $0x4000  }
0x6b: {  	[sflag:s20] =	ssyncset.done $0x0  }
0x6c: {  	s11 =	sadd.s32 $0x380, s16;
	[sflag:s20] =	ssyncadd.s32 $0xFFFFC000  }
0x6d: {  	[tilespmem:s21], [sflag:$0x3] =	stream.indirect.gather [hbm4b:s3+s17], $0x80, s11, s17, $0xb8;
	[tilespmem:$0x16800] =	vst v63  }
0x6e: {  	_ =	swait.ge [sflag:s22], $0x4000  }
0x6f: {  	[sflag:s22] =	ssyncset.done $0x0  }
.Ltmp0:
0x70: {  	s11 =	sadd.s32 $0x400, s16;
	[sflag:s22] =	ssyncadd.s32 $0xFFFFC000;
	(pc) =	sbr.rel @p0 .LBB2_2-.Ltmp0, $4  }
0x71: {  	[tilespmem:s23], [sflag:$0x4] =	stream.indirect.gather [hbm4b:s3+s17], $0x80, s11, s17, $0xb8;
	[tilespmem:$0x16800] =	vst v63  }
0x72: {  	s7 =	sadd.s32 $0x2800, s7;
	s6 =	sadd.s32 $0x2800, s6;
	_ =	swait.ge [sflag:s24], $0x4000  }
0x73: {  	s9 =	sadd.s32 $0x2800, s9;
	s8 =	sadd.s32 $0x2800, s8;
	[sflag:s24] =	ssyncset.done $0x0  }
0x74: {  	s10 =	sadd.s32 $0x2800, s10;
	s16 =	sadd.s32 $0x480, s16;
	[sflag:s24] =	ssyncadd.s32 $0xFFFFC000  }
0x75: {  	[tilespmem:s25], [sflag:$0x5] =	stream.indirect.gather [hbm4b:s3+s17], $0x80, s16, s17, $0xb8;
	[tilespmem:$0x16800] =	vst v63  }
0x76: {  	_ =	swait.ge [sflag:s26], $0x4000  }
0x77: {  	[sflag:s26] =	ssyncset.done $0x0  }
0x78: {  	s5 =	rddreg [dreg:$0x3];
	[sflag:s26] =	ssyncadd.s32 $0xFFFFC000  }
0x79: {  	[hbm4b:s5+s2] =	stream.linear.scatter [tilespmem:s18], [sflag:$0x6], $0x4000, $0x38;
	[tilespmem:$0x16800] =	vst v63  }
0x7a: {  	_ =	swait.ge [sflag:s28], $0x4000  }
0x7b: {  	[sflag:s28] =	ssyncset.done $0x0  }
0x7c: {  	s8 =	rddreg [dreg:$0x4];
	[sflag:s28] =	ssyncadd.s32 $0xFFFFC000  }
0x7d: {  	[hbm4b:s8+s2] =	stream.linear.scatter [tilespmem:s19], [sflag:$0x7], $0x4000, $0x38;
	[tilespmem:$0x16800] =	vst v63  }
0x7e: {  	_ =	swait.ge [sflag:s29], $0x4000  }
0x7f: {  	[sflag:s29] =	ssyncset.done $0x0  }
0x80: {  	s9 =	rddreg [dreg:$0x5];
	[sflag:s29] =	ssyncadd.s32 $0xFFFFC000  }
0x81: {  	[hbm4b:s9+s2] =	stream.linear.scatter [tilespmem:s21], [sflag:$0x8], $0x4000, $0x38;
	[tilespmem:$0x16800] =	vst v63  }
0x82: {  	_ =	swait.ge [sflag:s30], $0x4000  }
0x83: {  	[sflag:s30] =	ssyncset.done $0x0  }
0x84: {  	s10 =	rddreg [dreg:$0x6];
	[sflag:s30] =	ssyncadd.s32 $0xFFFFC000  }
0x85: {  	[hbm4b:s10+s2] =	stream.linear.scatter [tilespmem:s23], [sflag:$0x9], $0x4000, $0x38;
	[tilespmem:$0x16800] =	vst v63  }
0x86: {  	_ =	swait.ge [sflag:s31], $0x4000  }
0x87: {  	[sflag:s31] =	ssyncset.done $0x0  }
0x88: {  	s11 =	rddreg [dreg:$0x7];
	[sflag:s31] =	ssyncadd.s32 $0xFFFFC000  }
0x89: {  	[hbm4b:s11+s2] =	stream.linear.scatter [tilespmem:s25], [sflag:$0xA], $0x4000, $0x38;
	[tilespmem:$0x16800] =	vst v63  }
0x8a: {  	_ =	swait.ge [sflag:s1], $0x4000  }
0x8b: {  	[sflag:s1] =	ssyncset.done $0x0  }
0x8c: {  	[sflag:s1] =	ssyncadd.s32 $0xFFFFC000  }
0x8d: {  	_ =	swait.ge [sflag:s0], $0x4000  }
0x8e: {  	[sflag:s0] =	ssyncset.done $0x0  }
0x8f: {  	[sflag:s0] =	ssyncadd.s32 $0xFFFFC000  }
0x90: {  	_ =	swait.ge [sflag:s20], $0x4000  }
0x91: {  	[sflag:s20] =	ssyncset.done $0x0  }
0x92: {  	[sflag:s20] =	ssyncadd.s32 $0xFFFFC000  }
0x93: {  	_ =	swait.ge [sflag:s22], $0x4000  }
0x94: {  	[sflag:s22] =	ssyncset.done $0x0  }
0x95: {  	[sflag:s22] =	ssyncadd.s32 $0xFFFFC000  }
0x96: {  	_ =	swait.ge [sflag:s24], $0x4000  }
0x97: {  	s4 =	sadd.s32 $0x1, s4;
	s16 =	rddreg [dreg:$0x8]  }
0x98: {  	p0 =	sne.s32 s4, s16  }
.Ltmp1:
0x99: {  	_ = 	snop;
	(pc) =	sbr.rel @p0 .LBB2_1-.Ltmp1, $3  }
0x9a: {  	_ =	sdelay $0x1  }
0x9b: {  	[sflag:s24] =	ssyncset.done $0x0  }
0x9c: {  	[sflag:s24] =	ssyncadd.s32 $0xFFFFC000  }
0x9d: {  	_ =	sfence.sel $0x180000  }
0x9e: {  	[bflag:$0x0] =	sbarrier.arrive $0xFFFF  }
0x9f: {  	_ =	strace $0x9000004D  }
0xa0: {  	s0 =	stileid.u32;
	[bflag:$0x2] =	sbarrier.arrive $0xFFFF  }
0xa1: {  	p0 =	sne.s32 s0, $0x0;
	s0 =	rddreg [dreg:$0x1]  }
0xa2: {  	s0 =	sadd.s32 @!p0 $0x100000, s0  }
0xa3: {  	[sflag:s0] =	ssyncadd.tile.s32 @!p0 $0x1;
	_ =	shalt  }
.Lfunc_end2:
_tile_overlayer_lowered:
.L_overlay_start_2:
0xa4: {  	(tag) =	ssettag $0x2  }
0xa5: {  	s0 =	rddreg [dreg:$0x0];
	s2 =	stileid.u32  }
0xa6: {  	s1 =	rddreg [dreg:$0x1];
	p0 =	sne.s32 s2, $0x0  }
0xa7: {  	s3 =	rddreg [dreg:$0x2];
	[bflag:$0x3] =	sbarrier.arrive $0xFFFF;
	s2 =	simm.s32 @!p0 $0x1C0B  }
0xa8: {  	[timem:s3], [sflag:s2] =	dma.local @!p0 [hbm:s0], s1  }
0xa9: {  	s0 =	simm.s32 @!p0 $0xB  }
0xaa: {  	_ =	swait.ge @!p0 [sflag:s0], s1  }
0xab: {  	s1 =	ssub.s32 @!p0 $0x0, s1;
	[sflag:s0] =	ssyncset.done @!p0 $0x0  }
0xac: {  	[sflag:s0] =	ssyncadd.s32 @!p0 s1  }
0xad: {  	[bflag:$0x3] =	sbarrier.arrive $0xFFFF  }
0xae: {  	_ =	shalt  }

// kernel: kernel.21.cloned.1.call-start
scs
__scs_entry_jumppad:
0x0: {  	(pc) =	sbr.rel $0x88, $3  }
0x1: {  	(tag) =	ssettag $0x0;
	lr =	simm.s32 $0x1  }
0x2: {  	[smem:$0x3F95] =	sst lr;
	_ =	strace $0xD0000000  }
0x3: {  	_ = 	snop  }
0x4: {  	_ = 	snop  }
0x5: {  	_ = 	snop  }
0x6: {  	_ = 	snop  }
0x7: {  	_ = 	snop  }
__scs_overlays_trampoline_lowered:
0x8: {  	[smem:$0x3FA4] =	sst s0  }
0x9: {  	[smem:$0x3FA5] =	sst s1  }
0xa: {  	[smem:$0x3FA6] =	sst s2  }
0xb: {  	[smem:$0x3FA7] =	sst s3  }
0xc: {  	[smem:$0x3FA8] =	sst s4  }
0xd: {  	[smem:$0x3FA9] =	sst s5  }
0xe: {  	[smem:$0x3FAA] =	sst s6  }
0xf: {  	[smem:$0x3FAB] =	sst s7  }
0x10: {  	[smem:$0x3FAC] =	sst s8  }
0x11: {  	[smem:$0x3FAD] =	sst s9;
	s0 =	simm.s32 @!p0 $0x0  }
0x12: {  	s1 =	sld [smem:$0x3F93];
	s0 =	simm.s32 @p0 $0x1  }
0x13: {  	[smem:$0x3FAE] =	sst s0;
	s0 =	simm.s32 @!p1 $0x0  }
0x14: {  	s2 =	sld [smem:$0x3F92];
	s0 =	simm.s32 @p1 $0x1  }
0x15: {  	[smem:$0x3FAF] =	sst s0;
	s0 =	simm.s32 @!p2 $0x0  }
0x16: {  	s3 =	sld [smem:$0x3FDB];
	s0 =	simm.s32 @p2 $0x1  }
0x17: {  	s4 =	simm.s32 $0x1BF5;
	[smem:$0x3FB1] =	sst s0  }
0x18: {  	s0 =	sld [smem:$0x3F94];
	_ =	swait.ge [sflag:s4], $0x0  }
0x19: {  	s7 =	sld [smem:$0x3F95]  }
0x1a: {  	s8 =	sadd.s32 $0xFFFFE003, lr  }
0x1b: {  	s9 =	sadd.s32 $0xFFFFFEF7, lr;
	s5 =	simm.s32 $0xFFFFFFFF;
	p2 =	slt.u32 s8, $0xFFFFF086  }
0x1c: {  	p1 =	slt.u32 s9, $0xF7A;
	s5 =	simm.s32 @!p2 $0x0  }
0x1d: {  	s5 =	simm.s32 @p1 $0x1;
	p0 =	seq.s32 s7, s2  }
0x1e: {  	s7 =	smul.u32 @!p0 $0xF7A, s2;
	p2 =	seq.s32 @!p0 s5, $0x0  }
0x1f: {  	s9 =	smul.u32 $0xF7A, s1;
	s8 =	simm.s32 @!p0 $0x1BF5;
	p2 =	por !p2, p0  }
0x20: {  	[sflag:s8] =	ssyncset.s32 @!p0 $0xFFFFF086;
	s6 =	sadd.s32 @!p0 s3, s7;
	s7 =	simm.s32 @!p0 $0x108  }
0x21: {  	s3 =	sadd.s32 s3, s9;
	s6 =	sadd.s32 @!p0 $0x88, s6;
	s7 =	simm.s32 @p2 $0x1082  }
0x22: {  	[simem:s7], [sflag:s8] =	dma.local @!p0 [hbm:s6], $0xF7A  }
0x23: {  	s9 =	sor.u32 $0xD0000000, s2;
	s6 =	simm.s32 $0x108;
	_ =	swait.ge @!p0 [sflag:s8], $0x0  }
0x24: {  	s3 =	sadd.s32 $0x88, s3;
	s6 =	simm.s32 @!p1 $0x1082;
	[sflag:s4] =	ssyncset.s32 $0xFFFFF086  }
0x25: {  	[simem:s6], [sflag:s4] =	dma.local [hbm:s3], $0xF7A  }
0x26: {  	[smem:$0x3F95] =	sst s1;
	(tag) =	ssettag s2;
	_ =	strace s9  }
0x27: {  	s1 =	sld [smem:$0x3FA5]  }
0x28: {  	s2 =	sld [smem:$0x3FA6]  }
0x29: {  	s4 =	sld [smem:$0x3FA8]  }
0x2a: {  	p0 =	seq.s32 s5, $0x0;
	s5 =	sld [smem:$0x3FA9]  }
0x2b: {  	s6 =	sld [smem:$0x3FAA]  }
0x2c: {  	s7 =	sld [smem:$0x3FAB]  }
0x2d: {  	s3 =	simm.s32 $0x108;
	s8 =	sld [smem:$0x3FAC]  }
0x2e: {  	s3 =	simm.s32 @!p0 $0x1082;
	s9 =	sld [smem:$0x3FAD]  }
0x2f: {  	lr =	sadd.s32 s0, s3;
	s0 =	sld [smem:$0x3FA4]  }
0x30: {  	s3 =	sld [smem:$0x3FA7]  }
0x31: {  	[smem:$0x3FB0] =	sst s10  }
0x32: {  	s10 =	sld [smem:$0x3FAE];
	_ =	sdelay $0x3  }
0x33: {  	p0 =	seq.s32 s10, $0x1;
	s10 =	sld [smem:$0x3FB0];
	_ =	sdelay $0x3  }
0x34: {  	[smem:$0x3FB0] =	sst s10  }
0x35: {  	s10 =	sld [smem:$0x3FAF];
	_ =	sdelay $0x3  }
0x36: {  	p1 =	seq.s32 s10, $0x1;
	s10 =	sld [smem:$0x3FB0];
	_ =	sdelay $0x3  }
0x37: {  	[smem:$0x3FB0] =	sst s10  }
0x38: {  	s10 =	sld [smem:$0x3FB1]  }
0x39: {  	_ = 	snop;
	(pc) =	sbr.ind lr, $3  }
0x3a: {  	_ = 	snop  }
0x3b: {  	_ = 	snop  }
0x3c: {  	p2 =	seq.s32 s10, $0x1;
	s10 =	sld [smem:$0x3FB0]  }
0x3d: {  	_ =	shalt  }
0x3e: {  	_ =	shalt  }
0x3f: {  	_ =	shalt  }
0x40: {  	_ =	shalt  }
0x41: {  	_ =	shalt  }
0x42: {  	_ =	shalt  }
0x43: {  	_ =	shalt  }
0x44: {  	_ =	shalt  }
0x45: {  	_ =	shalt  }
0x46: {  	_ =	shalt  }
0x47: {  	_ =	shalt  }
0x48: {  	_ =	shalt  }
0x49: {  	_ =	shalt  }
0x4a: {  	_ =	shalt  }
0x4b: {  	_ =	shalt  }
0x4c: {  	_ =	shalt  }
0x4d: {  	_ =	shalt  }
0x4e: {  	_ =	shalt  }
0x4f: {  	_ =	shalt  }
0x50: {  	_ =	shalt  }
0x51: {  	_ =	shalt  }
0x52: {  	_ =	shalt  }
0x53: {  	_ =	shalt  }
0x54: {  	_ =	shalt  }
0x55: {  	_ =	shalt  }
0x56: {  	_ =	shalt  }
0x57: {  	_ =	shalt  }
0x58: {  	_ =	shalt  }
0x59: {  	_ =	shalt  }
0x5a: {  	_ =	shalt  }
0x5b: {  	_ =	shalt  }
0x5c: {  	_ =	shalt  }
0x5d: {  	_ =	shalt  }
0x5e: {  	_ =	shalt  }
0x5f: {  	_ =	shalt  }
0x60: {  	_ =	shalt  }
0x61: {  	_ =	shalt  }
0x62: {  	_ =	shalt  }
0x63: {  	_ =	shalt  }
0x64: {  	_ =	shalt  }
0x65: {  	_ =	shalt  }
0x66: {  	_ =	shalt  }
0x67: {  	_ =	shalt  }
0x68: {  	_ =	shalt  }
0x69: {  	_ =	shalt  }
0x6a: {  	_ =	shalt  }
0x6b: {  	_ =	shalt  }
0x6c: {  	_ =	shalt  }
0x6d: {  	_ =	shalt  }
0x6e: {  	_ =	shalt  }
0x6f: {  	_ =	shalt  }
0x70: {  	_ =	shalt  }
0x71: {  	_ =	shalt  }
0x72: {  	_ =	shalt  }
0x73: {  	_ =	shalt  }
0x74: {  	_ =	shalt  }
0x75: {  	_ =	shalt  }
0x76: {  	_ =	shalt  }
0x77: {  	_ =	shalt  }
0x78: {  	_ =	shalt  }
0x79: {  	_ =	shalt  }
0x7a: {  	_ =	shalt  }
0x7b: {  	_ =	shalt  }
0x7c: {  	_ =	shalt  }
0x7d: {  	_ =	shalt  }
0x7e: {  	_ =	shalt  }
0x7f: {  	_ =	shalt  }
0x80: {  	_ =	shalt  }
0x81: {  	_ =	shalt  }
0x82: {  	_ =	shalt  }
0x83: {  	_ =	shalt  }
0x84: {  	_ =	shalt  }
0x85: {  	_ =	shalt  }
0x86: {  	_ =	shalt  }
0x87: {  	_ =	shalt  }
.Lfunc_end0:
.L_simem_size_0:
called_computation.3_lowered:
.L_overlay_start_0:
0x88: {  	s2 =	sld [smem:$0x3FD9]  }
0x89: {  	s3 =	sld [smem:$0x3FFE];
	_ =	sdelay $0x1  }
0x8a: {  	s1 =	srdreg.scid  }
0x8b: {  	s0 =	sand.u32 $0x1, s1  }
0x8c: {  	s16 =	sshll.u32 s0, $0xA;
	s2 =	sadd.s32 s3, s2  }
0x8d: {  	s2 =	sadd.s32 s2, s16  }
0x8e: {  	[smem:$0x3FBC] =	sst s2  }
0x8f: {  	_ = 	snop  }
0x90: {  	(tm) =	ssettm $0x1  }
0x91: {  	s17 =	sld [smem:$0x3FFB];
	_ =	sdelay $0x3  }
0x92: {  	_ =	strace s17  }
0x93: {  	s2 =	sld [smem:$0x3FFC];
	_ =	sdelay $0x3  }
0x94: {  	_ =	strace s2  }
0x95: {  	s2 =	sld [smem:$0x3FFD];
	_ =	sdelay $0x3  }
0x96: {  	_ =	strace s2  }
0x97: {  	_ =	strace $0x8FFFFFFF  }
0x98: {  	s18 =	sld [smem:$0x3FDB];
	_ =	sdelay $0x1  }
0x99: {  	s19 =	simm.s32 $_scs_section_size  }
0x9a: {  	s4 =	simm.s32 $_size__tile_overlayer_lowered;
	s5 =	simm.s32 $_tile_overlayer_lowered  }
0x9b: {  	s22 =	simm.s32 $0x1BFF;
	s21 =	sshll.u32 s5, $0x1;
	s2 =	sadd.s32 s19, s18  }
0x9c: {  	s6 =	simm.s32 $0x0;
	s20 =	sshll.u32 s4, $0x1;
	s4 =	sadd.s32 s21, s2  }
0x9d: {  	[timem:s6], [sflag:s22] =	dma.local [hbm:s4], s20  }
0x9e: {  	_ =	swait.ge [sflag:s22], s20  }
0x9f: {  	s3 =	ssub.s32 $0x0, s20;
	[sflag:s22] =	ssyncset.done $0x0  }
0xa0: {  	[sflag:s22] =	ssyncadd.s32 s3;
	_ =	sdelay $0x1  }
0xa1: {  	s23 =	simm.s32 $0x1B8B  }
0xa2: {  	_ =	swait.ge [sflag:s23], $0x1  }
0xa3: {  	[sflag:s23] =	ssyncset.done $0x0  }
0xa4: {  	s25 =	simm.s32 $0x1B8E;
	s24 =	sld [smem:$0x3FFE];
	[sflag:s23] =	ssyncadd.s32 $0xFFFFFFFF  }
0xa5: {  	s26 =	simm.s32 $execute0_lowered;
	[smem:$0x3FD2] =	sst s25  }
0xa6: {  	s4 =	sshll.u32 s26, $0x1;
	_ =	strace $0x8000004F;
	[dreg:$0x1] =	wrdreg $0xFFFFFFFF  }
0xa7: {  	s28 =	simm.s32 $_size_execute0_lowered;
	s2 =	sadd.s32 s2, s4;
	[dreg:$0x0] =	wrdreg $0x0  }
0xa8: {  	s4 =	sshll.u32 s28, $0x1;
	[dreg:$0x2] =	wrdreg s2  }
0xa9: {  	[dreg:$0x3] =	wrdreg s4  }
0xaa: {  	[dreg:$0x4] =	wrdreg $0xC0  }
0xab: {  	_ =	task [dreg:s6], $0x5FFFF  }
0xac: {  	[dreg:$0x1] =	wrdreg $0xFFFFFFFF  }
0xad: {  	[dreg:$0x0] =	wrdreg $0x60  }
0xae: {  	[dreg:$0x2] =	wrdreg s24  }
0xaf: {  	[dreg:$0x3] =	wrdreg $0x9  }
0xb0: {  	_ =	task.clear_ibuf [dreg:s6], $0x4FFFF;
	_ =	strace $0x9000004F  }
0xb1: {  	s29 =	simm.s32 $0x9;
	_ =	strace $0x80000051  }
0xb2: {  	_ =	swait.ge [sflag:s29], $0x1  }
0xb3: {  	[sflag:s29] =	ssyncadd.s32 $0xFFFFFFFF  }
0xb4: {  	_ =	strace $0x90000051  }
0xb5: {  	_ =	sfence  }
0xb6: {  	s30 =	sld [smem:$0x0];
	_ =	sdelay $0x2  }
0xb7: {  	s31 =	sshll.u32 s1, $0xD;
	s1 =	sshrl.u32 s1, $0x2  }
0xb8: {  	s3 =	sand.u32 $0x4000, s31;
	s1 =	sadd.s32 s1, s30  }
0xb9: {  	s0 =	sor.u32 s3, s0;
	s1 =	sshll.u32 s1, $0x11  }
0xba: {  	s0 =	sor.u32 s1, s0  }
0xbb: {  	s0 =	sadd.s32 $0x8F2B, s0  }
0xbc: {  	[sflag:s0] =	ssyncadd.remote.s32 $0x1  }
0xbd: {  	_ =	sfence.sel $0xFFFF  }
0xbe: {  	[dreg:$0x0] =	wrdreg $0xFFFFFFFF;
	(pc) =	sbr.abs _section_cstart, $3  }
0xbf: {  	[dreg:$0x1] =	wrdreg $0xFFFFFFFF  }
0xc0: {  	_ =	task.clear_ibuf [dreg:s6], $0x2FFFF;
	_ =	strace $0x9FFFFFFF  }
0xc1: {  	(tm) =	ssettm $0x7FFFFFFF  }
tec
execute0_lowered:
.L_overlay_start_1:
0x0: {  	(tag) =	ssettag $0x1  }
0x1: {  	s0 =	srdreg.scid;
	s9 =	stileid.u32  }
0x2: {  	s1 =	rddreg [dreg:$0x0];
	s2 =	simm.s32 $0x0;
	s17 =	simm.s32 $0x80  }
0x3: {  	s28 =	simm.s32 $0x2;
	s0 =	sand.u32 $0x1, s0;
	s3 =	sshll.u32 s9, $0x1  }
0x4: {  	s29 =	simm.s32 $0x3;
	s8 =	smul.u32 $0x5000, s9;
	s4 =	sor.u32 s0, s3  }
0x5: {  	s30 =	simm.s32 $0x4;
	s31 =	simm.s32 $0x5;
	s5 =	smul.u32 $0x2800, s4  }
0x6: {  	[smem:$0x7FF] =	sst s2;
	s6 =	ssub.s32 $0x2, s0;
	s4 =	smul.u32 $0x140000, s4  }
0x7: {  	_ =	strace $0x80000050;
	s3 =	sadd.s32 $0x3A200, s1;
	s7 =	sshrl.u32 s6, $0x1  }
0x8: {  	s6 =	ssub.s32 s6, s7;
	s5 =	sshrl.u32 s5, $0x3;
	s4 =	sshrl.u32 s4, $0x3  }
0x9: {  	s6 =	smax.u32 s6, $0x1;
	s5 =	sadd.s32 s5, s1;
	s1 =	sadd.s32 $0x62200, s1  }
0xa: {  	[dreg:$0x8] =	wrdreg s6;
	s4 =	sadd.s32 s1, s4;
	s5 =	sadd.s32 $0x30200, s5  }
0xb: {  	s25 =	smul.u32 $0x50000, s9;
	[dreg:$0x2] =	wrdreg s5;
	s19 =	sadd.s32 $0x25800, s4  }
0xc: {  	s18 =	smul.u32 $0x2800, s0;
	s20 =	sadd.s32 $0x26000, s4;
	[dreg:$0x3] =	wrdreg s19  }
0xd: {  	s0 =	smul.u32 $0x28000, s0;
	s21 =	sadd.s32 $0x26800, s4;
	[dreg:$0x4] =	wrdreg s20  }
0xe: {  	s23 =	sadd.s32 s18, s8;
	s22 =	sadd.s32 $0x27000, s4;
	[dreg:$0x5] =	wrdreg s21  }
0xf: {  	s18 =	simm.s32 $0x2800;
	s4 =	sadd.s32 $0x27800, s4;
	[dreg:$0x6] =	wrdreg s22  }
0x10: {  	s24 =	sshll.u32 s23, $0x4;
	s23 =	simm.s32 $0xE800;
	[dreg:$0x7] =	wrdreg s4  }
0x11: {  	s4 =	sadd.s32 s24, s1;
	s1 =	sadd.s32 s25, s1;
	s19 =	simm.s32 $0x6800  }
0x12: {  	s21 =	simm.s32 $0xA800;
	s25 =	simm.s32 $0x12800;
	s20 =	simm.s32 $0x8  }
0x13: {  	s22 =	simm.s32 $0x9;
	s24 =	simm.s32 $0xA;
	s26 =	sadd.s32 $0x2000, s4  }
0x14: {  	s12 =	sadd.s32 $0x1800, s4;
	s13 =	sadd.s32 $0x1000, s4;
	s14 =	sadd.s32 $0x800, s4  }
0x15: {  	s15 =	sadd.s32 s0, s1;
	s1 =	simm.s32 $0x6;
	s0 =	simm.s32 $0x7  }
0x16: {  	s4 =	simm.s32 $0x0;
	[dreg:$0x9] =	wrdreg s26;
	s26 =	simm.s32 $0x1  }
.LBB2_1:
0x17: {  	s5 =	rddreg [dreg:$0x2];
	s16 =	simm.s32 $0xB  }
0x18: {  	[tilespmem:s2], [sflag:$0xB] =	stream.linear.gather [hbm4b:s5+s2], $0x2800, $0x38;
	[tilespmem:$0x16800] =	vst v63  }
0x19: {  	_ =	swait.ge [sflag:s16], $0x2800  }
0x1a: {  	[sflag:s16] =	ssyncset.done $0x0  }
0x1b: {  	[sflag:s16] =	ssyncadd.s32 $0xFFFFD800  }
0x1c: {  	[tilespmem:s18], [sflag:$0x1] =	stream.indirect.gather [hbm4b:s3+s17], $0x80, s2, s17, $0xb8;
	[tilespmem:$0x16800] =	vst v63  }
0x1d: {  	_ = 	snop  }
0x1e: {  	[tilespmem:s19], [sflag:$0x2] =	stream.indirect.gather [hbm4b:s3+s17], $0x80, s17, s17, $0xb8;
	[tilespmem:$0x16800] =	vst v63  }
0x1f: {  	s6 =	simm.s32 $0x100  }
0x20: {  	[tilespmem:s21], [sflag:$0x3] =	stream.indirect.gather [hbm4b:s3+s17], $0x80, s6, s17, $0xb8;
	[tilespmem:$0x16800] =	vst v63  }
0x21: {  	s7 =	simm.s32 $0x180  }
0x22: {  	[tilespmem:s23], [sflag:$0x4] =	stream.indirect.gather [hbm4b:s3+s17], $0x80, s7, s17, $0xb8;
	[tilespmem:$0x16800] =	vst v63  }
0x23: {  	s8 =	simm.s32 $0x200  }
0x24: {  	[tilespmem:s25], [sflag:$0x5] =	stream.indirect.gather [hbm4b:s3+s17], $0x80, s8, s17, $0xb8;
	[tilespmem:$0x16800] =	vst v63  }
0x25: {  	_ =	swait.ge [sflag:s26], $0x4000  }
0x26: {  	[sflag:s26] =	ssyncset.done $0x0  }
0x27: {  	[sflag:s26] =	ssyncadd.s32 $0xFFFFC000  }
0x28: {  	[hbm4b:s15+s2] =	stream.linear.scatter [tilespmem:s18], [sflag:$0x6], $0x4000, $0x38;
	[tilespmem:$0x16800] =	vst v63  }
0x29: {  	_ =	swait.ge [sflag:s28], $0x4000  }
0x2a: {  	[sflag:s28] =	ssyncset.done $0x0  }
0x2b: {  	[sflag:s28] =	ssyncadd.s32 $0xFFFFC000  }
0x2c: {  	[hbm4b:s14+s2] =	stream.linear.scatter [tilespmem:s19], [sflag:$0x7], $0x4000, $0x38;
	[tilespmem:$0x16800] =	vst v63  }
0x2d: {  	_ =	swait.ge [sflag:s29], $0x4000  }
0x2e: {  	[sflag:s29] =	ssyncset.done $0x0  }
0x2f: {  	[sflag:s29] =	ssyncadd.s32 $0xFFFFC000  }
0x30: {  	[hbm4b:s13+s2] =	stream.linear.scatter [tilespmem:s21], [sflag:$0x8], $0x4000, $0x38;
	[tilespmem:$0x16800] =	vst v63  }
0x31: {  	_ =	swait.ge [sflag:s30], $0x4000  }
0x32: {  	[sflag:s30] =	ssyncset.done $0x0  }
0x33: {  	[sflag:s30] =	ssyncadd.s32 $0xFFFFC000  }
0x34: {  	[hbm4b:s12+s2] =	stream.linear.scatter [tilespmem:s23], [sflag:$0x9], $0x4000, $0x38;
	[tilespmem:$0x16800] =	vst v63  }
0x35: {  	_ =	swait.ge [sflag:s31], $0x4000  }
0x36: {  	[sflag:s31] =	ssyncset.done $0x0  }
0x37: {  	s10 =	rddreg [dreg:$0x9];
	[sflag:s31] =	ssyncadd.s32 $0xFFFFC000  }
0x38: {  	[hbm4b:s10+s2] =	stream.linear.scatter [tilespmem:s25], [sflag:$0xA], $0x4000, $0x38;
	[tilespmem:$0x16800] =	vst v63  }
0x39: {  	_ =	swait.ge [sflag:s1], $0x4000  }
0x3a: {  	[sflag:s1] =	ssyncset.done $0x0  }
0x3b: {  	s9 =	simm.s32 $0x280;
	[sflag:s1] =	ssyncadd.s32 $0xFFFFC000  }
0x3c: {  	[tilespmem:s18], [sflag:$0x1] =	stream.indirect.gather [hbm4b:s3+s17], $0x80, s9, s17, $0xb8;
	[tilespmem:$0x16800] =	vst v63  }
0x3d: {  	_ =	swait.ge [sflag:s0], $0x4000  }
0x3e: {  	[sflag:s0] =	ssyncset.done $0x0  }
0x3f: {  	s11 =	simm.s32 $0x300;
	[sflag:s0] =	ssyncadd.s32 $0xFFFFC000  }
0x40: {  	[tilespmem:s19], [sflag:$0x2] =	stream.indirect.gather [hbm4b:s3+s17], $0x80, s11, s17, $0xb8;
	[tilespmem:$0x16800] =	vst v63  }
0x41: {  	_ =	swait.ge [sflag:s20], $0x4000  }
0x42: {  	[sflag:s20] =	ssyncset.done $0x0  }
0x43: {  	s16 =	simm.s32 $0x380;
	[sflag:s20] =	ssyncadd.s32 $0xFFFFC000  }
0x44: {  	[tilespmem:s21], [sflag:$0x3] =	stream.indirect.gather [hbm4b:s3+s17], $0x80, s16, s17, $0xb8;
	[tilespmem:$0x16800] =	vst v63  }
0x45: {  	_ =	swait.ge [sflag:s22], $0x4000  }
0x46: {  	[sflag:s22] =	ssyncset.done $0x0  }
0x47: {  	s5 =	simm.s32 $0xA00;
	s6 =	simm.s32 $0x400;
	[sflag:s22] =	ssyncadd.s32 $0xFFFFC000  }
0x48: {  	[tilespmem:s23], [sflag:$0x4] =	stream.indirect.gather [hbm4b:s3+s17], $0x80, s6, s17, $0xb8;
	[tilespmem:$0x16800] =	vst v63  }
0x49: {  	s7 =	sadd.s32 $0x2800, s15;
	s8 =	sadd.s32 $0x2800, s12;
	_ =	swait.ge [sflag:s24], $0x4000  }
0x4a: {  	s10 =	sadd.s32 $0x2800, s10;
	s9 =	sadd.s32 $0x2800, s13;
	[sflag:s24] =	ssyncset.done $0x0  }
0x4b: {  	s16 =	simm.s32 $0x480;
	s6 =	sadd.s32 $0x2800, s14;
	[sflag:s24] =	ssyncadd.s32 $0xFFFFC000  }
.LBB2_2:
0x4c: {  	[tilespmem:s25], [sflag:$0x5] =	stream.indirect.gather [hbm4b:s3+s17], $0x80, s16, s17, $0xb8;
	[tilespmem:$0x16800] =	vst v63  }
0x4d: {  	s16 =	smov.u32 s5  }
0x4e: {  	p0 =	sne.s32 s5, $0x8C00;
	s5 =	sadd.s32 $0xA00, s5;
	_ =	swait.ge [sflag:s26], $0x4000  }
0x4f: {  	[sflag:s26] =	ssyncset.done $0x0  }
0x50: {  	[sflag:s26] =	ssyncadd.s32 $0xFFFFC000  }
0x51: {  	[hbm4b:s7+s2] =	stream.linear.scatter [tilespmem:s18], [sflag:$0x6], $0x4000, $0x38;
	[tilespmem:$0x16800] =	vst v63  }
0x52: {  	_ =	swait.ge [sflag:s28], $0x4000  }
0x53: {  	[sflag:s28] =	ssyncset.done $0x0  }
0x54: {  	[sflag:s28] =	ssyncadd.s32 $0xFFFFC000  }
0x55: {  	[hbm4b:s6+s2] =	stream.linear.scatter [tilespmem:s19], [sflag:$0x7], $0x4000, $0x38;
	[tilespmem:$0x16800] =	vst v63  }
0x56: {  	_ =	swait.ge [sflag:s29], $0x4000  }
0x57: {  	[sflag:s29] =	ssyncset.done $0x0  }
0x58: {  	[sflag:s29] =	ssyncadd.s32 $0xFFFFC000  }
0x59: {  	[hbm4b:s9+s2] =	stream.linear.scatter [tilespmem:s21], [sflag:$0x8], $0x4000, $0x38;
	[tilespmem:$0x16800] =	vst v63  }
0x5a: {  	_ =	swait.ge [sflag:s30], $0x4000  }
0x5b: {  	[sflag:s30] =	ssyncset.done $0x0  }
0x5c: {  	[sflag:s30] =	ssyncadd.s32 $0xFFFFC000  }
0x5d: {  	[hbm4b:s8+s2] =	stream.linear.scatter [tilespmem:s23], [sflag:$0x9], $0x4000, $0x38;
	[tilespmem:$0x16800] =	vst v63  }
0x5e: {  	_ =	swait.ge [sflag:s31], $0x4000  }
0x5f: {  	[sflag:s31] =	ssyncset.done $0x0  }
0x60: {  	[sflag:s31] =	ssyncadd.s32 $0xFFFFC000  }
0x61: {  	[hbm4b:s10+s2] =	stream.linear.scatter [tilespmem:s25], [sflag:$0xA], $0x4000, $0x38;
	[tilespmem:$0x16800] =	vst v63  }
0x62: {  	_ =	swait.ge [sflag:s1], $0x4000  }
0x63: {  	s16 =	sshra.s32 s16, $0x2;
	[sflag:s1] =	ssyncset.done $0x0  }
0x64: {  	s11 =	sadd.s32 $0x280, s16;
	[sflag:s1] =	ssyncadd.s32 $0xFFFFC000  }
0x65: {  	[tilespmem:s18], [sflag:$0x1] =	stream.indirect.gather [hbm4b:s3+s17], $0x80, s11, s17, $0xb8;
	[tilespmem:$0x16800] =	vst v63  }
0x66: {  	_ =	swait.ge [sflag:s0], $0x4000  }
0x67: {  	[sflag:s0] =	ssyncset.done $0x0  }
0x68: {  	s11 =	sadd.s32 $0x300, s16;
	[sflag:s0] =	ssyncadd.s32 $0xFFFFC000  }
0x69: {  	[tilespmem:s19], [sflag:$0x2] =	stream.indirect.gather [hbm4b:s3+s17], $0x80, s11, s17, $0xb8;
	[tilespmem:$0x16800] =	vst v63  }
0x6a: {  	_ =	swait.ge [sflag:s20], $0x4000  }
0x6b: {  	[sflag:s20] =	ssyncset.done $0x0  }
0x6c: {  	s11 =	sadd.s32 $0x380, s16;
	[sflag:s20] =	ssyncadd.s32 $0xFFFFC000  }
0x6d: {  	[tilespmem:s21], [sflag:$0x3] =	stream.indirect.gather [hbm4b:s3+s17], $0x80, s11, s17, $0xb8;
	[tilespmem:$0x16800] =	vst v63  }
0x6e: {  	_ =	swait.ge [sflag:s22], $0x4000  }
0x6f: {  	[sflag:s22] =	ssyncset.done $0x0  }
.Ltmp0:
0x70: {  	s11 =	sadd.s32 $0x400, s16;
	[sflag:s22] =	ssyncadd.s32 $0xFFFFC000;
	(pc) =	sbr.rel @p0 .LBB2_2-.Ltmp0, $4  }
0x71: {  	[tilespmem:s23], [sflag:$0x4] =	stream.indirect.gather [hbm4b:s3+s17], $0x80, s11, s17, $0xb8;
	[tilespmem:$0x16800] =	vst v63  }
0x72: {  	s7 =	sadd.s32 $0x2800, s7;
	s6 =	sadd.s32 $0x2800, s6;
	_ =	swait.ge [sflag:s24], $0x4000  }
0x73: {  	s9 =	sadd.s32 $0x2800, s9;
	s8 =	sadd.s32 $0x2800, s8;
	[sflag:s24] =	ssyncset.done $0x0  }
0x74: {  	s10 =	sadd.s32 $0x2800, s10;
	s16 =	sadd.s32 $0x480, s16;
	[sflag:s24] =	ssyncadd.s32 $0xFFFFC000  }
0x75: {  	[tilespmem:s25], [sflag:$0x5] =	stream.indirect.gather [hbm4b:s3+s17], $0x80, s16, s17, $0xb8;
	[tilespmem:$0x16800] =	vst v63  }
0x76: {  	_ =	swait.ge [sflag:s26], $0x4000  }
0x77: {  	[sflag:s26] =	ssyncset.done $0x0  }
0x78: {  	s5 =	rddreg [dreg:$0x3];
	[sflag:s26] =	ssyncadd.s32 $0xFFFFC000  }
0x79: {  	[hbm4b:s5+s2] =	stream.linear.scatter [tilespmem:s18], [sflag:$0x6], $0x4000, $0x38;
	[tilespmem:$0x16800] =	vst v63  }
0x7a: {  	_ =	swait.ge [sflag:s28], $0x4000  }
0x7b: {  	[sflag:s28] =	ssyncset.done $0x0  }
0x7c: {  	s8 =	rddreg [dreg:$0x4];
	[sflag:s28] =	ssyncadd.s32 $0xFFFFC000  }
0x7d: {  	[hbm4b:s8+s2] =	stream.linear.scatter [tilespmem:s19], [sflag:$0x7], $0x4000, $0x38;
	[tilespmem:$0x16800] =	vst v63  }
0x7e: {  	_ =	swait.ge [sflag:s29], $0x4000  }
0x7f: {  	[sflag:s29] =	ssyncset.done $0x0  }
0x80: {  	s9 =	rddreg [dreg:$0x5];
	[sflag:s29] =	ssyncadd.s32 $0xFFFFC000  }
0x81: {  	[hbm4b:s9+s2] =	stream.linear.scatter [tilespmem:s21], [sflag:$0x8], $0x4000, $0x38;
	[tilespmem:$0x16800] =	vst v63  }
0x82: {  	_ =	swait.ge [sflag:s30], $0x4000  }
0x83: {  	[sflag:s30] =	ssyncset.done $0x0  }
0x84: {  	s10 =	rddreg [dreg:$0x6];
	[sflag:s30] =	ssyncadd.s32 $0xFFFFC000  }
0x85: {  	[hbm4b:s10+s2] =	stream.linear.scatter [tilespmem:s23], [sflag:$0x9], $0x4000, $0x38;
	[tilespmem:$0x16800] =	vst v63  }
0x86: {  	_ =	swait.ge [sflag:s31], $0x4000  }
0x87: {  	[sflag:s31] =	ssyncset.done $0x0  }
0x88: {  	s11 =	rddreg [dreg:$0x7];
	[sflag:s31] =	ssyncadd.s32 $0xFFFFC000  }
0x89: {  	[hbm4b:s11+s2] =	stream.linear.scatter [tilespmem:s25], [sflag:$0xA], $0x4000, $0x38;
	[tilespmem:$0x16800] =	vst v63  }
0x8a: {  	_ =	swait.ge [sflag:s1], $0x4000  }
0x8b: {  	[sflag:s1] =	ssyncset.done $0x0  }
0x8c: {  	[sflag:s1] =	ssyncadd.s32 $0xFFFFC000  }
0x8d: {  	_ =	swait.ge [sflag:s0], $0x4000  }
0x8e: {  	[sflag:s0] =	ssyncset.done $0x0  }
0x8f: {  	[sflag:s0] =	ssyncadd.s32 $0xFFFFC000  }
0x90: {  	_ =	swait.ge [sflag:s20], $0x4000  }
0x91: {  	[sflag:s20] =	ssyncset.done $0x0  }
0x92: {  	[sflag:s20] =	ssyncadd.s32 $0xFFFFC000  }
0x93: {  	_ =	swait.ge [sflag:s22], $0x4000  }
0x94: {  	[sflag:s22] =	ssyncset.done $0x0  }
0x95: {  	[sflag:s22] =	ssyncadd.s32 $0xFFFFC000  }
0x96: {  	_ =	swait.ge [sflag:s24], $0x4000  }
0x97: {  	s4 =	sadd.s32 $0x1, s4;
	s16 =	rddreg [dreg:$0x8]  }
0x98: {  	p0 =	sne.s32 s4, s16  }
.Ltmp1:
0x99: {  	_ = 	snop;
	(pc) =	sbr.rel @p0 .LBB2_1-.Ltmp1, $3  }
0x9a: {  	_ =	sdelay $0x1  }
0x9b: {  	[sflag:s24] =	ssyncset.done $0x0  }
0x9c: {  	[sflag:s24] =	ssyncadd.s32 $0xFFFFC000  }
0x9d: {  	_ =	sfence.sel $0x180000  }
0x9e: {  	[bflag:$0x0] =	sbarrier.arrive $0xFFFF  }
0x9f: {  	_ =	strace $0x90000050  }
0xa0: {  	s0 =	stileid.u32;
	[bflag:$0x2] =	sbarrier.arrive $0xFFFF  }
0xa1: {  	p0 =	sne.s32 s0, $0x0;
	s0 =	rddreg [dreg:$0x1]  }
0xa2: {  	s0 =	sadd.s32 @!p0 $0x100000, s0  }
0xa3: {  	[sflag:s0] =	ssyncadd.tile.s32 @!p0 $0x1;
	_ =	shalt  }
.Lfunc_end2:
_tile_overlayer_lowered:
.L_overlay_start_2:
0xa4: {  	(tag) =	ssettag $0x2  }
0xa5: {  	s0 =	rddreg [dreg:$0x0];
	s2 =	stileid.u32  }
0xa6: {  	s1 =	rddreg [dreg:$0x1];
	p0 =	sne.s32 s2, $0x0  }
0xa7: {  	s3 =	rddreg [dreg:$0x2];
	[bflag:$0x3] =	sbarrier.arrive $0xFFFF;
	s2 =	simm.s32 @!p0 $0x1C0B  }
0xa8: {  	[timem:s3], [sflag:s2] =	dma.local @!p0 [hbm:s0], s1  }
0xa9: {  	s0 =	simm.s32 @!p0 $0xB  }
0xaa: {  	_ =	swait.ge @!p0 [sflag:s0], s1  }
0xab: {  	s1 =	ssub.s32 @!p0 $0x0, s1;
	[sflag:s0] =	ssyncset.done @!p0 $0x0  }
0xac: {  	[sflag:s0] =	ssyncadd.s32 @!p0 s1  }
0xad: {  	[bflag:$0x3] =	sbarrier.arrive $0xFFFF  }
0xae: {  	_ =	shalt  }

// kernel: kernel.24.cloned.1.call-start
scs
__scs_entry_jumppad:
0x0: {  	(pc) =	sbr.rel $0x88, $3  }
0x1: {  	(tag) =	ssettag $0x0;
	lr =	simm.s32 $0x1  }
0x2: {  	[smem:$0x3F95] =	sst lr;
	_ =	strace $0xD0000000  }
0x3: {  	_ = 	snop  }
0x4: {  	_ = 	snop  }
0x5: {  	_ = 	snop  }
0x6: {  	_ = 	snop  }
0x7: {  	_ = 	snop  }
__scs_overlays_trampoline_lowered:
0x8: {  	[smem:$0x3FA4] =	sst s0  }
0x9: {  	[smem:$0x3FA5] =	sst s1  }
0xa: {  	[smem:$0x3FA6] =	sst s2  }
0xb: {  	[smem:$0x3FA7] =	sst s3  }
0xc: {  	[smem:$0x3FA8] =	sst s4  }
0xd: {  	[smem:$0x3FA9] =	sst s5  }
0xe: {  	[smem:$0x3FAA] =	sst s6  }
0xf: {  	[smem:$0x3FAB] =	sst s7  }
0x10: {  	[smem:$0x3FAC] =	sst s8  }
0x11: {  	[smem:$0x3FAD] =	sst s9;
	s0 =	simm.s32 @!p0 $0x0  }
0x12: {  	s1 =	sld [smem:$0x3F93];
	s0 =	simm.s32 @p0 $0x1  }
0x13: {  	[smem:$0x3FAE] =	sst s0;
	s0 =	simm.s32 @!p1 $0x0  }
0x14: {  	s2 =	sld [smem:$0x3F92];
	s0 =	simm.s32 @p1 $0x1  }
0x15: {  	[smem:$0x3FAF] =	sst s0;
	s0 =	simm.s32 @!p2 $0x0  }
0x16: {  	s3 =	sld [smem:$0x3FDB];
	s0 =	simm.s32 @p2 $0x1  }
0x17: {  	s4 =	simm.s32 $0x1BF5;
	[smem:$0x3FB1] =	sst s0  }
0x18: {  	s0 =	sld [smem:$0x3F94];
	_ =	swait.ge [sflag:s4], $0x0  }
0x19: {  	s7 =	sld [smem:$0x3F95]  }
0x1a: {  	s8 =	sadd.s32 $0xFFFFE003, lr  }
0x1b: {  	s9 =	sadd.s32 $0xFFFFFEF7, lr;
	s5 =	simm.s32 $0xFFFFFFFF;
	p2 =	slt.u32 s8, $0xFFFFF086  }
0x1c: {  	p1 =	slt.u32 s9, $0xF7A;
	s5 =	simm.s32 @!p2 $0x0  }
0x1d: {  	s5 =	simm.s32 @p1 $0x1;
	p0 =	seq.s32 s7, s2  }
0x1e: {  	s7 =	smul.u32 @!p0 $0xF7A, s2;
	p2 =	seq.s32 @!p0 s5, $0x0  }
0x1f: {  	s9 =	smul.u32 $0xF7A, s1;
	s8 =	simm.s32 @!p0 $0x1BF5;
	p2 =	por !p2, p0  }
0x20: {  	[sflag:s8] =	ssyncset.s32 @!p0 $0xFFFFF086;
	s6 =	sadd.s32 @!p0 s3, s7;
	s7 =	simm.s32 @!p0 $0x108  }
0x21: {  	s3 =	sadd.s32 s3, s9;
	s6 =	sadd.s32 @!p0 $0x88, s6;
	s7 =	simm.s32 @p2 $0x1082  }
0x22: {  	[simem:s7], [sflag:s8] =	dma.local @!p0 [hbm:s6], $0xF7A  }
0x23: {  	s9 =	sor.u32 $0xD0000000, s2;
	s6 =	simm.s32 $0x108;
	_ =	swait.ge @!p0 [sflag:s8], $0x0  }
0x24: {  	s3 =	sadd.s32 $0x88, s3;
	s6 =	simm.s32 @!p1 $0x1082;
	[sflag:s4] =	ssyncset.s32 $0xFFFFF086  }
0x25: {  	[simem:s6], [sflag:s4] =	dma.local [hbm:s3], $0xF7A  }
0x26: {  	[smem:$0x3F95] =	sst s1;
	(tag) =	ssettag s2;
	_ =	strace s9  }
0x27: {  	s1 =	sld [smem:$0x3FA5]  }
0x28: {  	s2 =	sld [smem:$0x3FA6]  }
0x29: {  	s4 =	sld [smem:$0x3FA8]  }
0x2a: {  	p0 =	seq.s32 s5, $0x0;
	s5 =	sld [smem:$0x3FA9]  }
0x2b: {  	s6 =	sld [smem:$0x3FAA]  }
0x2c: {  	s7 =	sld [smem:$0x3FAB]  }
0x2d: {  	s3 =	simm.s32 $0x108;
	s8 =	sld [smem:$0x3FAC]  }
0x2e: {  	s3 =	simm.s32 @!p0 $0x1082;
	s9 =	sld [smem:$0x3FAD]  }
0x2f: {  	lr =	sadd.s32 s0, s3;
	s0 =	sld [smem:$0x3FA4]  }
0x30: {  	s3 =	sld [smem:$0x3FA7]  }
0x31: {  	[smem:$0x3FB0] =	sst s10  }
0x32: {  	s10 =	sld [smem:$0x3FAE];
	_ =	sdelay $0x3  }
0x33: {  	p0 =	seq.s32 s10, $0x1;
	s10 =	sld [smem:$0x3FB0];
	_ =	sdelay $0x3  }
0x34: {  	[smem:$0x3FB0] =	sst s10  }
0x35: {  	s10 =	sld [smem:$0x3FAF];
	_ =	sdelay $0x3  }
0x36: {  	p1 =	seq.s32 s10, $0x1;
	s10 =	sld [smem:$0x3FB0];
	_ =	sdelay $0x3  }
0x37: {  	[smem:$0x3FB0] =	sst s10  }
0x38: {  	s10 =	sld [smem:$0x3FB1]  }
0x39: {  	_ = 	snop;
	(pc) =	sbr.ind lr, $3  }
0x3a: {  	_ = 	snop  }
0x3b: {  	_ = 	snop  }
0x3c: {  	p2 =	seq.s32 s10, $0x1;
	s10 =	sld [smem:$0x3FB0]  }
0x3d: {  	_ =	shalt  }
0x3e: {  	_ =	shalt  }
0x3f: {  	_ =	shalt  }
0x40: {  	_ =	shalt  }
0x41: {  	_ =	shalt  }
0x42: {  	_ =	shalt  }
0x43: {  	_ =	shalt  }
0x44: {  	_ =	shalt  }
0x45: {  	_ =	shalt  }
0x46: {  	_ =	shalt  }
0x47: {  	_ =	shalt  }
0x48: {  	_ =	shalt  }
0x49: {  	_ =	shalt  }
0x4a: {  	_ =	shalt  }
0x4b: {  	_ =	shalt  }
0x4c: {  	_ =	shalt  }
0x4d: {  	_ =	shalt  }
0x4e: {  	_ =	shalt  }
0x4f: {  	_ =	shalt  }
0x50: {  	_ =	shalt  }
0x51: {  	_ =	shalt  }
0x52: {  	_ =	shalt  }
0x53: {  	_ =	shalt  }
0x54: {  	_ =	shalt  }
0x55: {  	_ =	shalt  }
0x56: {  	_ =	shalt  }
0x57: {  	_ =	shalt  }
0x58: {  	_ =	shalt  }
0x59: {  	_ =	shalt  }
0x5a: {  	_ =	shalt  }
0x5b: {  	_ =	shalt  }
0x5c: {  	_ =	shalt  }
0x5d: {  	_ =	shalt  }
0x5e: {  	_ =	shalt  }
0x5f: {  	_ =	shalt  }
0x60: {  	_ =	shalt  }
0x61: {  	_ =	shalt  }
0x62: {  	_ =	shalt  }
0x63: {  	_ =	shalt  }
0x64: {  	_ =	shalt  }
0x65: {  	_ =	shalt  }
0x66: {  	_ =	shalt  }
0x67: {  	_ =	shalt  }
0x68: {  	_ =	shalt  }
0x69: {  	_ =	shalt  }
0x6a: {  	_ =	shalt  }
0x6b: {  	_ =	shalt  }
0x6c: {  	_ =	shalt  }
0x6d: {  	_ =	shalt  }
0x6e: {  	_ =	shalt  }
0x6f: {  	_ =	shalt  }
0x70: {  	_ =	shalt  }
0x71: {  	_ =	shalt  }
0x72: {  	_ =	shalt  }
0x73: {  	_ =	shalt  }
0x74: {  	_ =	shalt  }
0x75: {  	_ =	shalt  }
0x76: {  	_ =	shalt  }
0x77: {  	_ =	shalt  }
0x78: {  	_ =	shalt  }
0x79: {  	_ =	shalt  }
0x7a: {  	_ =	shalt  }
0x7b: {  	_ =	shalt  }
0x7c: {  	_ =	shalt  }
0x7d: {  	_ =	shalt  }
0x7e: {  	_ =	shalt  }
0x7f: {  	_ =	shalt  }
0x80: {  	_ =	shalt  }
0x81: {  	_ =	shalt  }
0x82: {  	_ =	shalt  }
0x83: {  	_ =	shalt  }
0x84: {  	_ =	shalt  }
0x85: {  	_ =	shalt  }
0x86: {  	_ =	shalt  }
0x87: {  	_ =	shalt  }
.Lfunc_end0:
.L_simem_size_0:
called_computation.4_lowered:
.L_overlay_start_0:
0x88: {  	s2 =	sld [smem:$0x3FD9]  }
0x89: {  	s3 =	sld [smem:$0x3FFE];
	_ =	sdelay $0x1  }
0x8a: {  	s1 =	srdreg.scid  }
0x8b: {  	s0 =	sand.u32 $0x1, s1  }
0x8c: {  	s14 =	sshll.u32 s0, $0xA;
	s2 =	sadd.s32 s3, s2  }
0x8d: {  	s2 =	sadd.s32 s2, s14  }
0x8e: {  	[smem:$0x3FBC] =	sst s2  }
0x8f: {  	_ = 	snop  }
0x90: {  	s2 =	sld [smem:$0x3FD0];
	_ =	sdelay $0x2  }
0x91: {  	s15 =	simm.s32 $0xA;
	s4 =	simm.s32 $0x10  }
0x92: {  	[smem:s4], [sflag:s15] =	dma.local [hbm:s2], $0x1  }
0x93: {  	_ =	swait.eq [sflag:s15], $0x1  }
0x94: {  	[sflag:s15] =	ssyncset.done $0x0  }
0x95: {  	[sflag:s15] =	ssyncadd.s32 $0xFFFFFFFF  }
0x96: {  	s16 =	sld [smem:$0x11];
	(tm) =	ssettm $0x1  }
0x97: {  	s17 =	sld [smem:$0x3FFB];
	_ =	sdelay $0x3  }
0x98: {  	_ =	strace s17  }
0x99: {  	s3 =	sld [smem:$0x3FFC];
	_ =	sdelay $0x3  }
0x9a: {  	_ =	strace s3  }
0x9b: {  	s3 =	sld [smem:$0x3FFD];
	_ =	sdelay $0x3  }
0x9c: {  	_ =	strace s3  }
0x9d: {  	_ =	strace $0x8FFFFFFF  }
0x9e: {  	s18 =	sld [smem:$0x3FDB];
	_ =	sdelay $0x1  }
0x9f: {  	s19 =	simm.s32 $_scs_section_size  }
0xa0: {  	s5 =	simm.s32 $_size__tile_overlayer_lowered;
	s6 =	simm.s32 $_tile_overlayer_lowered  }
0xa1: {  	s22 =	simm.s32 $0x1BFF;
	s21 =	sshll.u32 s6, $0x1;
	s3 =	sadd.s32 s19, s18  }
0xa2: {  	s7 =	simm.s32 $0x0;
	s20 =	sshll.u32 s5, $0x1;
	s5 =	sadd.s32 s21, s3  }
0xa3: {  	[timem:s7], [sflag:s22] =	dma.local [hbm:s5], s20  }
0xa4: {  	_ =	swait.ge [sflag:s22], s20  }
0xa5: {  	s4 =	ssub.s32 $0x0, s20;
	[sflag:s22] =	ssyncset.done $0x0  }
0xa6: {  	[sflag:s22] =	ssyncadd.s32 s4;
	_ =	sdelay $0x1  }
0xa7: {  	s23 =	simm.s32 $0x1B8B  }
0xa8: {  	_ =	swait.ge [sflag:s23], $0x1  }
0xa9: {  	[sflag:s23] =	ssyncset.done $0x0  }
0xaa: {  	s25 =	simm.s32 $0x1B8E;
	s24 =	sld [smem:$0x3FFE];
	[sflag:s23] =	ssyncadd.s32 $0xFFFFFFFF  }
0xab: {  	s26 =	simm.s32 $execute0_lowered;
	[smem:$0x3FD2] =	sst s25  }
0xac: {  	s5 =	sshll.u32 s26, $0x1;
	_ =	strace $0x80000052;
	[dreg:$0x1] =	wrdreg $0xFFFFFFFF  }
0xad: {  	s28 =	simm.s32 $_size_execute0_lowered;
	s3 =	sadd.s32 s3, s5;
	[dreg:$0x0] =	wrdreg $0x0  }
0xae: {  	s5 =	sshll.u32 s28, $0x1;
	[dreg:$0x2] =	wrdreg s3  }
0xaf: {  	[dreg:$0x3] =	wrdreg s5  }
0xb0: {  	[dreg:$0x4] =	wrdreg $0xC0  }
0xb1: {  	_ =	task [dreg:s7], $0x5FFFF  }
0xb2: {  	[dreg:$0x1] =	wrdreg $0xFFFFFFFF  }
0xb3: {  	[dreg:$0x0] =	wrdreg $0x60  }
0xb4: {  	[dreg:$0x2] =	wrdreg s24  }
0xb5: {  	[dreg:$0x3] =	wrdreg s16  }
0xb6: {  	[dreg:$0x4] =	wrdreg $0x9  }
0xb7: {  	_ =	task.clear_ibuf [dreg:s7], $0x5FFFF;
	_ =	strace $0x90000052  }
0xb8: {  	s29 =	simm.s32 $0x9;
	_ =	strace $0x80000054  }
0xb9: {  	_ =	swait.ge [sflag:s29], $0x1  }
0xba: {  	[sflag:s29] =	ssyncadd.s32 $0xFFFFFFFF  }
0xbb: {  	_ =	strace $0x90000054  }
0xbc: {  	_ =	sfence  }
0xbd: {  	s30 =	sld [smem:$0x0];
	_ =	sdelay $0x2  }
0xbe: {  	s31 =	sshll.u32 s1, $0xD;
	s1 =	sshrl.u32 s1, $0x2  }
0xbf: {  	s3 =	sand.u32 $0x4000, s31;
	s1 =	sadd.s32 s1, s30  }
0xc0: {  	s0 =	sor.u32 s3, s0;
	s1 =	sshll.u32 s1, $0x11  }
0xc1: {  	s0 =	sor.u32 s1, s0  }
0xc2: {  	s0 =	sadd.s32 $0x8F2B, s0  }
0xc3: {  	[sflag:s0] =	ssyncadd.remote.s32 $0x1  }
0xc4: {  	_ =	sfence.sel $0xFFFF  }
0xc5: {  	[dreg:$0x0] =	wrdreg $0xFFFFFFFF;
	(pc) =	sbr.abs _section_cstart, $3  }
0xc6: {  	[dreg:$0x1] =	wrdreg $0xFFFFFFFF  }
0xc7: {  	_ =	task.clear_ibuf [dreg:s7], $0x2FFFF;
	_ =	strace $0x9FFFFFFF  }
0xc8: {  	(tm) =	ssettm $0x7FFFFFFF  }
0xc9: {  	_ =	shalt  }
tec
execute0_lowered:
.L_overlay_start_1:
0x0: {  	(tag) =	ssettag $0x1  }
0x1: {  	s1 =	srdreg.scid;
	s6 =	rddreg [dreg:$0x0]  }
0x2: {  	s0 =	stileid.u32;
	s2 =	rddreg [dreg:$0x1]  }
0x3: {  	s3 =	simm.s32 $0x0;
	s4 =	sand.u32 $0x1, s1;
	s5 =	smul.u32 $0x1400, s0  }
0x4: {  	s9 =	simm.s32 $0x1;
	s10 =	simm.s32 $0x2800;
	s7 =	smul.u32 $0xA00, s4  }
0x5: {  	s11 =	simm.s32 $0x5000;
	s12 =	simm.s32 $0x5080;
	s13 =	simm.s32 $0x5100  }
0x6: {  	s14 =	simm.s32 $0x0;
	s1 =	rddreg [dreg:$0x2];
	s5 =	sadd.s32 s7, s5  }
0x7: {  	[smem:$0x7FF] =	sst s3;
	s29 =	ssub.s32 $0x2, s4;
	s5 =	sshrl.u32 s5, $0x3  }
0x8: {  	_ =	strace $0x80000053;
	s30 =	sshrl.u32 s29, $0x1;
	s8 =	sadd.s32 s5, s6  }
0x9: {  	s4 =	sadd.s32 $0x564A00, s6;
	s31 =	ssub.s32 s29, s30;
	s5 =	sadd.s32 $0x565000, s8  }
0xa: {  	s6 =	smax.u32 s31, $0x1;
	s7 =	sadd.s32 $0x567800, s8;
	s8 =	sadd.s32 $0x562200, s8  }
.LBB2_1:
0xb: {  	[tilespmem:s3], [sflag:$0x1] =	stream.linear.gather [hbm4b:s4+s3], $0x2800, $0x38;
	[tilespmem:$0x5180] =	vst v63  }
0xc: {  	_ =	swait.ge [sflag:s9], $0x2800  }
0xd: {  	[sflag:s9] =	ssyncset.done $0x0  }
0xe: {  	[sflag:s9] =	ssyncadd.s32 $0xFFFFD800  }
0xf: {  	[tilespmem:s10], [sflag:$0x1] =	stream.linear.gather [hbm4b:s2+s3], $0x2800, $0x38;
	[tilespmem:$0x5180] =	vst v63  }
0x10: {  	_ =	swait.ge [sflag:s9], $0x2800  }
0x11: {  	[sflag:s9] =	ssyncset.done $0x0  }
0x12: {  	s15 =	sadd.s32 $0x0, s8;
	[sflag:s9] =	ssyncadd.s32 $0xFFFFD800  }
0x13: {  	[tilespmem:s11], [sflag:$0x1] =	stream.linear.gather [hbm4b:s15+s3], $0x80, $0x38;
	[tilespmem:$0x5180] =	vst v63  }
0x14: {  	_ =	swait.ge [sflag:s9], $0x80  }
0x15: {  	[sflag:s9] =	ssyncset.done $0x0  }
0x16: {  	[sflag:s9] =	ssyncadd.s32 $0xFFFFFF80  }
0x17: {  	v0 =	vld [tilespmem:$0x5000];
	_ =	sdelay $0x7  }
0x18: {  	v1 =	vld.idx.msk [tilespmem:v0+s3+$0x0], $0xffff;
	_ =	sdelay $0x3  }
0x19: {  	v2 =	vld [tilespmem:$0x5010]  }
0x1a: {  	[tilespmem:$0x5080] =	vst v1  }
0x1b: {  	v0 =	vld.idx.msk [tilespmem:v0+s10+$0x0], $0xffff;
	_ =	sdelay $0x4  }
0x1c: {  	[tilespmem:$0x5100] =	vst v0  }
0x1d: {  	v0 =	vld.idx.msk [tilespmem:v2+s3+$0x0], $0xffff;
	_ =	sdelay $0x3  }
0x1e: {  	v58 =	vld [tilespmem:$0x5020]  }
0x1f: {  	[tilespmem:$0x5090] =	vst v0  }
0x20: {  	v0 =	vld.idx.msk [tilespmem:v2+s10+$0x0], $0xffff;
	_ =	sdelay $0x4  }
0x21: {  	[tilespmem:$0x5110] =	vst v0  }
0x22: {  	v0 =	vld.idx.msk [tilespmem:v58+s3+$0x0], $0xffff;
	_ =	sdelay $0x3  }
0x23: {  	v59 =	vld [tilespmem:$0x5030]  }
0x24: {  	[tilespmem:$0x50A0] =	vst v0  }
0x25: {  	v0 =	vld.idx.msk [tilespmem:v58+s10+$0x0], $0xffff;
	_ =	sdelay $0x4  }
0x26: {  	[tilespmem:$0x5120] =	vst v0  }
0x27: {  	v0 =	vld.idx.msk [tilespmem:v59+s3+$0x0], $0xffff;
	_ =	sdelay $0x3  }
0x28: {  	v60 =	vld [tilespmem:$0x5040]  }
0x29: {  	[tilespmem:$0x50B0] =	vst v0  }
0x2a: {  	v0 =	vld.idx.msk [tilespmem:v59+s10+$0x0], $0xffff;
	_ =	sdelay $0x4  }
0x2b: {  	[tilespmem:$0x5130] =	vst v0  }
0x2c: {  	v0 =	vld.idx.msk [tilespmem:v60+s3+$0x0], $0xffff;
	_ =	sdelay $0x3  }
0x2d: {  	v61 =	vld [tilespmem:$0x5050]  }
0x2e: {  	[tilespmem:$0x50C0] =	vst v0  }
0x2f: {  	v0 =	vld.idx.msk [tilespmem:v60+s10+$0x0], $0xffff;
	_ =	sdelay $0x4  }
0x30: {  	[tilespmem:$0x5140] =	vst v0  }
0x31: {  	v0 =	vld.idx.msk [tilespmem:v61+s3+$0x0], $0xffff;
	_ =	sdelay $0x3  }
0x32: {  	v62 =	vld [tilespmem:$0x5060]  }
0x33: {  	[tilespmem:$0x50D0] =	vst v0  }
0x34: {  	v0 =	vld.idx.msk [tilespmem:v61+s10+$0x0], $0xffff;
	_ =	sdelay $0x4  }
0x35: {  	[tilespmem:$0x5150] =	vst v0  }
0x36: {  	v0 =	vld.idx.msk [tilespmem:v62+s3+$0x0], $0xffff;
	_ =	sdelay $0x3  }
0x37: {  	v63 =	vld [tilespmem:$0x5070]  }
0x38: {  	[tilespmem:$0x50E0] =	vst v0  }
0x39: {  	v0 =	vld.idx.msk [tilespmem:v62+s10+$0x0], $0xffff;
	_ =	sdelay $0x4  }
0x3a: {  	[tilespmem:$0x5160] =	vst v0  }
0x3b: {  	v0 =	vld.idx.msk [tilespmem:v63+s3+$0x0], $0xffff;
	_ =	sdelay $0x4  }
0x3c: {  	[tilespmem:$0x50F0] =	vst v0  }
0x3d: {  	v0 =	vld.idx.msk [tilespmem:v63+s10+$0x0], $0xffff;
	_ =	sdelay $0x4  }
0x3e: {  	s30 =	sadd.s32 $0x0, s7;
	[tilespmem:$0x5170] =	vst v0  }
0x3f: {  	[hbm4b:s30+s3] =	stream.linear.scatter [tilespmem:s12], [sflag:$0x1], $0x80, $0x38;
	[tilespmem:$0x5180] =	vst v63  }
0x40: {  	_ =	swait.ge [sflag:s9], $0x80  }
0x41: {  	[sflag:s9] =	ssyncset.done $0x0  }
0x42: {  	s31 =	sadd.s32 $0x0, s5;
	[sflag:s9] =	ssyncadd.s32 $0xFFFFFF80  }
0x43: {  	[hbm4b:s31+s3] =	stream.linear.scatter [tilespmem:s13], [sflag:$0x1], $0x80, $0x38;
	[tilespmem:$0x5180] =	vst v63  }
0x44: {  	_ =	swait.ge [sflag:s9], $0x80  }
0x45: {  	s18 =	simm.s32 $0x20;
	s15 =	simm.s32 $0x10;
	[sflag:s9] =	ssyncset.done $0x0  }
.LBB2_2:
0x46: {  	s19 =	sadd.s32 s15, s8  }
0x47: {  	[sflag:s9] =	ssyncadd.s32 $0xFFFFFF80;
	s17 =	smov.u32 s18;
	s16 =	sadd.s32 $0x10, s18  }
0x48: {  	[tilespmem:s11], [sflag:$0x1] =	stream.linear.gather [hbm4b:s19+s3], $0x80, $0x38;
	[tilespmem:$0x5180] =	vst v63  }
0x49: {  	p0 =	sne.s32 s18, $0x130;
	_ =	swait.ge [sflag:s9], $0x80  }
0x4a: {  	[sflag:s9] =	ssyncset.done $0x0  }
0x4b: {  	[sflag:s9] =	ssyncadd.s32 $0xFFFFFF80  }
0x4c: {  	v0 =	vld [tilespmem:$0x5000];
	_ =	sdelay $0x7  }
0x4d: {  	v1 =	vld.idx.msk [tilespmem:v0+s3+$0x0], $0xffff;
	_ =	sdelay $0x5  }
0x4e: {  	[tilespmem:$0x5080] =	vst v1;
	v1 =	vld [tilespmem:$0x5010]  }
0x4f: {  	v0 =	vld.idx.msk [tilespmem:v0+s10+$0x0], $0xffff;
	_ =	sdelay $0x5  }
0x50: {  	[tilespmem:$0x5100] =	vst v0  }
0x51: {  	v0 =	vld.idx.msk [tilespmem:v1+s3+$0x0], $0xffff;
	_ =	sdelay $0x5  }
0x52: {  	[tilespmem:$0x5090] =	vst v0;
	v0 =	vld [tilespmem:$0x5020]  }
0x53: {  	v1 =	vld.idx.msk [tilespmem:v1+s10+$0x0], $0xffff;
	_ =	sdelay $0x5  }
0x54: {  	[tilespmem:$0x5110] =	vst v1  }
0x55: {  	v1 =	vld.idx.msk [tilespmem:v0+s3+$0x0], $0xffff;
	_ =	sdelay $0x5  }
0x56: {  	[tilespmem:$0x50A0] =	vst v1;
	v1 =	vld [tilespmem:$0x5030]  }
0x57: {  	v0 =	vld.idx.msk [tilespmem:v0+s10+$0x0], $0xffff;
	_ =	sdelay $0x5  }
0x58: {  	[tilespmem:$0x5120] =	vst v0  }
0x59: {  	v0 =	vld.idx.msk [tilespmem:v1+s3+$0x0], $0xffff;
	_ =	sdelay $0x5  }
0x5a: {  	[tilespmem:$0x50B0] =	vst v0;
	v0 =	vld [tilespmem:$0x5040]  }
0x5b: {  	v1 =	vld.idx.msk [tilespmem:v1+s10+$0x0], $0xffff;
	_ =	sdelay $0x5  }
0x5c: {  	[tilespmem:$0x5130] =	vst v1  }
0x5d: {  	v1 =	vld.idx.msk [tilespmem:v0+s3+$0x0], $0xffff;
	_ =	sdelay $0x5  }
0x5e: {  	[tilespmem:$0x50C0] =	vst v1;
	v1 =	vld [tilespmem:$0x5050]  }
0x5f: {  	v0 =	vld.idx.msk [tilespmem:v0+s10+$0x0], $0xffff;
	_ =	sdelay $0x5  }
0x60: {  	[tilespmem:$0x5140] =	vst v0  }
0x61: {  	v0 =	vld.idx.msk [tilespmem:v1+s3+$0x0], $0xffff;
	_ =	sdelay $0x5  }
0x62: {  	[tilespmem:$0x50D0] =	vst v0;
	v0 =	vld [tilespmem:$0x5060]  }
0x63: {  	v1 =	vld.idx.msk [tilespmem:v1+s10+$0x0], $0xffff;
	_ =	sdelay $0x5  }
0x64: {  	[tilespmem:$0x5150] =	vst v1  }
0x65: {  	v1 =	vld.idx.msk [tilespmem:v0+s3+$0x0], $0xffff;
	_ =	sdelay $0x5  }
0x66: {  	[tilespmem:$0x50E0] =	vst v1;
	v1 =	vld [tilespmem:$0x5070]  }
0x67: {  	v0 =	vld.idx.msk [tilespmem:v0+s10+$0x0], $0xffff;
	_ =	sdelay $0x5  }
0x68: {  	[tilespmem:$0x5160] =	vst v0  }
0x69: {  	v0 =	vld.idx.msk [tilespmem:v1+s3+$0x0], $0xffff;
	_ =	sdelay $0x5  }
0x6a: {  	[tilespmem:$0x50F0] =	vst v0  }
0x6b: {  	v0 =	vld.idx.msk [tilespmem:v1+s10+$0x0], $0xffff;
	_ =	sdelay $0x5  }
0x6c: {  	s18 =	sadd.s32 s15, s7;
	[tilespmem:$0x5170] =	vst v0  }
0x6d: {  	[hbm4b:s18+s3] =	stream.linear.scatter [tilespmem:s12], [sflag:$0x1], $0x80, $0x38;
	[tilespmem:$0x5180] =	vst v63  }
0x6e: {  	_ =	swait.ge [sflag:s9], $0x80  }
.Ltmp0:
0x6f: {  	[sflag:s9] =	ssyncset.done $0x0;
	(pc) =	sbr.rel @p0 .LBB2_2-.Ltmp0, $4  }
0x70: {  	s18 =	sadd.s32 s15, s5;
	s15 =	smov.u32 s17;
	[sflag:s9] =	ssyncadd.s32 $0xFFFFFF80  }
0x71: {  	[hbm4b:s18+s3] =	stream.linear.scatter [tilespmem:s13], [sflag:$0x1], $0x80, $0x38;
	[tilespmem:$0x5180] =	vst v63  }
0x72: {  	_ =	swait.ge [sflag:s9], $0x80  }
0x73: {  	s18 =	smov.u32 s16;
	[sflag:s9] =	ssyncset.done $0x0  }
0x74: {  	s16 =	sadd.s32 s15, s8;
	[sflag:s9] =	ssyncadd.s32 $0xFFFFFF80  }
0x75: {  	[tilespmem:s11], [sflag:$0x1] =	stream.linear.gather [hbm4b:s16+s3], $0x80, $0x38;
	[tilespmem:$0x5180] =	vst v63  }
0x76: {  	_ =	swait.ge [sflag:s9], $0x80  }
0x77: {  	[sflag:s9] =	ssyncset.done $0x0  }
0x78: {  	[sflag:s9] =	ssyncadd.s32 $0xFFFFFF80  }
0x79: {  	v0 =	vld [tilespmem:$0x5000];
	_ =	sdelay $0x7  }
0x7a: {  	v1 =	vld.idx.msk [tilespmem:v0+s3+$0x0], $0xffff;
	_ =	sdelay $0x3  }
0x7b: {  	v2 =	vld [tilespmem:$0x5010]  }
0x7c: {  	[tilespmem:$0x5080] =	vst v1  }
0x7d: {  	v0 =	vld.idx.msk [tilespmem:v0+s10+$0x0], $0xffff;
	_ =	sdelay $0x4  }
0x7e: {  	[tilespmem:$0x5100] =	vst v0  }
0x7f: {  	v0 =	vld.idx.msk [tilespmem:v2+s3+$0x0], $0xffff;
	_ =	sdelay $0x3  }
0x80: {  	v58 =	vld [tilespmem:$0x5020]  }
0x81: {  	[tilespmem:$0x5090] =	vst v0  }
0x82: {  	v0 =	vld.idx.msk [tilespmem:v2+s10+$0x0], $0xffff;
	_ =	sdelay $0x4  }
0x83: {  	[tilespmem:$0x5110] =	vst v0  }
0x84: {  	v0 =	vld.idx.msk [tilespmem:v58+s3+$0x0], $0xffff;
	_ =	sdelay $0x3  }
0x85: {  	v59 =	vld [tilespmem:$0x5030]  }
0x86: {  	[tilespmem:$0x50A0] =	vst v0  }
0x87: {  	v0 =	vld.idx.msk [tilespmem:v58+s10+$0x0], $0xffff;
	_ =	sdelay $0x4  }
0x88: {  	[tilespmem:$0x5120] =	vst v0  }
0x89: {  	v0 =	vld.idx.msk [tilespmem:v59+s3+$0x0], $0xffff;
	_ =	sdelay $0x3  }
0x8a: {  	v60 =	vld [tilespmem:$0x5040]  }
0x8b: {  	[tilespmem:$0x50B0] =	vst v0  }
0x8c: {  	v0 =	vld.idx.msk [tilespmem:v59+s10+$0x0], $0xffff;
	_ =	sdelay $0x4  }
0x8d: {  	[tilespmem:$0x5130] =	vst v0  }
0x8e: {  	v0 =	vld.idx.msk [tilespmem:v60+s3+$0x0], $0xffff;
	_ =	sdelay $0x3  }
0x8f: {  	v61 =	vld [tilespmem:$0x5050]  }
0x90: {  	[tilespmem:$0x50C0] =	vst v0  }
0x91: {  	v0 =	vld.idx.msk [tilespmem:v60+s10+$0x0], $0xffff;
	_ =	sdelay $0x4  }
0x92: {  	[tilespmem:$0x5140] =	vst v0  }
0x93: {  	v0 =	vld.idx.msk [tilespmem:v61+s3+$0x0], $0xffff;
	_ =	sdelay $0x3  }
0x94: {  	v62 =	vld [tilespmem:$0x5060]  }
0x95: {  	[tilespmem:$0x50D0] =	vst v0  }
0x96: {  	v0 =	vld.idx.msk [tilespmem:v61+s10+$0x0], $0xffff;
	_ =	sdelay $0x4  }
0x97: {  	[tilespmem:$0x5150] =	vst v0  }
0x98: {  	v0 =	vld.idx.msk [tilespmem:v62+s3+$0x0], $0xffff;
	_ =	sdelay $0x3  }
0x99: {  	v63 =	vld [tilespmem:$0x5070]  }
0x9a: {  	[tilespmem:$0x50E0] =	vst v0  }
0x9b: {  	v0 =	vld.idx.msk [tilespmem:v62+s10+$0x0], $0xffff;
	_ =	sdelay $0x4  }
0x9c: {  	[tilespmem:$0x5160] =	vst v0  }
0x9d: {  	v0 =	vld.idx.msk [tilespmem:v63+s3+$0x0], $0xffff;
	_ =	sdelay $0x4  }
0x9e: {  	[tilespmem:$0x50F0] =	vst v0  }
0x9f: {  	v0 =	vld.idx.msk [tilespmem:v63+s10+$0x0], $0xffff;
	_ =	sdelay $0x4  }
0xa0: {  	s30 =	sadd.s32 s15, s7;
	[tilespmem:$0x5170] =	vst v0  }
0xa1: {  	[hbm4b:s30+s3] =	stream.linear.scatter [tilespmem:s12], [sflag:$0x1], $0x80, $0x38;
	[tilespmem:$0x5180] =	vst v63  }
0xa2: {  	s14 =	sadd.s32 $0x1, s14;
	_ =	swait.ge [sflag:s9], $0x80  }
0xa3: {  	p0 =	sne.s32 s14, s6;
	[sflag:s9] =	ssyncset.done $0x0  }
.Ltmp1:
0xa4: {  	s31 =	sadd.s32 s15, s5;
	[sflag:s9] =	ssyncadd.s32 $0xFFFFFF80;
	(pc) =	sbr.rel @p0 .LBB2_1-.Ltmp1, $4  }
0xa5: {  	[hbm4b:s31+s3] =	stream.linear.scatter [tilespmem:s13], [sflag:$0x1], $0x80, $0x38;
	[tilespmem:$0x5180] =	vst v63  }
0xa6: {  	_ =	swait.ge [sflag:s9], $0x80  }
0xa7: {  	[sflag:s9] =	ssyncset.done $0x0  }
0xa8: {  	[sflag:s9] =	ssyncadd.s32 $0xFFFFFF80  }
0xa9: {  	_ =	sfence.sel $0x180000  }
0xaa: {  	[bflag:$0x0] =	sbarrier.arrive $0xFFFF  }
0xab: {  	p0 =	sne.s32 s0, $0x0;
	_ =	strace $0x90000053  }
0xac: {  	s0 =	sadd.s32 @!p0 $0x100000, s1;
	[bflag:$0x2] =	sbarrier.arrive $0xFFFF  }
0xad: {  	[sflag:s0] =	ssyncadd.tile.s32 @!p0 $0x1;
	_ =	shalt  }
.Lfunc_end2:
_tile_overlayer_lowered:
.L_overlay_start_2:
0xae: {  	(tag) =	ssettag $0x2  }
0xaf: {  	s0 =	rddreg [dreg:$0x0];
	s2 =	stileid.u32  }
0xb0: {  	s1 =	rddreg [dreg:$0x1];
	p0 =	sne.s32 s2, $0x0  }
0xb1: {  	s3 =	rddreg [dreg:$0x2];
	[bflag:$0x3] =	sbarrier.arrive $0xFFFF;
	s2 =	simm.s32 @!p0 $0x1C01  }
0xb2: {  	[timem:s3], [sflag:s2] =	dma.local @!p0 [hbm:s0], s1  }
0xb3: {  	s0 =	simm.s32 @!p0 $0x1  }
0xb4: {  	_ =	swait.ge @!p0 [sflag:s0], s1  }
0xb5: {  	s1 =	ssub.s32 @!p0 $0x0, s1;
	[sflag:s0] =	ssyncset.done @!p0 $0x0  }
0xb6: {  	[sflag:s0] =	ssyncadd.s32 @!p0 s1  }
0xb7: {  	[bflag:$0x3] =	sbarrier.arrive $0xFFFF  }
0xb8: {  	_ =	shalt  }

</sc_bundles>
